<compile_context>
chip_gen: v7x
topology: tpu7x:2x2x1
jax: 0.10.2.dev20260603
libtpu: 0.0.44.dev20260713+nightly
codegen_flags: <defaults>
</compile_context>

<pallas_src>
import functools

import jax
import jax.numpy as jnp
from jax import lax
from jax.experimental import pallas as pl
from jax.experimental.pallas import tpu as pltpu
from jax.experimental.pallas import tpu_sc as plsc

N, E, H = 10000, 320000, 128
HH = H // 2
NC, NS, L = 2, 16, 16
NP = 10240
RPT = NP // NS
G = 80
BM = 256
NB = NP // BM
LAST = N - 1
EPS = 1e-5

_mesh = plsc.VectorSubcoreMesh(core_axis_name="c", subcore_axis_name="s")


def _sc_deg_body(col_hbm, degp_hbm, colbuf, cchunk, onesbuf, zbuf, deg_sp, sem):
    del sem
    c = lax.axis_index("c")
    s = lax.axis_index("s")
    ec = E // (NC * NS)
    for k in range(RPT // L):
        zbuf[pl.ds(k * L, L)] = jnp.zeros((L,), jnp.float32)
    for k in range(G // L):
        onesbuf[pl.ds(k * L, L)] = jnp.ones((L,), jnp.float32)
    pltpu.sync_copy(zbuf, deg_sp.at[pl.ds(s * RPT, RPT)])
    base = (c * NS + s) * ec
    pltpu.sync_copy(col_hbm.at[pl.ds(base, ec)], colbuf)
    plsc.subcore_barrier()

    def chunk(i, carry):
        for j in range(G // L):
            cchunk[pl.ds(j * L, L)] = colbuf[pl.ds(i * G + j * L, L)]
        pltpu.sync_copy(onesbuf, deg_sp.at[cchunk], add=True)
        return carry

    lax.fori_loop(0, ec // G, chunk, 0)
    plsc.subcore_barrier()
    pltpu.sync_copy(deg_sp.at[pl.ds(s * RPT, RPT)],
                    degp_hbm.at[c, pl.ds(s * RPT, RPT)])


_sc_deg = pl.kernel(
    _sc_deg_body,
    out_type=jax.ShapeDtypeStruct((NC, NP), jnp.float32),
    mesh=_mesh,
    scratch_types=[
        pltpu.VMEM((E // (NC * NS),), jnp.int32),
        pltpu.VMEM((G,), jnp.int32),
        pltpu.VMEM((G,), jnp.float32),
        pltpu.VMEM((RPT,), jnp.float32),
        pltpu.VMEM_SHARED((NP,), jnp.float32),
        pltpu.SemaphoreType.DMA,
    ],
)


NBUF = 3
GE = 64
ET = E // (NC * NS)
NCHE = ET // GE
TAIL = ET - NCHE * GE


def _sc_edge_body(u_hbm, row_hbm, col_hbm, out_hbm, rowbuf, colbuf, cchunk,
                  gbuf, tcc, tgb, acc_sp, gsem0, gsem1, gsem2, ssem0, ssem1,
                  ssem2):
    c = lax.axis_index("c")
    s = lax.axis_index("s")
    gsems = (gsem0, gsem1, gsem2)
    ssems = (ssem0, ssem1, ssem2)
    et = ET
    pltpu.sync_copy(u_hbm.at[pl.ds(s * RPT, RPT)],
                    acc_sp.at[pl.ds(s * RPT, RPT)])
    ebase = (c * NS + s) * et
    pltpu.sync_copy(row_hbm.at[pl.ds(ebase, et)], rowbuf)
    pltpu.sync_copy(col_hbm.at[pl.ds(ebase, et)], colbuf)
    plsc.subcore_barrier()

    def scat_desc(k):
        return pltpu.make_async_copy(gbuf.at[k], acc_sp.at[cchunk.at[k]],
                                     ssems[k])

    def start_gather(i, k):
        for j in range(GE // L):
            cchunk[k, pl.ds(j * L, L)] = colbuf[pl.ds(i * GE + j * L, L)]
        return pltpu.async_copy(
            u_hbm.at[rowbuf.at[pl.ds(i * GE, GE)]], gbuf.at[k], gsems[k])

    ngrp, rem = divmod(NCHE, NBUF)

    def group(q, carry):
        gds = []
        for k in range(NBUF):
            @pl.when(q > 0)
            def _():
                scat_desc(k).wait()
            gds.append(start_gather(q * NBUF + k, k))
        for k in range(NBUF):
            gds[k].wait()
            pltpu.async_copy(gbuf.at[k], acc_sp.at[cchunk.at[k]], ssems[k],
                             add=True)
        return carry

    lax.fori_loop(0, ngrp, group, 0)
    for k in range(rem):
        if ngrp > 0:
            scat_desc(k).wait()
        gd = start_gather(ngrp * NBUF + k, k)
        gd.wait()
        pltpu.async_copy(gbuf.at[k], acc_sp.at[cchunk.at[k]], ssems[k],
                         add=True)
    for k in range(NBUF):
        if ngrp > 0 or k < rem:
            scat_desc(k).wait()
    if TAIL:
        tcc[...] = colbuf[pl.ds(NCHE * GE, TAIL)]
        pltpu.async_copy(u_hbm.at[rowbuf.at[pl.ds(NCHE * GE, TAIL)]],
                         tgb, gsems[0]).wait()
        pltpu.sync_copy(tgb, acc_sp.at[tcc], add=True)
    plsc.subcore_barrier()
    pltpu.sync_copy(acc_sp.at[pl.ds(s * RPT, RPT)],
                    out_hbm.at[pl.ds(c * NP + s * RPT, RPT)])


_sc_edge = pl.kernel(
    _sc_edge_body,
    out_type=jax.ShapeDtypeStruct((NC * NP, H), jnp.float32),
    mesh=_mesh,
    scratch_types=[
        pltpu.VMEM((ET,), jnp.int32),
        pltpu.VMEM((ET,), jnp.int32),
        pltpu.VMEM((NBUF, GE), jnp.int32),
        pltpu.VMEM((NBUF, GE, H), jnp.float32),
        pltpu.VMEM((max(TAIL, L),), jnp.int32),
        pltpu.VMEM((max(TAIL, L), H), jnp.float32),
        pltpu.VMEM_SHARED((NP, H), jnp.float32),
        pltpu.SemaphoreType.DMA,
        pltpu.SemaphoreType.DMA,
        pltpu.SemaphoreType.DMA,
        pltpu.SemaphoreType.DMA,
        pltpu.SemaphoreType.DMA,
        pltpu.SemaphoreType.DMA,
    ],
)


def _dot(a, b):
    return jnp.dot(a, b, preferred_element_type=jnp.float32)


def _mm_scale_body(x_ref, w_ref, dinv_ref, out_ref):
    out_ref[...] = _dot(x_ref[...], w_ref[...]) * dinv_ref[...]


def _mm_scale(xp, w, dinv1):
    return pl.pallas_call(
        _mm_scale_body,
        grid=(NB,),
        in_specs=[
            pl.BlockSpec((BM, H), lambda i: (i, 0)),
            pl.BlockSpec((H, H), lambda i: (0, 0)),
            pl.BlockSpec((BM, 1), lambda i: (i, 0)),
        ],
        out_specs=pl.BlockSpec((BM, H), lambda i: (i, 0)),
        out_shape=jax.ShapeDtypeStruct((NP, H), jnp.float32),
    )(xp, w, dinv1)


NH = float(N * H)


def _stats_accum(i, y, sums_ref):
    ridx = lax.broadcasted_iota(jnp.int32, (BM, H), 0) + i * BM
    ym = jnp.where(ridx < N, y, 0.0)

    @pl.when(i == 0)
    def _():
        sums_ref[0] = 0.0
        sums_ref[1] = 0.0

    sums_ref[0] += jnp.sum(ym)
    sums_ref[1] += jnp.sum(ym * ym)


def _mstd(sums_ref):
    m = sums_ref[0] / NH
    std = jnp.sqrt(jnp.maximum(sums_ref[1] / NH - m * m, 0.0))
    return m, std


def _fused_body(acc_ref, u_ref, dinv_ref, b_ref, gw_ref, gb_ref, w_ref,
                out_ref, tl_ref, ybuf, sums_ref):
    p = pl.program_id(0)
    i = pl.program_id(1)

    @pl.when(p == 0)
    def _():
        y = (acc_ref[0] + acc_ref[1] - u_ref[...]) * dinv_ref[...] + b_ref[...]
        ybuf[pl.ds(i * BM, BM), :] = y
        _stats_accum(i, y, sums_ref)

    @pl.when(p == 1)
    def _():
        m, std = _mstd(sums_ref)
        t = jnp.tanh((ybuf[pl.ds(i * BM, BM), :] - m) / (std + EPS)
                     * gw_ref[...] + gb_ref[...])
        out_ref[...] = _dot(t, w_ref[...]) * dinv_ref[...]
        tl_ref[...] = t[LAST % BM:LAST % BM + 1, :]


def _fused(acc, u, dinv1, b, gw, gb, wn):
    return pl.pallas_call(
        _fused_body,
        grid=(2, NB),
        in_specs=[
            pl.BlockSpec((NC, BM, H), lambda p, i: (0, (1 - p) * i, 0)),
            pl.BlockSpec((BM, H), lambda p, i: ((1 - p) * i, 0)),
            pl.BlockSpec((BM, 1), lambda p, i: (i, 0)),
            pl.BlockSpec((1, H), lambda p, i: (0, 0)),
            pl.BlockSpec((1, H), lambda p, i: (0, 0)),
            pl.BlockSpec((1, H), lambda p, i: (0, 0)),
            pl.BlockSpec((H, H), lambda p, i: (0, 0)),
        ],
        out_specs=[
            pl.BlockSpec((BM, H), lambda p, i: (p * i, 0)),
            pl.BlockSpec((1, H), lambda p, i: (0, 0)),
        ],
        out_shape=[
            jax.ShapeDtypeStruct((NP, H), jnp.float32),
            jax.ShapeDtypeStruct((1, H), jnp.float32),
        ],
        scratch_shapes=[
            pltpu.VMEM((NP, H), jnp.float32),
            pltpu.SMEM((2,), jnp.float32),
        ],
    )(acc, u, dinv1, b.reshape(1, H), gw.reshape(1, H), gb.reshape(1, H), wn)


def _fused3_body(acc_ref, u_ref, dinv_ref, b_ref, gw_ref, gb_ref, t1_ref,
                 t2_ref, wjk_ref, bjk_ref, wf1_ref, bf1_ref, wf2_ref, bf2_ref,
                 out_ref, ybuf, sums_ref):
    i = pl.program_id(0)

    @pl.when(i < NB)
    def _():
        y = (acc_ref[0] + acc_ref[1] - u_ref[...]) * dinv_ref[...] + b_ref[...]
        ybuf[...] = y
        _stats_accum(i, y, sums_ref)

    @pl.when(i == NB)
    def _():
        m, std = _mstd(sums_ref)
        r0 = LAST % BM
        t3 = jnp.tanh((ybuf[r0:r0 + 1, :] - m) / (std + EPS) * gw_ref[...]
                      + gb_ref[...])
        cat = jnp.concatenate([t1_ref[...], t2_ref[...], t3], axis=1)
        h = _dot(cat, wjk_ref[...]) + bjk_ref[...]
        h = jnp.tanh(_dot(h, wf1_ref[...]) + bf1_ref[...])
        out_ref[...] = _dot(h, wf2_ref[...]) + bf2_ref[...]


def _fused3(acc, u, dinv1, b, gw, gb, t1, t2, wjk, bjk, wf1, bf1, wf2p, bf2p):
    blk = lambda i: (jnp.minimum(i, NB - 1), 0)
    return pl.pallas_call(
        _fused3_body,
        grid=(NB + 1,),
        in_specs=[
            pl.BlockSpec((NC, BM, H), lambda i: (0,) + blk(i)),
            pl.BlockSpec((BM, H), blk),
            pl.BlockSpec((BM, 1), blk),
            pl.BlockSpec((1, H), lambda i: (0, 0)),
            pl.BlockSpec((1, H), lambda i: (0, 0)),
            pl.BlockSpec((1, H), lambda i: (0, 0)),
            pl.BlockSpec((1, H), lambda i: (0, 0)),
            pl.BlockSpec((1, H), lambda i: (0, 0)),
            pl.BlockSpec((3 * H, H), lambda i: (0, 0)),
            pl.BlockSpec((1, H), lambda i: (0, 0)),
            pl.BlockSpec((H, HH), lambda i: (0, 0)),
            pl.BlockSpec((1, HH), lambda i: (0, 0)),
            pl.BlockSpec((HH, H), lambda i: (0, 0)),
            pl.BlockSpec((1, H), lambda i: (0, 0)),
        ],
        out_specs=pl.BlockSpec((1, H), lambda i: (0, 0)),
        out_shape=jax.ShapeDtypeStruct((1, H), jnp.float32),
        scratch_shapes=[
            pltpu.VMEM((BM, H), jnp.float32),
            pltpu.SMEM((2,), jnp.float32),
        ],
    )(acc, u, dinv1, b.reshape(1, H), gw.reshape(1, H), gb.reshape(1, H),
      t1, t2, wjk, bjk.reshape(1, H), wf1, bf1.reshape(1, HH), wf2p, bf2p)


def kernel(x, edge_index, W1, b1, W2, b2, W3, b3, g1w, g1b, g2w, g2b, g3w, g3b,
           Wjk, bjk, Wf1, bf1, Wf2, bf2):
    row = edge_index[0]
    col = edge_index[1]
    xp = jnp.pad(x, ((0, NP - N), (0, 0)))

    degp = _sc_deg(col)
    dinv1 = ((degp[0] + degp[1] + 1.0) ** -0.5).reshape(NP, 1)

    u = _mm_scale(xp, W1, dinv1)
    acc = _sc_edge(u, row, col).reshape(NC, NP, H)
    u2, t1 = _fused(acc, u, dinv1, b1, g1w, g1b, W2)
    acc = _sc_edge(u2, row, col).reshape(NC, NP, H)
    u3, t2 = _fused(acc, u2, dinv1, b2, g2w, g2b, W3)
    acc = _sc_edge(u3, row, col).reshape(NC, NP, H)

    wf2p = jnp.pad(Wf2, ((0, 0), (0, H - 1)))
    bf2p = jnp.pad(bf2.reshape(1, 1), ((0, 0), (0, H - 1)))
    out = _fused3(acc, u3, dinv1, b3, g3w, g3b, t1, t2, Wjk, bjk, Wf1, bf1,
                  wf2p, bf2p)
    return out[0, :1]

# --- scband reference (transcript-rebuilt; emitter-appended) ---
"""Pipeline reference for scband-critic-6786048328272 (READ-ONLY COPY).

The authoritative reference and input builder live on the scoring server;
editing this copy changes nothing except your own understanding.
"""

import jax, jax.numpy as jnp
import numpy as np

N, E, D, H = 10000, 320000, 128, 128


def setup_inputs(seed: int = 0) -> dict:
    key = jax.random.key(seed)
    ks = jax.random.split(key, 24)
    inp = {}
    inp['x'] = jax.random.normal(ks[0], (N, D), dtype=jnp.float32)
    inp['edge_index'] = jax.random.randint(ks[1], (2, E), 0, N, dtype=jnp.int32)

    def lin(k, fi, fo):
        return (jax.random.normal(k, (fi, fo), dtype=jnp.float32) / np.sqrt(fi)).astype(jnp.float32)

    # GCNConv layers (in->H, H->H, H->H because jk='cat' keeps hidden width)
    inp['W1'] = lin(ks[2], D, H); inp['b1'] = jnp.zeros((H,), jnp.float32)
    inp['W2'] = lin(ks[3], H, H); inp['b2'] = jnp.zeros((H,), jnp.float32)
    inp['W3'] = lin(ks[4], H, H); inp['b3'] = jnp.zeros((H,), jnp.float32)
    # PyG LayerNorm (graph mode) affine params per layer
    inp['g1w'] = jnp.ones((H,), jnp.float32); inp['g1b'] = jnp.zeros((H,), jnp.float32)
    inp['g2w'] = jnp.ones((H,), jnp.float32); inp['g2b'] = jnp.zeros((H,), jnp.float32)
    inp['g3w'] = jnp.ones((H,), jnp.float32); inp['g3b'] = jnp.zeros((H,), jnp.float32)
    # JumpingKnowledge 'cat' projection lin: 3*H -> out_channels(=H)
    inp['Wjk'] = lin(ks[5], 3 * H, H); inp['bjk'] = jnp.zeros((H,), jnp.float32)
    # Critic head fc1/fc2
    inp['Wf1'] = lin(ks[6], H, H // 2); inp['bf1'] = jnp.zeros((H // 2,), jnp.float32)
    inp['Wf2'] = lin(ks[7], H // 2, 1); inp['bf2'] = jnp.zeros((1,), jnp.float32)
    return inp


def reference(x, edge_index, W1, b1, W2, b2, W3, b3, g1w, g1b, g2w, g2b, g3w, g3b, Wjk, bjk, Wf1, bf1, Wf2, bf2):
    n = x.shape[0]
    # gcn_norm with add_self_loops=True
    loop = jnp.arange(n, dtype=edge_index.dtype)
    row = jnp.concatenate([edge_index[0], loop])
    col = jnp.concatenate([edge_index[1], loop])
    ones = jnp.ones(row.shape[0], dtype=x.dtype)
    deg = jax.ops.segment_sum(ones, col, num_segments=n)
    dinv = jnp.where(deg > 0, deg ** -0.5, 0.0)
    norm = dinv[row] * dinv[col]

    def conv(h, W, b):
        hw = h @ W
        msg = hw[row] * norm[:, None]
        return jax.ops.segment_sum(msg, col, num_segments=n) + b

    def graph_layernorm(h, w, bb, eps=1e-5):
        m = jnp.mean(h)
        std = jnp.sqrt(jnp.mean((h - m) ** 2))
        out = (h - m) / (std + eps)
        return out * w + bb

    xs = []
    h = x
    for (W, b, gw, gb) in ((W1, b1, g1w, g1b), (W2, b2, g2w, g2b), (W3, b3, g3w, g3b)):
        h = conv(h, W, b)
        h = graph_layernorm(h, gw, gb)
        h = jnp.tanh(h)  # act (act_first=False); dropout is identity in eval
        xs.append(h)
    h = jnp.concatenate(xs, axis=-1)  # JumpingKnowledge 'cat'
    h = h @ Wjk + bjk                 # GCN final lin (3H -> out_channels)
    h = jnp.tanh(h @ Wf1 + bf1)
    h = h @ Wf2 + bf2
    return h[-1]  # batch is None branch: value of last node, shape [1]


if False:  # reference __main__ guard neutralized (emitter)
    out = reference(**setup_inputs())
    print(out.shape, out)

if __name__ == "__main__":
    import jax
    _d = setup_inputs()
    print(jax.jit(kernel)(*tuple(_d.values())))

</pallas_src>

<mosaic_0001>
#map = affine_map<(d0, d1) -> (0)>
#map1 = affine_map<(d0, d1) -> (0, 0)>
module attributes {stable_mosaic.version = 14 : i64} {
  func.func @_sc_deg_body(%arg0: i32, %arg1: i32, %arg2: memref<320000xi32, #tpu.memory_space<hbm>>, %arg3: memref<2x10240xf32, #tpu.memory_space<hbm>>, %arg4: memref<10000xi32, #tpu.memory_space<vmem>>, %arg5: memref<80xi32, #tpu.memory_space<vmem>>, %arg6: memref<80xf32, #tpu.memory_space<vmem>>, %arg7: memref<640xf32, #tpu.memory_space<vmem>>, %arg8: memref<10240xf32, #tpu.memory_space<vmem_shared>>, %arg9: memref<!tpu.dma_semaphore, #tpu.memory_space<semaphore_mem>>) attributes {dimension_semantics = [#tpu.dimension_semantics<core_parallel>, #tpu.dimension_semantics<subcore_parallel>], iteration_bounds = array<i64: 2, 16>, scalar_prefetch = 0 : i64, scratch_operands = 6 : i64, tpu.core_type = #tpu.core_type<sc_vector_subcore>, window_params = [{transform_indices = #map}, {transform_indices = #map1}]} {
    %broadcast_in_dim3A = arith.constant 0.000000e+00 : f32
    %broadcast_in_dim3A_0 = vector.broadcast %broadcast_in_dim3A : f32 to vector<16xf32>
    %swap3A = arith.constant 0 : index
    %swap3A_1 = tpu.vector_load %arg7[%swap3A] {strides = array<i32>} : memref<640xf32, #tpu.memory_space<vmem>>, vector<16xf32>,
    %swap3A_2 = vector.shape_cast %swap3A_1 : vector<16xf32> to vector<16xf32>
    %swap3A_3 = vector.shape_cast %broadcast_in_dim3A_0 : vector<16xf32> to vector<16xf32>
    tpu.vector_store %arg7[%swap3A], %swap3A_3 {strides = array<i32>} : memref<640xf32, #tpu.memory_space<vmem>>, vector<16xf32>,
    %broadcast_in_dim3A_4 = arith.constant 0.000000e+00 : f32
    %broadcast_in_dim3A_5 = vector.broadcast %broadcast_in_dim3A_4 : f32 to vector<16xf32>
    %swap3A_6 = arith.constant 16 : index
    %swap3A_7 = tpu.vector_load %arg7[%swap3A_6] {strides = array<i32>} : memref<640xf32, #tpu.memory_space<vmem>>, vector<16xf32>,
    %swap3A_8 = vector.shape_cast %swap3A_7 : vector<16xf32> to vector<16xf32>
    %swap3A_9 = vector.shape_cast %broadcast_in_dim3A_5 : vector<16xf32> to vector<16xf32>
    tpu.vector_store %arg7[%swap3A_6], %swap3A_9 {strides = array<i32>} : memref<640xf32, #tpu.memory_space<vmem>>, vector<16xf32>,
    %broadcast_in_dim3A_10 = arith.constant 0.000000e+00 : f32
    %broadcast_in_dim3A_11 = vector.broadcast %broadcast_in_dim3A_10 : f32 to vector<16xf32>
    %swap3A_12 = arith.constant 32 : index
    %swap3A_13 = tpu.vector_load %arg7[%swap3A_12] {strides = array<i32>} : memref<640xf32, #tpu.memory_space<vmem>>, vector<16xf32>,
    %swap3A_14 = vector.shape_cast %swap3A_13 : vector<16xf32> to vector<16xf32>
    %swap3A_15 = vector.shape_cast %broadcast_in_dim3A_11 : vector<16xf32> to vector<16xf32>
    tpu.vector_store %arg7[%swap3A_12], %swap3A_15 {strides = array<i32>} : memref<640xf32, #tpu.memory_space<vmem>>, vector<16xf32>,
    %broadcast_in_dim3A_16 = arith.constant 0.000000e+00 : f32
    %broadcast_in_dim3A_17 = vector.broadcast %broadcast_in_dim3A_16 : f32 to vector<16xf32>
    %swap3A_18 = arith.constant 48 : index
    %swap3A_19 = tpu.vector_load %arg7[%swap3A_18] {strides = array<i32>} : memref<640xf32, #tpu.memory_space<vmem>>, vector<16xf32>,
    %swap3A_20 = vector.shape_cast %swap3A_19 : vector<16xf32> to vector<16xf32>
    %swap3A_21 = vector.shape_cast %broadcast_in_dim3A_17 : vector<16xf32> to vector<16xf32>
    tpu.vector_store %arg7[%swap3A_18], %swap3A_21 {strides = array<i32>} : memref<640xf32, #tpu.memory_space<vmem>>, vector<16xf32>,
    %broadcast_in_dim3A_22 = arith.constant 0.000000e+00 : f32
    %broadcast_in_dim3A_23 = vector.broadcast %broadcast_in_dim3A_22 : f32 to vector<16xf32>
    %swap3A_24 = arith.constant 64 : index
    %swap3A_25 = tpu.vector_load %arg7[%swap3A_24] {strides = array<i32>} : memref<640xf32, #tpu.memory_space<vmem>>, vector<16xf32>,
    %swap3A_26 = vector.shape_cast %swap3A_25 : vector<16xf32> to vector<16xf32>
    %swap3A_27 = vector.shape_cast %broadcast_in_dim3A_23 : vector<16xf32> to vector<16xf32>
    tpu.vector_store %arg7[%swap3A_24], %swap3A_27 {strides = array<i32>} : memref<640xf32, #tpu.memory_space<vmem>>, vector<16xf32>,
    %broadcast_in_dim3A_28 = arith.constant 0.000000e+00 : f32
    %broadcast_in_dim3A_29 = vector.broadcast %broadcast_in_dim3A_28 : f32 to vector<16xf32>
    %swap3A_30 = arith.constant 80 : index
    %swap3A_31 = tpu.vector_load %arg7[%swap3A_30] {strides = array<i32>} : memref<640xf32, #tpu.memory_space<vmem>>, vector<16xf32>,
    %swap3A_32 = vector.shape_cast %swap3A_31 : vector<16xf32> to vector<16xf32>
    %swap3A_33 = vector.shape_cast %broadcast_in_dim3A_29 : vector<16xf32> to vector<16xf32>
    tpu.vector_store %arg7[%swap3A_30], %swap3A_33 {strides = array<i32>} : memref<640xf32, #tpu.memory_space<vmem>>, vector<16xf32>,
    %broadcast_in_dim3A_34 = arith.constant 0.000000e+00 : f32
    %broadcast_in_dim3A_35 = vector.broadcast %broadcast_in_dim3A_34 : f32 to vector<16xf32>
    %swap3A_36 = arith.constant 96 : index
    %swap3A_37 = tpu.vector_load %arg7[%swap3A_36] {strides = array<i32>} : memref<640xf32, #tpu.memory_space<vmem>>, vector<16xf32>,
    %swap3A_38 = vector.shape_cast %swap3A_37 : vector<16xf32> to vector<16xf32>
    %swap3A_39 = vector.shape_cast %broadcast_in_dim3A_35 : vector<16xf32> to vector<16xf32>
    tpu.vector_store %arg7[%swap3A_36], %swap3A_39 {strides = array<i32>} : memref<640xf32, #tpu.memory_space<vmem>>, vector<16xf32>,
    %broadcast_in_dim3A_40 = arith.constant 0.000000e+00 : f32
    %broadcast_in_dim3A_41 = vector.broadcast %broadcast_in_dim3A_40 : f32 to vector<16xf32>
    %swap3A_42 = arith.constant 112 : index
    %swap3A_43 = tpu.vector_load %arg7[%swap3A_42] {strides = array<i32>} : memref<640xf32, #tpu.memory_space<vmem>>, vector<16xf32>,
    %swap3A_44 = vector.shape_cast %swap3A_43 : vector<16xf32> to vector<16xf32>
    %swap3A_45 = vector.shape_cast %broadcast_in_dim3A_41 : vector<16xf32> to vector<16xf32>
    tpu.vector_store %arg7[%swap3A_42], %swap3A_45 {strides = array<i32>} : memref<640xf32, #tpu.memory_space<vmem>>, vector<16xf32>,
    %broadcast_in_dim3A_46 = arith.constant 0.000000e+00 : f32
    %broadcast_in_dim3A_47 = vector.broadcast %broadcast_in_dim3A_46 : f32 to vector<16xf32>
    %swap3A_48 = arith.constant 128 : index
    %swap3A_49 = tpu.vector_load %arg7[%swap3A_48] {strides = array<i32>} : memref<640xf32, #tpu.memory_space<vmem>>, vector<16xf32>,
    %swap3A_50 = vector.shape_cast %swap3A_49 : vector<16xf32> to vector<16xf32>
    %swap3A_51 = vector.shape_cast %broadcast_in_dim3A_47 : vector<16xf32> to vector<16xf32>
    tpu.vector_store %arg7[%swap3A_48], %swap3A_51 {strides = array<i32>} : memref<640xf32, #tpu.memory_space<vmem>>, vector<16xf32>,
    %broadcast_in_dim3A_52 = arith.constant 0.000000e+00 : f32
    %broadcast_in_dim3A_53 = vector.broadcast %broadcast_in_dim3A_52 : f32 to vector<16xf32>
    %swap3A_54 = arith.constant 144 : index
    %swap3A_55 = tpu.vector_load %arg7[%swap3A_54] {strides = array<i32>} : memref<640xf32, #tpu.memory_space<vmem>>, vector<16xf32>,
    %swap3A_56 = vector.shape_cast %swap3A_55 : vector<16xf32> to vector<16xf32>
    %swap3A_57 = vector.shape_cast %broadcast_in_dim3A_53 : vector<16xf32> to vector<16xf32>
    tpu.vector_store %arg7[%swap3A_54], %swap3A_57 {strides = array<i32>} : memref<640xf32, #tpu.memory_space<vmem>>, vector<16xf32>,
    %broadcast_in_dim3A_58 = arith.constant 0.000000e+00 : f32
    %broadcast_in_dim3A_59 = vector.broadcast %broadcast_in_dim3A_58 : f32 to vector<16xf32>
    %swap3A_60 = arith.constant 160 : index
    %swap3A_61 = tpu.vector_load %arg7[%swap3A_60] {strides = array<i32>} : memref<640xf32, #tpu.memory_space<vmem>>, vector<16xf32>,
    %swap3A_62 = vector.shape_cast %swap3A_61 : vector<16xf32> to vector<16xf32>
    %swap3A_63 = vector.shape_cast %broadcast_in_dim3A_59 : vector<16xf32> to vector<16xf32>
    tpu.vector_store %arg7[%swap3A_60], %swap3A_63 {strides = array<i32>} : memref<640xf32, #tpu.memory_space<vmem>>, vector<16xf32>,
    %broadcast_in_dim3A_64 = arith.constant 0.000000e+00 : f32
    %broadcast_in_dim3A_65 = vector.broadcast %broadcast_in_dim3A_64 : f32 to vector<16xf32>
    %swap3A_66 = arith.constant 176 : index
    %swap3A_67 = tpu.vector_load %arg7[%swap3A_66] {strides = array<i32>} : memref<640xf32, #tpu.memory_space<vmem>>, vector<16xf32>,
    %swap3A_68 = vector.shape_cast %swap3A_67 : vector<16xf32> to vector<16xf32>
    %swap3A_69 = vector.shape_cast %broadcast_in_dim3A_65 : vector<16xf32> to vector<16xf32>
    tpu.vector_store %arg7[%swap3A_66], %swap3A_69 {strides = array<i32>} : memref<640xf32, #tpu.memory_space<vmem>>, vector<16xf32>,
    %broadcast_in_dim3A_70 = arith.constant 0.000000e+00 : f32
    %broadcast_in_dim3A_71 = vector.broadcast %broadcast_in_dim3A_70 : f32 to vector<16xf32>
    %swap3A_72 = arith.constant 192 : index
    %swap3A_73 = tpu.vector_load %arg7[%swap3A_72] {strides = array<i32>} : memref<640xf32, #tpu.memory_space<vmem>>, vector<16xf32>,
    %swap3A_74 = vector.shape_cast %swap3A_73 : vector<16xf32> to vector<16xf32>
    %swap3A_75 = vector.shape_cast %broadcast_in_dim3A_71 : vector<16xf32> to vector<16xf32>
    tpu.vector_store %arg7[%swap3A_72], %swap3A_75 {strides = array<i32>} : memref<640xf32, #tpu.memory_space<vmem>>, vector<16xf32>,
    %broadcast_in_dim3A_76 = arith.constant 0.000000e+00 : f32
    %broadcast_in_dim3A_77 = vector.broadcast %broadcast_in_dim3A_76 : f32 to vector<16xf32>
    %swap3A_78 = arith.constant 208 : index
    %swap3A_79 = tpu.vector_load %arg7[%swap3A_78] {strides = array<i32>} : memref<640xf32, #tpu.memory_space<vmem>>, vector<16xf32>,
    %swap3A_80 = vector.shape_cast %swap3A_79 : vector<16xf32> to vector<16xf32>
    %swap3A_81 = vector.shape_cast %broadcast_in_dim3A_77 : vector<16xf32> to vector<16xf32>
    tpu.vector_store %arg7[%swap3A_78], %swap3A_81 {strides = array<i32>} : memref<640xf32, #tpu.memory_space<vmem>>, vector<16xf32>,
    %broadcast_in_dim3A_82 = arith.constant 0.000000e+00 : f32
    %broadcast_in_dim3A_83 = vector.broadcast %broadcast_in_dim3A_82 : f32 to vector<16xf32>
    %swap3A_84 = arith.constant 224 : index
    %swap3A_85 = tpu.vector_load %arg7[%swap3A_84] {strides = array<i32>} : memref<640xf32, #tpu.memory_space<vmem>>, vector<16xf32>,
    %swap3A_86 = vector.shape_cast %swap3A_85 : vector<16xf32> to vector<16xf32>
    %swap3A_87 = vector.shape_cast %broadcast_in_dim3A_83 : vector<16xf32> to vector<16xf32>
    tpu.vector_store %arg7[%swap3A_84], %swap3A_87 {strides = array<i32>} : memref<640xf32, #tpu.memory_space<vmem>>, vector<16xf32>,
    %broadcast_in_dim3A_88 = arith.constant 0.000000e+00 : f32
    %broadcast_in_dim3A_89 = vector.broadcast %broadcast_in_dim3A_88 : f32 to vector<16xf32>
    %swap3A_90 = arith.constant 240 : index
    %swap3A_91 = tpu.vector_load %arg7[%swap3A_90] {strides = array<i32>} : memref<640xf32, #tpu.memory_space<vmem>>, vector<16xf32>,
    %swap3A_92 = vector.shape_cast %swap3A_91 : vector<16xf32> to vector<16xf32>
    %swap3A_93 = vector.shape_cast %broadcast_in_dim3A_89 : vector<16xf32> to vector<16xf32>
    tpu.vector_store %arg7[%swap3A_90], %swap3A_93 {strides = array<i32>} : memref<640xf32, #tpu.memory_space<vmem>>, vector<16xf32>,
    %broadcast_in_dim3A_94 = arith.constant 0.000000e+00 : f32
    %broadcast_in_dim3A_95 = vector.broadcast %broadcast_in_dim3A_94 : f32 to vector<16xf32>
    %swap3A_96 = arith.constant 256 : index
    %swap3A_97 = tpu.vector_load %arg7[%swap3A_96] {strides = array<i32>} : memref<640xf32, #tpu.memory_space<vmem>>, vector<16xf32>,
    %swap3A_98 = vector.shape_cast %swap3A_97 : vector<16xf32> to vector<16xf32>
    %swap3A_99 = vector.shape_cast %broadcast_in_dim3A_95 : vector<16xf32> to vector<16xf32>
    tpu.vector_store %arg7[%swap3A_96], %swap3A_99 {strides = array<i32>} : memref<640xf32, #tpu.memory_space<vmem>>, vector<16xf32>,
    %broadcast_in_dim3A_100 = arith.constant 0.000000e+00 : f32
    %broadcast_in_dim3A_101 = vector.broadcast %broadcast_in_dim3A_100 : f32 to vector<16xf32>
    %swap3A_102 = arith.constant 272 : index
    %swap3A_103 = tpu.vector_load %arg7[%swap3A_102] {strides = array<i32>} : memref<640xf32, #tpu.memory_space<vmem>>, vector<16xf32>,
    %swap3A_104 = vector.shape_cast %swap3A_103 : vector<16xf32> to vector<16xf32>
    %swap3A_105 = vector.shape_cast %broadcast_in_dim3A_101 : vector<16xf32> to vector<16xf32>
    tpu.vector_store %arg7[%swap3A_102], %swap3A_105 {strides = array<i32>} : memref<640xf32, #tpu.memory_space<vmem>>, vector<16xf32>,
    %broadcast_in_dim3A_106 = arith.constant 0.000000e+00 : f32
    %broadcast_in_dim3A_107 = vector.broadcast %broadcast_in_dim3A_106 : f32 to vector<16xf32>
    %swap3A_108 = arith.constant 288 : index
    %swap3A_109 = tpu.vector_load %arg7[%swap3A_108] {strides = array<i32>} : memref<640xf32, #tpu.memory_space<vmem>>, vector<16xf32>,
    %swap3A_110 = vector.shape_cast %swap3A_109 : vector<16xf32> to vector<16xf32>
    %swap3A_111 = vector.shape_cast %broadcast_in_dim3A_107 : vector<16xf32> to vector<16xf32>
    tpu.vector_store %arg7[%swap3A_108], %swap3A_111 {strides = array<i32>} : memref<640xf32, #tpu.memory_space<vmem>>, vector<16xf32>,
    %broadcast_in_dim3A_112 = arith.constant 0.000000e+00 : f32
    %broadcast_in_dim3A_113 = vector.broadcast %broadcast_in_dim3A_112 : f32 to vector<16xf32>
    %swap3A_114 = arith.constant 304 : index
    %swap3A_115 = tpu.vector_load %arg7[%swap3A_114] {strides = array<i32>} : memref<640xf32, #tpu.memory_space<vmem>>, vector<16xf32>,
    %swap3A_116 = vector.shape_cast %swap3A_115 : vector<16xf32> to vector<16xf32>
    %swap3A_117 = vector.shape_cast %broadcast_in_dim3A_113 : vector<16xf32> to vector<16xf32>
    tpu.vector_store %arg7[%swap3A_114], %swap3A_117 {strides = array<i32>} : memref<640xf32, #tpu.memory_space<vmem>>, vector<16xf32>,
    %broadcast_in_dim3A_118 = arith.constant 0.000000e+00 : f32
    %broadcast_in_dim3A_119 = vector.broadcast %broadcast_in_dim3A_118 : f32 to vector<16xf32>
    %swap3A_120 = arith.constant 320 : index
    %swap3A_121 = tpu.vector_load %arg7[%swap3A_120] {strides = array<i32>} : memref<640xf32, #tpu.memory_space<vmem>>, vector<16xf32>,
    %swap3A_122 = vector.shape_cast %swap3A_121 : vector<16xf32> to vector<16xf32>
    %swap3A_123 = vector.shape_cast %broadcast_in_dim3A_119 : vector<16xf32> to vector<16xf32>
    tpu.vector_store %arg7[%swap3A_120], %swap3A_123 {strides = array<i32>} : memref<640xf32, #tpu.memory_space<vmem>>, vector<16xf32>,
    %broadcast_in_dim3A_124 = arith.constant 0.000000e+00 : f32
    %broadcast_in_dim3A_125 = vector.broadcast %broadcast_in_dim3A_124 : f32 to vector<16xf32>
    %swap3A_126 = arith.constant 336 : index
    %swap3A_127 = tpu.vector_load %arg7[%swap3A_126] {strides = array<i32>} : memref<640xf32, #tpu.memory_space<vmem>>, vector<16xf32>,
    %swap3A_128 = vector.shape_cast %swap3A_127 : vector<16xf32> to vector<16xf32>
    %swap3A_129 = vector.shape_cast %broadcast_in_dim3A_125 : vector<16xf32> to vector<16xf32>
    tpu.vector_store %arg7[%swap3A_126], %swap3A_129 {strides = array<i32>} : memref<640xf32, #tpu.memory_space<vmem>>, vector<16xf32>,
    %broadcast_in_dim3A_130 = arith.constant 0.000000e+00 : f32
    %broadcast_in_dim3A_131 = vector.broadcast %broadcast_in_dim3A_130 : f32 to vector<16xf32>
    %swap3A_132 = arith.constant 352 : index
    %swap3A_133 = tpu.vector_load %arg7[%swap3A_132] {strides = array<i32>} : memref<640xf32, #tpu.memory_space<vmem>>, vector<16xf32>,
    %swap3A_134 = vector.shape_cast %swap3A_133 : vector<16xf32> to vector<16xf32>
    %swap3A_135 = vector.shape_cast %broadcast_in_dim3A_131 : vector<16xf32> to vector<16xf32>
    tpu.vector_store %arg7[%swap3A_132], %swap3A_135 {strides = array<i32>} : memref<640xf32, #tpu.memory_space<vmem>>, vector<16xf32>,
    %broadcast_in_dim3A_136 = arith.constant 0.000000e+00 : f32
    %broadcast_in_dim3A_137 = vector.broadcast %broadcast_in_dim3A_136 : f32 to vector<16xf32>
    %swap3A_138 = arith.constant 368 : index
    %swap3A_139 = tpu.vector_load %arg7[%swap3A_138] {strides = array<i32>} : memref<640xf32, #tpu.memory_space<vmem>>, vector<16xf32>,
    %swap3A_140 = vector.shape_cast %swap3A_139 : vector<16xf32> to vector<16xf32>
    %swap3A_141 = vector.shape_cast %broadcast_in_dim3A_137 : vector<16xf32> to vector<16xf32>
    tpu.vector_store %arg7[%swap3A_138], %swap3A_141 {strides = array<i32>} : memref<640xf32, #tpu.memory_space<vmem>>, vector<16xf32>,
    %broadcast_in_dim3A_142 = arith.constant 0.000000e+00 : f32
    %broadcast_in_dim3A_143 = vector.broadcast %broadcast_in_dim3A_142 : f32 to vector<16xf32>
    %swap3A_144 = arith.constant 384 : index
    %swap3A_145 = tpu.vector_load %arg7[%swap3A_144] {strides = array<i32>} : memref<640xf32, #tpu.memory_space<vmem>>, vector<16xf32>,
    %swap3A_146 = vector.shape_cast %swap3A_145 : vector<16xf32> to vector<16xf32>
    %swap3A_147 = vector.shape_cast %broadcast_in_dim3A_143 : vector<16xf32> to vector<16xf32>
    tpu.vector_store %arg7[%swap3A_144], %swap3A_147 {strides = array<i32>} : memref<640xf32, #tpu.memory_space<vmem>>, vector<16xf32>,
    %broadcast_in_dim3A_148 = arith.constant 0.000000e+00 : f32
    %broadcast_in_dim3A_149 = vector.broadcast %broadcast_in_dim3A_148 : f32 to vector<16xf32>
    %swap3A_150 = arith.constant 400 : index
    %swap3A_151 = tpu.vector_load %arg7[%swap3A_150] {strides = array<i32>} : memref<640xf32, #tpu.memory_space<vmem>>, vector<16xf32>,
    %swap3A_152 = vector.shape_cast %swap3A_151 : vector<16xf32> to vector<16xf32>
    %swap3A_153 = vector.shape_cast %broadcast_in_dim3A_149 : vector<16xf32> to vector<16xf32>
    tpu.vector_store %arg7[%swap3A_150], %swap3A_153 {strides = array<i32>} : memref<640xf32, #tpu.memory_space<vmem>>, vector<16xf32>,
    %broadcast_in_dim3A_154 = arith.constant 0.000000e+00 : f32
    %broadcast_in_dim3A_155 = vector.broadcast %broadcast_in_dim3A_154 : f32 to vector<16xf32>
    %swap3A_156 = arith.constant 416 : index
    %swap3A_157 = tpu.vector_load %arg7[%swap3A_156] {strides = array<i32>} : memref<640xf32, #tpu.memory_space<vmem>>, vector<16xf32>,
    %swap3A_158 = vector.shape_cast %swap3A_157 : vector<16xf32> to vector<16xf32>
    %swap3A_159 = vector.shape_cast %broadcast_in_dim3A_155 : vector<16xf32> to vector<16xf32>
    tpu.vector_store %arg7[%swap3A_156], %swap3A_159 {strides = array<i32>} : memref<640xf32, #tpu.memory_space<vmem>>, vector<16xf32>,
    %broadcast_in_dim3A_160 = arith.constant 0.000000e+00 : f32
    %broadcast_in_dim3A_161 = vector.broadcast %broadcast_in_dim3A_160 : f32 to vector<16xf32>
    %swap3A_162 = arith.constant 432 : index
    %swap3A_163 = tpu.vector_load %arg7[%swap3A_162] {strides = array<i32>} : memref<640xf32, #tpu.memory_space<vmem>>, vector<16xf32>,
    %swap3A_164 = vector.shape_cast %swap3A_163 : vector<16xf32> to vector<16xf32>
    %swap3A_165 = vector.shape_cast %broadcast_in_dim3A_161 : vector<16xf32> to vector<16xf32>
    tpu.vector_store %arg7[%swap3A_162], %swap3A_165 {strides = array<i32>} : memref<640xf32, #tpu.memory_space<vmem>>, vector<16xf32>,
    %broadcast_in_dim3A_166 = arith.constant 0.000000e+00 : f32
    %broadcast_in_dim3A_167 = vector.broadcast %broadcast_in_dim3A_166 : f32 to vector<16xf32>
    %swap3A_168 = arith.constant 448 : index
    %swap3A_169 = tpu.vector_load %arg7[%swap3A_168] {strides = array<i32>} : memref<640xf32, #tpu.memory_space<vmem>>, vector<16xf32>,
    %swap3A_170 = vector.shape_cast %swap3A_169 : vector<16xf32> to vector<16xf32>
    %swap3A_171 = vector.shape_cast %broadcast_in_dim3A_167 : vector<16xf32> to vector<16xf32>
    tpu.vector_store %arg7[%swap3A_168], %swap3A_171 {strides = array<i32>} : memref<640xf32, #tpu.memory_space<vmem>>, vector<16xf32>,
    %broadcast_in_dim3A_172 = arith.constant 0.000000e+00 : f32
    %broadcast_in_dim3A_173 = vector.broadcast %broadcast_in_dim3A_172 : f32 to vector<16xf32>
    %swap3A_174 = arith.constant 464 : index
    %swap3A_175 = tpu.vector_load %arg7[%swap3A_174] {strides = array<i32>} : memref<640xf32, #tpu.memory_space<vmem>>, vector<16xf32>,
    %swap3A_176 = vector.shape_cast %swap3A_175 : vector<16xf32> to vector<16xf32>
    %swap3A_177 = vector.shape_cast %broadcast_in_dim3A_173 : vector<16xf32> to vector<16xf32>
    tpu.vector_store %arg7[%swap3A_174], %swap3A_177 {strides = array<i32>} : memref<640xf32, #tpu.memory_space<vmem>>, vector<16xf32>,
    %broadcast_in_dim3A_178 = arith.constant 0.000000e+00 : f32
    %broadcast_in_dim3A_179 = vector.broadcast %broadcast_in_dim3A_178 : f32 to vector<16xf32>
    %swap3A_180 = arith.constant 480 : index
    %swap3A_181 = tpu.vector_load %arg7[%swap3A_180] {strides = array<i32>} : memref<640xf32, #tpu.memory_space<vmem>>, vector<16xf32>,
    %swap3A_182 = vector.shape_cast %swap3A_181 : vector<16xf32> to vector<16xf32>
    %swap3A_183 = vector.shape_cast %broadcast_in_dim3A_179 : vector<16xf32> to vector<16xf32>
    tpu.vector_store %arg7[%swap3A_180], %swap3A_183 {strides = array<i32>} : memref<640xf32, #tpu.memory_space<vmem>>, vector<16xf32>,
    %broadcast_in_dim3A_184 = arith.constant 0.000000e+00 : f32
    %broadcast_in_dim3A_185 = vector.broadcast %broadcast_in_dim3A_184 : f32 to vector<16xf32>
    %swap3A_186 = arith.constant 496 : index
    %swap3A_187 = tpu.vector_load %arg7[%swap3A_186] {strides = array<i32>} : memref<640xf32, #tpu.memory_space<vmem>>, vector<16xf32>,
    %swap3A_188 = vector.shape_cast %swap3A_187 : vector<16xf32> to vector<16xf32>
    %swap3A_189 = vector.shape_cast %broadcast_in_dim3A_185 : vector<16xf32> to vector<16xf32>
    tpu.vector_store %arg7[%swap3A_186], %swap3A_189 {strides = array<i32>} : memref<640xf32, #tpu.memory_space<vmem>>, vector<16xf32>,
    %broadcast_in_dim3A_190 = arith.constant 0.000000e+00 : f32
    %broadcast_in_dim3A_191 = vector.broadcast %broadcast_in_dim3A_190 : f32 to vector<16xf32>
    %swap3A_192 = arith.constant 512 : index
    %swap3A_193 = tpu.vector_load %arg7[%swap3A_192] {strides = array<i32>} : memref<640xf32, #tpu.memory_space<vmem>>, vector<16xf32>,
    %swap3A_194 = vector.shape_cast %swap3A_193 : vector<16xf32> to vector<16xf32>
    %swap3A_195 = vector.shape_cast %broadcast_in_dim3A_191 : vector<16xf32> to vector<16xf32>
    tpu.vector_store %arg7[%swap3A_192], %swap3A_195 {strides = array<i32>} : memref<640xf32, #tpu.memory_space<vmem>>, vector<16xf32>,
    %broadcast_in_dim3A_196 = arith.constant 0.000000e+00 : f32
    %broadcast_in_dim3A_197 = vector.broadcast %broadcast_in_dim3A_196 : f32 to vector<16xf32>
    %swap3A_198 = arith.constant 528 : index
    %swap3A_199 = tpu.vector_load %arg7[%swap3A_198] {strides = array<i32>} : memref<640xf32, #tpu.memory_space<vmem>>, vector<16xf32>,
    %swap3A_200 = vector.shape_cast %swap3A_199 : vector<16xf32> to vector<16xf32>
    %swap3A_201 = vector.shape_cast %broadcast_in_dim3A_197 : vector<16xf32> to vector<16xf32>
    tpu.vector_store %arg7[%swap3A_198], %swap3A_201 {strides = array<i32>} : memref<640xf32, #tpu.memory_space<vmem>>, vector<16xf32>,
    %broadcast_in_dim3A_202 = arith.constant 0.000000e+00 : f32
    %broadcast_in_dim3A_203 = vector.broadcast %broadcast_in_dim3A_202 : f32 to vector<16xf32>
    %swap3A_204 = arith.constant 544 : index
    %swap3A_205 = tpu.vector_load %arg7[%swap3A_204] {strides = array<i32>} : memref<640xf32, #tpu.memory_space<vmem>>, vector<16xf32>,
    %swap3A_206 = vector.shape_cast %swap3A_205 : vector<16xf32> to vector<16xf32>
    %swap3A_207 = vector.shape_cast %broadcast_in_dim3A_203 : vector<16xf32> to vector<16xf32>
    tpu.vector_store %arg7[%swap3A_204], %swap3A_207 {strides = array<i32>} : memref<640xf32, #tpu.memory_space<vmem>>, vector<16xf32>,
    %broadcast_in_dim3A_208 = arith.constant 0.000000e+00 : f32
    %broadcast_in_dim3A_209 = vector.broadcast %broadcast_in_dim3A_208 : f32 to vector<16xf32>
    %swap3A_210 = arith.constant 560 : index
    %swap3A_211 = tpu.vector_load %arg7[%swap3A_210] {strides = array<i32>} : memref<640xf32, #tpu.memory_space<vmem>>, vector<16xf32>,
    %swap3A_212 = vector.shape_cast %swap3A_211 : vector<16xf32> to vector<16xf32>
    %swap3A_213 = vector.shape_cast %broadcast_in_dim3A_209 : vector<16xf32> to vector<16xf32>
    tpu.vector_store %arg7[%swap3A_210], %swap3A_213 {strides = array<i32>} : memref<640xf32, #tpu.memory_space<vmem>>, vector<16xf32>,
    %broadcast_in_dim3A_214 = arith.constant 0.000000e+00 : f32
    %broadcast_in_dim3A_215 = vector.broadcast %broadcast_in_dim3A_214 : f32 to vector<16xf32>
    %swap3A_216 = arith.constant 576 : index
    %swap3A_217 = tpu.vector_load %arg7[%swap3A_216] {strides = array<i32>} : memref<640xf32, #tpu.memory_space<vmem>>, vector<16xf32>,
    %swap3A_218 = vector.shape_cast %swap3A_217 : vector<16xf32> to vector<16xf32>
    %swap3A_219 = vector.shape_cast %broadcast_in_dim3A_215 : vector<16xf32> to vector<16xf32>
    tpu.vector_store %arg7[%swap3A_216], %swap3A_219 {strides = array<i32>} : memref<640xf32, #tpu.memory_space<vmem>>, vector<16xf32>,
    %broadcast_in_dim3A_220 = arith.constant 0.000000e+00 : f32
    %broadcast_in_dim3A_221 = vector.broadcast %broadcast_in_dim3A_220 : f32 to vector<16xf32>
    %swap3A_222 = arith.constant 592 : index
    %swap3A_223 = tpu.vector_load %arg7[%swap3A_222] {strides = array<i32>} : memref<640xf32, #tpu.memory_space<vmem>>, vector<16xf32>,
    %swap3A_224 = vector.shape_cast %swap3A_223 : vector<16xf32> to vector<16xf32>
    %swap3A_225 = vector.shape_cast %broadcast_in_dim3A_221 : vector<16xf32> to vector<16xf32>
    tpu.vector_store %arg7[%swap3A_222], %swap3A_225 {strides = array<i32>} : memref<640xf32, #tpu.memory_space<vmem>>, vector<16xf32>,
    %broadcast_in_dim3A_226 = arith.constant 0.000000e+00 : f32
    %broadcast_in_dim3A_227 = vector.broadcast %broadcast_in_dim3A_226 : f32 to vector<16xf32>
    %swap3A_228 = arith.constant 608 : index
    %swap3A_229 = tpu.vector_load %arg7[%swap3A_228] {strides = array<i32>} : memref<640xf32, #tpu.memory_space<vmem>>, vector<16xf32>,
    %swap3A_230 = vector.shape_cast %swap3A_229 : vector<16xf32> to vector<16xf32>
    %swap3A_231 = vector.shape_cast %broadcast_in_dim3A_227 : vector<16xf32> to vector<16xf32>
    tpu.vector_store %arg7[%swap3A_228], %swap3A_231 {strides = array<i32>} : memref<640xf32, #tpu.memory_space<vmem>>, vector<16xf32>,
    %broadcast_in_dim3A_232 = arith.constant 0.000000e+00 : f32
    %broadcast_in_dim3A_233 = vector.broadcast %broadcast_in_dim3A_232 : f32 to vector<16xf32>
    %swap3A_234 = arith.constant 624 : index
    %swap3A_235 = tpu.vector_load %arg7[%swap3A_234] {strides = array<i32>} : memref<640xf32, #tpu.memory_space<vmem>>, vector<16xf32>,
    %swap3A_236 = vector.shape_cast %swap3A_235 : vector<16xf32> to vector<16xf32>
    %swap3A_237 = vector.shape_cast %broadcast_in_dim3A_233 : vector<16xf32> to vector<16xf32>
    tpu.vector_store %arg7[%swap3A_234], %swap3A_237 {strides = array<i32>} : memref<640xf32, #tpu.memory_space<vmem>>, vector<16xf32>,
    %broadcast_in_dim3A_238 = arith.constant 1.000000e+00 : f32
    %broadcast_in_dim3A_239 = vector.broadcast %broadcast_in_dim3A_238 : f32 to vector<16xf32>
    %swap3A_240 = arith.constant 0 : index
    %swap3A_241 = tpu.vector_load %arg6[%swap3A_240] {strides = array<i32>} : memref<80xf32, #tpu.memory_space<vmem>>, vector<16xf32>,
    %swap3A_242 = vector.shape_cast %swap3A_241 : vector<16xf32> to vector<16xf32>
    %swap3A_243 = vector.shape_cast %broadcast_in_dim3A_239 : vector<16xf32> to vector<16xf32>
    tpu.vector_store %arg6[%swap3A_240], %swap3A_243 {strides = array<i32>} : memref<80xf32, #tpu.memory_space<vmem>>, vector<16xf32>,
    %broadcast_in_dim3A_244 = arith.constant 1.000000e+00 : f32
    %broadcast_in_dim3A_245 = vector.broadcast %broadcast_in_dim3A_244 : f32 to vector<16xf32>
    %swap3A_246 = arith.constant 16 : index
    %swap3A_247 = tpu.vector_load %arg6[%swap3A_246] {strides = array<i32>} : memref<80xf32, #tpu.memory_space<vmem>>, vector<16xf32>,
    %swap3A_248 = vector.shape_cast %swap3A_247 : vector<16xf32> to vector<16xf32>
    %swap3A_249 = vector.shape_cast %broadcast_in_dim3A_245 : vector<16xf32> to vector<16xf32>
    tpu.vector_store %arg6[%swap3A_246], %swap3A_249 {strides = array<i32>} : memref<80xf32, #tpu.memory_space<vmem>>, vector<16xf32>,
    %broadcast_in_dim3A_250 = arith.constant 1.000000e+00 : f32
    %broadcast_in_dim3A_251 = vector.broadcast %broadcast_in_dim3A_250 : f32 to vector<16xf32>
    %swap3A_252 = arith.constant 32 : index
    %swap3A_253 = tpu.vector_load %arg6[%swap3A_252] {strides = array<i32>} : memref<80xf32, #tpu.memory_space<vmem>>, vector<16xf32>,
    %swap3A_254 = vector.shape_cast %swap3A_253 : vector<16xf32> to vector<16xf32>
    %swap3A_255 = vector.shape_cast %broadcast_in_dim3A_251 : vector<16xf32> to vector<16xf32>
    tpu.vector_store %arg6[%swap3A_252], %swap3A_255 {strides = array<i32>} : memref<80xf32, #tpu.memory_space<vmem>>, vector<16xf32>,
    %broadcast_in_dim3A_256 = arith.constant 1.000000e+00 : f32
    %broadcast_in_dim3A_257 = vector.broadcast %broadcast_in_dim3A_256 : f32 to vector<16xf32>
    %swap3A_258 = arith.constant 48 : index
    %swap3A_259 = tpu.vector_load %arg6[%swap3A_258] {strides = array<i32>} : memref<80xf32, #tpu.memory_space<vmem>>, vector<16xf32>,
    %swap3A_260 = vector.shape_cast %swap3A_259 : vector<16xf32> to vector<16xf32>
    %swap3A_261 = vector.shape_cast %broadcast_in_dim3A_257 : vector<16xf32> to vector<16xf32>
    tpu.vector_store %arg6[%swap3A_258], %swap3A_261 {strides = array<i32>} : memref<80xf32, #tpu.memory_space<vmem>>, vector<16xf32>,
    %broadcast_in_dim3A_262 = arith.constant 1.000000e+00 : f32
    %broadcast_in_dim3A_263 = vector.broadcast %broadcast_in_dim3A_262 : f32 to vector<16xf32>
    %swap3A_264 = arith.constant 64 : index
    %swap3A_265 = tpu.vector_load %arg6[%swap3A_264] {strides = array<i32>} : memref<80xf32, #tpu.memory_space<vmem>>, vector<16xf32>,
    %swap3A_266 = vector.shape_cast %swap3A_265 : vector<16xf32> to vector<16xf32>
    %swap3A_267 = vector.shape_cast %broadcast_in_dim3A_263 : vector<16xf32> to vector<16xf32>
    tpu.vector_store %arg6[%swap3A_264], %swap3A_267 {strides = array<i32>} : memref<80xf32, #tpu.memory_space<vmem>>, vector<16xf32>,
    %mul3A = arith.constant 640 : i32
    %mul3A_268 = arith.muli %arg1, %mul3A : i32
    "tpu.region"() ({
      %run_scoped3A = tpu.sem_alloc : memref<!tpu.dma_semaphore, #tpu.memory_space<semaphore_mem>>
      %dma_start3A = tpu.memref_slice %arg8[%mul3A_268] : memref<10240xf32, #tpu.memory_space<vmem_shared>> -> memref<640xf32, #tpu.memory_space<vmem_shared>>
      %dma_start3A_283 = tpu.memref_slice %arg8[%mul3A_268] : memref<10240xf32, #tpu.memory_space<vmem_shared>> -> memref<640xf32, #tpu.memory_space<vmem_shared>>
      tpu.enqueue_dma source(%arg7 : memref<640xf32, #tpu.memory_space<vmem>>) target(%dma_start3A_283 : memref<640xf32, #tpu.memory_space<vmem_shared>>) target_semaphore(%run_scoped3A : memref<!tpu.dma_semaphore, #tpu.memory_space<semaphore_mem>>)
      %dma_wait3A = tpu.memref_slice %arg8[%mul3A_268] : memref<10240xf32, #tpu.memory_space<vmem_shared>> -> memref<640xf32, #tpu.memory_space<vmem_shared>>
      %dma_wait3A_284 = tpu.memref_slice %arg8[%mul3A_268] : memref<10240xf32, #tpu.memory_space<vmem_shared>> -> memref<640xf32, #tpu.memory_space<vmem_shared>>
      tpu.wait_dma2 semaphore(%run_scoped3A : memref<!tpu.dma_semaphore, #tpu.memory_space<semaphore_mem>>) src(%arg7 : memref<640xf32, #tpu.memory_space<vmem>>) dst(%dma_wait3A_284 : memref<640xf32, #tpu.memory_space<vmem_shared>>)
      tpu.yield
    }) : () -> ()
    %mul3A_269 = arith.constant 16 : i32
    %mul3A_270 = arith.muli %arg0, %mul3A_269 : i32
    %add3A = arith.addi %mul3A_270, %arg1 : i32
    %mul3A_271 = arith.constant 10000 : i32
    %mul3A_272 = arith.muli %add3A, %mul3A_271 : i32
    "tpu.region"() ({
      %run_scoped3A = tpu.sem_alloc : memref<!tpu.dma_semaphore, #tpu.memory_space<semaphore_mem>>
      %dma_start3A = tpu.memref_slice %arg2[%mul3A_272] : memref<320000xi32, #tpu.memory_space<hbm>> -> memref<10000xi32, #tpu.memory_space<hbm>>
      %dma_start3A_283 = tpu.memref_slice %arg2[%mul3A_272] : memref<320000xi32, #tpu.memory_space<hbm>> -> memref<10000xi32, #tpu.memory_space<hbm>>
      tpu.enqueue_dma source(%dma_start3A_283 : memref<10000xi32, #tpu.memory_space<hbm>>) target(%arg4 : memref<10000xi32, #tpu.memory_space<vmem>>) target_semaphore(%run_scoped3A : memref<!tpu.dma_semaphore, #tpu.memory_space<semaphore_mem>>)
      %dma_wait3A = tpu.memref_slice %arg2[%mul3A_272] : memref<320000xi32, #tpu.memory_space<hbm>> -> memref<10000xi32, #tpu.memory_space<hbm>>
      %dma_wait3A_284 = tpu.memref_slice %arg2[%mul3A_272] : memref<320000xi32, #tpu.memory_space<hbm>> -> memref<10000xi32, #tpu.memory_space<hbm>>
      tpu.wait_dma2 semaphore(%run_scoped3A : memref<!tpu.dma_semaphore, #tpu.memory_space<semaphore_mem>>) src(%dma_wait3A_284 : memref<10000xi32, #tpu.memory_space<hbm>>) dst(%arg4 : memref<10000xi32, #tpu.memory_space<vmem>>)
      tpu.yield
    }) : () -> ()
    %barrier3A = arith.constant 0 : index
    tpu.barrier barrier_id(%barrier3A)
    %scan3A = arith.constant 0 : i32
    %scan3A_273 = arith.constant 0 : i32
    %scan3A_274 = arith.constant 125 : i32
    %scan3A_275 = arith.addi %scan3A_273, %scan3A_274 : i32
    %scan3A_276 = arith.constant 1 : i32
    scf.for %scan3A_283 = %scan3A_273 to %scan3A_275 step %scan3A_276  : i32 {
      %mul3A_284 = arith.constant 80 : i32
      %mul3A_285 = arith.muli %scan3A_283, %mul3A_284 : i32
      %add3A_286 = arith.constant 0 : i32
      %add3A_287 = arith.addi %mul3A_285, %add3A_286 : i32
      %get3A = arith.index_cast %add3A_287 : i32 to index
      %get3A_288 = tpu.vector_load %arg4[%get3A] {strides = array<i32>} : memref<10000xi32, #tpu.memory_space<vmem>>, vector<16xi32>,
      %get3A_289 = vector.shape_cast %get3A_288 : vector<16xi32> to vector<16xi32>
      %swap3A_290 = arith.constant 0 : index
      %swap3A_291 = tpu.vector_load %arg5[%swap3A_290] {strides = array<i32>} : memref<80xi32, #tpu.memory_space<vmem>>, vector<16xi32>,
      %swap3A_292 = vector.shape_cast %swap3A_291 : vector<16xi32> to vector<16xi32>
      %swap3A_293 = vector.shape_cast %get3A_289 : vector<16xi32> to vector<16xi32>
      tpu.vector_store %arg5[%swap3A_290], %swap3A_293 {strides = array<i32>} : memref<80xi32, #tpu.memory_space<vmem>>, vector<16xi32>,
      %mul3A_294 = arith.constant 80 : i32
      %mul3A_295 = arith.muli %scan3A_283, %mul3A_294 : i32
      %add3A_296 = arith.constant 16 : i32
      %add3A_297 = arith.addi %mul3A_295, %add3A_296 : i32
      %get3A_298 = arith.index_cast %add3A_297 : i32 to index
      %get3A_299 = tpu.vector_load %arg4[%get3A_298] {strides = array<i32>} : memref<10000xi32, #tpu.memory_space<vmem>>, vector<16xi32>,
      %get3A_300 = vector.shape_cast %get3A_299 : vector<16xi32> to vector<16xi32>
      %swap3A_301 = arith.constant 16 : index
      %swap3A_302 = tpu.vector_load %arg5[%swap3A_301] {strides = array<i32>} : memref<80xi32, #tpu.memory_space<vmem>>, vector<16xi32>,
      %swap3A_303 = vector.shape_cast %swap3A_302 : vector<16xi32> to vector<16xi32>
      %swap3A_304 = vector.shape_cast %get3A_300 : vector<16xi32> to vector<16xi32>
      tpu.vector_store %arg5[%swap3A_301], %swap3A_304 {strides = array<i32>} : memref<80xi32, #tpu.memory_space<vmem>>, vector<16xi32>,
      %mul3A_305 = arith.constant 80 : i32
      %mul3A_306 = arith.muli %scan3A_283, %mul3A_305 : i32
      %add3A_307 = arith.constant 32 : i32
      %add3A_308 = arith.addi %mul3A_306, %add3A_307 : i32
      %get3A_309 = arith.index_cast %add3A_308 : i32 to index
      %get3A_310 = tpu.vector_load %arg4[%get3A_309] {strides = array<i32>} : memref<10000xi32, #tpu.memory_space<vmem>>, vector<16xi32>,
      %get3A_311 = vector.shape_cast %get3A_310 : vector<16xi32> to vector<16xi32>
      %swap3A_312 = arith.constant 32 : index
      %swap3A_313 = tpu.vector_load %arg5[%swap3A_312] {strides = array<i32>} : memref<80xi32, #tpu.memory_space<vmem>>, vector<16xi32>,
      %swap3A_314 = vector.shape_cast %swap3A_313 : vector<16xi32> to vector<16xi32>
      %swap3A_315 = vector.shape_cast %get3A_311 : vector<16xi32> to vector<16xi32>
      tpu.vector_store %arg5[%swap3A_312], %swap3A_315 {strides = array<i32>} : memref<80xi32, #tpu.memory_space<vmem>>, vector<16xi32>,
      %mul3A_316 = arith.constant 80 : i32
      %mul3A_317 = arith.muli %scan3A_283, %mul3A_316 : i32
      %add3A_318 = arith.constant 48 : i32
      %add3A_319 = arith.addi %mul3A_317, %add3A_318 : i32
      %get3A_320 = arith.index_cast %add3A_319 : i32 to index
      %get3A_321 = tpu.vector_load %arg4[%get3A_320] {strides = array<i32>} : memref<10000xi32, #tpu.memory_space<vmem>>, vector<16xi32>,
      %get3A_322 = vector.shape_cast %get3A_321 : vector<16xi32> to vector<16xi32>
      %swap3A_323 = arith.constant 48 : index
      %swap3A_324 = tpu.vector_load %arg5[%swap3A_323] {strides = array<i32>} : memref<80xi32, #tpu.memory_space<vmem>>, vector<16xi32>,
      %swap3A_325 = vector.shape_cast %swap3A_324 : vector<16xi32> to vector<16xi32>
      %swap3A_326 = vector.shape_cast %get3A_322 : vector<16xi32> to vector<16xi32>
      tpu.vector_store %arg5[%swap3A_323], %swap3A_326 {strides = array<i32>} : memref<80xi32, #tpu.memory_space<vmem>>, vector<16xi32>,
      %mul3A_327 = arith.constant 80 : i32
      %mul3A_328 = arith.muli %scan3A_283, %mul3A_327 : i32
      %add3A_329 = arith.constant 64 : i32
      %add3A_330 = arith.addi %mul3A_328, %add3A_329 : i32
      %get3A_331 = arith.index_cast %add3A_330 : i32 to index
      %get3A_332 = tpu.vector_load %arg4[%get3A_331] {strides = array<i32>} : memref<10000xi32, #tpu.memory_space<vmem>>, vector<16xi32>,
      %get3A_333 = vector.shape_cast %get3A_332 : vector<16xi32> to vector<16xi32>
      %swap3A_334 = arith.constant 64 : index
      %swap3A_335 = tpu.vector_load %arg5[%swap3A_334] {strides = array<i32>} : memref<80xi32, #tpu.memory_space<vmem>>, vector<16xi32>,
      %swap3A_336 = vector.shape_cast %swap3A_335 : vector<16xi32> to vector<16xi32>
      %swap3A_337 = vector.shape_cast %get3A_333 : vector<16xi32> to vector<16xi32>
      tpu.vector_store %arg5[%swap3A_334], %swap3A_337 {strides = array<i32>} : memref<80xi32, #tpu.memory_space<vmem>>, vector<16xi32>,
      "tpu.region"() ({
        %run_scoped3A = tpu.sem_alloc : memref<!tpu.dma_semaphore, #tpu.memory_space<semaphore_mem>>
        %dma_start3A = arith.constant 0 : i32
        %dma_start3A_338 = tpu.memref_slice %arg8[%dma_start3A] : memref<10240xf32, #tpu.memory_space<vmem_shared>> -> memref<10240xf32, #tpu.memory_space<vmem_shared>>
        tpu.enqueue_indirect_dma source(%arg6 : memref<80xf32, #tpu.memory_space<vmem>>) target(%dma_start3A_338 : memref<10240xf32, #tpu.memory_space<vmem_shared>>) offsets(%arg5 : memref<80xi32, #tpu.memory_space<vmem>>) semaphore(%run_scoped3A : memref<!tpu.dma_semaphore, #tpu.memory_space<semaphore_mem>>) {add = true}
        %dma_wait3A = arith.constant 0 : i32
        %dma_wait3A_339 = tpu.memref_slice %arg8[%dma_wait3A] : memref<10240xf32, #tpu.memory_space<vmem_shared>> -> memref<10240xf32, #tpu.memory_space<vmem_shared>>
        tpu.wait_indirect_dma semaphore(%run_scoped3A : memref<!tpu.dma_semaphore, #tpu.memory_space<semaphore_mem>>) src(%arg6 : memref<80xf32, #tpu.memory_space<vmem>>) dst(%dma_wait3A_339 : memref<10240xf32, #tpu.memory_space<vmem_shared>>)
        tpu.yield
      }) : () -> ()
    }
    %scan3A_277 = arith.constant 125 : i32
    %barrier3A_278 = arith.constant 0 : index
    tpu.barrier barrier_id(%barrier3A_278)
    %mul3A_279 = arith.constant 640 : i32
    %mul3A_280 = arith.muli %arg1, %mul3A_279 : i32
    %mul3A_281 = arith.constant 640 : i32
    %mul3A_282 = arith.muli %arg1, %mul3A_281 : i32
    "tpu.region"() ({
      %run_scoped3A = tpu.sem_alloc : memref<!tpu.dma_semaphore, #tpu.memory_space<semaphore_mem>>
      %dma_start3A = tpu.memref_slice %arg3[%arg0, %mul3A_282] : memref<2x10240xf32, #tpu.memory_space<hbm>> -> memref<1x640xf32, #tpu.memory_space<hbm>>
      %dma_start3A_283 = tpu.memref_squeeze %dma_start3A : memref<1x640xf32, #tpu.memory_space<hbm>> -> memref<640xf32, #tpu.memory_space<hbm>>
      %dma_start3A_284 = tpu.memref_slice %arg8[%mul3A_280] : memref<10240xf32, #tpu.memory_space<vmem_shared>> -> memref<640xf32, #tpu.memory_space<vmem_shared>>
      tpu.enqueue_dma source(%dma_start3A_284 : memref<640xf32, #tpu.memory_space<vmem_shared>>) target(%dma_start3A_283 : memref<640xf32, #tpu.memory_space<hbm>>) target_semaphore(%run_scoped3A : memref<!tpu.dma_semaphore, #tpu.memory_space<semaphore_mem>>)
      %dma_wait3A = tpu.memref_slice %arg3[%arg0, %mul3A_282] : memref<2x10240xf32, #tpu.memory_space<hbm>> -> memref<1x640xf32, #tpu.memory_space<hbm>>
      %dma_wait3A_285 = tpu.memref_squeeze %dma_wait3A : memref<1x640xf32, #tpu.memory_space<hbm>> -> memref<640xf32, #tpu.memory_space<hbm>>
      %dma_wait3A_286 = tpu.memref_slice %arg8[%mul3A_280] : memref<10240xf32, #tpu.memory_space<vmem_shared>> -> memref<640xf32, #tpu.memory_space<vmem_shared>>
      tpu.wait_dma2 semaphore(%run_scoped3A : memref<!tpu.dma_semaphore, #tpu.memory_space<semaphore_mem>>) src(%dma_wait3A_286 : memref<640xf32, #tpu.memory_space<vmem_shared>>) dst(%dma_wait3A_285 : memref<640xf32, #tpu.memory_space<hbm>>)
      tpu.yield
    }) : () -> ()
    return
  }
}

#map = affine_map<(d0, d1) -> (0, 0)>
#map1 = affine_map<(d0, d1) -> (0)>
module attributes {stable_mosaic.version = 14 : i64} {
  func.func @_sc_edge_body(%arg0: i32, %arg1: i32, %arg2: memref<10240x128xf32, #tpu.memory_space<hbm>>, %arg3: memref<320000xi32, #tpu.memory_space<hbm>>, %arg4: memref<320000xi32, #tpu.memory_space<hbm>>, %arg5: memref<20480x128xf32, #tpu.memory_space<hbm>>, %arg6: memref<10000xi32, #tpu.memory_space<vmem>>, %arg7: memref<10000xi32, #tpu.memory_space<vmem>>, %arg8: memref<3x64xi32, #tpu.memory_space<vmem>>, %arg9: memref<3x64x128xf32, #tpu.memory_space<vmem>>, %arg10: memref<16xi32, #tpu.memory_space<vmem>>, %arg11: memref<16x128xf32, #tpu.memory_space<vmem>>, %arg12: memref<10240x128xf32, #tpu.memory_space<vmem_shared>>, %arg13: memref<!tpu.dma_semaphore, #tpu.memory_space<semaphore_mem>>, %arg14: memref<!tpu.dma_semaphore, #tpu.memory_space<semaphore_mem>>, %arg15: memref<!tpu.dma_semaphore, #tpu.memory_space<semaphore_mem>>, %arg16: memref<!tpu.dma_semaphore, #tpu.memory_space<semaphore_mem>>, %arg17: memref<!tpu.dma_semaphore, #tpu.memory_space<semaphore_mem>>, %arg18: memref<!tpu.dma_semaphore, #tpu.memory_space<semaphore_mem>>) attributes {dimension_semantics = [#tpu.dimension_semantics<core_parallel>, #tpu.dimension_semantics<subcore_parallel>], iteration_bounds = array<i64: 2, 16>, scalar_prefetch = 0 : i64, scratch_operands = 13 : i64, tpu.core_type = #tpu.core_type<sc_vector_subcore>, window_params = [{transform_indices = #map}, {transform_indices = #map1}, {transform_indices = #map1}, {transform_indices = #map}]} {
    %mul3A = arith.constant 640 : i32
    %mul3A_0 = arith.muli %arg1, %mul3A : i32
    %mul3A_1 = arith.constant 640 : i32
    %mul3A_2 = arith.muli %arg1, %mul3A_1 : i32
    "tpu.region"() ({
      %run_scoped3A = tpu.sem_alloc : memref<!tpu.dma_semaphore, #tpu.memory_space<semaphore_mem>>
      %dma_start3A_69 = arith.constant 0 : i32
      %dma_start3A_70 = tpu.memref_slice %arg12[%mul3A_2, %dma_start3A_69] : memref<10240x128xf32, #tpu.memory_space<vmem_shared>> -> memref<640x128xf32, #tpu.memory_space<vmem_shared>>
      %dma_start3A_71 = arith.constant 0 : i32
      %dma_start3A_72 = tpu.memref_slice %arg2[%mul3A_0, %dma_start3A_71] : memref<10240x128xf32, #tpu.memory_space<hbm>> -> memref<640x128xf32, #tpu.memory_space<hbm>>
      tpu.enqueue_dma source(%dma_start3A_72 : memref<640x128xf32, #tpu.memory_space<hbm>>) target(%dma_start3A_70 : memref<640x128xf32, #tpu.memory_space<vmem_shared>>) target_semaphore(%run_scoped3A : memref<!tpu.dma_semaphore, #tpu.memory_space<semaphore_mem>>)
      %dma_wait3A_73 = arith.constant 0 : i32
      %dma_wait3A_74 = tpu.memref_slice %arg12[%mul3A_2, %dma_wait3A_73] : memref<10240x128xf32, #tpu.memory_space<vmem_shared>> -> memref<640x128xf32, #tpu.memory_space<vmem_shared>>
      %dma_wait3A_75 = arith.constant 0 : i32
      %dma_wait3A_76 = tpu.memref_slice %arg2[%mul3A_0, %dma_wait3A_75] : memref<10240x128xf32, #tpu.memory_space<hbm>> -> memref<640x128xf32, #tpu.memory_space<hbm>>
      tpu.wait_dma2 semaphore(%run_scoped3A : memref<!tpu.dma_semaphore, #tpu.memory_space<semaphore_mem>>) src(%dma_wait3A_76 : memref<640x128xf32, #tpu.memory_space<hbm>>) dst(%dma_wait3A_74 : memref<640x128xf32, #tpu.memory_space<vmem_shared>>)
      tpu.yield
    }) : () -> ()
    %mul3A_3 = arith.constant 16 : i32
    %mul3A_4 = arith.muli %arg0, %mul3A_3 : i32
    %add3A = arith.addi %mul3A_4, %arg1 : i32
    %mul3A_5 = arith.constant 10000 : i32
    %mul3A_6 = arith.muli %add3A, %mul3A_5 : i32
    "tpu.region"() ({
      %run_scoped3A = tpu.sem_alloc : memref<!tpu.dma_semaphore, #tpu.memory_space<semaphore_mem>>
      %dma_start3A_69 = tpu.memref_slice %arg3[%mul3A_6] : memref<320000xi32, #tpu.memory_space<hbm>> -> memref<10000xi32, #tpu.memory_space<hbm>>
      %dma_start3A_70 = tpu.memref_slice %arg3[%mul3A_6] : memref<320000xi32, #tpu.memory_space<hbm>> -> memref<10000xi32, #tpu.memory_space<hbm>>
      tpu.enqueue_dma source(%dma_start3A_70 : memref<10000xi32, #tpu.memory_space<hbm>>) target(%arg6 : memref<10000xi32, #tpu.memory_space<vmem>>) target_semaphore(%run_scoped3A : memref<!tpu.dma_semaphore, #tpu.memory_space<semaphore_mem>>)
      %dma_wait3A_71 = tpu.memref_slice %arg3[%mul3A_6] : memref<320000xi32, #tpu.memory_space<hbm>> -> memref<10000xi32, #tpu.memory_space<hbm>>
      %dma_wait3A_72 = tpu.memref_slice %arg3[%mul3A_6] : memref<320000xi32, #tpu.memory_space<hbm>> -> memref<10000xi32, #tpu.memory_space<hbm>>
      tpu.wait_dma2 semaphore(%run_scoped3A : memref<!tpu.dma_semaphore, #tpu.memory_space<semaphore_mem>>) src(%dma_wait3A_72 : memref<10000xi32, #tpu.memory_space<hbm>>) dst(%arg6 : memref<10000xi32, #tpu.memory_space<vmem>>)
      tpu.yield
    }) : () -> ()
    "tpu.region"() ({
      %run_scoped3A = tpu.sem_alloc : memref<!tpu.dma_semaphore, #tpu.memory_space<semaphore_mem>>
      %dma_start3A_69 = tpu.memref_slice %arg4[%mul3A_6] : memref<320000xi32, #tpu.memory_space<hbm>> -> memref<10000xi32, #tpu.memory_space<hbm>>
      %dma_start3A_70 = tpu.memref_slice %arg4[%mul3A_6] : memref<320000xi32, #tpu.memory_space<hbm>> -> memref<10000xi32, #tpu.memory_space<hbm>>
      tpu.enqueue_dma source(%dma_start3A_70 : memref<10000xi32, #tpu.memory_space<hbm>>) target(%arg7 : memref<10000xi32, #tpu.memory_space<vmem>>) target_semaphore(%run_scoped3A : memref<!tpu.dma_semaphore, #tpu.memory_space<semaphore_mem>>)
      %dma_wait3A_71 = tpu.memref_slice %arg4[%mul3A_6] : memref<320000xi32, #tpu.memory_space<hbm>> -> memref<10000xi32, #tpu.memory_space<hbm>>
      %dma_wait3A_72 = tpu.memref_slice %arg4[%mul3A_6] : memref<320000xi32, #tpu.memory_space<hbm>> -> memref<10000xi32, #tpu.memory_space<hbm>>
      tpu.wait_dma2 semaphore(%run_scoped3A : memref<!tpu.dma_semaphore, #tpu.memory_space<semaphore_mem>>) src(%dma_wait3A_72 : memref<10000xi32, #tpu.memory_space<hbm>>) dst(%arg7 : memref<10000xi32, #tpu.memory_space<vmem>>)
      tpu.yield
    }) : () -> ()
    %barrier3A = arith.constant 0 : index
    tpu.barrier barrier_id(%barrier3A)
    %scan3A = arith.constant 0 : i32
    %scan3A_7 = arith.constant 0 : i32
    %scan3A_8 = arith.constant 52 : i32
    %scan3A_9 = arith.addi %scan3A_7, %scan3A_8 : i32
    %scan3A_10 = arith.constant 1 : i32
    scf.for %scan3A_69 = %scan3A_7 to %scan3A_9 step %scan3A_10  : i32 {
      %gt3A = arith.constant 0 : i32
      %gt3A_70 = arith.cmpi sgt, %scan3A_69, %gt3A : i32
      %convert_element_type3A = arith.extui %gt3A_70 : i1 to i32
      %cond3A = arith.constant 0 : i32
      %cond3A_71 = arith.cmpi ne, %convert_element_type3A, %cond3A : i32
      scf.if %cond3A_71 {
        %dma_wait3A_346 = arith.constant 0 : i32
        %dma_wait3A_347 = arith.constant 0 : i32
        %dma_wait3A_348 = arith.constant 0 : i32
        %dma_wait3A_349 = arith.constant 0 : i32
        %dma_wait3A_350 = tpu.memref_slice %arg9[%dma_wait3A_346, %dma_wait3A_348, %dma_wait3A_349] : memref<3x64x128xf32, #tpu.memory_space<vmem>> -> memref<1x64x128xf32, #tpu.memory_space<vmem>>
        %dma_wait3A_351 = tpu.memref_squeeze %dma_wait3A_350 : memref<1x64x128xf32, #tpu.memory_space<vmem>> -> memref<64x128xf32, #tpu.memory_space<vmem>>
        %dma_wait3A_352 = arith.constant 0 : i32
        %dma_wait3A_353 = tpu.memref_slice %arg8[%dma_wait3A_347, %dma_wait3A_352] : memref<3x64xi32, #tpu.memory_space<vmem>> -> memref<1x64xi32, #tpu.memory_space<vmem>>
        %dma_wait3A_354 = tpu.memref_squeeze %dma_wait3A_353 : memref<1x64xi32, #tpu.memory_space<vmem>> -> memref<64xi32, #tpu.memory_space<vmem>>
        %dma_wait3A_355 = arith.constant 0 : i32
        %dma_wait3A_356 = arith.constant 0 : i32
        %dma_wait3A_357 = tpu.memref_slice %arg12[%dma_wait3A_355, %dma_wait3A_356] : memref<10240x128xf32, #tpu.memory_space<vmem_shared>> -> memref<10240x128xf32, #tpu.memory_space<vmem_shared>>
        tpu.wait_indirect_dma semaphore(%arg16 : memref<!tpu.dma_semaphore, #tpu.memory_space<semaphore_mem>>) src(%dma_wait3A_351 : memref<64x128xf32, #tpu.memory_space<vmem>>) dst(%dma_wait3A_357 : memref<10240x128xf32, #tpu.memory_space<vmem_shared>>)
      } else {
      }
      %mul3A_72 = arith.constant 3 : i32
      %mul3A_73 = arith.muli %scan3A_69, %mul3A_72 : i32
      %add3A_74 = arith.constant 0 : i32
      %add3A_75 = arith.addi %mul3A_73, %add3A_74 : i32
      %mul3A_76 = arith.constant 64 : i32
      %mul3A_77 = arith.muli %add3A_75, %mul3A_76 : i32
      %add3A_78 = arith.constant 0 : i32
      %add3A_79 = arith.addi %mul3A_77, %add3A_78 : i32
      %get3A_80 = arith.index_cast %add3A_79 : i32 to index
      %get3A_81 = tpu.vector_load %arg7[%get3A_80] {strides = array<i32>} : memref<10000xi32, #tpu.memory_space<vmem>>, vector<16xi32>,
      %get3A_82 = vector.shape_cast %get3A_81 : vector<16xi32> to vector<16xi32>
      %swap3A_83 = arith.constant 0 : i32
      %swap3A_84 = arith.index_cast %swap3A_83 : i32 to index
      %swap3A_85 = arith.constant 0 : index
      %swap3A_86 = tpu.vector_load %arg8[%swap3A_84, %swap3A_85] {strides = array<i32>} : memref<3x64xi32, #tpu.memory_space<vmem>>, vector<1x16xi32>,
      %swap3A_87 = vector.shape_cast %swap3A_86 : vector<1x16xi32> to vector<16xi32>
      %swap3A_88 = vector.shape_cast %get3A_82 : vector<16xi32> to vector<1x16xi32>
      tpu.vector_store %arg8[%swap3A_84, %swap3A_85], %swap3A_88 {strides = array<i32>} : memref<3x64xi32, #tpu.memory_space<vmem>>, vector<1x16xi32>,
      %mul3A_89 = arith.constant 64 : i32
      %mul3A_90 = arith.muli %add3A_75, %mul3A_89 : i32
      %add3A_91 = arith.constant 16 : i32
      %add3A_92 = arith.addi %mul3A_90, %add3A_91 : i32
      %get3A_93 = arith.index_cast %add3A_92 : i32 to index
      %get3A_94 = tpu.vector_load %arg7[%get3A_93] {strides = array<i32>} : memref<10000xi32, #tpu.memory_space<vmem>>, vector<16xi32>,
      %get3A_95 = vector.shape_cast %get3A_94 : vector<16xi32> to vector<16xi32>
      %swap3A_96 = arith.constant 0 : i32
      %swap3A_97 = arith.index_cast %swap3A_96 : i32 to index
      %swap3A_98 = arith.constant 16 : index
      %swap3A_99 = tpu.vector_load %arg8[%swap3A_97, %swap3A_98] {strides = array<i32>} : memref<3x64xi32, #tpu.memory_space<vmem>>, vector<1x16xi32>,
      %swap3A_100 = vector.shape_cast %swap3A_99 : vector<1x16xi32> to vector<16xi32>
      %swap3A_101 = vector.shape_cast %get3A_95 : vector<16xi32> to vector<1x16xi32>
      tpu.vector_store %arg8[%swap3A_97, %swap3A_98], %swap3A_101 {strides = array<i32>} : memref<3x64xi32, #tpu.memory_space<vmem>>, vector<1x16xi32>,
      %mul3A_102 = arith.constant 64 : i32
      %mul3A_103 = arith.muli %add3A_75, %mul3A_102 : i32
      %add3A_104 = arith.constant 32 : i32
      %add3A_105 = arith.addi %mul3A_103, %add3A_104 : i32
      %get3A_106 = arith.index_cast %add3A_105 : i32 to index
      %get3A_107 = tpu.vector_load %arg7[%get3A_106] {strides = array<i32>} : memref<10000xi32, #tpu.memory_space<vmem>>, vector<16xi32>,
      %get3A_108 = vector.shape_cast %get3A_107 : vector<16xi32> to vector<16xi32>
      %swap3A_109 = arith.constant 0 : i32
      %swap3A_110 = arith.index_cast %swap3A_109 : i32 to index
      %swap3A_111 = arith.constant 32 : index
      %swap3A_112 = tpu.vector_load %arg8[%swap3A_110, %swap3A_111] {strides = array<i32>} : memref<3x64xi32, #tpu.memory_space<vmem>>, vector<1x16xi32>,
      %swap3A_113 = vector.shape_cast %swap3A_112 : vector<1x16xi32> to vector<16xi32>
      %swap3A_114 = vector.shape_cast %get3A_108 : vector<16xi32> to vector<1x16xi32>
      tpu.vector_store %arg8[%swap3A_110, %swap3A_111], %swap3A_114 {strides = array<i32>} : memref<3x64xi32, #tpu.memory_space<vmem>>, vector<1x16xi32>,
      %mul3A_115 = arith.constant 64 : i32
      %mul3A_116 = arith.muli %add3A_75, %mul3A_115 : i32
      %add3A_117 = arith.constant 48 : i32
      %add3A_118 = arith.addi %mul3A_116, %add3A_117 : i32
      %get3A_119 = arith.index_cast %add3A_118 : i32 to index
      %get3A_120 = tpu.vector_load %arg7[%get3A_119] {strides = array<i32>} : memref<10000xi32, #tpu.memory_space<vmem>>, vector<16xi32>,
      %get3A_121 = vector.shape_cast %get3A_120 : vector<16xi32> to vector<16xi32>
      %swap3A_122 = arith.constant 0 : i32
      %swap3A_123 = arith.index_cast %swap3A_122 : i32 to index
      %swap3A_124 = arith.constant 48 : index
      %swap3A_125 = tpu.vector_load %arg8[%swap3A_123, %swap3A_124] {strides = array<i32>} : memref<3x64xi32, #tpu.memory_space<vmem>>, vector<1x16xi32>,
      %swap3A_126 = vector.shape_cast %swap3A_125 : vector<1x16xi32> to vector<16xi32>
      %swap3A_127 = vector.shape_cast %get3A_121 : vector<16xi32> to vector<1x16xi32>
      tpu.vector_store %arg8[%swap3A_123, %swap3A_124], %swap3A_127 {strides = array<i32>} : memref<3x64xi32, #tpu.memory_space<vmem>>, vector<1x16xi32>,
      %mul3A_128 = arith.constant 64 : i32
      %mul3A_129 = arith.muli %add3A_75, %mul3A_128 : i32
      %dma_start3A_130 = arith.constant 0 : i32
      %dma_start3A_131 = arith.constant 0 : i32
      %dma_start3A_132 = arith.constant 0 : i32
      %dma_start3A_133 = tpu.memref_slice %arg9[%dma_start3A_130, %dma_start3A_131, %dma_start3A_132] : memref<3x64x128xf32, #tpu.memory_space<vmem>> -> memref<1x64x128xf32, #tpu.memory_space<vmem>>
      %dma_start3A_134 = tpu.memref_squeeze %dma_start3A_133 : memref<1x64x128xf32, #tpu.memory_space<vmem>> -> memref<64x128xf32, #tpu.memory_space<vmem>>
      %dma_start3A_135 = tpu.memref_slice %arg6[%mul3A_129] : memref<10000xi32, #tpu.memory_space<vmem>> -> memref<64xi32, #tpu.memory_space<vmem>>
      %dma_start3A_136 = arith.constant 0 : i32
      %dma_start3A_137 = arith.constant 0 : i32
      %dma_start3A_138 = tpu.memref_slice %arg2[%dma_start3A_136, %dma_start3A_137] : memref<10240x128xf32, #tpu.memory_space<hbm>> -> memref<10240x128xf32, #tpu.memory_space<hbm>>
      tpu.enqueue_indirect_dma source(%dma_start3A_138 : memref<10240x128xf32, #tpu.memory_space<hbm>>) target(%dma_start3A_134 : memref<64x128xf32, #tpu.memory_space<vmem>>) offsets(%dma_start3A_135 : memref<64xi32, #tpu.memory_space<vmem>>) semaphore(%arg13 : memref<!tpu.dma_semaphore, #tpu.memory_space<semaphore_mem>>)
      %gt3A_139 = arith.constant 0 : i32
      %gt3A_140 = arith.cmpi sgt, %scan3A_69, %gt3A_139 : i32
      %convert_element_type3A_141 = arith.extui %gt3A_140 : i1 to i32
      %cond3A_142 = arith.constant 0 : i32
      %cond3A_143 = arith.cmpi ne, %convert_element_type3A_141, %cond3A_142 : i32
      scf.if %cond3A_143 {
        %dma_wait3A_346 = arith.constant 1 : i32
        %dma_wait3A_347 = arith.constant 1 : i32
        %dma_wait3A_348 = arith.constant 0 : i32
        %dma_wait3A_349 = arith.constant 0 : i32
        %dma_wait3A_350 = tpu.memref_slice %arg9[%dma_wait3A_346, %dma_wait3A_348, %dma_wait3A_349] : memref<3x64x128xf32, #tpu.memory_space<vmem>> -> memref<1x64x128xf32, #tpu.memory_space<vmem>>
        %dma_wait3A_351 = tpu.memref_squeeze %dma_wait3A_350 : memref<1x64x128xf32, #tpu.memory_space<vmem>> -> memref<64x128xf32, #tpu.memory_space<vmem>>
        %dma_wait3A_352 = arith.constant 0 : i32
        %dma_wait3A_353 = tpu.memref_slice %arg8[%dma_wait3A_347, %dma_wait3A_352] : memref<3x64xi32, #tpu.memory_space<vmem>> -> memref<1x64xi32, #tpu.memory_space<vmem>>
        %dma_wait3A_354 = tpu.memref_squeeze %dma_wait3A_353 : memref<1x64xi32, #tpu.memory_space<vmem>> -> memref<64xi32, #tpu.memory_space<vmem>>
        %dma_wait3A_355 = arith.constant 0 : i32
        %dma_wait3A_356 = arith.constant 0 : i32
        %dma_wait3A_357 = tpu.memref_slice %arg12[%dma_wait3A_355, %dma_wait3A_356] : memref<10240x128xf32, #tpu.memory_space<vmem_shared>> -> memref<10240x128xf32, #tpu.memory_space<vmem_shared>>
        tpu.wait_indirect_dma semaphore(%arg17 : memref<!tpu.dma_semaphore, #tpu.memory_space<semaphore_mem>>) src(%dma_wait3A_351 : memref<64x128xf32, #tpu.memory_space<vmem>>) dst(%dma_wait3A_357 : memref<10240x128xf32, #tpu.memory_space<vmem_shared>>)
      } else {
      }
      %mul3A_144 = arith.constant 3 : i32
      %mul3A_145 = arith.muli %scan3A_69, %mul3A_144 : i32
      %add3A_146 = arith.constant 1 : i32
      %add3A_147 = arith.addi %mul3A_145, %add3A_146 : i32
      %mul3A_148 = arith.constant 64 : i32
      %mul3A_149 = arith.muli %add3A_147, %mul3A_148 : i32
      %add3A_150 = arith.constant 0 : i32
      %add3A_151 = arith.addi %mul3A_149, %add3A_150 : i32
      %get3A_152 = arith.index_cast %add3A_151 : i32 to index
      %get3A_153 = tpu.vector_load %arg7[%get3A_152] {strides = array<i32>} : memref<10000xi32, #tpu.memory_space<vmem>>, vector<16xi32>,
      %get3A_154 = vector.shape_cast %get3A_153 : vector<16xi32> to vector<16xi32>
      %swap3A_155 = arith.constant 1 : i32
      %swap3A_156 = arith.index_cast %swap3A_155 : i32 to index
      %swap3A_157 = arith.constant 0 : index
      %swap3A_158 = tpu.vector_load %arg8[%swap3A_156, %swap3A_157] {strides = array<i32>} : memref<3x64xi32, #tpu.memory_space<vmem>>, vector<1x16xi32>,
      %swap3A_159 = vector.shape_cast %swap3A_158 : vector<1x16xi32> to vector<16xi32>
      %swap3A_160 = vector.shape_cast %get3A_154 : vector<16xi32> to vector<1x16xi32>
      tpu.vector_store %arg8[%swap3A_156, %swap3A_157], %swap3A_160 {strides = array<i32>} : memref<3x64xi32, #tpu.memory_space<vmem>>, vector<1x16xi32>,
      %mul3A_161 = arith.constant 64 : i32
      %mul3A_162 = arith.muli %add3A_147, %mul3A_161 : i32
      %add3A_163 = arith.constant 16 : i32
      %add3A_164 = arith.addi %mul3A_162, %add3A_163 : i32
      %get3A_165 = arith.index_cast %add3A_164 : i32 to index
      %get3A_166 = tpu.vector_load %arg7[%get3A_165] {strides = array<i32>} : memref<10000xi32, #tpu.memory_space<vmem>>, vector<16xi32>,
      %get3A_167 = vector.shape_cast %get3A_166 : vector<16xi32> to vector<16xi32>
      %swap3A_168 = arith.constant 1 : i32
      %swap3A_169 = arith.index_cast %swap3A_168 : i32 to index
      %swap3A_170 = arith.constant 16 : index
      %swap3A_171 = tpu.vector_load %arg8[%swap3A_169, %swap3A_170] {strides = array<i32>} : memref<3x64xi32, #tpu.memory_space<vmem>>, vector<1x16xi32>,
      %swap3A_172 = vector.shape_cast %swap3A_171 : vector<1x16xi32> to vector<16xi32>
      %swap3A_173 = vector.shape_cast %get3A_167 : vector<16xi32> to vector<1x16xi32>
      tpu.vector_store %arg8[%swap3A_169, %swap3A_170], %swap3A_173 {strides = array<i32>} : memref<3x64xi32, #tpu.memory_space<vmem>>, vector<1x16xi32>,
      %mul3A_174 = arith.constant 64 : i32
      %mul3A_175 = arith.muli %add3A_147, %mul3A_174 : i32
      %add3A_176 = arith.constant 32 : i32
      %add3A_177 = arith.addi %mul3A_175, %add3A_176 : i32
      %get3A_178 = arith.index_cast %add3A_177 : i32 to index
      %get3A_179 = tpu.vector_load %arg7[%get3A_178] {strides = array<i32>} : memref<10000xi32, #tpu.memory_space<vmem>>, vector<16xi32>,
      %get3A_180 = vector.shape_cast %get3A_179 : vector<16xi32> to vector<16xi32>
      %swap3A_181 = arith.constant 1 : i32
      %swap3A_182 = arith.index_cast %swap3A_181 : i32 to index
      %swap3A_183 = arith.constant 32 : index
      %swap3A_184 = tpu.vector_load %arg8[%swap3A_182, %swap3A_183] {strides = array<i32>} : memref<3x64xi32, #tpu.memory_space<vmem>>, vector<1x16xi32>,
      %swap3A_185 = vector.shape_cast %swap3A_184 : vector<1x16xi32> to vector<16xi32>
      %swap3A_186 = vector.shape_cast %get3A_180 : vector<16xi32> to vector<1x16xi32>
      tpu.vector_store %arg8[%swap3A_182, %swap3A_183], %swap3A_186 {strides = array<i32>} : memref<3x64xi32, #tpu.memory_space<vmem>>, vector<1x16xi32>,
      %mul3A_187 = arith.constant 64 : i32
      %mul3A_188 = arith.muli %add3A_147, %mul3A_187 : i32
      %add3A_189 = arith.constant 48 : i32
      %add3A_190 = arith.addi %mul3A_188, %add3A_189 : i32
      %get3A_191 = arith.index_cast %add3A_190 : i32 to index
      %get3A_192 = tpu.vector_load %arg7[%get3A_191] {strides = array<i32>} : memref<10000xi32, #tpu.memory_space<vmem>>, vector<16xi32>,
      %get3A_193 = vector.shape_cast %get3A_192 : vector<16xi32> to vector<16xi32>
      %swap3A_194 = arith.constant 1 : i32
      %swap3A_195 = arith.index_cast %swap3A_194 : i32 to index
      %swap3A_196 = arith.constant 48 : index
      %swap3A_197 = tpu.vector_load %arg8[%swap3A_195, %swap3A_196] {strides = array<i32>} : memref<3x64xi32, #tpu.memory_space<vmem>>, vector<1x16xi32>,
      %swap3A_198 = vector.shape_cast %swap3A_197 : vector<1x16xi32> to vector<16xi32>
      %swap3A_199 = vector.shape_cast %get3A_193 : vector<16xi32> to vector<1x16xi32>
      tpu.vector_store %arg8[%swap3A_195, %swap3A_196], %swap3A_199 {strides = array<i32>} : memref<3x64xi32, #tpu.memory_space<vmem>>, vector<1x16xi32>,
      %mul3A_200 = arith.constant 64 : i32
      %mul3A_201 = arith.muli %add3A_147, %mul3A_200 : i32
      %dma_start3A_202 = arith.constant 1 : i32
      %dma_start3A_203 = arith.constant 0 : i32
      %dma_start3A_204 = arith.constant 0 : i32
      %dma_start3A_205 = tpu.memref_slice %arg9[%dma_start3A_202, %dma_start3A_203, %dma_start3A_204] : memref<3x64x128xf32, #tpu.memory_space<vmem>> -> memref<1x64x128xf32, #tpu.memory_space<vmem>>
      %dma_start3A_206 = tpu.memref_squeeze %dma_start3A_205 : memref<1x64x128xf32, #tpu.memory_space<vmem>> -> memref<64x128xf32, #tpu.memory_space<vmem>>
      %dma_start3A_207 = tpu.memref_slice %arg6[%mul3A_201] : memref<10000xi32, #tpu.memory_space<vmem>> -> memref<64xi32, #tpu.memory_space<vmem>>
      %dma_start3A_208 = arith.constant 0 : i32
      %dma_start3A_209 = arith.constant 0 : i32
      %dma_start3A_210 = tpu.memref_slice %arg2[%dma_start3A_208, %dma_start3A_209] : memref<10240x128xf32, #tpu.memory_space<hbm>> -> memref<10240x128xf32, #tpu.memory_space<hbm>>
      tpu.enqueue_indirect_dma source(%dma_start3A_210 : memref<10240x128xf32, #tpu.memory_space<hbm>>) target(%dma_start3A_206 : memref<64x128xf32, #tpu.memory_space<vmem>>) offsets(%dma_start3A_207 : memref<64xi32, #tpu.memory_space<vmem>>) semaphore(%arg14 : memref<!tpu.dma_semaphore, #tpu.memory_space<semaphore_mem>>)
      %gt3A_211 = arith.constant 0 : i32
      %gt3A_212 = arith.cmpi sgt, %scan3A_69, %gt3A_211 : i32
      %convert_element_type3A_213 = arith.extui %gt3A_212 : i1 to i32
      %cond3A_214 = arith.constant 0 : i32
      %cond3A_215 = arith.cmpi ne, %convert_element_type3A_213, %cond3A_214 : i32
      scf.if %cond3A_215 {
        %dma_wait3A_346 = arith.constant 2 : i32
        %dma_wait3A_347 = arith.constant 2 : i32
        %dma_wait3A_348 = arith.constant 0 : i32
        %dma_wait3A_349 = arith.constant 0 : i32
        %dma_wait3A_350 = tpu.memref_slice %arg9[%dma_wait3A_346, %dma_wait3A_348, %dma_wait3A_349] : memref<3x64x128xf32, #tpu.memory_space<vmem>> -> memref<1x64x128xf32, #tpu.memory_space<vmem>>
        %dma_wait3A_351 = tpu.memref_squeeze %dma_wait3A_350 : memref<1x64x128xf32, #tpu.memory_space<vmem>> -> memref<64x128xf32, #tpu.memory_space<vmem>>
        %dma_wait3A_352 = arith.constant 0 : i32
        %dma_wait3A_353 = tpu.memref_slice %arg8[%dma_wait3A_347, %dma_wait3A_352] : memref<3x64xi32, #tpu.memory_space<vmem>> -> memref<1x64xi32, #tpu.memory_space<vmem>>
        %dma_wait3A_354 = tpu.memref_squeeze %dma_wait3A_353 : memref<1x64xi32, #tpu.memory_space<vmem>> -> memref<64xi32, #tpu.memory_space<vmem>>
        %dma_wait3A_355 = arith.constant 0 : i32
        %dma_wait3A_356 = arith.constant 0 : i32
        %dma_wait3A_357 = tpu.memref_slice %arg12[%dma_wait3A_355, %dma_wait3A_356] : memref<10240x128xf32, #tpu.memory_space<vmem_shared>> -> memref<10240x128xf32, #tpu.memory_space<vmem_shared>>
        tpu.wait_indirect_dma semaphore(%arg18 : memref<!tpu.dma_semaphore, #tpu.memory_space<semaphore_mem>>) src(%dma_wait3A_351 : memref<64x128xf32, #tpu.memory_space<vmem>>) dst(%dma_wait3A_357 : memref<10240x128xf32, #tpu.memory_space<vmem_shared>>)
      } else {
      }
      %mul3A_216 = arith.constant 3 : i32
      %mul3A_217 = arith.muli %scan3A_69, %mul3A_216 : i32
      %add3A_218 = arith.constant 2 : i32
      %add3A_219 = arith.addi %mul3A_217, %add3A_218 : i32
      %mul3A_220 = arith.constant 64 : i32
      %mul3A_221 = arith.muli %add3A_219, %mul3A_220 : i32
      %add3A_222 = arith.constant 0 : i32
      %add3A_223 = arith.addi %mul3A_221, %add3A_222 : i32
      %get3A_224 = arith.index_cast %add3A_223 : i32 to index
      %get3A_225 = tpu.vector_load %arg7[%get3A_224] {strides = array<i32>} : memref<10000xi32, #tpu.memory_space<vmem>>, vector<16xi32>,
      %get3A_226 = vector.shape_cast %get3A_225 : vector<16xi32> to vector<16xi32>
      %swap3A_227 = arith.constant 2 : i32
      %swap3A_228 = arith.index_cast %swap3A_227 : i32 to index
      %swap3A_229 = arith.constant 0 : index
      %swap3A_230 = tpu.vector_load %arg8[%swap3A_228, %swap3A_229] {strides = array<i32>} : memref<3x64xi32, #tpu.memory_space<vmem>>, vector<1x16xi32>,
      %swap3A_231 = vector.shape_cast %swap3A_230 : vector<1x16xi32> to vector<16xi32>
      %swap3A_232 = vector.shape_cast %get3A_226 : vector<16xi32> to vector<1x16xi32>
      tpu.vector_store %arg8[%swap3A_228, %swap3A_229], %swap3A_232 {strides = array<i32>} : memref<3x64xi32, #tpu.memory_space<vmem>>, vector<1x16xi32>,
      %mul3A_233 = arith.constant 64 : i32
      %mul3A_234 = arith.muli %add3A_219, %mul3A_233 : i32
      %add3A_235 = arith.constant 16 : i32
      %add3A_236 = arith.addi %mul3A_234, %add3A_235 : i32
      %get3A_237 = arith.index_cast %add3A_236 : i32 to index
      %get3A_238 = tpu.vector_load %arg7[%get3A_237] {strides = array<i32>} : memref<10000xi32, #tpu.memory_space<vmem>>, vector<16xi32>,
      %get3A_239 = vector.shape_cast %get3A_238 : vector<16xi32> to vector<16xi32>
      %swap3A_240 = arith.constant 2 : i32
      %swap3A_241 = arith.index_cast %swap3A_240 : i32 to index
      %swap3A_242 = arith.constant 16 : index
      %swap3A_243 = tpu.vector_load %arg8[%swap3A_241, %swap3A_242] {strides = array<i32>} : memref<3x64xi32, #tpu.memory_space<vmem>>, vector<1x16xi32>,
      %swap3A_244 = vector.shape_cast %swap3A_243 : vector<1x16xi32> to vector<16xi32>
      %swap3A_245 = vector.shape_cast %get3A_239 : vector<16xi32> to vector<1x16xi32>
      tpu.vector_store %arg8[%swap3A_241, %swap3A_242], %swap3A_245 {strides = array<i32>} : memref<3x64xi32, #tpu.memory_space<vmem>>, vector<1x16xi32>,
      %mul3A_246 = arith.constant 64 : i32
      %mul3A_247 = arith.muli %add3A_219, %mul3A_246 : i32
      %add3A_248 = arith.constant 32 : i32
      %add3A_249 = arith.addi %mul3A_247, %add3A_248 : i32
      %get3A_250 = arith.index_cast %add3A_249 : i32 to index
      %get3A_251 = tpu.vector_load %arg7[%get3A_250] {strides = array<i32>} : memref<10000xi32, #tpu.memory_space<vmem>>, vector<16xi32>,
      %get3A_252 = vector.shape_cast %get3A_251 : vector<16xi32> to vector<16xi32>
      %swap3A_253 = arith.constant 2 : i32
      %swap3A_254 = arith.index_cast %swap3A_253 : i32 to index
      %swap3A_255 = arith.constant 32 : index
      %swap3A_256 = tpu.vector_load %arg8[%swap3A_254, %swap3A_255] {strides = array<i32>} : memref<3x64xi32, #tpu.memory_space<vmem>>, vector<1x16xi32>,
      %swap3A_257 = vector.shape_cast %swap3A_256 : vector<1x16xi32> to vector<16xi32>
      %swap3A_258 = vector.shape_cast %get3A_252 : vector<16xi32> to vector<1x16xi32>
      tpu.vector_store %arg8[%swap3A_254, %swap3A_255], %swap3A_258 {strides = array<i32>} : memref<3x64xi32, #tpu.memory_space<vmem>>, vector<1x16xi32>,
      %mul3A_259 = arith.constant 64 : i32
      %mul3A_260 = arith.muli %add3A_219, %mul3A_259 : i32
      %add3A_261 = arith.constant 48 : i32
      %add3A_262 = arith.addi %mul3A_260, %add3A_261 : i32
      %get3A_263 = arith.index_cast %add3A_262 : i32 to index
      %get3A_264 = tpu.vector_load %arg7[%get3A_263] {strides = array<i32>} : memref<10000xi32, #tpu.memory_space<vmem>>, vector<16xi32>,
      %get3A_265 = vector.shape_cast %get3A_264 : vector<16xi32> to vector<16xi32>
      %swap3A_266 = arith.constant 2 : i32
      %swap3A_267 = arith.index_cast %swap3A_266 : i32 to index
      %swap3A_268 = arith.constant 48 : index
      %swap3A_269 = tpu.vector_load %arg8[%swap3A_267, %swap3A_268] {strides = array<i32>} : memref<3x64xi32, #tpu.memory_space<vmem>>, vector<1x16xi32>,
      %swap3A_270 = vector.shape_cast %swap3A_269 : vector<1x16xi32> to vector<16xi32>
      %swap3A_271 = vector.shape_cast %get3A_265 : vector<16xi32> to vector<1x16xi32>
      tpu.vector_store %arg8[%swap3A_267, %swap3A_268], %swap3A_271 {strides = array<i32>} : memref<3x64xi32, #tpu.memory_space<vmem>>, vector<1x16xi32>,
      %mul3A_272 = arith.constant 64 : i32
      %mul3A_273 = arith.muli %add3A_219, %mul3A_272 : i32
      %dma_start3A_274 = arith.constant 2 : i32
      %dma_start3A_275 = arith.constant 0 : i32
      %dma_start3A_276 = arith.constant 0 : i32
      %dma_start3A_277 = tpu.memref_slice %arg9[%dma_start3A_274, %dma_start3A_275, %dma_start3A_276] : memref<3x64x128xf32, #tpu.memory_space<vmem>> -> memref<1x64x128xf32, #tpu.memory_space<vmem>>
      %dma_start3A_278 = tpu.memref_squeeze %dma_start3A_277 : memref<1x64x128xf32, #tpu.memory_space<vmem>> -> memref<64x128xf32, #tpu.memory_space<vmem>>
      %dma_start3A_279 = tpu.memref_slice %arg6[%mul3A_273] : memref<10000xi32, #tpu.memory_space<vmem>> -> memref<64xi32, #tpu.memory_space<vmem>>
      %dma_start3A_280 = arith.constant 0 : i32
      %dma_start3A_281 = arith.constant 0 : i32
      %dma_start3A_282 = tpu.memref_slice %arg2[%dma_start3A_280, %dma_start3A_281] : memref<10240x128xf32, #tpu.memory_space<hbm>> -> memref<10240x128xf32, #tpu.memory_space<hbm>>
      tpu.enqueue_indirect_dma source(%dma_start3A_282 : memref<10240x128xf32, #tpu.memory_space<hbm>>) target(%dma_start3A_278 : memref<64x128xf32, #tpu.memory_space<vmem>>) offsets(%dma_start3A_279 : memref<64xi32, #tpu.memory_space<vmem>>) semaphore(%arg15 : memref<!tpu.dma_semaphore, #tpu.memory_space<semaphore_mem>>)
      %dma_wait3A_283 = arith.constant 0 : i32
      %dma_wait3A_284 = arith.constant 0 : i32
      %dma_wait3A_285 = arith.constant 0 : i32
      %dma_wait3A_286 = tpu.memref_slice %arg9[%dma_wait3A_283, %dma_wait3A_284, %dma_wait3A_285] : memref<3x64x128xf32, #tpu.memory_space<vmem>> -> memref<1x64x128xf32, #tpu.memory_space<vmem>>
      %dma_wait3A_287 = tpu.memref_squeeze %dma_wait3A_286 : memref<1x64x128xf32, #tpu.memory_space<vmem>> -> memref<64x128xf32, #tpu.memory_space<vmem>>
      %dma_wait3A_288 = tpu.memref_slice %arg6[%mul3A_129] : memref<10000xi32, #tpu.memory_space<vmem>> -> memref<64xi32, #tpu.memory_space<vmem>>
      %dma_wait3A_289 = arith.constant 0 : i32
      %dma_wait3A_290 = arith.constant 0 : i32
      %dma_wait3A_291 = tpu.memref_slice %arg2[%dma_wait3A_289, %dma_wait3A_290] : memref<10240x128xf32, #tpu.memory_space<hbm>> -> memref<10240x128xf32, #tpu.memory_space<hbm>>
      tpu.wait_indirect_dma semaphore(%arg13 : memref<!tpu.dma_semaphore, #tpu.memory_space<semaphore_mem>>) src(%dma_wait3A_291 : memref<10240x128xf32, #tpu.memory_space<hbm>>) dst(%dma_wait3A_287 : memref<64x128xf32, #tpu.memory_space<vmem>>)
      %dma_start3A_292 = arith.constant 0 : i32
      %dma_start3A_293 = arith.constant 0 : i32
      %dma_start3A_294 = arith.constant 0 : i32
      %dma_start3A_295 = arith.constant 0 : i32
      %dma_start3A_296 = tpu.memref_slice %arg9[%dma_start3A_292, %dma_start3A_294, %dma_start3A_295] : memref<3x64x128xf32, #tpu.memory_space<vmem>> -> memref<1x64x128xf32, #tpu.memory_space<vmem>>
      %dma_start3A_297 = tpu.memref_squeeze %dma_start3A_296 : memref<1x64x128xf32, #tpu.memory_space<vmem>> -> memref<64x128xf32, #tpu.memory_space<vmem>>
      %dma_start3A_298 = arith.constant 0 : i32
      %dma_start3A_299 = tpu.memref_slice %arg8[%dma_start3A_293, %dma_start3A_298] : memref<3x64xi32, #tpu.memory_space<vmem>> -> memref<1x64xi32, #tpu.memory_space<vmem>>
      %dma_start3A_300 = tpu.memref_squeeze %dma_start3A_299 : memref<1x64xi32, #tpu.memory_space<vmem>> -> memref<64xi32, #tpu.memory_space<vmem>>
      %dma_start3A_301 = arith.constant 0 : i32
      %dma_start3A_302 = arith.constant 0 : i32
      %dma_start3A_303 = tpu.memref_slice %arg12[%dma_start3A_301, %dma_start3A_302] : memref<10240x128xf32, #tpu.memory_space<vmem_shared>> -> memref<10240x128xf32, #tpu.memory_space<vmem_shared>>
      tpu.enqueue_indirect_dma source(%dma_start3A_297 : memref<64x128xf32, #tpu.memory_space<vmem>>) target(%dma_start3A_303 : memref<10240x128xf32, #tpu.memory_space<vmem_shared>>) offsets(%dma_start3A_300 : memref<64xi32, #tpu.memory_space<vmem>>) semaphore(%arg16 : memref<!tpu.dma_semaphore, #tpu.memory_space<semaphore_mem>>) {add = true}
      %dma_wait3A_304 = arith.constant 1 : i32
      %dma_wait3A_305 = arith.constant 0 : i32
      %dma_wait3A_306 = arith.constant 0 : i32
      %dma_wait3A_307 = tpu.memref_slice %arg9[%dma_wait3A_304, %dma_wait3A_305, %dma_wait3A_306] : memref<3x64x128xf32, #tpu.memory_space<vmem>> -> memref<1x64x128xf32, #tpu.memory_space<vmem>>
      %dma_wait3A_308 = tpu.memref_squeeze %dma_wait3A_307 : memref<1x64x128xf32, #tpu.memory_space<vmem>> -> memref<64x128xf32, #tpu.memory_space<vmem>>
      %dma_wait3A_309 = tpu.memref_slice %arg6[%mul3A_201] : memref<10000xi32, #tpu.memory_space<vmem>> -> memref<64xi32, #tpu.memory_space<vmem>>
      %dma_wait3A_310 = arith.constant 0 : i32
      %dma_wait3A_311 = arith.constant 0 : i32
      %dma_wait3A_312 = tpu.memref_slice %arg2[%dma_wait3A_310, %dma_wait3A_311] : memref<10240x128xf32, #tpu.memory_space<hbm>> -> memref<10240x128xf32, #tpu.memory_space<hbm>>
      tpu.wait_indirect_dma semaphore(%arg14 : memref<!tpu.dma_semaphore, #tpu.memory_space<semaphore_mem>>) src(%dma_wait3A_312 : memref<10240x128xf32, #tpu.memory_space<hbm>>) dst(%dma_wait3A_308 : memref<64x128xf32, #tpu.memory_space<vmem>>)
      %dma_start3A_313 = arith.constant 1 : i32
      %dma_start3A_314 = arith.constant 1 : i32
      %dma_start3A_315 = arith.constant 0 : i32
      %dma_start3A_316 = arith.constant 0 : i32
      %dma_start3A_317 = tpu.memref_slice %arg9[%dma_start3A_313, %dma_start3A_315, %dma_start3A_316] : memref<3x64x128xf32, #tpu.memory_space<vmem>> -> memref<1x64x128xf32, #tpu.memory_space<vmem>>
      %dma_start3A_318 = tpu.memref_squeeze %dma_start3A_317 : memref<1x64x128xf32, #tpu.memory_space<vmem>> -> memref<64x128xf32, #tpu.memory_space<vmem>>
      %dma_start3A_319 = arith.constant 0 : i32
      %dma_start3A_320 = tpu.memref_slice %arg8[%dma_start3A_314, %dma_start3A_319] : memref<3x64xi32, #tpu.memory_space<vmem>> -> memref<1x64xi32, #tpu.memory_space<vmem>>
      %dma_start3A_321 = tpu.memref_squeeze %dma_start3A_320 : memref<1x64xi32, #tpu.memory_space<vmem>> -> memref<64xi32, #tpu.memory_space<vmem>>
      %dma_start3A_322 = arith.constant 0 : i32
      %dma_start3A_323 = arith.constant 0 : i32
      %dma_start3A_324 = tpu.memref_slice %arg12[%dma_start3A_322, %dma_start3A_323] : memref<10240x128xf32, #tpu.memory_space<vmem_shared>> -> memref<10240x128xf32, #tpu.memory_space<vmem_shared>>
      tpu.enqueue_indirect_dma source(%dma_start3A_318 : memref<64x128xf32, #tpu.memory_space<vmem>>) target(%dma_start3A_324 : memref<10240x128xf32, #tpu.memory_space<vmem_shared>>) offsets(%dma_start3A_321 : memref<64xi32, #tpu.memory_space<vmem>>) semaphore(%arg17 : memref<!tpu.dma_semaphore, #tpu.memory_space<semaphore_mem>>) {add = true}
      %dma_wait3A_325 = arith.constant 2 : i32
      %dma_wait3A_326 = arith.constant 0 : i32
      %dma_wait3A_327 = arith.constant 0 : i32
      %dma_wait3A_328 = tpu.memref_slice %arg9[%dma_wait3A_325, %dma_wait3A_326, %dma_wait3A_327] : memref<3x64x128xf32, #tpu.memory_space<vmem>> -> memref<1x64x128xf32, #tpu.memory_space<vmem>>
      %dma_wait3A_329 = tpu.memref_squeeze %dma_wait3A_328 : memref<1x64x128xf32, #tpu.memory_space<vmem>> -> memref<64x128xf32, #tpu.memory_space<vmem>>
      %dma_wait3A_330 = tpu.memref_slice %arg6[%mul3A_273] : memref<10000xi32, #tpu.memory_space<vmem>> -> memref<64xi32, #tpu.memory_space<vmem>>
      %dma_wait3A_331 = arith.constant 0 : i32
      %dma_wait3A_332 = arith.constant 0 : i32
      %dma_wait3A_333 = tpu.memref_slice %arg2[%dma_wait3A_331, %dma_wait3A_332] : memref<10240x128xf32, #tpu.memory_space<hbm>> -> memref<10240x128xf32, #tpu.memory_space<hbm>>
      tpu.wait_indirect_dma semaphore(%arg15 : memref<!tpu.dma_semaphore, #tpu.memory_space<semaphore_mem>>) src(%dma_wait3A_333 : memref<10240x128xf32, #tpu.memory_space<hbm>>) dst(%dma_wait3A_329 : memref<64x128xf32, #tpu.memory_space<vmem>>)
      %dma_start3A_334 = arith.constant 2 : i32
      %dma_start3A_335 = arith.constant 2 : i32
      %dma_start3A_336 = arith.constant 0 : i32
      %dma_start3A_337 = arith.constant 0 : i32
      %dma_start3A_338 = tpu.memref_slice %arg9[%dma_start3A_334, %dma_start3A_336, %dma_start3A_337] : memref<3x64x128xf32, #tpu.memory_space<vmem>> -> memref<1x64x128xf32, #tpu.memory_space<vmem>>
      %dma_start3A_339 = tpu.memref_squeeze %dma_start3A_338 : memref<1x64x128xf32, #tpu.memory_space<vmem>> -> memref<64x128xf32, #tpu.memory_space<vmem>>
      %dma_start3A_340 = arith.constant 0 : i32
      %dma_start3A_341 = tpu.memref_slice %arg8[%dma_start3A_335, %dma_start3A_340] : memref<3x64xi32, #tpu.memory_space<vmem>> -> memref<1x64xi32, #tpu.memory_space<vmem>>
      %dma_start3A_342 = tpu.memref_squeeze %dma_start3A_341 : memref<1x64xi32, #tpu.memory_space<vmem>> -> memref<64xi32, #tpu.memory_space<vmem>>
      %dma_start3A_343 = arith.constant 0 : i32
      %dma_start3A_344 = arith.constant 0 : i32
      %dma_start3A_345 = tpu.memref_slice %arg12[%dma_start3A_343, %dma_start3A_344] : memref<10240x128xf32, #tpu.memory_space<vmem_shared>> -> memref<10240x128xf32, #tpu.memory_space<vmem_shared>>
      tpu.enqueue_indirect_dma source(%dma_start3A_339 : memref<64x128xf32, #tpu.memory_space<vmem>>) target(%dma_start3A_345 : memref<10240x128xf32, #tpu.memory_space<vmem_shared>>) offsets(%dma_start3A_342 : memref<64xi32, #tpu.memory_space<vmem>>) semaphore(%arg18 : memref<!tpu.dma_semaphore, #tpu.memory_space<semaphore_mem>>) {add = true}
    }
    %scan3A_11 = arith.constant 52 : i32
    %dma_wait3A = arith.constant 0 : i32
    %dma_wait3A_12 = arith.constant 0 : i32
    %dma_wait3A_13 = arith.constant 0 : i32
    %dma_wait3A_14 = arith.constant 0 : i32
    %dma_wait3A_15 = tpu.memref_slice %arg9[%dma_wait3A, %dma_wait3A_13, %dma_wait3A_14] : memref<3x64x128xf32, #tpu.memory_space<vmem>> -> memref<1x64x128xf32, #tpu.memory_space<vmem>>
    %dma_wait3A_16 = tpu.memref_squeeze %dma_wait3A_15 : memref<1x64x128xf32, #tpu.memory_space<vmem>> -> memref<64x128xf32, #tpu.memory_space<vmem>>
    %dma_wait3A_17 = arith.constant 0 : i32
    %dma_wait3A_18 = tpu.memref_slice %arg8[%dma_wait3A_12, %dma_wait3A_17] : memref<3x64xi32, #tpu.memory_space<vmem>> -> memref<1x64xi32, #tpu.memory_space<vmem>>
    %dma_wait3A_19 = tpu.memref_squeeze %dma_wait3A_18 : memref<1x64xi32, #tpu.memory_space<vmem>> -> memref<64xi32, #tpu.memory_space<vmem>>
    %dma_wait3A_20 = arith.constant 0 : i32
    %dma_wait3A_21 = arith.constant 0 : i32
    %dma_wait3A_22 = tpu.memref_slice %arg12[%dma_wait3A_20, %dma_wait3A_21] : memref<10240x128xf32, #tpu.memory_space<vmem_shared>> -> memref<10240x128xf32, #tpu.memory_space<vmem_shared>>
    tpu.wait_indirect_dma semaphore(%arg16 : memref<!tpu.dma_semaphore, #tpu.memory_space<semaphore_mem>>) src(%dma_wait3A_16 : memref<64x128xf32, #tpu.memory_space<vmem>>) dst(%dma_wait3A_22 : memref<10240x128xf32, #tpu.memory_space<vmem_shared>>)
    %dma_wait3A_23 = arith.constant 1 : i32
    %dma_wait3A_24 = arith.constant 1 : i32
    %dma_wait3A_25 = arith.constant 0 : i32
    %dma_wait3A_26 = arith.constant 0 : i32
    %dma_wait3A_27 = tpu.memref_slice %arg9[%dma_wait3A_23, %dma_wait3A_25, %dma_wait3A_26] : memref<3x64x128xf32, #tpu.memory_space<vmem>> -> memref<1x64x128xf32, #tpu.memory_space<vmem>>
    %dma_wait3A_28 = tpu.memref_squeeze %dma_wait3A_27 : memref<1x64x128xf32, #tpu.memory_space<vmem>> -> memref<64x128xf32, #tpu.memory_space<vmem>>
    %dma_wait3A_29 = arith.constant 0 : i32
    %dma_wait3A_30 = tpu.memref_slice %arg8[%dma_wait3A_24, %dma_wait3A_29] : memref<3x64xi32, #tpu.memory_space<vmem>> -> memref<1x64xi32, #tpu.memory_space<vmem>>
    %dma_wait3A_31 = tpu.memref_squeeze %dma_wait3A_30 : memref<1x64xi32, #tpu.memory_space<vmem>> -> memref<64xi32, #tpu.memory_space<vmem>>
    %dma_wait3A_32 = arith.constant 0 : i32
    %dma_wait3A_33 = arith.constant 0 : i32
    %dma_wait3A_34 = tpu.memref_slice %arg12[%dma_wait3A_32, %dma_wait3A_33] : memref<10240x128xf32, #tpu.memory_space<vmem_shared>> -> memref<10240x128xf32, #tpu.memory_space<vmem_shared>>
    tpu.wait_indirect_dma semaphore(%arg17 : memref<!tpu.dma_semaphore, #tpu.memory_space<semaphore_mem>>) src(%dma_wait3A_28 : memref<64x128xf32, #tpu.memory_space<vmem>>) dst(%dma_wait3A_34 : memref<10240x128xf32, #tpu.memory_space<vmem_shared>>)
    %dma_wait3A_35 = arith.constant 2 : i32
    %dma_wait3A_36 = arith.constant 2 : i32
    %dma_wait3A_37 = arith.constant 0 : i32
    %dma_wait3A_38 = arith.constant 0 : i32
    %dma_wait3A_39 = tpu.memref_slice %arg9[%dma_wait3A_35, %dma_wait3A_37, %dma_wait3A_38] : memref<3x64x128xf32, #tpu.memory_space<vmem>> -> memref<1x64x128xf32, #tpu.memory_space<vmem>>
    %dma_wait3A_40 = tpu.memref_squeeze %dma_wait3A_39 : memref<1x64x128xf32, #tpu.memory_space<vmem>> -> memref<64x128xf32, #tpu.memory_space<vmem>>
    %dma_wait3A_41 = arith.constant 0 : i32
    %dma_wait3A_42 = tpu.memref_slice %arg8[%dma_wait3A_36, %dma_wait3A_41] : memref<3x64xi32, #tpu.memory_space<vmem>> -> memref<1x64xi32, #tpu.memory_space<vmem>>
    %dma_wait3A_43 = tpu.memref_squeeze %dma_wait3A_42 : memref<1x64xi32, #tpu.memory_space<vmem>> -> memref<64xi32, #tpu.memory_space<vmem>>
    %dma_wait3A_44 = arith.constant 0 : i32
    %dma_wait3A_45 = arith.constant 0 : i32
    %dma_wait3A_46 = tpu.memref_slice %arg12[%dma_wait3A_44, %dma_wait3A_45] : memref<10240x128xf32, #tpu.memory_space<vmem_shared>> -> memref<10240x128xf32, #tpu.memory_space<vmem_shared>>
    tpu.wait_indirect_dma semaphore(%arg18 : memref<!tpu.dma_semaphore, #tpu.memory_space<semaphore_mem>>) src(%dma_wait3A_40 : memref<64x128xf32, #tpu.memory_space<vmem>>) dst(%dma_wait3A_46 : memref<10240x128xf32, #tpu.memory_space<vmem_shared>>)
    %get3A = arith.constant 9984 : index
    %get3A_47 = tpu.vector_load %arg7[%get3A] {strides = array<i32>} : memref<10000xi32, #tpu.memory_space<vmem>>, vector<16xi32>,
    %get3A_48 = vector.shape_cast %get3A_47 : vector<16xi32> to vector<16xi32>
    %swap3A = arith.constant 0 : index
    %swap3A_49 = tpu.vector_load %arg10[%swap3A] {strides = array<i32>} : memref<16xi32, #tpu.memory_space<vmem>>, vector<16xi32>,
    %swap3A_50 = vector.shape_cast %swap3A_49 : vector<16xi32> to vector<16xi32>
    %swap3A_51 = vector.shape_cast %get3A_48 : vector<16xi32> to vector<16xi32>
    tpu.vector_store %arg10[%swap3A], %swap3A_51 {strides = array<i32>} : memref<16xi32, #tpu.memory_space<vmem>>, vector<16xi32>,
    %dma_start3A = arith.constant 9984 : i32
    %dma_start3A_52 = tpu.memref_slice %arg6[%dma_start3A] : memref<10000xi32, #tpu.memory_space<vmem>> -> memref<16xi32, #tpu.memory_space<vmem>>
    %dma_start3A_53 = arith.constant 0 : i32
    %dma_start3A_54 = arith.constant 0 : i32
    %dma_start3A_55 = tpu.memref_slice %arg2[%dma_start3A_53, %dma_start3A_54] : memref<10240x128xf32, #tpu.memory_space<hbm>> -> memref<10240x128xf32, #tpu.memory_space<hbm>>
    tpu.enqueue_indirect_dma source(%dma_start3A_55 : memref<10240x128xf32, #tpu.memory_space<hbm>>) target(%arg11 : memref<16x128xf32, #tpu.memory_space<vmem>>) offsets(%dma_start3A_52 : memref<16xi32, #tpu.memory_space<vmem>>) semaphore(%arg13 : memref<!tpu.dma_semaphore, #tpu.memory_space<semaphore_mem>>)
    %dma_wait3A_56 = arith.constant 9984 : i32
    %dma_wait3A_57 = tpu.memref_slice %arg6[%dma_wait3A_56] : memref<10000xi32, #tpu.memory_space<vmem>> -> memref<16xi32, #tpu.memory_space<vmem>>
    %dma_wait3A_58 = arith.constant 0 : i32
    %dma_wait3A_59 = arith.constant 0 : i32
    %dma_wait3A_60 = tpu.memref_slice %arg2[%dma_wait3A_58, %dma_wait3A_59] : memref<10240x128xf32, #tpu.memory_space<hbm>> -> memref<10240x128xf32, #tpu.memory_space<hbm>>
    tpu.wait_indirect_dma semaphore(%arg13 : memref<!tpu.dma_semaphore, #tpu.memory_space<semaphore_mem>>) src(%dma_wait3A_60 : memref<10240x128xf32, #tpu.memory_space<hbm>>) dst(%arg11 : memref<16x128xf32, #tpu.memory_space<vmem>>)
    "tpu.region"() ({
      %run_scoped3A = tpu.sem_alloc : memref<!tpu.dma_semaphore, #tpu.memory_space<semaphore_mem>>
      %dma_start3A_69 = arith.constant 0 : i32
      %dma_start3A_70 = arith.constant 0 : i32
      %dma_start3A_71 = tpu.memref_slice %arg12[%dma_start3A_69, %dma_start3A_70] : memref<10240x128xf32, #tpu.memory_space<vmem_shared>> -> memref<10240x128xf32, #tpu.memory_space<vmem_shared>>
      tpu.enqueue_indirect_dma source(%arg11 : memref<16x128xf32, #tpu.memory_space<vmem>>) target(%dma_start3A_71 : memref<10240x128xf32, #tpu.memory_space<vmem_shared>>) offsets(%arg10 : memref<16xi32, #tpu.memory_space<vmem>>) semaphore(%run_scoped3A : memref<!tpu.dma_semaphore, #tpu.memory_space<semaphore_mem>>) {add = true}
      %dma_wait3A_72 = arith.constant 0 : i32
      %dma_wait3A_73 = arith.constant 0 : i32
      %dma_wait3A_74 = tpu.memref_slice %arg12[%dma_wait3A_72, %dma_wait3A_73] : memref<10240x128xf32, #tpu.memory_space<vmem_shared>> -> memref<10240x128xf32, #tpu.memory_space<vmem_shared>>
      tpu.wait_indirect_dma semaphore(%run_scoped3A : memref<!tpu.dma_semaphore, #tpu.memory_space<semaphore_mem>>) src(%arg11 : memref<16x128xf32, #tpu.memory_space<vmem>>) dst(%dma_wait3A_74 : memref<10240x128xf32, #tpu.memory_space<vmem_shared>>)
      tpu.yield
    }) : () -> ()
    %barrier3A_61 = arith.constant 0 : index
    tpu.barrier barrier_id(%barrier3A_61)
    %mul3A_62 = arith.constant 640 : i32
    %mul3A_63 = arith.muli %arg1, %mul3A_62 : i32
    %mul3A_64 = arith.constant 10240 : i32
    %mul3A_65 = arith.muli %arg0, %mul3A_64 : i32
    %mul3A_66 = arith.constant 640 : i32
    %mul3A_67 = arith.muli %arg1, %mul3A_66 : i32
    %add3A_68 = arith.addi %mul3A_65, %mul3A_67 : i32
    "tpu.region"() ({
      %run_scoped3A = tpu.sem_alloc : memref<!tpu.dma_semaphore, #tpu.memory_space<semaphore_mem>>
      %dma_start3A_69 = arith.constant 0 : i32
      %dma_start3A_70 = tpu.memref_slice %arg5[%add3A_68, %dma_start3A_69] : memref<20480x128xf32, #tpu.memory_space<hbm>> -> memref<640x128xf32, #tpu.memory_space<hbm>>
      %dma_start3A_71 = arith.constant 0 : i32
      %dma_start3A_72 = tpu.memref_slice %arg12[%mul3A_63, %dma_start3A_71] : memref<10240x128xf32, #tpu.memory_space<vmem_shared>> -> memref<640x128xf32, #tpu.memory_space<vmem_shared>>
      tpu.enqueue_dma source(%dma_start3A_72 : memref<640x128xf32, #tpu.memory_space<vmem_shared>>) target(%dma_start3A_70 : memref<640x128xf32, #tpu.memory_space<hbm>>) target_semaphore(%run_scoped3A : memref<!tpu.dma_semaphore, #tpu.memory_space<semaphore_mem>>)
      %dma_wait3A_73 = arith.constant 0 : i32
      %dma_wait3A_74 = tpu.memref_slice %arg5[%add3A_68, %dma_wait3A_73] : memref<20480x128xf32, #tpu.memory_space<hbm>> -> memref<640x128xf32, #tpu.memory_space<hbm>>
      %dma_wait3A_75 = arith.constant 0 : i32
      %dma_wait3A_76 = tpu.memref_slice %arg12[%mul3A_63, %dma_wait3A_75] : memref<10240x128xf32, #tpu.memory_space<vmem_shared>> -> memref<640x128xf32, #tpu.memory_space<vmem_shared>>
      tpu.wait_dma2 semaphore(%run_scoped3A : memref<!tpu.dma_semaphore, #tpu.memory_space<semaphore_mem>>) src(%dma_wait3A_76 : memref<640x128xf32, #tpu.memory_space<vmem_shared>>) dst(%dma_wait3A_74 : memref<640x128xf32, #tpu.memory_space<hbm>>)
      tpu.yield
    }) : () -> ()
    return
  }
}

#map = affine_map<(d0, d1) -> (0, 0)>
#map1 = affine_map<(d0, d1) -> (0)>
module attributes {stable_mosaic.version = 14 : i64} {
  func.func @_sc_edge_body(%arg0: i32, %arg1: i32, %arg2: memref<10240x128xf32, #tpu.memory_space<hbm>>, %arg3: memref<320000xi32, #tpu.memory_space<hbm>>, %arg4: memref<320000xi32, #tpu.memory_space<hbm>>, %arg5: memref<20480x128xf32, #tpu.memory_space<hbm>>, %arg6: memref<10000xi32, #tpu.memory_space<vmem>>, %arg7: memref<10000xi32, #tpu.memory_space<vmem>>, %arg8: memref<3x64xi32, #tpu.memory_space<vmem>>, %arg9: memref<3x64x128xf32, #tpu.memory_space<vmem>>, %arg10: memref<16xi32, #tpu.memory_space<vmem>>, %arg11: memref<16x128xf32, #tpu.memory_space<vmem>>, %arg12: memref<10240x128xf32, #tpu.memory_space<vmem_shared>>, %arg13: memref<!tpu.dma_semaphore, #tpu.memory_space<semaphore_mem>>, %arg14: memref<!tpu.dma_semaphore, #tpu.memory_space<semaphore_mem>>, %arg15: memref<!tpu.dma_semaphore, #tpu.memory_space<semaphore_mem>>, %arg16: memref<!tpu.dma_semaphore, #tpu.memory_space<semaphore_mem>>, %arg17: memref<!tpu.dma_semaphore, #tpu.memory_space<semaphore_mem>>, %arg18: memref<!tpu.dma_semaphore, #tpu.memory_space<semaphore_mem>>) attributes {dimension_semantics = [#tpu.dimension_semantics<core_parallel>, #tpu.dimension_semantics<subcore_parallel>], iteration_bounds = array<i64: 2, 16>, scalar_prefetch = 0 : i64, scratch_operands = 13 : i64, tpu.core_type = #tpu.core_type<sc_vector_subcore>, window_params = [{transform_indices = #map}, {transform_indices = #map1}, {transform_indices = #map1}, {transform_indices = #map}]} {
    %mul3A = arith.constant 640 : i32
    %mul3A_0 = arith.muli %arg1, %mul3A : i32
    %mul3A_1 = arith.constant 640 : i32
    %mul3A_2 = arith.muli %arg1, %mul3A_1 : i32
    "tpu.region"() ({
      %run_scoped3A = tpu.sem_alloc : memref<!tpu.dma_semaphore, #tpu.memory_space<semaphore_mem>>
      %dma_start3A_69 = arith.constant 0 : i32
      %dma_start3A_70 = tpu.memref_slice %arg12[%mul3A_2, %dma_start3A_69] : memref<10240x128xf32, #tpu.memory_space<vmem_shared>> -> memref<640x128xf32, #tpu.memory_space<vmem_shared>>
      %dma_start3A_71 = arith.constant 0 : i32
      %dma_start3A_72 = tpu.memref_slice %arg2[%mul3A_0, %dma_start3A_71] : memref<10240x128xf32, #tpu.memory_space<hbm>> -> memref<640x128xf32, #tpu.memory_space<hbm>>
      tpu.enqueue_dma source(%dma_start3A_72 : memref<640x128xf32, #tpu.memory_space<hbm>>) target(%dma_start3A_70 : memref<640x128xf32, #tpu.memory_space<vmem_shared>>) target_semaphore(%run_scoped3A : memref<!tpu.dma_semaphore, #tpu.memory_space<semaphore_mem>>)
      %dma_wait3A_73 = arith.constant 0 : i32
      %dma_wait3A_74 = tpu.memref_slice %arg12[%mul3A_2, %dma_wait3A_73] : memref<10240x128xf32, #tpu.memory_space<vmem_shared>> -> memref<640x128xf32, #tpu.memory_space<vmem_shared>>
      %dma_wait3A_75 = arith.constant 0 : i32
      %dma_wait3A_76 = tpu.memref_slice %arg2[%mul3A_0, %dma_wait3A_75] : memref<10240x128xf32, #tpu.memory_space<hbm>> -> memref<640x128xf32, #tpu.memory_space<hbm>>
      tpu.wait_dma2 semaphore(%run_scoped3A : memref<!tpu.dma_semaphore, #tpu.memory_space<semaphore_mem>>) src(%dma_wait3A_76 : memref<640x128xf32, #tpu.memory_space<hbm>>) dst(%dma_wait3A_74 : memref<640x128xf32, #tpu.memory_space<vmem_shared>>)
      tpu.yield
    }) : () -> ()
    %mul3A_3 = arith.constant 16 : i32
    %mul3A_4 = arith.muli %arg0, %mul3A_3 : i32
    %add3A = arith.addi %mul3A_4, %arg1 : i32
    %mul3A_5 = arith.constant 10000 : i32
    %mul3A_6 = arith.muli %add3A, %mul3A_5 : i32
    "tpu.region"() ({
      %run_scoped3A = tpu.sem_alloc : memref<!tpu.dma_semaphore, #tpu.memory_space<semaphore_mem>>
      %dma_start3A_69 = tpu.memref_slice %arg3[%mul3A_6] : memref<320000xi32, #tpu.memory_space<hbm>> -> memref<10000xi32, #tpu.memory_space<hbm>>
      %dma_start3A_70 = tpu.memref_slice %arg3[%mul3A_6] : memref<320000xi32, #tpu.memory_space<hbm>> -> memref<10000xi32, #tpu.memory_space<hbm>>
      tpu.enqueue_dma source(%dma_start3A_70 : memref<10000xi32, #tpu.memory_space<hbm>>) target(%arg6 : memref<10000xi32, #tpu.memory_space<vmem>>) target_semaphore(%run_scoped3A : memref<!tpu.dma_semaphore, #tpu.memory_space<semaphore_mem>>)
      %dma_wait3A_71 = tpu.memref_slice %arg3[%mul3A_6] : memref<320000xi32, #tpu.memory_space<hbm>> -> memref<10000xi32, #tpu.memory_space<hbm>>
      %dma_wait3A_72 = tpu.memref_slice %arg3[%mul3A_6] : memref<320000xi32, #tpu.memory_space<hbm>> -> memref<10000xi32, #tpu.memory_space<hbm>>
      tpu.wait_dma2 semaphore(%run_scoped3A : memref<!tpu.dma_semaphore, #tpu.memory_space<semaphore_mem>>) src(%dma_wait3A_72 : memref<10000xi32, #tpu.memory_space<hbm>>) dst(%arg6 : memref<10000xi32, #tpu.memory_space<vmem>>)
      tpu.yield
    }) : () -> ()
    "tpu.region"() ({
      %run_scoped3A = tpu.sem_alloc : memref<!tpu.dma_semaphore, #tpu.memory_space<semaphore_mem>>
      %dma_start3A_69 = tpu.memref_slice %arg4[%mul3A_6] : memref<320000xi32, #tpu.memory_space<hbm>> -> memref<10000xi32, #tpu.memory_space<hbm>>
      %dma_start3A_70 = tpu.memref_slice %arg4[%mul3A_6] : memref<320000xi32, #tpu.memory_space<hbm>> -> memref<10000xi32, #tpu.memory_space<hbm>>
      tpu.enqueue_dma source(%dma_start3A_70 : memref<10000xi32, #tpu.memory_space<hbm>>) target(%arg7 : memref<10000xi32, #tpu.memory_space<vmem>>) target_semaphore(%run_scoped3A : memref<!tpu.dma_semaphore, #tpu.memory_space<semaphore_mem>>)
      %dma_wait3A_71 = tpu.memref_slice %arg4[%mul3A_6] : memref<320000xi32, #tpu.memory_space<hbm>> -> memref<10000xi32, #tpu.memory_space<hbm>>
      %dma_wait3A_72 = tpu.memref_slice %arg4[%mul3A_6] : memref<320000xi32, #tpu.memory_space<hbm>> -> memref<10000xi32, #tpu.memory_space<hbm>>
      tpu.wait_dma2 semaphore(%run_scoped3A : memref<!tpu.dma_semaphore, #tpu.memory_space<semaphore_mem>>) src(%dma_wait3A_72 : memref<10000xi32, #tpu.memory_space<hbm>>) dst(%arg7 : memref<10000xi32, #tpu.memory_space<vmem>>)
      tpu.yield
    }) : () -> ()
    %barrier3A = arith.constant 0 : index
    tpu.barrier barrier_id(%barrier3A)
    %scan3A = arith.constant 0 : i32
    %scan3A_7 = arith.constant 0 : i32
    %scan3A_8 = arith.constant 52 : i32
    %scan3A_9 = arith.addi %scan3A_7, %scan3A_8 : i32
    %scan3A_10 = arith.constant 1 : i32
    scf.for %scan3A_69 = %scan3A_7 to %scan3A_9 step %scan3A_10  : i32 {
      %gt3A = arith.constant 0 : i32
      %gt3A_70 = arith.cmpi sgt, %scan3A_69, %gt3A : i32
      %convert_element_type3A = arith.extui %gt3A_70 : i1 to i32
      %cond3A = arith.constant 0 : i32
      %cond3A_71 = arith.cmpi ne, %convert_element_type3A, %cond3A : i32
      scf.if %cond3A_71 {
        %dma_wait3A_346 = arith.constant 0 : i32
        %dma_wait3A_347 = arith.constant 0 : i32
        %dma_wait3A_348 = arith.constant 0 : i32
        %dma_wait3A_349 = arith.constant 0 : i32
        %dma_wait3A_350 = tpu.memref_slice %arg9[%dma_wait3A_346, %dma_wait3A_348, %dma_wait3A_349] : memref<3x64x128xf32, #tpu.memory_space<vmem>> -> memref<1x64x128xf32, #tpu.memory_space<vmem>>
        %dma_wait3A_351 = tpu.memref_squeeze %dma_wait3A_350 : memref<1x64x128xf32, #tpu.memory_space<vmem>> -> memref<64x128xf32, #tpu.memory_space<vmem>>
        %dma_wait3A_352 = arith.constant 0 : i32
        %dma_wait3A_353 = tpu.memref_slice %arg8[%dma_wait3A_347, %dma_wait3A_352] : memref<3x64xi32, #tpu.memory_space<vmem>> -> memref<1x64xi32, #tpu.memory_space<vmem>>
        %dma_wait3A_354 = tpu.memref_squeeze %dma_wait3A_353 : memref<1x64xi32, #tpu.memory_space<vmem>> -> memref<64xi32, #tpu.memory_space<vmem>>
        %dma_wait3A_355 = arith.constant 0 : i32
        %dma_wait3A_356 = arith.constant 0 : i32
        %dma_wait3A_357 = tpu.memref_slice %arg12[%dma_wait3A_355, %dma_wait3A_356] : memref<10240x128xf32, #tpu.memory_space<vmem_shared>> -> memref<10240x128xf32, #tpu.memory_space<vmem_shared>>
        tpu.wait_indirect_dma semaphore(%arg16 : memref<!tpu.dma_semaphore, #tpu.memory_space<semaphore_mem>>) src(%dma_wait3A_351 : memref<64x128xf32, #tpu.memory_space<vmem>>) dst(%dma_wait3A_357 : memref<10240x128xf32, #tpu.memory_space<vmem_shared>>)
      } else {
      }
      %mul3A_72 = arith.constant 3 : i32
      %mul3A_73 = arith.muli %scan3A_69, %mul3A_72 : i32
      %add3A_74 = arith.constant 0 : i32
      %add3A_75 = arith.addi %mul3A_73, %add3A_74 : i32
      %mul3A_76 = arith.constant 64 : i32
      %mul3A_77 = arith.muli %add3A_75, %mul3A_76 : i32
      %add3A_78 = arith.constant 0 : i32
      %add3A_79 = arith.addi %mul3A_77, %add3A_78 : i32
      %get3A_80 = arith.index_cast %add3A_79 : i32 to index
      %get3A_81 = tpu.vector_load %arg7[%get3A_80] {strides = array<i32>} : memref<10000xi32, #tpu.memory_space<vmem>>, vector<16xi32>,
      %get3A_82 = vector.shape_cast %get3A_81 : vector<16xi32> to vector<16xi32>
      %swap3A_83 = arith.constant 0 : i32
      %swap3A_84 = arith.index_cast %swap3A_83 : i32 to index
      %swap3A_85 = arith.constant 0 : index
      %swap3A_86 = tpu.vector_load %arg8[%swap3A_84, %swap3A_85] {strides = array<i32>} : memref<3x64xi32, #tpu.memory_space<vmem>>, vector<1x16xi32>,
      %swap3A_87 = vector.shape_cast %swap3A_86 : vector<1x16xi32> to vector<16xi32>
      %swap3A_88 = vector.shape_cast %get3A_82 : vector<16xi32> to vector<1x16xi32>
      tpu.vector_store %arg8[%swap3A_84, %swap3A_85], %swap3A_88 {strides = array<i32>} : memref<3x64xi32, #tpu.memory_space<vmem>>, vector<1x16xi32>,
      %mul3A_89 = arith.constant 64 : i32
      %mul3A_90 = arith.muli %add3A_75, %mul3A_89 : i32
      %add3A_91 = arith.constant 16 : i32
      %add3A_92 = arith.addi %mul3A_90, %add3A_91 : i32
      %get3A_93 = arith.index_cast %add3A_92 : i32 to index
      %get3A_94 = tpu.vector_load %arg7[%get3A_93] {strides = array<i32>} : memref<10000xi32, #tpu.memory_space<vmem>>, vector<16xi32>,
      %get3A_95 = vector.shape_cast %get3A_94 : vector<16xi32> to vector<16xi32>
      %swap3A_96 = arith.constant 0 : i32
      %swap3A_97 = arith.index_cast %swap3A_96 : i32 to index
      %swap3A_98 = arith.constant 16 : index
      %swap3A_99 = tpu.vector_load %arg8[%swap3A_97, %swap3A_98] {strides = array<i32>} : memref<3x64xi32, #tpu.memory_space<vmem>>, vector<1x16xi32>,
      %swap3A_100 = vector.shape_cast %swap3A_99 : vector<1x16xi32> to vector<16xi32>
      %swap3A_101 = vector.shape_cast %get3A_95 : vector<16xi32> to vector<1x16xi32>
      tpu.vector_store %arg8[%swap3A_97, %swap3A_98], %swap3A_101 {strides = array<i32>} : memref<3x64xi32, #tpu.memory_space<vmem>>, vector<1x16xi32>,
      %mul3A_102 = arith.constant 64 : i32
      %mul3A_103 = arith.muli %add3A_75, %mul3A_102 : i32
      %add3A_104 = arith.constant 32 : i32
      %add3A_105 = arith.addi %mul3A_103, %add3A_104 : i32
      %get3A_106 = arith.index_cast %add3A_105 : i32 to index
      %get3A_107 = tpu.vector_load %arg7[%get3A_106] {strides = array<i32>} : memref<10000xi32, #tpu.memory_space<vmem>>, vector<16xi32>,
      %get3A_108 = vector.shape_cast %get3A_107 : vector<16xi32> to vector<16xi32>
      %swap3A_109 = arith.constant 0 : i32
      %swap3A_110 = arith.index_cast %swap3A_109 : i32 to index
      %swap3A_111 = arith.constant 32 : index
      %swap3A_112 = tpu.vector_load %arg8[%swap3A_110, %swap3A_111] {strides = array<i32>} : memref<3x64xi32, #tpu.memory_space<vmem>>, vector<1x16xi32>,
      %swap3A_113 = vector.shape_cast %swap3A_112 : vector<1x16xi32> to vector<16xi32>
      %swap3A_114 = vector.shape_cast %get3A_108 : vector<16xi32> to vector<1x16xi32>
      tpu.vector_store %arg8[%swap3A_110, %swap3A_111], %swap3A_114 {strides = array<i32>} : memref<3x64xi32, #tpu.memory_space<vmem>>, vector<1x16xi32>,
      %mul3A_115 = arith.constant 64 : i32
      %mul3A_116 = arith.muli %add3A_75, %mul3A_115 : i32
      %add3A_117 = arith.constant 48 : i32
      %add3A_118 = arith.addi %mul3A_116, %add3A_117 : i32
      %get3A_119 = arith.index_cast %add3A_118 : i32 to index
      %get3A_120 = tpu.vector_load %arg7[%get3A_119] {strides = array<i32>} : memref<10000xi32, #tpu.memory_space<vmem>>, vector<16xi32>,
      %get3A_121 = vector.shape_cast %get3A_120 : vector<16xi32> to vector<16xi32>
      %swap3A_122 = arith.constant 0 : i32
      %swap3A_123 = arith.index_cast %swap3A_122 : i32 to index
      %swap3A_124 = arith.constant 48 : index
      %swap3A_125 = tpu.vector_load %arg8[%swap3A_123, %swap3A_124] {strides = array<i32>} : memref<3x64xi32, #tpu.memory_space<vmem>>, vector<1x16xi32>,
      %swap3A_126 = vector.shape_cast %swap3A_125 : vector<1x16xi32> to vector<16xi32>
      %swap3A_127 = vector.shape_cast %get3A_121 : vector<16xi32> to vector<1x16xi32>
      tpu.vector_store %arg8[%swap3A_123, %swap3A_124], %swap3A_127 {strides = array<i32>} : memref<3x64xi32, #tpu.memory_space<vmem>>, vector<1x16xi32>,
      %mul3A_128 = arith.constant 64 : i32
      %mul3A_129 = arith.muli %add3A_75, %mul3A_128 : i32
      %dma_start3A_130 = arith.constant 0 : i32
      %dma_start3A_131 = arith.constant 0 : i32
      %dma_start3A_132 = arith.constant 0 : i32
      %dma_start3A_133 = tpu.memref_slice %arg9[%dma_start3A_130, %dma_start3A_131, %dma_start3A_132] : memref<3x64x128xf32, #tpu.memory_space<vmem>> -> memref<1x64x128xf32, #tpu.memory_space<vmem>>
      %dma_start3A_134 = tpu.memref_squeeze %dma_start3A_133 : memref<1x64x128xf32, #tpu.memory_space<vmem>> -> memref<64x128xf32, #tpu.memory_space<vmem>>
      %dma_start3A_135 = tpu.memref_slice %arg6[%mul3A_129] : memref<10000xi32, #tpu.memory_space<vmem>> -> memref<64xi32, #tpu.memory_space<vmem>>
      %dma_start3A_136 = arith.constant 0 : i32
      %dma_start3A_137 = arith.constant 0 : i32
      %dma_start3A_138 = tpu.memref_slice %arg2[%dma_start3A_136, %dma_start3A_137] : memref<10240x128xf32, #tpu.memory_space<hbm>> -> memref<10240x128xf32, #tpu.memory_space<hbm>>
      tpu.enqueue_indirect_dma source(%dma_start3A_138 : memref<10240x128xf32, #tpu.memory_space<hbm>>) target(%dma_start3A_134 : memref<64x128xf32, #tpu.memory_space<vmem>>) offsets(%dma_start3A_135 : memref<64xi32, #tpu.memory_space<vmem>>) semaphore(%arg13 : memref<!tpu.dma_semaphore, #tpu.memory_space<semaphore_mem>>)
      %gt3A_139 = arith.constant 0 : i32
      %gt3A_140 = arith.cmpi sgt, %scan3A_69, %gt3A_139 : i32
      %convert_element_type3A_141 = arith.extui %gt3A_140 : i1 to i32
      %cond3A_142 = arith.constant 0 : i32
      %cond3A_143 = arith.cmpi ne, %convert_element_type3A_141, %cond3A_142 : i32
      scf.if %cond3A_143 {
        %dma_wait3A_346 = arith.constant 1 : i32
        %dma_wait3A_347 = arith.constant 1 : i32
        %dma_wait3A_348 = arith.constant 0 : i32
        %dma_wait3A_349 = arith.constant 0 : i32
        %dma_wait3A_350 = tpu.memref_slice %arg9[%dma_wait3A_346, %dma_wait3A_348, %dma_wait3A_349] : memref<3x64x128xf32, #tpu.memory_space<vmem>> -> memref<1x64x128xf32, #tpu.memory_space<vmem>>
        %dma_wait3A_351 = tpu.memref_squeeze %dma_wait3A_350 : memref<1x64x128xf32, #tpu.memory_space<vmem>> -> memref<64x128xf32, #tpu.memory_space<vmem>>
        %dma_wait3A_352 = arith.constant 0 : i32
        %dma_wait3A_353 = tpu.memref_slice %arg8[%dma_wait3A_347, %dma_wait3A_352] : memref<3x64xi32, #tpu.memory_space<vmem>> -> memref<1x64xi32, #tpu.memory_space<vmem>>
        %dma_wait3A_354 = tpu.memref_squeeze %dma_wait3A_353 : memref<1x64xi32, #tpu.memory_space<vmem>> -> memref<64xi32, #tpu.memory_space<vmem>>
        %dma_wait3A_355 = arith.constant 0 : i32
        %dma_wait3A_356 = arith.constant 0 : i32
        %dma_wait3A_357 = tpu.memref_slice %arg12[%dma_wait3A_355, %dma_wait3A_356] : memref<10240x128xf32, #tpu.memory_space<vmem_shared>> -> memref<10240x128xf32, #tpu.memory_space<vmem_shared>>
        tpu.wait_indirect_dma semaphore(%arg17 : memref<!tpu.dma_semaphore, #tpu.memory_space<semaphore_mem>>) src(%dma_wait3A_351 : memref<64x128xf32, #tpu.memory_space<vmem>>) dst(%dma_wait3A_357 : memref<10240x128xf32, #tpu.memory_space<vmem_shared>>)
      } else {
      }
      %mul3A_144 = arith.constant 3 : i32
      %mul3A_145 = arith.muli %scan3A_69, %mul3A_144 : i32
      %add3A_146 = arith.constant 1 : i32
      %add3A_147 = arith.addi %mul3A_145, %add3A_146 : i32
      %mul3A_148 = arith.constant 64 : i32
      %mul3A_149 = arith.muli %add3A_147, %mul3A_148 : i32
      %add3A_150 = arith.constant 0 : i32
      %add3A_151 = arith.addi %mul3A_149, %add3A_150 : i32
      %get3A_152 = arith.index_cast %add3A_151 : i32 to index
      %get3A_153 = tpu.vector_load %arg7[%get3A_152] {strides = array<i32>} : memref<10000xi32, #tpu.memory_space<vmem>>, vector<16xi32>,
      %get3A_154 = vector.shape_cast %get3A_153 : vector<16xi32> to vector<16xi32>
      %swap3A_155 = arith.constant 1 : i32
      %swap3A_156 = arith.index_cast %swap3A_155 : i32 to index
      %swap3A_157 = arith.constant 0 : index
      %swap3A_158 = tpu.vector_load %arg8[%swap3A_156, %swap3A_157] {strides = array<i32>} : memref<3x64xi32, #tpu.memory_space<vmem>>, vector<1x16xi32>,
      %swap3A_159 = vector.shape_cast %swap3A_158 : vector<1x16xi32> to vector<16xi32>
      %swap3A_160 = vector.shape_cast %get3A_154 : vector<16xi32> to vector<1x16xi32>
      tpu.vector_store %arg8[%swap3A_156, %swap3A_157], %swap3A_160 {strides = array<i32>} : memref<3x64xi32, #tpu.memory_space<vmem>>, vector<1x16xi32>,
      %mul3A_161 = arith.constant 64 : i32
      %mul3A_162 = arith.muli %add3A_147, %mul3A_161 : i32
      %add3A_163 = arith.constant 16 : i32
      %add3A_164 = arith.addi %mul3A_162, %add3A_163 : i32
      %get3A_165 = arith.index_cast %add3A_164 : i32 to index
      %get3A_166 = tpu.vector_load %arg7[%get3A_165] {strides = array<i32>} : memref<10000xi32, #tpu.memory_space<vmem>>, vector<16xi32>,
      %get3A_167 = vector.shape_cast %get3A_166 : vector<16xi32> to vector<16xi32>
      %swap3A_168 = arith.constant 1 : i32
      %swap3A_169 = arith.index_cast %swap3A_168 : i32 to index
      %swap3A_170 = arith.constant 16 : index
      %swap3A_171 = tpu.vector_load %arg8[%swap3A_169, %swap3A_170] {strides = array<i32>} : memref<3x64xi32, #tpu.memory_space<vmem>>, vector<1x16xi32>,
      %swap3A_172 = vector.shape_cast %swap3A_171 : vector<1x16xi32> to vector<16xi32>
      %swap3A_173 = vector.shape_cast %get3A_167 : vector<16xi32> to vector<1x16xi32>
      tpu.vector_store %arg8[%swap3A_169, %swap3A_170], %swap3A_173 {strides = array<i32>} : memref<3x64xi32, #tpu.memory_space<vmem>>, vector<1x16xi32>,
      %mul3A_174 = arith.constant 64 : i32
      %mul3A_175 = arith.muli %add3A_147, %mul3A_174 : i32
      %add3A_176 = arith.constant 32 : i32
      %add3A_177 = arith.addi %mul3A_175, %add3A_176 : i32
      %get3A_178 = arith.index_cast %add3A_177 : i32 to index
      %get3A_179 = tpu.vector_load %arg7[%get3A_178] {strides = array<i32>} : memref<10000xi32, #tpu.memory_space<vmem>>, vector<16xi32>,
      %get3A_180 = vector.shape_cast %get3A_179 : vector<16xi32> to vector<16xi32>
      %swap3A_181 = arith.constant 1 : i32
      %swap3A_182 = arith.index_cast %swap3A_181 : i32 to index
      %swap3A_183 = arith.constant 32 : index
      %swap3A_184 = tpu.vector_load %arg8[%swap3A_182, %swap3A_183] {strides = array<i32>} : memref<3x64xi32, #tpu.memory_space<vmem>>, vector<1x16xi32>,
      %swap3A_185 = vector.shape_cast %swap3A_184 : vector<1x16xi32> to vector<16xi32>
      %swap3A_186 = vector.shape_cast %get3A_180 : vector<16xi32> to vector<1x16xi32>
      tpu.vector_store %arg8[%swap3A_182, %swap3A_183], %swap3A_186 {strides = array<i32>} : memref<3x64xi32, #tpu.memory_space<vmem>>, vector<1x16xi32>,
      %mul3A_187 = arith.constant 64 : i32
      %mul3A_188 = arith.muli %add3A_147, %mul3A_187 : i32
      %add3A_189 = arith.constant 48 : i32
      %add3A_190 = arith.addi %mul3A_188, %add3A_189 : i32
      %get3A_191 = arith.index_cast %add3A_190 : i32 to index
      %get3A_192 = tpu.vector_load %arg7[%get3A_191] {strides = array<i32>} : memref<10000xi32, #tpu.memory_space<vmem>>, vector<16xi32>,
      %get3A_193 = vector.shape_cast %get3A_192 : vector<16xi32> to vector<16xi32>
      %swap3A_194 = arith.constant 1 : i32
      %swap3A_195 = arith.index_cast %swap3A_194 : i32 to index
      %swap3A_196 = arith.constant 48 : index
      %swap3A_197 = tpu.vector_load %arg8[%swap3A_195, %swap3A_196] {strides = array<i32>} : memref<3x64xi32, #tpu.memory_space<vmem>>, vector<1x16xi32>,
      %swap3A_198 = vector.shape_cast %swap3A_197 : vector<1x16xi32> to vector<16xi32>
      %swap3A_199 = vector.shape_cast %get3A_193 : vector<16xi32> to vector<1x16xi32>
      tpu.vector_store %arg8[%swap3A_195, %swap3A_196], %swap3A_199 {strides = array<i32>} : memref<3x64xi32, #tpu.memory_space<vmem>>, vector<1x16xi32>,
      %mul3A_200 = arith.constant 64 : i32
      %mul3A_201 = arith.muli %add3A_147, %mul3A_200 : i32
      %dma_start3A_202 = arith.constant 1 : i32
      %dma_start3A_203 = arith.constant 0 : i32
      %dma_start3A_204 = arith.constant 0 : i32
      %dma_start3A_205 = tpu.memref_slice %arg9[%dma_start3A_202, %dma_start3A_203, %dma_start3A_204] : memref<3x64x128xf32, #tpu.memory_space<vmem>> -> memref<1x64x128xf32, #tpu.memory_space<vmem>>
      %dma_start3A_206 = tpu.memref_squeeze %dma_start3A_205 : memref<1x64x128xf32, #tpu.memory_space<vmem>> -> memref<64x128xf32, #tpu.memory_space<vmem>>
      %dma_start3A_207 = tpu.memref_slice %arg6[%mul3A_201] : memref<10000xi32, #tpu.memory_space<vmem>> -> memref<64xi32, #tpu.memory_space<vmem>>
      %dma_start3A_208 = arith.constant 0 : i32
      %dma_start3A_209 = arith.constant 0 : i32
      %dma_start3A_210 = tpu.memref_slice %arg2[%dma_start3A_208, %dma_start3A_209] : memref<10240x128xf32, #tpu.memory_space<hbm>> -> memref<10240x128xf32, #tpu.memory_space<hbm>>
      tpu.enqueue_indirect_dma source(%dma_start3A_210 : memref<10240x128xf32, #tpu.memory_space<hbm>>) target(%dma_start3A_206 : memref<64x128xf32, #tpu.memory_space<vmem>>) offsets(%dma_start3A_207 : memref<64xi32, #tpu.memory_space<vmem>>) semaphore(%arg14 : memref<!tpu.dma_semaphore, #tpu.memory_space<semaphore_mem>>)
      %gt3A_211 = arith.constant 0 : i32
      %gt3A_212 = arith.cmpi sgt, %scan3A_69, %gt3A_211 : i32
      %convert_element_type3A_213 = arith.extui %gt3A_212 : i1 to i32
      %cond3A_214 = arith.constant 0 : i32
      %cond3A_215 = arith.cmpi ne, %convert_element_type3A_213, %cond3A_214 : i32
      scf.if %cond3A_215 {
        %dma_wait3A_346 = arith.constant 2 : i32
        %dma_wait3A_347 = arith.constant 2 : i32
        %dma_wait3A_348 = arith.constant 0 : i32
        %dma_wait3A_349 = arith.constant 0 : i32
        %dma_wait3A_350 = tpu.memref_slice %arg9[%dma_wait3A_346, %dma_wait3A_348, %dma_wait3A_349] : memref<3x64x128xf32, #tpu.memory_space<vmem>> -> memref<1x64x128xf32, #tpu.memory_space<vmem>>
        %dma_wait3A_351 = tpu.memref_squeeze %dma_wait3A_350 : memref<1x64x128xf32, #tpu.memory_space<vmem>> -> memref<64x128xf32, #tpu.memory_space<vmem>>
        %dma_wait3A_352 = arith.constant 0 : i32
        %dma_wait3A_353 = tpu.memref_slice %arg8[%dma_wait3A_347, %dma_wait3A_352] : memref<3x64xi32, #tpu.memory_space<vmem>> -> memref<1x64xi32, #tpu.memory_space<vmem>>
        %dma_wait3A_354 = tpu.memref_squeeze %dma_wait3A_353 : memref<1x64xi32, #tpu.memory_space<vmem>> -> memref<64xi32, #tpu.memory_space<vmem>>
        %dma_wait3A_355 = arith.constant 0 : i32
        %dma_wait3A_356 = arith.constant 0 : i32
        %dma_wait3A_357 = tpu.memref_slice %arg12[%dma_wait3A_355, %dma_wait3A_356] : memref<10240x128xf32, #tpu.memory_space<vmem_shared>> -> memref<10240x128xf32, #tpu.memory_space<vmem_shared>>
        tpu.wait_indirect_dma semaphore(%arg18 : memref<!tpu.dma_semaphore, #tpu.memory_space<semaphore_mem>>) src(%dma_wait3A_351 : memref<64x128xf32, #tpu.memory_space<vmem>>) dst(%dma_wait3A_357 : memref<10240x128xf32, #tpu.memory_space<vmem_shared>>)
      } else {
      }
      %mul3A_216 = arith.constant 3 : i32
      %mul3A_217 = arith.muli %scan3A_69, %mul3A_216 : i32
      %add3A_218 = arith.constant 2 : i32
      %add3A_219 = arith.addi %mul3A_217, %add3A_218 : i32
      %mul3A_220 = arith.constant 64 : i32
      %mul3A_221 = arith.muli %add3A_219, %mul3A_220 : i32
      %add3A_222 = arith.constant 0 : i32
      %add3A_223 = arith.addi %mul3A_221, %add3A_222 : i32
      %get3A_224 = arith.index_cast %add3A_223 : i32 to index
      %get3A_225 = tpu.vector_load %arg7[%get3A_224] {strides = array<i32>} : memref<10000xi32, #tpu.memory_space<vmem>>, vector<16xi32>,
      %get3A_226 = vector.shape_cast %get3A_225 : vector<16xi32> to vector<16xi32>
      %swap3A_227 = arith.constant 2 : i32
      %swap3A_228 = arith.index_cast %swap3A_227 : i32 to index
      %swap3A_229 = arith.constant 0 : index
      %swap3A_230 = tpu.vector_load %arg8[%swap3A_228, %swap3A_229] {strides = array<i32>} : memref<3x64xi32, #tpu.memory_space<vmem>>, vector<1x16xi32>,
      %swap3A_231 = vector.shape_cast %swap3A_230 : vector<1x16xi32> to vector<16xi32>
      %swap3A_232 = vector.shape_cast %get3A_226 : vector<16xi32> to vector<1x16xi32>
      tpu.vector_store %arg8[%swap3A_228, %swap3A_229], %swap3A_232 {strides = array<i32>} : memref<3x64xi32, #tpu.memory_space<vmem>>, vector<1x16xi32>,
      %mul3A_233 = arith.constant 64 : i32
      %mul3A_234 = arith.muli %add3A_219, %mul3A_233 : i32
      %add3A_235 = arith.constant 16 : i32
      %add3A_236 = arith.addi %mul3A_234, %add3A_235 : i32
      %get3A_237 = arith.index_cast %add3A_236 : i32 to index
      %get3A_238 = tpu.vector_load %arg7[%get3A_237] {strides = array<i32>} : memref<10000xi32, #tpu.memory_space<vmem>>, vector<16xi32>,
      %get3A_239 = vector.shape_cast %get3A_238 : vector<16xi32> to vector<16xi32>
      %swap3A_240 = arith.constant 2 : i32
      %swap3A_241 = arith.index_cast %swap3A_240 : i32 to index
      %swap3A_242 = arith.constant 16 : index
      %swap3A_243 = tpu.vector_load %arg8[%swap3A_241, %swap3A_242] {strides = array<i32>} : memref<3x64xi32, #tpu.memory_space<vmem>>, vector<1x16xi32>,
      %swap3A_244 = vector.shape_cast %swap3A_243 : vector<1x16xi32> to vector<16xi32>
      %swap3A_245 = vector.shape_cast %get3A_239 : vector<16xi32> to vector<1x16xi32>
      tpu.vector_store %arg8[%swap3A_241, %swap3A_242], %swap3A_245 {strides = array<i32>} : memref<3x64xi32, #tpu.memory_space<vmem>>, vector<1x16xi32>,
      %mul3A_246 = arith.constant 64 : i32
      %mul3A_247 = arith.muli %add3A_219, %mul3A_246 : i32
      %add3A_248 = arith.constant 32 : i32
      %add3A_249 = arith.addi %mul3A_247, %add3A_248 : i32
      %get3A_250 = arith.index_cast %add3A_249 : i32 to index
      %get3A_251 = tpu.vector_load %arg7[%get3A_250] {strides = array<i32>} : memref<10000xi32, #tpu.memory_space<vmem>>, vector<16xi32>,
      %get3A_252 = vector.shape_cast %get3A_251 : vector<16xi32> to vector<16xi32>
      %swap3A_253 = arith.constant 2 : i32
      %swap3A_254 = arith.index_cast %swap3A_253 : i32 to index
      %swap3A_255 = arith.constant 32 : index
      %swap3A_256 = tpu.vector_load %arg8[%swap3A_254, %swap3A_255] {strides = array<i32>} : memref<3x64xi32, #tpu.memory_space<vmem>>, vector<1x16xi32>,
      %swap3A_257 = vector.shape_cast %swap3A_256 : vector<1x16xi32> to vector<16xi32>
      %swap3A_258 = vector.shape_cast %get3A_252 : vector<16xi32> to vector<1x16xi32>
      tpu.vector_store %arg8[%swap3A_254, %swap3A_255], %swap3A_258 {strides = array<i32>} : memref<3x64xi32, #tpu.memory_space<vmem>>, vector<1x16xi32>,
      %mul3A_259 = arith.constant 64 : i32
      %mul3A_260 = arith.muli %add3A_219, %mul3A_259 : i32
      %add3A_261 = arith.constant 48 : i32
      %add3A_262 = arith.addi %mul3A_260, %add3A_261 : i32
      %get3A_263 = arith.index_cast %add3A_262 : i32 to index
      %get3A_264 = tpu.vector_load %arg7[%get3A_263] {strides = array<i32>} : memref<10000xi32, #tpu.memory_space<vmem>>, vector<16xi32>,
      %get3A_265 = vector.shape_cast %get3A_264 : vector<16xi32> to vector<16xi32>
      %swap3A_266 = arith.constant 2 : i32
      %swap3A_267 = arith.index_cast %swap3A_266 : i32 to index
      %swap3A_268 = arith.constant 48 : index
      %swap3A_269 = tpu.vector_load %arg8[%swap3A_267, %swap3A_268] {strides = array<i32>} : memref<3x64xi32, #tpu.memory_space<vmem>>, vector<1x16xi32>,
      %swap3A_270 = vector.shape_cast %swap3A_269 : vector<1x16xi32> to vector<16xi32>
      %swap3A_271 = vector.shape_cast %get3A_265 : vector<16xi32> to vector<1x16xi32>
      tpu.vector_store %arg8[%swap3A_267, %swap3A_268], %swap3A_271 {strides = array<i32>} : memref<3x64xi32, #tpu.memory_space<vmem>>, vector<1x16xi32>,
      %mul3A_272 = arith.constant 64 : i32
      %mul3A_273 = arith.muli %add3A_219, %mul3A_272 : i32
      %dma_start3A_274 = arith.constant 2 : i32
      %dma_start3A_275 = arith.constant 0 : i32
      %dma_start3A_276 = arith.constant 0 : i32
      %dma_start3A_277 = tpu.memref_slice %arg9[%dma_start3A_274, %dma_start3A_275, %dma_start3A_276] : memref<3x64x128xf32, #tpu.memory_space<vmem>> -> memref<1x64x128xf32, #tpu.memory_space<vmem>>
      %dma_start3A_278 = tpu.memref_squeeze %dma_start3A_277 : memref<1x64x128xf32, #tpu.memory_space<vmem>> -> memref<64x128xf32, #tpu.memory_space<vmem>>
      %dma_start3A_279 = tpu.memref_slice %arg6[%mul3A_273] : memref<10000xi32, #tpu.memory_space<vmem>> -> memref<64xi32, #tpu.memory_space<vmem>>
      %dma_start3A_280 = arith.constant 0 : i32
      %dma_start3A_281 = arith.constant 0 : i32
      %dma_start3A_282 = tpu.memref_slice %arg2[%dma_start3A_280, %dma_start3A_281] : memref<10240x128xf32, #tpu.memory_space<hbm>> -> memref<10240x128xf32, #tpu.memory_space<hbm>>
      tpu.enqueue_indirect_dma source(%dma_start3A_282 : memref<10240x128xf32, #tpu.memory_space<hbm>>) target(%dma_start3A_278 : memref<64x128xf32, #tpu.memory_space<vmem>>) offsets(%dma_start3A_279 : memref<64xi32, #tpu.memory_space<vmem>>) semaphore(%arg15 : memref<!tpu.dma_semaphore, #tpu.memory_space<semaphore_mem>>)
      %dma_wait3A_283 = arith.constant 0 : i32
      %dma_wait3A_284 = arith.constant 0 : i32
      %dma_wait3A_285 = arith.constant 0 : i32
      %dma_wait3A_286 = tpu.memref_slice %arg9[%dma_wait3A_283, %dma_wait3A_284, %dma_wait3A_285] : memref<3x64x128xf32, #tpu.memory_space<vmem>> -> memref<1x64x128xf32, #tpu.memory_space<vmem>>
      %dma_wait3A_287 = tpu.memref_squeeze %dma_wait3A_286 : memref<1x64x128xf32, #tpu.memory_space<vmem>> -> memref<64x128xf32, #tpu.memory_space<vmem>>
      %dma_wait3A_288 = tpu.memref_slice %arg6[%mul3A_129] : memref<10000xi32, #tpu.memory_space<vmem>> -> memref<64xi32, #tpu.memory_space<vmem>>
      %dma_wait3A_289 = arith.constant 0 : i32
      %dma_wait3A_290 = arith.constant 0 : i32
      %dma_wait3A_291 = tpu.memref_slice %arg2[%dma_wait3A_289, %dma_wait3A_290] : memref<10240x128xf32, #tpu.memory_space<hbm>> -> memref<10240x128xf32, #tpu.memory_space<hbm>>
      tpu.wait_indirect_dma semaphore(%arg13 : memref<!tpu.dma_semaphore, #tpu.memory_space<semaphore_mem>>) src(%dma_wait3A_291 : memref<10240x128xf32, #tpu.memory_space<hbm>>) dst(%dma_wait3A_287 : memref<64x128xf32, #tpu.memory_space<vmem>>)
      %dma_start3A_292 = arith.constant 0 : i32
      %dma_start3A_293 = arith.constant 0 : i32
      %dma_start3A_294 = arith.constant 0 : i32
      %dma_start3A_295 = arith.constant 0 : i32
      %dma_start3A_296 = tpu.memref_slice %arg9[%dma_start3A_292, %dma_start3A_294, %dma_start3A_295] : memref<3x64x128xf32, #tpu.memory_space<vmem>> -> memref<1x64x128xf32, #tpu.memory_space<vmem>>
      %dma_start3A_297 = tpu.memref_squeeze %dma_start3A_296 : memref<1x64x128xf32, #tpu.memory_space<vmem>> -> memref<64x128xf32, #tpu.memory_space<vmem>>
      %dma_start3A_298 = arith.constant 0 : i32
      %dma_start3A_299 = tpu.memref_slice %arg8[%dma_start3A_293, %dma_start3A_298] : memref<3x64xi32, #tpu.memory_space<vmem>> -> memref<1x64xi32, #tpu.memory_space<vmem>>
      %dma_start3A_300 = tpu.memref_squeeze %dma_start3A_299 : memref<1x64xi32, #tpu.memory_space<vmem>> -> memref<64xi32, #tpu.memory_space<vmem>>
      %dma_start3A_301 = arith.constant 0 : i32
      %dma_start3A_302 = arith.constant 0 : i32
      %dma_start3A_303 = tpu.memref_slice %arg12[%dma_start3A_301, %dma_start3A_302] : memref<10240x128xf32, #tpu.memory_space<vmem_shared>> -> memref<10240x128xf32, #tpu.memory_space<vmem_shared>>
      tpu.enqueue_indirect_dma source(%dma_start3A_297 : memref<64x128xf32, #tpu.memory_space<vmem>>) target(%dma_start3A_303 : memref<10240x128xf32, #tpu.memory_space<vmem_shared>>) offsets(%dma_start3A_300 : memref<64xi32, #tpu.memory_space<vmem>>) semaphore(%arg16 : memref<!tpu.dma_semaphore, #tpu.memory_space<semaphore_mem>>) {add = true}
      %dma_wait3A_304 = arith.constant 1 : i32
      %dma_wait3A_305 = arith.constant 0 : i32
      %dma_wait3A_306 = arith.constant 0 : i32
      %dma_wait3A_307 = tpu.memref_slice %arg9[%dma_wait3A_304, %dma_wait3A_305, %dma_wait3A_306] : memref<3x64x128xf32, #tpu.memory_space<vmem>> -> memref<1x64x128xf32, #tpu.memory_space<vmem>>
      %dma_wait3A_308 = tpu.memref_squeeze %dma_wait3A_307 : memref<1x64x128xf32, #tpu.memory_space<vmem>> -> memref<64x128xf32, #tpu.memory_space<vmem>>
      %dma_wait3A_309 = tpu.memref_slice %arg6[%mul3A_201] : memref<10000xi32, #tpu.memory_space<vmem>> -> memref<64xi32, #tpu.memory_space<vmem>>
      %dma_wait3A_310 = arith.constant 0 : i32
      %dma_wait3A_311 = arith.constant 0 : i32
      %dma_wait3A_312 = tpu.memref_slice %arg2[%dma_wait3A_310, %dma_wait3A_311] : memref<10240x128xf32, #tpu.memory_space<hbm>> -> memref<10240x128xf32, #tpu.memory_space<hbm>>
      tpu.wait_indirect_dma semaphore(%arg14 : memref<!tpu.dma_semaphore, #tpu.memory_space<semaphore_mem>>) src(%dma_wait3A_312 : memref<10240x128xf32, #tpu.memory_space<hbm>>) dst(%dma_wait3A_308 : memref<64x128xf32, #tpu.memory_space<vmem>>)
      %dma_start3A_313 = arith.constant 1 : i32
      %dma_start3A_314 = arith.constant 1 : i32
      %dma_start3A_315 = arith.constant 0 : i32
      %dma_start3A_316 = arith.constant 0 : i32
      %dma_start3A_317 = tpu.memref_slice %arg9[%dma_start3A_313, %dma_start3A_315, %dma_start3A_316] : memref<3x64x128xf32, #tpu.memory_space<vmem>> -> memref<1x64x128xf32, #tpu.memory_space<vmem>>
      %dma_start3A_318 = tpu.memref_squeeze %dma_start3A_317 : memref<1x64x128xf32, #tpu.memory_space<vmem>> -> memref<64x128xf32, #tpu.memory_space<vmem>>
      %dma_start3A_319 = arith.constant 0 : i32
      %dma_start3A_320 = tpu.memref_slice %arg8[%dma_start3A_314, %dma_start3A_319] : memref<3x64xi32, #tpu.memory_space<vmem>> -> memref<1x64xi32, #tpu.memory_space<vmem>>
      %dma_start3A_321 = tpu.memref_squeeze %dma_start3A_320 : memref<1x64xi32, #tpu.memory_space<vmem>> -> memref<64xi32, #tpu.memory_space<vmem>>
      %dma_start3A_322 = arith.constant 0 : i32
      %dma_start3A_323 = arith.constant 0 : i32
      %dma_start3A_324 = tpu.memref_slice %arg12[%dma_start3A_322, %dma_start3A_323] : memref<10240x128xf32, #tpu.memory_space<vmem_shared>> -> memref<10240x128xf32, #tpu.memory_space<vmem_shared>>
      tpu.enqueue_indirect_dma source(%dma_start3A_318 : memref<64x128xf32, #tpu.memory_space<vmem>>) target(%dma_start3A_324 : memref<10240x128xf32, #tpu.memory_space<vmem_shared>>) offsets(%dma_start3A_321 : memref<64xi32, #tpu.memory_space<vmem>>) semaphore(%arg17 : memref<!tpu.dma_semaphore, #tpu.memory_space<semaphore_mem>>) {add = true}
      %dma_wait3A_325 = arith.constant 2 : i32
      %dma_wait3A_326 = arith.constant 0 : i32
      %dma_wait3A_327 = arith.constant 0 : i32
      %dma_wait3A_328 = tpu.memref_slice %arg9[%dma_wait3A_325, %dma_wait3A_326, %dma_wait3A_327] : memref<3x64x128xf32, #tpu.memory_space<vmem>> -> memref<1x64x128xf32, #tpu.memory_space<vmem>>
      %dma_wait3A_329 = tpu.memref_squeeze %dma_wait3A_328 : memref<1x64x128xf32, #tpu.memory_space<vmem>> -> memref<64x128xf32, #tpu.memory_space<vmem>>
      %dma_wait3A_330 = tpu.memref_slice %arg6[%mul3A_273] : memref<10000xi32, #tpu.memory_space<vmem>> -> memref<64xi32, #tpu.memory_space<vmem>>
      %dma_wait3A_331 = arith.constant 0 : i32
      %dma_wait3A_332 = arith.constant 0 : i32
      %dma_wait3A_333 = tpu.memref_slice %arg2[%dma_wait3A_331, %dma_wait3A_332] : memref<10240x128xf32, #tpu.memory_space<hbm>> -> memref<10240x128xf32, #tpu.memory_space<hbm>>
      tpu.wait_indirect_dma semaphore(%arg15 : memref<!tpu.dma_semaphore, #tpu.memory_space<semaphore_mem>>) src(%dma_wait3A_333 : memref<10240x128xf32, #tpu.memory_space<hbm>>) dst(%dma_wait3A_329 : memref<64x128xf32, #tpu.memory_space<vmem>>)
      %dma_start3A_334 = arith.constant 2 : i32
      %dma_start3A_335 = arith.constant 2 : i32
      %dma_start3A_336 = arith.constant 0 : i32
      %dma_start3A_337 = arith.constant 0 : i32
      %dma_start3A_338 = tpu.memref_slice %arg9[%dma_start3A_334, %dma_start3A_336, %dma_start3A_337] : memref<3x64x128xf32, #tpu.memory_space<vmem>> -> memref<1x64x128xf32, #tpu.memory_space<vmem>>
      %dma_start3A_339 = tpu.memref_squeeze %dma_start3A_338 : memref<1x64x128xf32, #tpu.memory_space<vmem>> -> memref<64x128xf32, #tpu.memory_space<vmem>>
      %dma_start3A_340 = arith.constant 0 : i32
      %dma_start3A_341 = tpu.memref_slice %arg8[%dma_start3A_335, %dma_start3A_340] : memref<3x64xi32, #tpu.memory_space<vmem>> -> memref<1x64xi32, #tpu.memory_space<vmem>>
      %dma_start3A_342 = tpu.memref_squeeze %dma_start3A_341 : memref<1x64xi32, #tpu.memory_space<vmem>> -> memref<64xi32, #tpu.memory_space<vmem>>
      %dma_start3A_343 = arith.constant 0 : i32
      %dma_start3A_344 = arith.constant 0 : i32
      %dma_start3A_345 = tpu.memref_slice %arg12[%dma_start3A_343, %dma_start3A_344] : memref<10240x128xf32, #tpu.memory_space<vmem_shared>> -> memref<10240x128xf32, #tpu.memory_space<vmem_shared>>
      tpu.enqueue_indirect_dma source(%dma_start3A_339 : memref<64x128xf32, #tpu.memory_space<vmem>>) target(%dma_start3A_345 : memref<10240x128xf32, #tpu.memory_space<vmem_shared>>) offsets(%dma_start3A_342 : memref<64xi32, #tpu.memory_space<vmem>>) semaphore(%arg18 : memref<!tpu.dma_semaphore, #tpu.memory_space<semaphore_mem>>) {add = true}
    }
    %scan3A_11 = arith.constant 52 : i32
    %dma_wait3A = arith.constant 0 : i32
    %dma_wait3A_12 = arith.constant 0 : i32
    %dma_wait3A_13 = arith.constant 0 : i32
    %dma_wait3A_14 = arith.constant 0 : i32
    %dma_wait3A_15 = tpu.memref_slice %arg9[%dma_wait3A, %dma_wait3A_13, %dma_wait3A_14] : memref<3x64x128xf32, #tpu.memory_space<vmem>> -> memref<1x64x128xf32, #tpu.memory_space<vmem>>
    %dma_wait3A_16 = tpu.memref_squeeze %dma_wait3A_15 : memref<1x64x128xf32, #tpu.memory_space<vmem>> -> memref<64x128xf32, #tpu.memory_space<vmem>>
    %dma_wait3A_17 = arith.constant 0 : i32
    %dma_wait3A_18 = tpu.memref_slice %arg8[%dma_wait3A_12, %dma_wait3A_17] : memref<3x64xi32, #tpu.memory_space<vmem>> -> memref<1x64xi32, #tpu.memory_space<vmem>>
    %dma_wait3A_19 = tpu.memref_squeeze %dma_wait3A_18 : memref<1x64xi32, #tpu.memory_space<vmem>> -> memref<64xi32, #tpu.memory_space<vmem>>
    %dma_wait3A_20 = arith.constant 0 : i32
    %dma_wait3A_21 = arith.constant 0 : i32
    %dma_wait3A_22 = tpu.memref_slice %arg12[%dma_wait3A_20, %dma_wait3A_21] : memref<10240x128xf32, #tpu.memory_space<vmem_shared>> -> memref<10240x128xf32, #tpu.memory_space<vmem_shared>>
    tpu.wait_indirect_dma semaphore(%arg16 : memref<!tpu.dma_semaphore, #tpu.memory_space<semaphore_mem>>) src(%dma_wait3A_16 : memref<64x128xf32, #tpu.memory_space<vmem>>) dst(%dma_wait3A_22 : memref<10240x128xf32, #tpu.memory_space<vmem_shared>>)
    %dma_wait3A_23 = arith.constant 1 : i32
    %dma_wait3A_24 = arith.constant 1 : i32
    %dma_wait3A_25 = arith.constant 0 : i32
    %dma_wait3A_26 = arith.constant 0 : i32
    %dma_wait3A_27 = tpu.memref_slice %arg9[%dma_wait3A_23, %dma_wait3A_25, %dma_wait3A_26] : memref<3x64x128xf32, #tpu.memory_space<vmem>> -> memref<1x64x128xf32, #tpu.memory_space<vmem>>
    %dma_wait3A_28 = tpu.memref_squeeze %dma_wait3A_27 : memref<1x64x128xf32, #tpu.memory_space<vmem>> -> memref<64x128xf32, #tpu.memory_space<vmem>>
    %dma_wait3A_29 = arith.constant 0 : i32
    %dma_wait3A_30 = tpu.memref_slice %arg8[%dma_wait3A_24, %dma_wait3A_29] : memref<3x64xi32, #tpu.memory_space<vmem>> -> memref<1x64xi32, #tpu.memory_space<vmem>>
    %dma_wait3A_31 = tpu.memref_squeeze %dma_wait3A_30 : memref<1x64xi32, #tpu.memory_space<vmem>> -> memref<64xi32, #tpu.memory_space<vmem>>
    %dma_wait3A_32 = arith.constant 0 : i32
    %dma_wait3A_33 = arith.constant 0 : i32
    %dma_wait3A_34 = tpu.memref_slice %arg12[%dma_wait3A_32, %dma_wait3A_33] : memref<10240x128xf32, #tpu.memory_space<vmem_shared>> -> memref<10240x128xf32, #tpu.memory_space<vmem_shared>>
    tpu.wait_indirect_dma semaphore(%arg17 : memref<!tpu.dma_semaphore, #tpu.memory_space<semaphore_mem>>) src(%dma_wait3A_28 : memref<64x128xf32, #tpu.memory_space<vmem>>) dst(%dma_wait3A_34 : memref<10240x128xf32, #tpu.memory_space<vmem_shared>>)
    %dma_wait3A_35 = arith.constant 2 : i32
    %dma_wait3A_36 = arith.constant 2 : i32
    %dma_wait3A_37 = arith.constant 0 : i32
    %dma_wait3A_38 = arith.constant 0 : i32
    %dma_wait3A_39 = tpu.memref_slice %arg9[%dma_wait3A_35, %dma_wait3A_37, %dma_wait3A_38] : memref<3x64x128xf32, #tpu.memory_space<vmem>> -> memref<1x64x128xf32, #tpu.memory_space<vmem>>
    %dma_wait3A_40 = tpu.memref_squeeze %dma_wait3A_39 : memref<1x64x128xf32, #tpu.memory_space<vmem>> -> memref<64x128xf32, #tpu.memory_space<vmem>>
    %dma_wait3A_41 = arith.constant 0 : i32
    %dma_wait3A_42 = tpu.memref_slice %arg8[%dma_wait3A_36, %dma_wait3A_41] : memref<3x64xi32, #tpu.memory_space<vmem>> -> memref<1x64xi32, #tpu.memory_space<vmem>>
    %dma_wait3A_43 = tpu.memref_squeeze %dma_wait3A_42 : memref<1x64xi32, #tpu.memory_space<vmem>> -> memref<64xi32, #tpu.memory_space<vmem>>
    %dma_wait3A_44 = arith.constant 0 : i32
    %dma_wait3A_45 = arith.constant 0 : i32
    %dma_wait3A_46 = tpu.memref_slice %arg12[%dma_wait3A_44, %dma_wait3A_45] : memref<10240x128xf32, #tpu.memory_space<vmem_shared>> -> memref<10240x128xf32, #tpu.memory_space<vmem_shared>>
    tpu.wait_indirect_dma semaphore(%arg18 : memref<!tpu.dma_semaphore, #tpu.memory_space<semaphore_mem>>) src(%dma_wait3A_40 : memref<64x128xf32, #tpu.memory_space<vmem>>) dst(%dma_wait3A_46 : memref<10240x128xf32, #tpu.memory_space<vmem_shared>>)
    %get3A = arith.constant 9984 : index
    %get3A_47 = tpu.vector_load %arg7[%get3A] {strides = array<i32>} : memref<10000xi32, #tpu.memory_space<vmem>>, vector<16xi32>,
    %get3A_48 = vector.shape_cast %get3A_47 : vector<16xi32> to vector<16xi32>
    %swap3A = arith.constant 0 : index
    %swap3A_49 = tpu.vector_load %arg10[%swap3A] {strides = array<i32>} : memref<16xi32, #tpu.memory_space<vmem>>, vector<16xi32>,
    %swap3A_50 = vector.shape_cast %swap3A_49 : vector<16xi32> to vector<16xi32>
    %swap3A_51 = vector.shape_cast %get3A_48 : vector<16xi32> to vector<16xi32>
    tpu.vector_store %arg10[%swap3A], %swap3A_51 {strides = array<i32>} : memref<16xi32, #tpu.memory_space<vmem>>, vector<16xi32>,
    %dma_start3A = arith.constant 9984 : i32
    %dma_start3A_52 = tpu.memref_slice %arg6[%dma_start3A] : memref<10000xi32, #tpu.memory_space<vmem>> -> memref<16xi32, #tpu.memory_space<vmem>>
    %dma_start3A_53 = arith.constant 0 : i32
    %dma_start3A_54 = arith.constant 0 : i32
    %dma_start3A_55 = tpu.memref_slice %arg2[%dma_start3A_53, %dma_start3A_54] : memref<10240x128xf32, #tpu.memory_space<hbm>> -> memref<10240x128xf32, #tpu.memory_space<hbm>>
    tpu.enqueue_indirect_dma source(%dma_start3A_55 : memref<10240x128xf32, #tpu.memory_space<hbm>>) target(%arg11 : memref<16x128xf32, #tpu.memory_space<vmem>>) offsets(%dma_start3A_52 : memref<16xi32, #tpu.memory_space<vmem>>) semaphore(%arg13 : memref<!tpu.dma_semaphore, #tpu.memory_space<semaphore_mem>>)
    %dma_wait3A_56 = arith.constant 9984 : i32
    %dma_wait3A_57 = tpu.memref_slice %arg6[%dma_wait3A_56] : memref<10000xi32, #tpu.memory_space<vmem>> -> memref<16xi32, #tpu.memory_space<vmem>>
    %dma_wait3A_58 = arith.constant 0 : i32
    %dma_wait3A_59 = arith.constant 0 : i32
    %dma_wait3A_60 = tpu.memref_slice %arg2[%dma_wait3A_58, %dma_wait3A_59] : memref<10240x128xf32, #tpu.memory_space<hbm>> -> memref<10240x128xf32, #tpu.memory_space<hbm>>
    tpu.wait_indirect_dma semaphore(%arg13 : memref<!tpu.dma_semaphore, #tpu.memory_space<semaphore_mem>>) src(%dma_wait3A_60 : memref<10240x128xf32, #tpu.memory_space<hbm>>) dst(%arg11 : memref<16x128xf32, #tpu.memory_space<vmem>>)
    "tpu.region"() ({
      %run_scoped3A = tpu.sem_alloc : memref<!tpu.dma_semaphore, #tpu.memory_space<semaphore_mem>>
      %dma_start3A_69 = arith.constant 0 : i32
      %dma_start3A_70 = arith.constant 0 : i32
      %dma_start3A_71 = tpu.memref_slice %arg12[%dma_start3A_69, %dma_start3A_70] : memref<10240x128xf32, #tpu.memory_space<vmem_shared>> -> memref<10240x128xf32, #tpu.memory_space<vmem_shared>>
      tpu.enqueue_indirect_dma source(%arg11 : memref<16x128xf32, #tpu.memory_space<vmem>>) target(%dma_start3A_71 : memref<10240x128xf32, #tpu.memory_space<vmem_shared>>) offsets(%arg10 : memref<16xi32, #tpu.memory_space<vmem>>) semaphore(%run_scoped3A : memref<!tpu.dma_semaphore, #tpu.memory_space<semaphore_mem>>) {add = true}
      %dma_wait3A_72 = arith.constant 0 : i32
      %dma_wait3A_73 = arith.constant 0 : i32
      %dma_wait3A_74 = tpu.memref_slice %arg12[%dma_wait3A_72, %dma_wait3A_73] : memref<10240x128xf32, #tpu.memory_space<vmem_shared>> -> memref<10240x128xf32, #tpu.memory_space<vmem_shared>>
      tpu.wait_indirect_dma semaphore(%run_scoped3A : memref<!tpu.dma_semaphore, #tpu.memory_space<semaphore_mem>>) src(%arg11 : memref<16x128xf32, #tpu.memory_space<vmem>>) dst(%dma_wait3A_74 : memref<10240x128xf32, #tpu.memory_space<vmem_shared>>)
      tpu.yield
    }) : () -> ()
    %barrier3A_61 = arith.constant 0 : index
    tpu.barrier barrier_id(%barrier3A_61)
    %mul3A_62 = arith.constant 640 : i32
    %mul3A_63 = arith.muli %arg1, %mul3A_62 : i32
    %mul3A_64 = arith.constant 10240 : i32
    %mul3A_65 = arith.muli %arg0, %mul3A_64 : i32
    %mul3A_66 = arith.constant 640 : i32
    %mul3A_67 = arith.muli %arg1, %mul3A_66 : i32
    %add3A_68 = arith.addi %mul3A_65, %mul3A_67 : i32
    "tpu.region"() ({
      %run_scoped3A = tpu.sem_alloc : memref<!tpu.dma_semaphore, #tpu.memory_space<semaphore_mem>>
      %dma_start3A_69 = arith.constant 0 : i32
      %dma_start3A_70 = tpu.memref_slice %arg5[%add3A_68, %dma_start3A_69] : memref<20480x128xf32, #tpu.memory_space<hbm>> -> memref<640x128xf32, #tpu.memory_space<hbm>>
      %dma_start3A_71 = arith.constant 0 : i32
      %dma_start3A_72 = tpu.memref_slice %arg12[%mul3A_63, %dma_start3A_71] : memref<10240x128xf32, #tpu.memory_space<vmem_shared>> -> memref<640x128xf32, #tpu.memory_space<vmem_shared>>
      tpu.enqueue_dma source(%dma_start3A_72 : memref<640x128xf32, #tpu.memory_space<vmem_shared>>) target(%dma_start3A_70 : memref<640x128xf32, #tpu.memory_space<hbm>>) target_semaphore(%run_scoped3A : memref<!tpu.dma_semaphore, #tpu.memory_space<semaphore_mem>>)
      %dma_wait3A_73 = arith.constant 0 : i32
      %dma_wait3A_74 = tpu.memref_slice %arg5[%add3A_68, %dma_wait3A_73] : memref<20480x128xf32, #tpu.memory_space<hbm>> -> memref<640x128xf32, #tpu.memory_space<hbm>>
      %dma_wait3A_75 = arith.constant 0 : i32
      %dma_wait3A_76 = tpu.memref_slice %arg12[%mul3A_63, %dma_wait3A_75] : memref<10240x128xf32, #tpu.memory_space<vmem_shared>> -> memref<640x128xf32, #tpu.memory_space<vmem_shared>>
      tpu.wait_dma2 semaphore(%run_scoped3A : memref<!tpu.dma_semaphore, #tpu.memory_space<semaphore_mem>>) src(%dma_wait3A_76 : memref<640x128xf32, #tpu.memory_space<vmem_shared>>) dst(%dma_wait3A_74 : memref<640x128xf32, #tpu.memory_space<hbm>>)
      tpu.yield
    }) : () -> ()
    return
  }
}

#map = affine_map<(d0, d1) -> (0, 0)>
#map1 = affine_map<(d0, d1) -> (0)>
module attributes {stable_mosaic.version = 14 : i64} {
  func.func @_sc_edge_body(%arg0: i32, %arg1: i32, %arg2: memref<10240x128xf32, #tpu.memory_space<hbm>>, %arg3: memref<320000xi32, #tpu.memory_space<hbm>>, %arg4: memref<320000xi32, #tpu.memory_space<hbm>>, %arg5: memref<20480x128xf32, #tpu.memory_space<hbm>>, %arg6: memref<10000xi32, #tpu.memory_space<vmem>>, %arg7: memref<10000xi32, #tpu.memory_space<vmem>>, %arg8: memref<3x64xi32, #tpu.memory_space<vmem>>, %arg9: memref<3x64x128xf32, #tpu.memory_space<vmem>>, %arg10: memref<16xi32, #tpu.memory_space<vmem>>, %arg11: memref<16x128xf32, #tpu.memory_space<vmem>>, %arg12: memref<10240x128xf32, #tpu.memory_space<vmem_shared>>, %arg13: memref<!tpu.dma_semaphore, #tpu.memory_space<semaphore_mem>>, %arg14: memref<!tpu.dma_semaphore, #tpu.memory_space<semaphore_mem>>, %arg15: memref<!tpu.dma_semaphore, #tpu.memory_space<semaphore_mem>>, %arg16: memref<!tpu.dma_semaphore, #tpu.memory_space<semaphore_mem>>, %arg17: memref<!tpu.dma_semaphore, #tpu.memory_space<semaphore_mem>>, %arg18: memref<!tpu.dma_semaphore, #tpu.memory_space<semaphore_mem>>) attributes {dimension_semantics = [#tpu.dimension_semantics<core_parallel>, #tpu.dimension_semantics<subcore_parallel>], iteration_bounds = array<i64: 2, 16>, scalar_prefetch = 0 : i64, scratch_operands = 13 : i64, tpu.core_type = #tpu.core_type<sc_vector_subcore>, window_params = [{transform_indices = #map}, {transform_indices = #map1}, {transform_indices = #map1}, {transform_indices = #map}]} {
    %mul3A = arith.constant 640 : i32
    %mul3A_0 = arith.muli %arg1, %mul3A : i32
    %mul3A_1 = arith.constant 640 : i32
    %mul3A_2 = arith.muli %arg1, %mul3A_1 : i32
    "tpu.region"() ({
      %run_scoped3A = tpu.sem_alloc : memref<!tpu.dma_semaphore, #tpu.memory_space<semaphore_mem>>
      %dma_start3A_69 = arith.constant 0 : i32
      %dma_start3A_70 = tpu.memref_slice %arg12[%mul3A_2, %dma_start3A_69] : memref<10240x128xf32, #tpu.memory_space<vmem_shared>> -> memref<640x128xf32, #tpu.memory_space<vmem_shared>>
      %dma_start3A_71 = arith.constant 0 : i32
      %dma_start3A_72 = tpu.memref_slice %arg2[%mul3A_0, %dma_start3A_71] : memref<10240x128xf32, #tpu.memory_space<hbm>> -> memref<640x128xf32, #tpu.memory_space<hbm>>
      tpu.enqueue_dma source(%dma_start3A_72 : memref<640x128xf32, #tpu.memory_space<hbm>>) target(%dma_start3A_70 : memref<640x128xf32, #tpu.memory_space<vmem_shared>>) target_semaphore(%run_scoped3A : memref<!tpu.dma_semaphore, #tpu.memory_space<semaphore_mem>>)
      %dma_wait3A_73 = arith.constant 0 : i32
      %dma_wait3A_74 = tpu.memref_slice %arg12[%mul3A_2, %dma_wait3A_73] : memref<10240x128xf32, #tpu.memory_space<vmem_shared>> -> memref<640x128xf32, #tpu.memory_space<vmem_shared>>
      %dma_wait3A_75 = arith.constant 0 : i32
      %dma_wait3A_76 = tpu.memref_slice %arg2[%mul3A_0, %dma_wait3A_75] : memref<10240x128xf32, #tpu.memory_space<hbm>> -> memref<640x128xf32, #tpu.memory_space<hbm>>
      tpu.wait_dma2 semaphore(%run_scoped3A : memref<!tpu.dma_semaphore, #tpu.memory_space<semaphore_mem>>) src(%dma_wait3A_76 : memref<640x128xf32, #tpu.memory_space<hbm>>) dst(%dma_wait3A_74 : memref<640x128xf32, #tpu.memory_space<vmem_shared>>)
      tpu.yield
    }) : () -> ()
    %mul3A_3 = arith.constant 16 : i32
    %mul3A_4 = arith.muli %arg0, %mul3A_3 : i32
    %add3A = arith.addi %mul3A_4, %arg1 : i32
    %mul3A_5 = arith.constant 10000 : i32
    %mul3A_6 = arith.muli %add3A, %mul3A_5 : i32
    "tpu.region"() ({
      %run_scoped3A = tpu.sem_alloc : memref<!tpu.dma_semaphore, #tpu.memory_space<semaphore_mem>>
      %dma_start3A_69 = tpu.memref_slice %arg3[%mul3A_6] : memref<320000xi32, #tpu.memory_space<hbm>> -> memref<10000xi32, #tpu.memory_space<hbm>>
      %dma_start3A_70 = tpu.memref_slice %arg3[%mul3A_6] : memref<320000xi32, #tpu.memory_space<hbm>> -> memref<10000xi32, #tpu.memory_space<hbm>>
      tpu.enqueue_dma source(%dma_start3A_70 : memref<10000xi32, #tpu.memory_space<hbm>>) target(%arg6 : memref<10000xi32, #tpu.memory_space<vmem>>) target_semaphore(%run_scoped3A : memref<!tpu.dma_semaphore, #tpu.memory_space<semaphore_mem>>)
      %dma_wait3A_71 = tpu.memref_slice %arg3[%mul3A_6] : memref<320000xi32, #tpu.memory_space<hbm>> -> memref<10000xi32, #tpu.memory_space<hbm>>
      %dma_wait3A_72 = tpu.memref_slice %arg3[%mul3A_6] : memref<320000xi32, #tpu.memory_space<hbm>> -> memref<10000xi32, #tpu.memory_space<hbm>>
      tpu.wait_dma2 semaphore(%run_scoped3A : memref<!tpu.dma_semaphore, #tpu.memory_space<semaphore_mem>>) src(%dma_wait3A_72 : memref<10000xi32, #tpu.memory_space<hbm>>) dst(%arg6 : memref<10000xi32, #tpu.memory_space<vmem>>)
      tpu.yield
    }) : () -> ()
    "tpu.region"() ({
      %run_scoped3A = tpu.sem_alloc : memref<!tpu.dma_semaphore, #tpu.memory_space<semaphore_mem>>
      %dma_start3A_69 = tpu.memref_slice %arg4[%mul3A_6] : memref<320000xi32, #tpu.memory_space<hbm>> -> memref<10000xi32, #tpu.memory_space<hbm>>
      %dma_start3A_70 = tpu.memref_slice %arg4[%mul3A_6] : memref<320000xi32, #tpu.memory_space<hbm>> -> memref<10000xi32, #tpu.memory_space<hbm>>
      tpu.enqueue_dma source(%dma_start3A_70 : memref<10000xi32, #tpu.memory_space<hbm>>) target(%arg7 : memref<10000xi32, #tpu.memory_space<vmem>>) target_semaphore(%run_scoped3A : memref<!tpu.dma_semaphore, #tpu.memory_space<semaphore_mem>>)
      %dma_wait3A_71 = tpu.memref_slice %arg4[%mul3A_6] : memref<320000xi32, #tpu.memory_space<hbm>> -> memref<10000xi32, #tpu.memory_space<hbm>>
      %dma_wait3A_72 = tpu.memref_slice %arg4[%mul3A_6] : memref<320000xi32, #tpu.memory_space<hbm>> -> memref<10000xi32, #tpu.memory_space<hbm>>
      tpu.wait_dma2 semaphore(%run_scoped3A : memref<!tpu.dma_semaphore, #tpu.memory_space<semaphore_mem>>) src(%dma_wait3A_72 : memref<10000xi32, #tpu.memory_space<hbm>>) dst(%arg7 : memref<10000xi32, #tpu.memory_space<vmem>>)
      tpu.yield
    }) : () -> ()
    %barrier3A = arith.constant 0 : index
    tpu.barrier barrier_id(%barrier3A)
    %scan3A = arith.constant 0 : i32
    %scan3A_7 = arith.constant 0 : i32
    %scan3A_8 = arith.constant 52 : i32
    %scan3A_9 = arith.addi %scan3A_7, %scan3A_8 : i32
    %scan3A_10 = arith.constant 1 : i32
    scf.for %scan3A_69 = %scan3A_7 to %scan3A_9 step %scan3A_10  : i32 {
      %gt3A = arith.constant 0 : i32
      %gt3A_70 = arith.cmpi sgt, %scan3A_69, %gt3A : i32
      %convert_element_type3A = arith.extui %gt3A_70 : i1 to i32
      %cond3A = arith.constant 0 : i32
      %cond3A_71 = arith.cmpi ne, %convert_element_type3A, %cond3A : i32
      scf.if %cond3A_71 {
        %dma_wait3A_346 = arith.constant 0 : i32
        %dma_wait3A_347 = arith.constant 0 : i32
        %dma_wait3A_348 = arith.constant 0 : i32
        %dma_wait3A_349 = arith.constant 0 : i32
        %dma_wait3A_350 = tpu.memref_slice %arg9[%dma_wait3A_346, %dma_wait3A_348, %dma_wait3A_349] : memref<3x64x128xf32, #tpu.memory_space<vmem>> -> memref<1x64x128xf32, #tpu.memory_space<vmem>>
        %dma_wait3A_351 = tpu.memref_squeeze %dma_wait3A_350 : memref<1x64x128xf32, #tpu.memory_space<vmem>> -> memref<64x128xf32, #tpu.memory_space<vmem>>
        %dma_wait3A_352 = arith.constant 0 : i32
        %dma_wait3A_353 = tpu.memref_slice %arg8[%dma_wait3A_347, %dma_wait3A_352] : memref<3x64xi32, #tpu.memory_space<vmem>> -> memref<1x64xi32, #tpu.memory_space<vmem>>
        %dma_wait3A_354 = tpu.memref_squeeze %dma_wait3A_353 : memref<1x64xi32, #tpu.memory_space<vmem>> -> memref<64xi32, #tpu.memory_space<vmem>>
        %dma_wait3A_355 = arith.constant 0 : i32
        %dma_wait3A_356 = arith.constant 0 : i32
        %dma_wait3A_357 = tpu.memref_slice %arg12[%dma_wait3A_355, %dma_wait3A_356] : memref<10240x128xf32, #tpu.memory_space<vmem_shared>> -> memref<10240x128xf32, #tpu.memory_space<vmem_shared>>
        tpu.wait_indirect_dma semaphore(%arg16 : memref<!tpu.dma_semaphore, #tpu.memory_space<semaphore_mem>>) src(%dma_wait3A_351 : memref<64x128xf32, #tpu.memory_space<vmem>>) dst(%dma_wait3A_357 : memref<10240x128xf32, #tpu.memory_space<vmem_shared>>)
      } else {
      }
      %mul3A_72 = arith.constant 3 : i32
      %mul3A_73 = arith.muli %scan3A_69, %mul3A_72 : i32
      %add3A_74 = arith.constant 0 : i32
      %add3A_75 = arith.addi %mul3A_73, %add3A_74 : i32
      %mul3A_76 = arith.constant 64 : i32
      %mul3A_77 = arith.muli %add3A_75, %mul3A_76 : i32
      %add3A_78 = arith.constant 0 : i32
      %add3A_79 = arith.addi %mul3A_77, %add3A_78 : i32
      %get3A_80 = arith.index_cast %add3A_79 : i32 to index
      %get3A_81 = tpu.vector_load %arg7[%get3A_80] {strides = array<i32>} : memref<10000xi32, #tpu.memory_space<vmem>>, vector<16xi32>,
      %get3A_82 = vector.shape_cast %get3A_81 : vector<16xi32> to vector<16xi32>
      %swap3A_83 = arith.constant 0 : i32
      %swap3A_84 = arith.index_cast %swap3A_83 : i32 to index
      %swap3A_85 = arith.constant 0 : index
      %swap3A_86 = tpu.vector_load %arg8[%swap3A_84, %swap3A_85] {strides = array<i32>} : memref<3x64xi32, #tpu.memory_space<vmem>>, vector<1x16xi32>,
      %swap3A_87 = vector.shape_cast %swap3A_86 : vector<1x16xi32> to vector<16xi32>
      %swap3A_88 = vector.shape_cast %get3A_82 : vector<16xi32> to vector<1x16xi32>
      tpu.vector_store %arg8[%swap3A_84, %swap3A_85], %swap3A_88 {strides = array<i32>} : memref<3x64xi32, #tpu.memory_space<vmem>>, vector<1x16xi32>,
      %mul3A_89 = arith.constant 64 : i32
      %mul3A_90 = arith.muli %add3A_75, %mul3A_89 : i32
      %add3A_91 = arith.constant 16 : i32
      %add3A_92 = arith.addi %mul3A_90, %add3A_91 : i32
      %get3A_93 = arith.index_cast %add3A_92 : i32 to index
      %get3A_94 = tpu.vector_load %arg7[%get3A_93] {strides = array<i32>} : memref<10000xi32, #tpu.memory_space<vmem>>, vector<16xi32>,
      %get3A_95 = vector.shape_cast %get3A_94 : vector<16xi32> to vector<16xi32>
      %swap3A_96 = arith.constant 0 : i32
      %swap3A_97 = arith.index_cast %swap3A_96 : i32 to index
      %swap3A_98 = arith.constant 16 : index
      %swap3A_99 = tpu.vector_load %arg8[%swap3A_97, %swap3A_98] {strides = array<i32>} : memref<3x64xi32, #tpu.memory_space<vmem>>, vector<1x16xi32>,
      %swap3A_100 = vector.shape_cast %swap3A_99 : vector<1x16xi32> to vector<16xi32>
      %swap3A_101 = vector.shape_cast %get3A_95 : vector<16xi32> to vector<1x16xi32>
      tpu.vector_store %arg8[%swap3A_97, %swap3A_98], %swap3A_101 {strides = array<i32>} : memref<3x64xi32, #tpu.memory_space<vmem>>, vector<1x16xi32>,
      %mul3A_102 = arith.constant 64 : i32
      %mul3A_103 = arith.muli %add3A_75, %mul3A_102 : i32
      %add3A_104 = arith.constant 32 : i32
      %add3A_105 = arith.addi %mul3A_103, %add3A_104 : i32
      %get3A_106 = arith.index_cast %add3A_105 : i32 to index
      %get3A_107 = tpu.vector_load %arg7[%get3A_106] {strides = array<i32>} : memref<10000xi32, #tpu.memory_space<vmem>>, vector<16xi32>,
      %get3A_108 = vector.shape_cast %get3A_107 : vector<16xi32> to vector<16xi32>
      %swap3A_109 = arith.constant 0 : i32
      %swap3A_110 = arith.index_cast %swap3A_109 : i32 to index
      %swap3A_111 = arith.constant 32 : index
      %swap3A_112 = tpu.vector_load %arg8[%swap3A_110, %swap3A_111] {strides = array<i32>} : memref<3x64xi32, #tpu.memory_space<vmem>>, vector<1x16xi32>,
      %swap3A_113 = vector.shape_cast %swap3A_112 : vector<1x16xi32> to vector<16xi32>
      %swap3A_114 = vector.shape_cast %get3A_108 : vector<16xi32> to vector<1x16xi32>
      tpu.vector_store %arg8[%swap3A_110, %swap3A_111], %swap3A_114 {strides = array<i32>} : memref<3x64xi32, #tpu.memory_space<vmem>>, vector<1x16xi32>,
      %mul3A_115 = arith.constant 64 : i32
      %mul3A_116 = arith.muli %add3A_75, %mul3A_115 : i32
      %add3A_117 = arith.constant 48 : i32
      %add3A_118 = arith.addi %mul3A_116, %add3A_117 : i32
      %get3A_119 = arith.index_cast %add3A_118 : i32 to index
      %get3A_120 = tpu.vector_load %arg7[%get3A_119] {strides = array<i32>} : memref<10000xi32, #tpu.memory_space<vmem>>, vector<16xi32>,
      %get3A_121 = vector.shape_cast %get3A_120 : vector<16xi32> to vector<16xi32>
      %swap3A_122 = arith.constant 0 : i32
      %swap3A_123 = arith.index_cast %swap3A_122 : i32 to index
      %swap3A_124 = arith.constant 48 : index
      %swap3A_125 = tpu.vector_load %arg8[%swap3A_123, %swap3A_124] {strides = array<i32>} : memref<3x64xi32, #tpu.memory_space<vmem>>, vector<1x16xi32>,
      %swap3A_126 = vector.shape_cast %swap3A_125 : vector<1x16xi32> to vector<16xi32>
      %swap3A_127 = vector.shape_cast %get3A_121 : vector<16xi32> to vector<1x16xi32>
      tpu.vector_store %arg8[%swap3A_123, %swap3A_124], %swap3A_127 {strides = array<i32>} : memref<3x64xi32, #tpu.memory_space<vmem>>, vector<1x16xi32>,
      %mul3A_128 = arith.constant 64 : i32
      %mul3A_129 = arith.muli %add3A_75, %mul3A_128 : i32
      %dma_start3A_130 = arith.constant 0 : i32
      %dma_start3A_131 = arith.constant 0 : i32
      %dma_start3A_132 = arith.constant 0 : i32
      %dma_start3A_133 = tpu.memref_slice %arg9[%dma_start3A_130, %dma_start3A_131, %dma_start3A_132] : memref<3x64x128xf32, #tpu.memory_space<vmem>> -> memref<1x64x128xf32, #tpu.memory_space<vmem>>
      %dma_start3A_134 = tpu.memref_squeeze %dma_start3A_133 : memref<1x64x128xf32, #tpu.memory_space<vmem>> -> memref<64x128xf32, #tpu.memory_space<vmem>>
      %dma_start3A_135 = tpu.memref_slice %arg6[%mul3A_129] : memref<10000xi32, #tpu.memory_space<vmem>> -> memref<64xi32, #tpu.memory_space<vmem>>
      %dma_start3A_136 = arith.constant 0 : i32
      %dma_start3A_137 = arith.constant 0 : i32
      %dma_start3A_138 = tpu.memref_slice %arg2[%dma_start3A_136, %dma_start3A_137] : memref<10240x128xf32, #tpu.memory_space<hbm>> -> memref<10240x128xf32, #tpu.memory_space<hbm>>
      tpu.enqueue_indirect_dma source(%dma_start3A_138 : memref<10240x128xf32, #tpu.memory_space<hbm>>) target(%dma_start3A_134 : memref<64x128xf32, #tpu.memory_space<vmem>>) offsets(%dma_start3A_135 : memref<64xi32, #tpu.memory_space<vmem>>) semaphore(%arg13 : memref<!tpu.dma_semaphore, #tpu.memory_space<semaphore_mem>>)
      %gt3A_139 = arith.constant 0 : i32
      %gt3A_140 = arith.cmpi sgt, %scan3A_69, %gt3A_139 : i32
      %convert_element_type3A_141 = arith.extui %gt3A_140 : i1 to i32
      %cond3A_142 = arith.constant 0 : i32
      %cond3A_143 = arith.cmpi ne, %convert_element_type3A_141, %cond3A_142 : i32
      scf.if %cond3A_143 {
        %dma_wait3A_346 = arith.constant 1 : i32
        %dma_wait3A_347 = arith.constant 1 : i32
        %dma_wait3A_348 = arith.constant 0 : i32
        %dma_wait3A_349 = arith.constant 0 : i32
        %dma_wait3A_350 = tpu.memref_slice %arg9[%dma_wait3A_346, %dma_wait3A_348, %dma_wait3A_349] : memref<3x64x128xf32, #tpu.memory_space<vmem>> -> memref<1x64x128xf32, #tpu.memory_space<vmem>>
        %dma_wait3A_351 = tpu.memref_squeeze %dma_wait3A_350 : memref<1x64x128xf32, #tpu.memory_space<vmem>> -> memref<64x128xf32, #tpu.memory_space<vmem>>
        %dma_wait3A_352 = arith.constant 0 : i32
        %dma_wait3A_353 = tpu.memref_slice %arg8[%dma_wait3A_347, %dma_wait3A_352] : memref<3x64xi32, #tpu.memory_space<vmem>> -> memref<1x64xi32, #tpu.memory_space<vmem>>
        %dma_wait3A_354 = tpu.memref_squeeze %dma_wait3A_353 : memref<1x64xi32, #tpu.memory_space<vmem>> -> memref<64xi32, #tpu.memory_space<vmem>>
        %dma_wait3A_355 = arith.constant 0 : i32
        %dma_wait3A_356 = arith.constant 0 : i32
        %dma_wait3A_357 = tpu.memref_slice %arg12[%dma_wait3A_355, %dma_wait3A_356] : memref<10240x128xf32, #tpu.memory_space<vmem_shared>> -> memref<10240x128xf32, #tpu.memory_space<vmem_shared>>
        tpu.wait_indirect_dma semaphore(%arg17 : memref<!tpu.dma_semaphore, #tpu.memory_space<semaphore_mem>>) src(%dma_wait3A_351 : memref<64x128xf32, #tpu.memory_space<vmem>>) dst(%dma_wait3A_357 : memref<10240x128xf32, #tpu.memory_space<vmem_shared>>)
      } else {
      }
      %mul3A_144 = arith.constant 3 : i32
      %mul3A_145 = arith.muli %scan3A_69, %mul3A_144 : i32
      %add3A_146 = arith.constant 1 : i32
      %add3A_147 = arith.addi %mul3A_145, %add3A_146 : i32
      %mul3A_148 = arith.constant 64 : i32
      %mul3A_149 = arith.muli %add3A_147, %mul3A_148 : i32
      %add3A_150 = arith.constant 0 : i32
      %add3A_151 = arith.addi %mul3A_149, %add3A_150 : i32
      %get3A_152 = arith.index_cast %add3A_151 : i32 to index
      %get3A_153 = tpu.vector_load %arg7[%get3A_152] {strides = array<i32>} : memref<10000xi32, #tpu.memory_space<vmem>>, vector<16xi32>,
      %get3A_154 = vector.shape_cast %get3A_153 : vector<16xi32> to vector<16xi32>
      %swap3A_155 = arith.constant 1 : i32
      %swap3A_156 = arith.index_cast %swap3A_155 : i32 to index
      %swap3A_157 = arith.constant 0 : index
      %swap3A_158 = tpu.vector_load %arg8[%swap3A_156, %swap3A_157] {strides = array<i32>} : memref<3x64xi32, #tpu.memory_space<vmem>>, vector<1x16xi32>,
      %swap3A_159 = vector.shape_cast %swap3A_158 : vector<1x16xi32> to vector<16xi32>
      %swap3A_160 = vector.shape_cast %get3A_154 : vector<16xi32> to vector<1x16xi32>
      tpu.vector_store %arg8[%swap3A_156, %swap3A_157], %swap3A_160 {strides = array<i32>} : memref<3x64xi32, #tpu.memory_space<vmem>>, vector<1x16xi32>,
      %mul3A_161 = arith.constant 64 : i32
      %mul3A_162 = arith.muli %add3A_147, %mul3A_161 : i32
      %add3A_163 = arith.constant 16 : i32
      %add3A_164 = arith.addi %mul3A_162, %add3A_163 : i32
      %get3A_165 = arith.index_cast %add3A_164 : i32 to index
      %get3A_166 = tpu.vector_load %arg7[%get3A_165] {strides = array<i32>} : memref<10000xi32, #tpu.memory_space<vmem>>, vector<16xi32>,
      %get3A_167 = vector.shape_cast %get3A_166 : vector<16xi32> to vector<16xi32>
      %swap3A_168 = arith.constant 1 : i32
      %swap3A_169 = arith.index_cast %swap3A_168 : i32 to index
      %swap3A_170 = arith.constant 16 : index
      %swap3A_171 = tpu.vector_load %arg8[%swap3A_169, %swap3A_170] {strides = array<i32>} : memref<3x64xi32, #tpu.memory_space<vmem>>, vector<1x16xi32>,
      %swap3A_172 = vector.shape_cast %swap3A_171 : vector<1x16xi32> to vector<16xi32>
      %swap3A_173 = vector.shape_cast %get3A_167 : vector<16xi32> to vector<1x16xi32>
      tpu.vector_store %arg8[%swap3A_169, %swap3A_170], %swap3A_173 {strides = array<i32>} : memref<3x64xi32, #tpu.memory_space<vmem>>, vector<1x16xi32>,
      %mul3A_174 = arith.constant 64 : i32
      %mul3A_175 = arith.muli %add3A_147, %mul3A_174 : i32
      %add3A_176 = arith.constant 32 : i32
      %add3A_177 = arith.addi %mul3A_175, %add3A_176 : i32
      %get3A_178 = arith.index_cast %add3A_177 : i32 to index
      %get3A_179 = tpu.vector_load %arg7[%get3A_178] {strides = array<i32>} : memref<10000xi32, #tpu.memory_space<vmem>>, vector<16xi32>,
      %get3A_180 = vector.shape_cast %get3A_179 : vector<16xi32> to vector<16xi32>
      %swap3A_181 = arith.constant 1 : i32
      %swap3A_182 = arith.index_cast %swap3A_181 : i32 to index
      %swap3A_183 = arith.constant 32 : index
      %swap3A_184 = tpu.vector_load %arg8[%swap3A_182, %swap3A_183] {strides = array<i32>} : memref<3x64xi32, #tpu.memory_space<vmem>>, vector<1x16xi32>,
      %swap3A_185 = vector.shape_cast %swap3A_184 : vector<1x16xi32> to vector<16xi32>
      %swap3A_186 = vector.shape_cast %get3A_180 : vector<16xi32> to vector<1x16xi32>
      tpu.vector_store %arg8[%swap3A_182, %swap3A_183], %swap3A_186 {strides = array<i32>} : memref<3x64xi32, #tpu.memory_space<vmem>>, vector<1x16xi32>,
      %mul3A_187 = arith.constant 64 : i32
      %mul3A_188 = arith.muli %add3A_147, %mul3A_187 : i32
      %add3A_189 = arith.constant 48 : i32
      %add3A_190 = arith.addi %mul3A_188, %add3A_189 : i32
      %get3A_191 = arith.index_cast %add3A_190 : i32 to index
      %get3A_192 = tpu.vector_load %arg7[%get3A_191] {strides = array<i32>} : memref<10000xi32, #tpu.memory_space<vmem>>, vector<16xi32>,
      %get3A_193 = vector.shape_cast %get3A_192 : vector<16xi32> to vector<16xi32>
      %swap3A_194 = arith.constant 1 : i32
      %swap3A_195 = arith.index_cast %swap3A_194 : i32 to index
      %swap3A_196 = arith.constant 48 : index
      %swap3A_197 = tpu.vector_load %arg8[%swap3A_195, %swap3A_196] {strides = array<i32>} : memref<3x64xi32, #tpu.memory_space<vmem>>, vector<1x16xi32>,
      %swap3A_198 = vector.shape_cast %swap3A_197 : vector<1x16xi32> to vector<16xi32>
      %swap3A_199 = vector.shape_cast %get3A_193 : vector<16xi32> to vector<1x16xi32>
      tpu.vector_store %arg8[%swap3A_195, %swap3A_196], %swap3A_199 {strides = array<i32>} : memref<3x64xi32, #tpu.memory_space<vmem>>, vector<1x16xi32>,
      %mul3A_200 = arith.constant 64 : i32
      %mul3A_201 = arith.muli %add3A_147, %mul3A_200 : i32
      %dma_start3A_202 = arith.constant 1 : i32
      %dma_start3A_203 = arith.constant 0 : i32
      %dma_start3A_204 = arith.constant 0 : i32
      %dma_start3A_205 = tpu.memref_slice %arg9[%dma_start3A_202, %dma_start3A_203, %dma_start3A_204] : memref<3x64x128xf32, #tpu.memory_space<vmem>> -> memref<1x64x128xf32, #tpu.memory_space<vmem>>
      %dma_start3A_206 = tpu.memref_squeeze %dma_start3A_205 : memref<1x64x128xf32, #tpu.memory_space<vmem>> -> memref<64x128xf32, #tpu.memory_space<vmem>>
      %dma_start3A_207 = tpu.memref_slice %arg6[%mul3A_201] : memref<10000xi32, #tpu.memory_space<vmem>> -> memref<64xi32, #tpu.memory_space<vmem>>
      %dma_start3A_208 = arith.constant 0 : i32
      %dma_start3A_209 = arith.constant 0 : i32
      %dma_start3A_210 = tpu.memref_slice %arg2[%dma_start3A_208, %dma_start3A_209] : memref<10240x128xf32, #tpu.memory_space<hbm>> -> memref<10240x128xf32, #tpu.memory_space<hbm>>
      tpu.enqueue_indirect_dma source(%dma_start3A_210 : memref<10240x128xf32, #tpu.memory_space<hbm>>) target(%dma_start3A_206 : memref<64x128xf32, #tpu.memory_space<vmem>>) offsets(%dma_start3A_207 : memref<64xi32, #tpu.memory_space<vmem>>) semaphore(%arg14 : memref<!tpu.dma_semaphore, #tpu.memory_space<semaphore_mem>>)
      %gt3A_211 = arith.constant 0 : i32
      %gt3A_212 = arith.cmpi sgt, %scan3A_69, %gt3A_211 : i32
      %convert_element_type3A_213 = arith.extui %gt3A_212 : i1 to i32
      %cond3A_214 = arith.constant 0 : i32
      %cond3A_215 = arith.cmpi ne, %convert_element_type3A_213, %cond3A_214 : i32
      scf.if %cond3A_215 {
        %dma_wait3A_346 = arith.constant 2 : i32
        %dma_wait3A_347 = arith.constant 2 : i32
        %dma_wait3A_348 = arith.constant 0 : i32
        %dma_wait3A_349 = arith.constant 0 : i32
        %dma_wait3A_350 = tpu.memref_slice %arg9[%dma_wait3A_346, %dma_wait3A_348, %dma_wait3A_349] : memref<3x64x128xf32, #tpu.memory_space<vmem>> -> memref<1x64x128xf32, #tpu.memory_space<vmem>>
        %dma_wait3A_351 = tpu.memref_squeeze %dma_wait3A_350 : memref<1x64x128xf32, #tpu.memory_space<vmem>> -> memref<64x128xf32, #tpu.memory_space<vmem>>
        %dma_wait3A_352 = arith.constant 0 : i32
        %dma_wait3A_353 = tpu.memref_slice %arg8[%dma_wait3A_347, %dma_wait3A_352] : memref<3x64xi32, #tpu.memory_space<vmem>> -> memref<1x64xi32, #tpu.memory_space<vmem>>
        %dma_wait3A_354 = tpu.memref_squeeze %dma_wait3A_353 : memref<1x64xi32, #tpu.memory_space<vmem>> -> memref<64xi32, #tpu.memory_space<vmem>>
        %dma_wait3A_355 = arith.constant 0 : i32
        %dma_wait3A_356 = arith.constant 0 : i32
        %dma_wait3A_357 = tpu.memref_slice %arg12[%dma_wait3A_355, %dma_wait3A_356] : memref<10240x128xf32, #tpu.memory_space<vmem_shared>> -> memref<10240x128xf32, #tpu.memory_space<vmem_shared>>
        tpu.wait_indirect_dma semaphore(%arg18 : memref<!tpu.dma_semaphore, #tpu.memory_space<semaphore_mem>>) src(%dma_wait3A_351 : memref<64x128xf32, #tpu.memory_space<vmem>>) dst(%dma_wait3A_357 : memref<10240x128xf32, #tpu.memory_space<vmem_shared>>)
      } else {
      }
      %mul3A_216 = arith.constant 3 : i32
      %mul3A_217 = arith.muli %scan3A_69, %mul3A_216 : i32
      %add3A_218 = arith.constant 2 : i32
      %add3A_219 = arith.addi %mul3A_217, %add3A_218 : i32
      %mul3A_220 = arith.constant 64 : i32
      %mul3A_221 = arith.muli %add3A_219, %mul3A_220 : i32
      %add3A_222 = arith.constant 0 : i32
      %add3A_223 = arith.addi %mul3A_221, %add3A_222 : i32
      %get3A_224 = arith.index_cast %add3A_223 : i32 to index
      %get3A_225 = tpu.vector_load %arg7[%get3A_224] {strides = array<i32>} : memref<10000xi32, #tpu.memory_space<vmem>>, vector<16xi32>,
      %get3A_226 = vector.shape_cast %get3A_225 : vector<16xi32> to vector<16xi32>
      %swap3A_227 = arith.constant 2 : i32
      %swap3A_228 = arith.index_cast %swap3A_227 : i32 to index
      %swap3A_229 = arith.constant 0 : index
      %swap3A_230 = tpu.vector_load %arg8[%swap3A_228, %swap3A_229] {strides = array<i32>} : memref<3x64xi32, #tpu.memory_space<vmem>>, vector<1x16xi32>,
      %swap3A_231 = vector.shape_cast %swap3A_230 : vector<1x16xi32> to vector<16xi32>
      %swap3A_232 = vector.shape_cast %get3A_226 : vector<16xi32> to vector<1x16xi32>
      tpu.vector_store %arg8[%swap3A_228, %swap3A_229], %swap3A_232 {strides = array<i32>} : memref<3x64xi32, #tpu.memory_space<vmem>>, vector<1x16xi32>,
      %mul3A_233 = arith.constant 64 : i32
      %mul3A_234 = arith.muli %add3A_219, %mul3A_233 : i32
      %add3A_235 = arith.constant 16 : i32
      %add3A_236 = arith.addi %mul3A_234, %add3A_235 : i32
      %get3A_237 = arith.index_cast %add3A_236 : i32 to index
      %get3A_238 = tpu.vector_load %arg7[%get3A_237] {strides = array<i32>} : memref<10000xi32, #tpu.memory_space<vmem>>, vector<16xi32>,
      %get3A_239 = vector.shape_cast %get3A_238 : vector<16xi32> to vector<16xi32>
      %swap3A_240 = arith.constant 2 : i32
      %swap3A_241 = arith.index_cast %swap3A_240 : i32 to index
      %swap3A_242 = arith.constant 16 : index
      %swap3A_243 = tpu.vector_load %arg8[%swap3A_241, %swap3A_242] {strides = array<i32>} : memref<3x64xi32, #tpu.memory_space<vmem>>, vector<1x16xi32>,
      %swap3A_244 = vector.shape_cast %swap3A_243 : vector<1x16xi32> to vector<16xi32>
      %swap3A_245 = vector.shape_cast %get3A_239 : vector<16xi32> to vector<1x16xi32>
      tpu.vector_store %arg8[%swap3A_241, %swap3A_242], %swap3A_245 {strides = array<i32>} : memref<3x64xi32, #tpu.memory_space<vmem>>, vector<1x16xi32>,
      %mul3A_246 = arith.constant 64 : i32
      %mul3A_247 = arith.muli %add3A_219, %mul3A_246 : i32
      %add3A_248 = arith.constant 32 : i32
      %add3A_249 = arith.addi %mul3A_247, %add3A_248 : i32
      %get3A_250 = arith.index_cast %add3A_249 : i32 to index
      %get3A_251 = tpu.vector_load %arg7[%get3A_250] {strides = array<i32>} : memref<10000xi32, #tpu.memory_space<vmem>>, vector<16xi32>,
      %get3A_252 = vector.shape_cast %get3A_251 : vector<16xi32> to vector<16xi32>
      %swap3A_253 = arith.constant 2 : i32
      %swap3A_254 = arith.index_cast %swap3A_253 : i32 to index
      %swap3A_255 = arith.constant 32 : index
      %swap3A_256 = tpu.vector_load %arg8[%swap3A_254, %swap3A_255] {strides = array<i32>} : memref<3x64xi32, #tpu.memory_space<vmem>>, vector<1x16xi32>,
      %swap3A_257 = vector.shape_cast %swap3A_256 : vector<1x16xi32> to vector<16xi32>
      %swap3A_258 = vector.shape_cast %get3A_252 : vector<16xi32> to vector<1x16xi32>
      tpu.vector_store %arg8[%swap3A_254, %swap3A_255], %swap3A_258 {strides = array<i32>} : memref<3x64xi32, #tpu.memory_space<vmem>>, vector<1x16xi32>,
      %mul3A_259 = arith.constant 64 : i32
      %mul3A_260 = arith.muli %add3A_219, %mul3A_259 : i32
      %add3A_261 = arith.constant 48 : i32
      %add3A_262 = arith.addi %mul3A_260, %add3A_261 : i32
      %get3A_263 = arith.index_cast %add3A_262 : i32 to index
      %get3A_264 = tpu.vector_load %arg7[%get3A_263] {strides = array<i32>} : memref<10000xi32, #tpu.memory_space<vmem>>, vector<16xi32>,
      %get3A_265 = vector.shape_cast %get3A_264 : vector<16xi32> to vector<16xi32>
      %swap3A_266 = arith.constant 2 : i32
      %swap3A_267 = arith.index_cast %swap3A_266 : i32 to index
      %swap3A_268 = arith.constant 48 : index
      %swap3A_269 = tpu.vector_load %arg8[%swap3A_267, %swap3A_268] {strides = array<i32>} : memref<3x64xi32, #tpu.memory_space<vmem>>, vector<1x16xi32>,
      %swap3A_270 = vector.shape_cast %swap3A_269 : vector<1x16xi32> to vector<16xi32>
      %swap3A_271 = vector.shape_cast %get3A_265 : vector<16xi32> to vector<1x16xi32>
      tpu.vector_store %arg8[%swap3A_267, %swap3A_268], %swap3A_271 {strides = array<i32>} : memref<3x64xi32, #tpu.memory_space<vmem>>, vector<1x16xi32>,
      %mul3A_272 = arith.constant 64 : i32
      %mul3A_273 = arith.muli %add3A_219, %mul3A_272 : i32
      %dma_start3A_274 = arith.constant 2 : i32
      %dma_start3A_275 = arith.constant 0 : i32
      %dma_start3A_276 = arith.constant 0 : i32
      %dma_start3A_277 = tpu.memref_slice %arg9[%dma_start3A_274, %dma_start3A_275, %dma_start3A_276] : memref<3x64x128xf32, #tpu.memory_space<vmem>> -> memref<1x64x128xf32, #tpu.memory_space<vmem>>
      %dma_start3A_278 = tpu.memref_squeeze %dma_start3A_277 : memref<1x64x128xf32, #tpu.memory_space<vmem>> -> memref<64x128xf32, #tpu.memory_space<vmem>>
      %dma_start3A_279 = tpu.memref_slice %arg6[%mul3A_273] : memref<10000xi32, #tpu.memory_space<vmem>> -> memref<64xi32, #tpu.memory_space<vmem>>
      %dma_start3A_280 = arith.constant 0 : i32
      %dma_start3A_281 = arith.constant 0 : i32
      %dma_start3A_282 = tpu.memref_slice %arg2[%dma_start3A_280, %dma_start3A_281] : memref<10240x128xf32, #tpu.memory_space<hbm>> -> memref<10240x128xf32, #tpu.memory_space<hbm>>
      tpu.enqueue_indirect_dma source(%dma_start3A_282 : memref<10240x128xf32, #tpu.memory_space<hbm>>) target(%dma_start3A_278 : memref<64x128xf32, #tpu.memory_space<vmem>>) offsets(%dma_start3A_279 : memref<64xi32, #tpu.memory_space<vmem>>) semaphore(%arg15 : memref<!tpu.dma_semaphore, #tpu.memory_space<semaphore_mem>>)
      %dma_wait3A_283 = arith.constant 0 : i32
      %dma_wait3A_284 = arith.constant 0 : i32
      %dma_wait3A_285 = arith.constant 0 : i32
      %dma_wait3A_286 = tpu.memref_slice %arg9[%dma_wait3A_283, %dma_wait3A_284, %dma_wait3A_285] : memref<3x64x128xf32, #tpu.memory_space<vmem>> -> memref<1x64x128xf32, #tpu.memory_space<vmem>>
      %dma_wait3A_287 = tpu.memref_squeeze %dma_wait3A_286 : memref<1x64x128xf32, #tpu.memory_space<vmem>> -> memref<64x128xf32, #tpu.memory_space<vmem>>
      %dma_wait3A_288 = tpu.memref_slice %arg6[%mul3A_129] : memref<10000xi32, #tpu.memory_space<vmem>> -> memref<64xi32, #tpu.memory_space<vmem>>
      %dma_wait3A_289 = arith.constant 0 : i32
      %dma_wait3A_290 = arith.constant 0 : i32
      %dma_wait3A_291 = tpu.memref_slice %arg2[%dma_wait3A_289, %dma_wait3A_290] : memref<10240x128xf32, #tpu.memory_space<hbm>> -> memref<10240x128xf32, #tpu.memory_space<hbm>>
      tpu.wait_indirect_dma semaphore(%arg13 : memref<!tpu.dma_semaphore, #tpu.memory_space<semaphore_mem>>) src(%dma_wait3A_291 : memref<10240x128xf32, #tpu.memory_space<hbm>>) dst(%dma_wait3A_287 : memref<64x128xf32, #tpu.memory_space<vmem>>)
      %dma_start3A_292 = arith.constant 0 : i32
      %dma_start3A_293 = arith.constant 0 : i32
      %dma_start3A_294 = arith.constant 0 : i32
      %dma_start3A_295 = arith.constant 0 : i32
      %dma_start3A_296 = tpu.memref_slice %arg9[%dma_start3A_292, %dma_start3A_294, %dma_start3A_295] : memref<3x64x128xf32, #tpu.memory_space<vmem>> -> memref<1x64x128xf32, #tpu.memory_space<vmem>>
      %dma_start3A_297 = tpu.memref_squeeze %dma_start3A_296 : memref<1x64x128xf32, #tpu.memory_space<vmem>> -> memref<64x128xf32, #tpu.memory_space<vmem>>
      %dma_start3A_298 = arith.constant 0 : i32
      %dma_start3A_299 = tpu.memref_slice %arg8[%dma_start3A_293, %dma_start3A_298] : memref<3x64xi32, #tpu.memory_space<vmem>> -> memref<1x64xi32, #tpu.memory_space<vmem>>
      %dma_start3A_300 = tpu.memref_squeeze %dma_start3A_299 : memref<1x64xi32, #tpu.memory_space<vmem>> -> memref<64xi32, #tpu.memory_space<vmem>>
      %dma_start3A_301 = arith.constant 0 : i32
      %dma_start3A_302 = arith.constant 0 : i32
      %dma_start3A_303 = tpu.memref_slice %arg12[%dma_start3A_301, %dma_start3A_302] : memref<10240x128xf32, #tpu.memory_space<vmem_shared>> -> memref<10240x128xf32, #tpu.memory_space<vmem_shared>>
      tpu.enqueue_indirect_dma source(%dma_start3A_297 : memref<64x128xf32, #tpu.memory_space<vmem>>) target(%dma_start3A_303 : memref<10240x128xf32, #tpu.memory_space<vmem_shared>>) offsets(%dma_start3A_300 : memref<64xi32, #tpu.memory_space<vmem>>) semaphore(%arg16 : memref<!tpu.dma_semaphore, #tpu.memory_space<semaphore_mem>>) {add = true}
      %dma_wait3A_304 = arith.constant 1 : i32
      %dma_wait3A_305 = arith.constant 0 : i32
      %dma_wait3A_306 = arith.constant 0 : i32
      %dma_wait3A_307 = tpu.memref_slice %arg9[%dma_wait3A_304, %dma_wait3A_305, %dma_wait3A_306] : memref<3x64x128xf32, #tpu.memory_space<vmem>> -> memref<1x64x128xf32, #tpu.memory_space<vmem>>
      %dma_wait3A_308 = tpu.memref_squeeze %dma_wait3A_307 : memref<1x64x128xf32, #tpu.memory_space<vmem>> -> memref<64x128xf32, #tpu.memory_space<vmem>>
      %dma_wait3A_309 = tpu.memref_slice %arg6[%mul3A_201] : memref<10000xi32, #tpu.memory_space<vmem>> -> memref<64xi32, #tpu.memory_space<vmem>>
      %dma_wait3A_310 = arith.constant 0 : i32
      %dma_wait3A_311 = arith.constant 0 : i32
      %dma_wait3A_312 = tpu.memref_slice %arg2[%dma_wait3A_310, %dma_wait3A_311] : memref<10240x128xf32, #tpu.memory_space<hbm>> -> memref<10240x128xf32, #tpu.memory_space<hbm>>
      tpu.wait_indirect_dma semaphore(%arg14 : memref<!tpu.dma_semaphore, #tpu.memory_space<semaphore_mem>>) src(%dma_wait3A_312 : memref<10240x128xf32, #tpu.memory_space<hbm>>) dst(%dma_wait3A_308 : memref<64x128xf32, #tpu.memory_space<vmem>>)
      %dma_start3A_313 = arith.constant 1 : i32
      %dma_start3A_314 = arith.constant 1 : i32
      %dma_start3A_315 = arith.constant 0 : i32
      %dma_start3A_316 = arith.constant 0 : i32
      %dma_start3A_317 = tpu.memref_slice %arg9[%dma_start3A_313, %dma_start3A_315, %dma_start3A_316] : memref<3x64x128xf32, #tpu.memory_space<vmem>> -> memref<1x64x128xf32, #tpu.memory_space<vmem>>
      %dma_start3A_318 = tpu.memref_squeeze %dma_start3A_317 : memref<1x64x128xf32, #tpu.memory_space<vmem>> -> memref<64x128xf32, #tpu.memory_space<vmem>>
      %dma_start3A_319 = arith.constant 0 : i32
      %dma_start3A_320 = tpu.memref_slice %arg8[%dma_start3A_314, %dma_start3A_319] : memref<3x64xi32, #tpu.memory_space<vmem>> -> memref<1x64xi32, #tpu.memory_space<vmem>>
      %dma_start3A_321 = tpu.memref_squeeze %dma_start3A_320 : memref<1x64xi32, #tpu.memory_space<vmem>> -> memref<64xi32, #tpu.memory_space<vmem>>
      %dma_start3A_322 = arith.constant 0 : i32
      %dma_start3A_323 = arith.constant 0 : i32
      %dma_start3A_324 = tpu.memref_slice %arg12[%dma_start3A_322, %dma_start3A_323] : memref<10240x128xf32, #tpu.memory_space<vmem_shared>> -> memref<10240x128xf32, #tpu.memory_space<vmem_shared>>
      tpu.enqueue_indirect_dma source(%dma_start3A_318 : memref<64x128xf32, #tpu.memory_space<vmem>>) target(%dma_start3A_324 : memref<10240x128xf32, #tpu.memory_space<vmem_shared>>) offsets(%dma_start3A_321 : memref<64xi32, #tpu.memory_space<vmem>>) semaphore(%arg17 : memref<!tpu.dma_semaphore, #tpu.memory_space<semaphore_mem>>) {add = true}
      %dma_wait3A_325 = arith.constant 2 : i32
      %dma_wait3A_326 = arith.constant 0 : i32
      %dma_wait3A_327 = arith.constant 0 : i32
      %dma_wait3A_328 = tpu.memref_slice %arg9[%dma_wait3A_325, %dma_wait3A_326, %dma_wait3A_327] : memref<3x64x128xf32, #tpu.memory_space<vmem>> -> memref<1x64x128xf32, #tpu.memory_space<vmem>>
      %dma_wait3A_329 = tpu.memref_squeeze %dma_wait3A_328 : memref<1x64x128xf32, #tpu.memory_space<vmem>> -> memref<64x128xf32, #tpu.memory_space<vmem>>
      %dma_wait3A_330 = tpu.memref_slice %arg6[%mul3A_273] : memref<10000xi32, #tpu.memory_space<vmem>> -> memref<64xi32, #tpu.memory_space<vmem>>
      %dma_wait3A_331 = arith.constant 0 : i32
      %dma_wait3A_332 = arith.constant 0 : i32
      %dma_wait3A_333 = tpu.memref_slice %arg2[%dma_wait3A_331, %dma_wait3A_332] : memref<10240x128xf32, #tpu.memory_space<hbm>> -> memref<10240x128xf32, #tpu.memory_space<hbm>>
      tpu.wait_indirect_dma semaphore(%arg15 : memref<!tpu.dma_semaphore, #tpu.memory_space<semaphore_mem>>) src(%dma_wait3A_333 : memref<10240x128xf32, #tpu.memory_space<hbm>>) dst(%dma_wait3A_329 : memref<64x128xf32, #tpu.memory_space<vmem>>)
      %dma_start3A_334 = arith.constant 2 : i32
      %dma_start3A_335 = arith.constant 2 : i32
      %dma_start3A_336 = arith.constant 0 : i32
      %dma_start3A_337 = arith.constant 0 : i32
      %dma_start3A_338 = tpu.memref_slice %arg9[%dma_start3A_334, %dma_start3A_336, %dma_start3A_337] : memref<3x64x128xf32, #tpu.memory_space<vmem>> -> memref<1x64x128xf32, #tpu.memory_space<vmem>>
      %dma_start3A_339 = tpu.memref_squeeze %dma_start3A_338 : memref<1x64x128xf32, #tpu.memory_space<vmem>> -> memref<64x128xf32, #tpu.memory_space<vmem>>
      %dma_start3A_340 = arith.constant 0 : i32
      %dma_start3A_341 = tpu.memref_slice %arg8[%dma_start3A_335, %dma_start3A_340] : memref<3x64xi32, #tpu.memory_space<vmem>> -> memref<1x64xi32, #tpu.memory_space<vmem>>
      %dma_start3A_342 = tpu.memref_squeeze %dma_start3A_341 : memref<1x64xi32, #tpu.memory_space<vmem>> -> memref<64xi32, #tpu.memory_space<vmem>>
      %dma_start3A_343 = arith.constant 0 : i32
      %dma_start3A_344 = arith.constant 0 : i32
      %dma_start3A_345 = tpu.memref_slice %arg12[%dma_start3A_343, %dma_start3A_344] : memref<10240x128xf32, #tpu.memory_space<vmem_shared>> -> memref<10240x128xf32, #tpu.memory_space<vmem_shared>>
      tpu.enqueue_indirect_dma source(%dma_start3A_339 : memref<64x128xf32, #tpu.memory_space<vmem>>) target(%dma_start3A_345 : memref<10240x128xf32, #tpu.memory_space<vmem_shared>>) offsets(%dma_start3A_342 : memref<64xi32, #tpu.memory_space<vmem>>) semaphore(%arg18 : memref<!tpu.dma_semaphore, #tpu.memory_space<semaphore_mem>>) {add = true}
    }
    %scan3A_11 = arith.constant 52 : i32
    %dma_wait3A = arith.constant 0 : i32
    %dma_wait3A_12 = arith.constant 0 : i32
    %dma_wait3A_13 = arith.constant 0 : i32
    %dma_wait3A_14 = arith.constant 0 : i32
    %dma_wait3A_15 = tpu.memref_slice %arg9[%dma_wait3A, %dma_wait3A_13, %dma_wait3A_14] : memref<3x64x128xf32, #tpu.memory_space<vmem>> -> memref<1x64x128xf32, #tpu.memory_space<vmem>>
    %dma_wait3A_16 = tpu.memref_squeeze %dma_wait3A_15 : memref<1x64x128xf32, #tpu.memory_space<vmem>> -> memref<64x128xf32, #tpu.memory_space<vmem>>
    %dma_wait3A_17 = arith.constant 0 : i32
    %dma_wait3A_18 = tpu.memref_slice %arg8[%dma_wait3A_12, %dma_wait3A_17] : memref<3x64xi32, #tpu.memory_space<vmem>> -> memref<1x64xi32, #tpu.memory_space<vmem>>
    %dma_wait3A_19 = tpu.memref_squeeze %dma_wait3A_18 : memref<1x64xi32, #tpu.memory_space<vmem>> -> memref<64xi32, #tpu.memory_space<vmem>>
    %dma_wait3A_20 = arith.constant 0 : i32
    %dma_wait3A_21 = arith.constant 0 : i32
    %dma_wait3A_22 = tpu.memref_slice %arg12[%dma_wait3A_20, %dma_wait3A_21] : memref<10240x128xf32, #tpu.memory_space<vmem_shared>> -> memref<10240x128xf32, #tpu.memory_space<vmem_shared>>
    tpu.wait_indirect_dma semaphore(%arg16 : memref<!tpu.dma_semaphore, #tpu.memory_space<semaphore_mem>>) src(%dma_wait3A_16 : memref<64x128xf32, #tpu.memory_space<vmem>>) dst(%dma_wait3A_22 : memref<10240x128xf32, #tpu.memory_space<vmem_shared>>)
    %dma_wait3A_23 = arith.constant 1 : i32
    %dma_wait3A_24 = arith.constant 1 : i32
    %dma_wait3A_25 = arith.constant 0 : i32
    %dma_wait3A_26 = arith.constant 0 : i32
    %dma_wait3A_27 = tpu.memref_slice %arg9[%dma_wait3A_23, %dma_wait3A_25, %dma_wait3A_26] : memref<3x64x128xf32, #tpu.memory_space<vmem>> -> memref<1x64x128xf32, #tpu.memory_space<vmem>>
    %dma_wait3A_28 = tpu.memref_squeeze %dma_wait3A_27 : memref<1x64x128xf32, #tpu.memory_space<vmem>> -> memref<64x128xf32, #tpu.memory_space<vmem>>
    %dma_wait3A_29 = arith.constant 0 : i32
    %dma_wait3A_30 = tpu.memref_slice %arg8[%dma_wait3A_24, %dma_wait3A_29] : memref<3x64xi32, #tpu.memory_space<vmem>> -> memref<1x64xi32, #tpu.memory_space<vmem>>
    %dma_wait3A_31 = tpu.memref_squeeze %dma_wait3A_30 : memref<1x64xi32, #tpu.memory_space<vmem>> -> memref<64xi32, #tpu.memory_space<vmem>>
    %dma_wait3A_32 = arith.constant 0 : i32
    %dma_wait3A_33 = arith.constant 0 : i32
    %dma_wait3A_34 = tpu.memref_slice %arg12[%dma_wait3A_32, %dma_wait3A_33] : memref<10240x128xf32, #tpu.memory_space<vmem_shared>> -> memref<10240x128xf32, #tpu.memory_space<vmem_shared>>
    tpu.wait_indirect_dma semaphore(%arg17 : memref<!tpu.dma_semaphore, #tpu.memory_space<semaphore_mem>>) src(%dma_wait3A_28 : memref<64x128xf32, #tpu.memory_space<vmem>>) dst(%dma_wait3A_34 : memref<10240x128xf32, #tpu.memory_space<vmem_shared>>)
    %dma_wait3A_35 = arith.constant 2 : i32
    %dma_wait3A_36 = arith.constant 2 : i32
    %dma_wait3A_37 = arith.constant 0 : i32
    %dma_wait3A_38 = arith.constant 0 : i32
    %dma_wait3A_39 = tpu.memref_slice %arg9[%dma_wait3A_35, %dma_wait3A_37, %dma_wait3A_38] : memref<3x64x128xf32, #tpu.memory_space<vmem>> -> memref<1x64x128xf32, #tpu.memory_space<vmem>>
    %dma_wait3A_40 = tpu.memref_squeeze %dma_wait3A_39 : memref<1x64x128xf32, #tpu.memory_space<vmem>> -> memref<64x128xf32, #tpu.memory_space<vmem>>
    %dma_wait3A_41 = arith.constant 0 : i32
    %dma_wait3A_42 = tpu.memref_slice %arg8[%dma_wait3A_36, %dma_wait3A_41] : memref<3x64xi32, #tpu.memory_space<vmem>> -> memref<1x64xi32, #tpu.memory_space<vmem>>
    %dma_wait3A_43 = tpu.memref_squeeze %dma_wait3A_42 : memref<1x64xi32, #tpu.memory_space<vmem>> -> memref<64xi32, #tpu.memory_space<vmem>>
    %dma_wait3A_44 = arith.constant 0 : i32
    %dma_wait3A_45 = arith.constant 0 : i32
    %dma_wait3A_46 = tpu.memref_slice %arg12[%dma_wait3A_44, %dma_wait3A_45] : memref<10240x128xf32, #tpu.memory_space<vmem_shared>> -> memref<10240x128xf32, #tpu.memory_space<vmem_shared>>
    tpu.wait_indirect_dma semaphore(%arg18 : memref<!tpu.dma_semaphore, #tpu.memory_space<semaphore_mem>>) src(%dma_wait3A_40 : memref<64x128xf32, #tpu.memory_space<vmem>>) dst(%dma_wait3A_46 : memref<10240x128xf32, #tpu.memory_space<vmem_shared>>)
    %get3A = arith.constant 9984 : index
    %get3A_47 = tpu.vector_load %arg7[%get3A] {strides = array<i32>} : memref<10000xi32, #tpu.memory_space<vmem>>, vector<16xi32>,
    %get3A_48 = vector.shape_cast %get3A_47 : vector<16xi32> to vector<16xi32>
    %swap3A = arith.constant 0 : index
    %swap3A_49 = tpu.vector_load %arg10[%swap3A] {strides = array<i32>} : memref<16xi32, #tpu.memory_space<vmem>>, vector<16xi32>,
    %swap3A_50 = vector.shape_cast %swap3A_49 : vector<16xi32> to vector<16xi32>
    %swap3A_51 = vector.shape_cast %get3A_48 : vector<16xi32> to vector<16xi32>
    tpu.vector_store %arg10[%swap3A], %swap3A_51 {strides = array<i32>} : memref<16xi32, #tpu.memory_space<vmem>>, vector<16xi32>,
    %dma_start3A = arith.constant 9984 : i32
    %dma_start3A_52 = tpu.memref_slice %arg6[%dma_start3A] : memref<10000xi32, #tpu.memory_space<vmem>> -> memref<16xi32, #tpu.memory_space<vmem>>
    %dma_start3A_53 = arith.constant 0 : i32
    %dma_start3A_54 = arith.constant 0 : i32
    %dma_start3A_55 = tpu.memref_slice %arg2[%dma_start3A_53, %dma_start3A_54] : memref<10240x128xf32, #tpu.memory_space<hbm>> -> memref<10240x128xf32, #tpu.memory_space<hbm>>
    tpu.enqueue_indirect_dma source(%dma_start3A_55 : memref<10240x128xf32, #tpu.memory_space<hbm>>) target(%arg11 : memref<16x128xf32, #tpu.memory_space<vmem>>) offsets(%dma_start3A_52 : memref<16xi32, #tpu.memory_space<vmem>>) semaphore(%arg13 : memref<!tpu.dma_semaphore, #tpu.memory_space<semaphore_mem>>)
    %dma_wait3A_56 = arith.constant 9984 : i32
    %dma_wait3A_57 = tpu.memref_slice %arg6[%dma_wait3A_56] : memref<10000xi32, #tpu.memory_space<vmem>> -> memref<16xi32, #tpu.memory_space<vmem>>
    %dma_wait3A_58 = arith.constant 0 : i32
    %dma_wait3A_59 = arith.constant 0 : i32
    %dma_wait3A_60 = tpu.memref_slice %arg2[%dma_wait3A_58, %dma_wait3A_59] : memref<10240x128xf32, #tpu.memory_space<hbm>> -> memref<10240x128xf32, #tpu.memory_space<hbm>>
    tpu.wait_indirect_dma semaphore(%arg13 : memref<!tpu.dma_semaphore, #tpu.memory_space<semaphore_mem>>) src(%dma_wait3A_60 : memref<10240x128xf32, #tpu.memory_space<hbm>>) dst(%arg11 : memref<16x128xf32, #tpu.memory_space<vmem>>)
    "tpu.region"() ({
      %run_scoped3A = tpu.sem_alloc : memref<!tpu.dma_semaphore, #tpu.memory_space<semaphore_mem>>
      %dma_start3A_69 = arith.constant 0 : i32
      %dma_start3A_70 = arith.constant 0 : i32
      %dma_start3A_71 = tpu.memref_slice %arg12[%dma_start3A_69, %dma_start3A_70] : memref<10240x128xf32, #tpu.memory_space<vmem_shared>> -> memref<10240x128xf32, #tpu.memory_space<vmem_shared>>
      tpu.enqueue_indirect_dma source(%arg11 : memref<16x128xf32, #tpu.memory_space<vmem>>) target(%dma_start3A_71 : memref<10240x128xf32, #tpu.memory_space<vmem_shared>>) offsets(%arg10 : memref<16xi32, #tpu.memory_space<vmem>>) semaphore(%run_scoped3A : memref<!tpu.dma_semaphore, #tpu.memory_space<semaphore_mem>>) {add = true}
      %dma_wait3A_72 = arith.constant 0 : i32
      %dma_wait3A_73 = arith.constant 0 : i32
      %dma_wait3A_74 = tpu.memref_slice %arg12[%dma_wait3A_72, %dma_wait3A_73] : memref<10240x128xf32, #tpu.memory_space<vmem_shared>> -> memref<10240x128xf32, #tpu.memory_space<vmem_shared>>
      tpu.wait_indirect_dma semaphore(%run_scoped3A : memref<!tpu.dma_semaphore, #tpu.memory_space<semaphore_mem>>) src(%arg11 : memref<16x128xf32, #tpu.memory_space<vmem>>) dst(%dma_wait3A_74 : memref<10240x128xf32, #tpu.memory_space<vmem_shared>>)
      tpu.yield
    }) : () -> ()
    %barrier3A_61 = arith.constant 0 : index
    tpu.barrier barrier_id(%barrier3A_61)
    %mul3A_62 = arith.constant 640 : i32
    %mul3A_63 = arith.muli %arg1, %mul3A_62 : i32
    %mul3A_64 = arith.constant 10240 : i32
    %mul3A_65 = arith.muli %arg0, %mul3A_64 : i32
    %mul3A_66 = arith.constant 640 : i32
    %mul3A_67 = arith.muli %arg1, %mul3A_66 : i32
    %add3A_68 = arith.addi %mul3A_65, %mul3A_67 : i32
    "tpu.region"() ({
      %run_scoped3A = tpu.sem_alloc : memref<!tpu.dma_semaphore, #tpu.memory_space<semaphore_mem>>
      %dma_start3A_69 = arith.constant 0 : i32
      %dma_start3A_70 = tpu.memref_slice %arg5[%add3A_68, %dma_start3A_69] : memref<20480x128xf32, #tpu.memory_space<hbm>> -> memref<640x128xf32, #tpu.memory_space<hbm>>
      %dma_start3A_71 = arith.constant 0 : i32
      %dma_start3A_72 = tpu.memref_slice %arg12[%mul3A_63, %dma_start3A_71] : memref<10240x128xf32, #tpu.memory_space<vmem_shared>> -> memref<640x128xf32, #tpu.memory_space<vmem_shared>>
      tpu.enqueue_dma source(%dma_start3A_72 : memref<640x128xf32, #tpu.memory_space<vmem_shared>>) target(%dma_start3A_70 : memref<640x128xf32, #tpu.memory_space<hbm>>) target_semaphore(%run_scoped3A : memref<!tpu.dma_semaphore, #tpu.memory_space<semaphore_mem>>)
      %dma_wait3A_73 = arith.constant 0 : i32
      %dma_wait3A_74 = tpu.memref_slice %arg5[%add3A_68, %dma_wait3A_73] : memref<20480x128xf32, #tpu.memory_space<hbm>> -> memref<640x128xf32, #tpu.memory_space<hbm>>
      %dma_wait3A_75 = arith.constant 0 : i32
      %dma_wait3A_76 = tpu.memref_slice %arg12[%mul3A_63, %dma_wait3A_75] : memref<10240x128xf32, #tpu.memory_space<vmem_shared>> -> memref<640x128xf32, #tpu.memory_space<vmem_shared>>
      tpu.wait_dma2 semaphore(%run_scoped3A : memref<!tpu.dma_semaphore, #tpu.memory_space<semaphore_mem>>) src(%dma_wait3A_76 : memref<640x128xf32, #tpu.memory_space<vmem_shared>>) dst(%dma_wait3A_74 : memref<640x128xf32, #tpu.memory_space<hbm>>)
      tpu.yield
    }) : () -> ()
    return
  }
}

module attributes {stable_mosaic.version = 14 : i64} {
  func.func @_mm_scale_body(%arg0: i32, %arg1: memref<256x128xf32, #tpu.memory_space<vmem>>, %arg2: memref<128x128xf32, #tpu.memory_space<vmem>>, %arg3: memref<256x1xf32, #tpu.memory_space<vmem>>, %arg4: memref<256x128xf32, #tpu.memory_space<vmem>>) attributes {dimension_semantics = [#tpu.dimension_semantics<arbitrary>], iteration_bounds = array<i64: 40>, scalar_prefetch = 0 : i64, scratch_operands = 0 : i64, tpu.core_type = #tpu.core_type<tc>, window_params = [{transform_indices = @transform_0, window_bounds = array<i64: 256, 128>}, {pipeline_mode = #tpu.pipeline_mode<synchronous>, transform_indices = @transform_1, window_bounds = array<i64: 128, 128>}, {transform_indices = @transform_2, window_bounds = array<i64: 256, 1>}, {transform_indices = @transform_3, window_bounds = array<i64: 256, 128>}]} {
    %get3A = arith.constant 0 : index
    %get3A_0 = arith.constant 0 : index
    %get3A_1 = vector.load %arg1[%get3A, %get3A_0] : memref<256x128xf32, #tpu.memory_space<vmem>>, vector<256x128xf32>
    %get3A_2 = arith.constant 0 : index
    %get3A_3 = arith.constant 0 : index
    %get3A_4 = vector.load %arg2[%get3A_2, %get3A_3] : memref<128x128xf32, #tpu.memory_space<vmem>>, vector<128x128xf32>
    %dot_general3A = arith.constant dense<0.000000e+00> : vector<256x128xf32>
    %dot_general3A_5 = tpu.matmul %get3A_1, %get3A_4, %dot_general3A {dimension_numbers = #tpu.dot_dimension_numbers<[1], [0], [0], [1], [0, 0, 1, 1], [], []>, transpose_lhs_hint = false} : vector<256x128xf32>, vector<128x128xf32>, vector<256x128xf32> -> vector<256x128xf32>
    %get3A_6 = arith.constant 0 : index
    %get3A_7 = arith.constant 0 : index
    %get3A_8 = vector.load %arg3[%get3A_6, %get3A_7] : memref<256x1xf32, #tpu.memory_space<vmem>>, vector<256x1xf32>
    %mul3A = vector.broadcast %get3A_8 : vector<256x1xf32> to vector<256x128xf32>
    %mul3A_9 = arith.mulf %dot_general3A_5, %mul3A : vector<256x128xf32>
    %swap3A = arith.constant 0 : index
    %swap3A_10 = arith.constant 0 : index
    %swap3A_11 = vector.load %arg4[%swap3A, %swap3A_10] : memref<256x128xf32, #tpu.memory_space<vmem>>, vector<256x128xf32>
    tpu.vector_store %arg4[%swap3A, %swap3A_10], %mul3A_9 {strides = array<i32>} : memref<256x128xf32, #tpu.memory_space<vmem>>, vector<256x128xf32>,
    return
  }
  func.func @transform_0(%arg0: i32) -> (i32, i32) {
    %c0_i32 = arith.constant 0 : i32
    %c0_i32_0 = arith.constant 0 : i32
    return %arg0, %c0_i32 : i32, i32
  }
  func.func @transform_1(%arg0: i32) -> (i32, i32) {
    %c0_i32 = arith.constant 0 : i32
    %c0_i32_0 = arith.constant 0 : i32
    %c0_i32_1 = arith.constant 0 : i32
    return %c0_i32, %c0_i32_0 : i32, i32
  }
  func.func @transform_2(%arg0: i32) -> (i32, i32) {
    %c0_i32 = arith.constant 0 : i32
    %c0_i32_0 = arith.constant 0 : i32
    return %arg0, %c0_i32 : i32, i32
  }
  func.func @transform_3(%arg0: i32) -> (i32, i32) {
    %c0_i32 = arith.constant 0 : i32
    %c0_i32_0 = arith.constant 0 : i32
    return %arg0, %c0_i32 : i32, i32
  }
}

module attributes {stable_mosaic.version = 14 : i64} {
  func.func @_fused_body(%arg0: i32, %arg1: i32, %arg2: memref<2x256x128xf32, #tpu.memory_space<vmem>>, %arg3: memref<256x128xf32, #tpu.memory_space<vmem>>, %arg4: memref<256x1xf32, #tpu.memory_space<vmem>>, %arg5: memref<1x128xf32, #tpu.memory_space<vmem>>, %arg6: memref<1x128xf32, #tpu.memory_space<vmem>>, %arg7: memref<1x128xf32, #tpu.memory_space<vmem>>, %arg8: memref<128x128xf32, #tpu.memory_space<vmem>>, %arg9: memref<256x128xf32, #tpu.memory_space<vmem>>, %arg10: memref<1x128xf32, #tpu.memory_space<vmem>>, %arg11: memref<10240x128xf32, #tpu.memory_space<vmem>>, %arg12: memref<2xf32, #tpu.memory_space<smem>>) attributes {dimension_semantics = [#tpu.dimension_semantics<arbitrary>, #tpu.dimension_semantics<arbitrary>], iteration_bounds = array<i64: 2, 40>, scalar_prefetch = 0 : i64, scratch_operands = 2 : i64, tpu.core_type = #tpu.core_type<tc>, window_params = [{transform_indices = @transform_0, window_bounds = array<i64: 2, 256, 128>}, {transform_indices = @transform_1, window_bounds = array<i64: 256, 128>}, {transform_indices = @transform_2, window_bounds = array<i64: 256, 1>}, {pipeline_mode = #tpu.pipeline_mode<synchronous>, transform_indices = @transform_3, window_bounds = array<i64: 1, 128>}, {pipeline_mode = #tpu.pipeline_mode<synchronous>, transform_indices = @transform_4, window_bounds = array<i64: 1, 128>}, {pipeline_mode = #tpu.pipeline_mode<synchronous>, transform_indices = @transform_5, window_bounds = array<i64: 1, 128>}, {pipeline_mode = #tpu.pipeline_mode<synchronous>, transform_indices = @transform_6, window_bounds = array<i64: 128, 128>}, {transform_indices = @transform_7, window_bounds = array<i64: 256, 128>}, {pipeline_mode = #tpu.pipeline_mode<synchronous>, transform_indices = @transform_8, window_bounds = array<i64: 1, 128>}]} {
    %eq3A = arith.constant 0 : i32
    %eq3A_0 = arith.cmpi eq, %arg0, %eq3A : i32
    %convert_element_type3A = arith.extui %eq3A_0 : i1 to i32
    %cond3A = arith.constant 0 : i32
    %cond3A_1 = arith.cmpi ne, %convert_element_type3A, %cond3A : i32
    scf.if %cond3A_1 {
      %get3A = arith.constant 0 : index
      %get3A_7 = arith.constant 0 : index
      %get3A_8 = arith.constant 0 : index
      %get3A_9 = vector.load %arg2[%get3A, %get3A_7, %get3A_8] : memref<2x256x128xf32, #tpu.memory_space<vmem>>, vector<1x256x128xf32>
      %get3A_10 = vector.shape_cast %get3A_9 : vector<1x256x128xf32> to vector<256x128xf32>
      %get3A_11 = arith.constant 1 : index
      %get3A_12 = arith.constant 0 : index
      %get3A_13 = arith.constant 0 : index
      %get3A_14 = vector.load %arg2[%get3A_11, %get3A_12, %get3A_13] : memref<2x256x128xf32, #tpu.memory_space<vmem>>, vector<1x256x128xf32>
      %get3A_15 = vector.shape_cast %get3A_14 : vector<1x256x128xf32> to vector<256x128xf32>
      %add3A = arith.addf %get3A_10, %get3A_15 : vector<256x128xf32>
      %get3A_16 = arith.constant 0 : index
      %get3A_17 = arith.constant 0 : index
      %get3A_18 = vector.load %arg3[%get3A_16, %get3A_17] : memref<256x128xf32, #tpu.memory_space<vmem>>, vector<256x128xf32>
      %sub3A = arith.subf %add3A, %get3A_18 : vector<256x128xf32>
      %get3A_19 = arith.constant 0 : index
      %get3A_20 = arith.constant 0 : index
      %get3A_21 = vector.load %arg4[%get3A_19, %get3A_20] : memref<256x1xf32, #tpu.memory_space<vmem>>, vector<256x1xf32>
      %mul3A = vector.broadcast %get3A_21 : vector<256x1xf32> to vector<256x128xf32>
      %mul3A_22 = arith.mulf %sub3A, %mul3A : vector<256x128xf32>
      %get3A_23 = arith.constant 0 : index
      %get3A_24 = arith.constant 0 : index
      %get3A_25 = vector.load %arg5[%get3A_23, %get3A_24] : memref<1x128xf32, #tpu.memory_space<vmem>>, vector<1x128xf32>
      %add3A_26 = vector.broadcast %get3A_25 : vector<1x128xf32> to vector<256x128xf32>
      %add3A_27 = arith.addf %mul3A_22, %add3A_26 : vector<256x128xf32>
      %mul3A_28 = arith.constant 256 : i32
      %mul3A_29 = arith.muli %arg1, %mul3A_28 : i32
      %swap3A = arith.index_cast %mul3A_29 : i32 to index
      %swap3A_30 = arith.constant 0 : index
      %swap3A_31 = vector.load %arg11[%swap3A, %swap3A_30] : memref<10240x128xf32, #tpu.memory_space<vmem>>, vector<256x128xf32>
      tpu.vector_store %arg11[%swap3A, %swap3A_30], %add3A_27 {strides = array<i32>} : memref<10240x128xf32, #tpu.memory_space<vmem>>, vector<256x128xf32>,
      %iota3A = tpu.iota {dimensions = array<i32: 0>} : vector<256x128xi32>
      %mul3A_32 = arith.constant 256 : i32
      %mul3A_33 = arith.muli %arg1, %mul3A_32 : i32
      %add3A_34 = vector.broadcast %mul3A_33 : i32 to vector<256x128xi32>
      %add3A_35 = arith.addi %iota3A, %add3A_34 : vector<256x128xi32>
      %lt3A = arith.constant 10000 : i32
      %lt3A_36 = vector.broadcast %lt3A : i32 to vector<256x128xi32>
      %lt3A_37 = arith.cmpi slt, %add3A_35, %lt3A_36 : vector<256x128xi32>
      %jit3A = arith.constant 0.000000e+00 : f32
      %broadcast_in_dim3A = vector.broadcast %jit3A : f32 to vector<256x128xf32>
      %select_n3A = arith.select %lt3A_37, %add3A_27, %broadcast_in_dim3A : vector<256x128xi1>, vector<256x128xf32>
      %eq3A_38 = arith.constant 0 : i32
      %eq3A_39 = arith.cmpi eq, %arg1, %eq3A_38 : i32
      %convert_element_type3A_40 = arith.extui %eq3A_39 : i1 to i32
      %cond3A_41 = arith.constant 0 : i32
      %cond3A_42 = arith.cmpi ne, %convert_element_type3A_40, %cond3A_41 : i32
      scf.if %cond3A_42 {
        %swap3A_63 = arith.constant 0.000000e+00 : f32
        %swap3A_64 = arith.constant 0 : index
        %swap3A_65 = memref.load %arg12[%swap3A_64] : memref<2xf32, #tpu.memory_space<smem>>
        memref.store %swap3A_63, %arg12[%swap3A_64] : memref<2xf32, #tpu.memory_space<smem>>
        %swap3A_66 = arith.constant 0.000000e+00 : f32
        %swap3A_67 = arith.constant 1 : index
        %swap3A_68 = memref.load %arg12[%swap3A_67] : memref<2xf32, #tpu.memory_space<smem>>
        memref.store %swap3A_66, %arg12[%swap3A_67] : memref<2xf32, #tpu.memory_space<smem>>
      } else {
      }
      %get3A_43 = arith.constant 0 : index
      %get3A_44 = memref.load %arg12[%get3A_43] : memref<2xf32, #tpu.memory_space<smem>>
      %reduce_sum3A = vector.shape_cast %select_n3A : vector<256x128xf32> to vector<1x256x128xf32>
      %reduce_sum3A_45 = arith.constant dense<0.000000e+00> : vector<1xf32>
      %reduce_sum3A_46 = vector.multi_reduction <add>, %reduce_sum3A, %reduce_sum3A_45 [1, 2] : vector<1x256x128xf32> to vector<1xf32>
      %reduce_sum3A_47 = vector.shape_cast %reduce_sum3A_46 : vector<1xf32> to vector<1x1x1xf32>
      %reduce_sum3A_48 = vector.extract %reduce_sum3A_47[0, 0, 0] : f32 from vector<1x1x1xf32>
      %add3A_49 = arith.addf %get3A_44, %reduce_sum3A_48 : f32
      %swap3A_50 = arith.constant 0 : index
      %swap3A_51 = memref.load %arg12[%swap3A_50] : memref<2xf32, #tpu.memory_space<smem>>
      memref.store %add3A_49, %arg12[%swap3A_50] : memref<2xf32, #tpu.memory_space<smem>>
      %get3A_52 = arith.constant 1 : index
      %get3A_53 = memref.load %arg12[%get3A_52] : memref<2xf32, #tpu.memory_space<smem>>
      %mul3A_54 = arith.mulf %select_n3A, %select_n3A : vector<256x128xf32>
      %reduce_sum3A_55 = vector.shape_cast %mul3A_54 : vector<256x128xf32> to vector<1x256x128xf32>
      %reduce_sum3A_56 = arith.constant dense<0.000000e+00> : vector<1xf32>
      %reduce_sum3A_57 = vector.multi_reduction <add>, %reduce_sum3A_55, %reduce_sum3A_56 [1, 2] : vector<1x256x128xf32> to vector<1xf32>
      %reduce_sum3A_58 = vector.shape_cast %reduce_sum3A_57 : vector<1xf32> to vector<1x1x1xf32>
      %reduce_sum3A_59 = vector.extract %reduce_sum3A_58[0, 0, 0] : f32 from vector<1x1x1xf32>
      %add3A_60 = arith.addf %get3A_53, %reduce_sum3A_59 : f32
      %swap3A_61 = arith.constant 1 : index
      %swap3A_62 = memref.load %arg12[%swap3A_61] : memref<2xf32, #tpu.memory_space<smem>>
      memref.store %add3A_60, %arg12[%swap3A_61] : memref<2xf32, #tpu.memory_space<smem>>
    } else {
    }
    %eq3A_2 = arith.constant 1 : i32
    %eq3A_3 = arith.cmpi eq, %arg0, %eq3A_2 : i32
    %convert_element_type3A_4 = arith.extui %eq3A_3 : i1 to i32
    %cond3A_5 = arith.constant 0 : i32
    %cond3A_6 = arith.cmpi ne, %convert_element_type3A_4, %cond3A_5 : i32
    scf.if %cond3A_6 {
      %get3A = arith.constant 0 : index
      %get3A_7 = memref.load %arg12[%get3A] : memref<2xf32, #tpu.memory_space<smem>>
      %div3A = arith.constant 1.280000e+06 : f32
      %div3A_8 = arith.divf %get3A_7, %div3A : f32
      %get3A_9 = arith.constant 1 : index
      %get3A_10 = memref.load %arg12[%get3A_9] : memref<2xf32, #tpu.memory_space<smem>>
      %div3A_11 = arith.constant 1.280000e+06 : f32
      %div3A_12 = arith.divf %get3A_10, %div3A_11 : f32
      %mul3A = arith.mulf %div3A_8, %div3A_8 : f32
      %sub3A = arith.subf %div3A_12, %mul3A : f32
      %max3A = arith.constant 0.000000e+00 : f32
      %max3A_13 = arith.maximumf %sub3A, %max3A : f32
      %sqrt3A = math.sqrt %max3A_13 : f32
      %mul3A_14 = arith.constant 256 : i32
      %mul3A_15 = arith.muli %arg1, %mul3A_14 : i32
      %get3A_16 = arith.index_cast %mul3A_15 : i32 to index
      %get3A_17 = arith.constant 0 : index
      %get3A_18 = vector.load %arg11[%get3A_16, %get3A_17] : memref<10240x128xf32, #tpu.memory_space<vmem>>, vector<256x128xf32>
      %sub3A_19 = vector.broadcast %div3A_8 : f32 to vector<256x128xf32>
      %sub3A_20 = arith.subf %get3A_18, %sub3A_19 : vector<256x128xf32>
      %add3A = arith.constant 9.99999974E-6 : f32
      %add3A_21 = arith.addf %sqrt3A, %add3A : f32
      %div3A_22 = vector.broadcast %add3A_21 : f32 to vector<256x128xf32>
      %div3A_23 = arith.divf %sub3A_20, %div3A_22 : vector<256x128xf32>
      %get3A_24 = arith.constant 0 : index
      %get3A_25 = arith.constant 0 : index
      %get3A_26 = vector.load %arg6[%get3A_24, %get3A_25] : memref<1x128xf32, #tpu.memory_space<vmem>>, vector<1x128xf32>
      %mul3A_27 = vector.broadcast %get3A_26 : vector<1x128xf32> to vector<256x128xf32>
      %mul3A_28 = arith.mulf %div3A_23, %mul3A_27 : vector<256x128xf32>
      %get3A_29 = arith.constant 0 : index
      %get3A_30 = arith.constant 0 : index
      %get3A_31 = vector.load %arg7[%get3A_29, %get3A_30] : memref<1x128xf32, #tpu.memory_space<vmem>>, vector<1x128xf32>
      %add3A_32 = vector.broadcast %get3A_31 : vector<1x128xf32> to vector<256x128xf32>
      %add3A_33 = arith.addf %mul3A_28, %add3A_32 : vector<256x128xf32>
      %tanh3A = math.tanh %add3A_33 : vector<256x128xf32>
      %get3A_34 = arith.constant 0 : index
      %get3A_35 = arith.constant 0 : index
      %get3A_36 = vector.load %arg8[%get3A_34, %get3A_35] : memref<128x128xf32, #tpu.memory_space<vmem>>, vector<128x128xf32>
      %dot_general3A = arith.constant dense<0.000000e+00> : vector<256x128xf32>
      %dot_general3A_37 = tpu.matmul %tanh3A, %get3A_36, %dot_general3A {dimension_numbers = #tpu.dot_dimension_numbers<[1], [0], [0], [1], [0, 0, 1, 1], [], []>, transpose_lhs_hint = false} : vector<256x128xf32>, vector<128x128xf32>, vector<256x128xf32> -> vector<256x128xf32>
      %get3A_38 = arith.constant 0 : index
      %get3A_39 = arith.constant 0 : index
      %get3A_40 = vector.load %arg4[%get3A_38, %get3A_39] : memref<256x1xf32, #tpu.memory_space<vmem>>, vector<256x1xf32>
      %mul3A_41 = vector.broadcast %get3A_40 : vector<256x1xf32> to vector<256x128xf32>
      %mul3A_42 = arith.mulf %dot_general3A_37, %mul3A_41 : vector<256x128xf32>
      %swap3A = arith.constant 0 : index
      %swap3A_43 = arith.constant 0 : index
      %swap3A_44 = vector.load %arg9[%swap3A, %swap3A_43] : memref<256x128xf32, #tpu.memory_space<vmem>>, vector<256x128xf32>
      tpu.vector_store %arg9[%swap3A, %swap3A_43], %mul3A_42 {strides = array<i32>} : memref<256x128xf32, #tpu.memory_space<vmem>>, vector<256x128xf32>,
      %slice3A = vector.extract_strided_slice %tanh3A {offsets = [15, 0], sizes = [1, 128], strides = [1, 1]} : vector<256x128xf32> to vector<1x128xf32>
      %swap3A_45 = arith.constant 0 : index
      %swap3A_46 = arith.constant 0 : index
      %swap3A_47 = vector.load %arg10[%swap3A_45, %swap3A_46] : memref<1x128xf32, #tpu.memory_space<vmem>>, vector<1x128xf32>
      tpu.vector_store %arg10[%swap3A_45, %swap3A_46], %slice3A {strides = array<i32>} : memref<1x128xf32, #tpu.memory_space<vmem>>, vector<1x128xf32>,
    } else {
    }
    return
  }
  func.func @transform_0(%arg0: i32, %arg1: i32) -> (i32, i32, i32) {
    %sub3A = arith.constant 1 : i32
    %sub3A_0 = arith.subi %sub3A, %arg0 : i32
    %mul3A = arith.muli %sub3A_0, %arg1 : i32
    %c0_i32 = arith.constant 0 : i32
    %c0_i32_1 = arith.constant 0 : i32
    %c0_i32_2 = arith.constant 0 : i32
    return %c0_i32, %mul3A, %c0_i32_1 : i32, i32, i32
  }
  func.func @transform_1(%arg0: i32, %arg1: i32) -> (i32, i32) {
    %sub3A = arith.constant 1 : i32
    %sub3A_0 = arith.subi %sub3A, %arg0 : i32
    %mul3A = arith.muli %sub3A_0, %arg1 : i32
    %c0_i32 = arith.constant 0 : i32
    %c0_i32_1 = arith.constant 0 : i32
    return %mul3A, %c0_i32 : i32, i32
  }
  func.func @transform_2(%arg0: i32, %arg1: i32) -> (i32, i32) {
    %c0_i32 = arith.constant 0 : i32
    %c0_i32_0 = arith.constant 0 : i32
    return %arg1, %c0_i32 : i32, i32
  }
  func.func @transform_3(%arg0: i32, %arg1: i32) -> (i32, i32) {
    %c0_i32 = arith.constant 0 : i32
    %c0_i32_0 = arith.constant 0 : i32
    %c0_i32_1 = arith.constant 0 : i32
    return %c0_i32, %c0_i32_0 : i32, i32
  }
  func.func @transform_4(%arg0: i32, %arg1: i32) -> (i32, i32) {
    %c0_i32 = arith.constant 0 : i32
    %c0_i32_0 = arith.constant 0 : i32
    %c0_i32_1 = arith.constant 0 : i32
    return %c0_i32, %c0_i32_0 : i32, i32
  }
  func.func @transform_5(%arg0: i32, %arg1: i32) -> (i32, i32) {
    %c0_i32 = arith.constant 0 : i32
    %c0_i32_0 = arith.constant 0 : i32
    %c0_i32_1 = arith.constant 0 : i32
    return %c0_i32, %c0_i32_0 : i32, i32
  }
  func.func @transform_6(%arg0: i32, %arg1: i32) -> (i32, i32) {
    %c0_i32 = arith.constant 0 : i32
    %c0_i32_0 = arith.constant 0 : i32
    %c0_i32_1 = arith.constant 0 : i32
    return %c0_i32, %c0_i32_0 : i32, i32
  }
  func.func @transform_7(%arg0: i32, %arg1: i32) -> (i32, i32) {
    %mul3A = arith.muli %arg0, %arg1 : i32
    %c0_i32 = arith.constant 0 : i32
    %c0_i32_0 = arith.constant 0 : i32
    return %mul3A, %c0_i32 : i32, i32
  }
  func.func @transform_8(%arg0: i32, %arg1: i32) -> (i32, i32) {
    %c0_i32 = arith.constant 0 : i32
    %c0_i32_0 = arith.constant 0 : i32
    %c0_i32_1 = arith.constant 0 : i32
    return %c0_i32, %c0_i32_0 : i32, i32
  }
}

module attributes {stable_mosaic.version = 14 : i64} {
  func.func @_fused3_body(%arg0: i32, %arg1: memref<2x256x128xf32, #tpu.memory_space<vmem>>, %arg2: memref<256x128xf32, #tpu.memory_space<vmem>>, %arg3: memref<256x1xf32, #tpu.memory_space<vmem>>, %arg4: memref<1x128xf32, #tpu.memory_space<vmem>>, %arg5: memref<1x128xf32, #tpu.memory_space<vmem>>, %arg6: memref<1x128xf32, #tpu.memory_space<vmem>>, %arg7: memref<1x128xf32, #tpu.memory_space<vmem>>, %arg8: memref<1x128xf32, #tpu.memory_space<vmem>>, %arg9: memref<384x128xf32, #tpu.memory_space<vmem>>, %arg10: memref<1x128xf32, #tpu.memory_space<vmem>>, %arg11: memref<128x64xf32, #tpu.memory_space<vmem>>, %arg12: memref<1x64xf32, #tpu.memory_space<vmem>>, %arg13: memref<64x128xf32, #tpu.memory_space<vmem>>, %arg14: memref<1x128xf32, #tpu.memory_space<vmem>>, %arg15: memref<1x128xf32, #tpu.memory_space<vmem>>, %arg16: memref<256x128xf32, #tpu.memory_space<vmem>>, %arg17: memref<2xf32, #tpu.memory_space<smem>>) attributes {dimension_semantics = [#tpu.dimension_semantics<arbitrary>], iteration_bounds = array<i64: 41>, scalar_prefetch = 0 : i64, scratch_operands = 2 : i64, tpu.core_type = #tpu.core_type<tc>, window_params = [{transform_indices = @transform_0, window_bounds = array<i64: 2, 256, 128>}, {transform_indices = @transform_1, window_bounds = array<i64: 256, 128>}, {transform_indices = @transform_2, window_bounds = array<i64: 256, 1>}, {pipeline_mode = #tpu.pipeline_mode<synchronous>, transform_indices = @transform_3, window_bounds = array<i64: 1, 128>}, {pipeline_mode = #tpu.pipeline_mode<synchronous>, transform_indices = @transform_4, window_bounds = array<i64: 1, 128>}, {pipeline_mode = #tpu.pipeline_mode<synchronous>, transform_indices = @transform_5, window_bounds = array<i64: 1, 128>}, {pipeline_mode = #tpu.pipeline_mode<synchronous>, transform_indices = @transform_6, window_bounds = array<i64: 1, 128>}, {pipeline_mode = #tpu.pipeline_mode<synchronous>, transform_indices = @transform_7, window_bounds = array<i64: 1, 128>}, {pipeline_mode = #tpu.pipeline_mode<synchronous>, transform_indices = @transform_8, window_bounds = array<i64: 384, 128>}, {pipeline_mode = #tpu.pipeline_mode<synchronous>, transform_indices = @transform_9, window_bounds = array<i64: 1, 128>}, {pipeline_mode = #tpu.pipeline_mode<synchronous>, transform_indices = @transform_10, window_bounds = array<i64: 128, 64>}, {pipeline_mode = #tpu.pipeline_mode<synchronous>, transform_indices = @transform_11, window_bounds = array<i64: 1, 64>}, {pipeline_mode = #tpu.pipeline_mode<synchronous>, transform_indices = @transform_12, window_bounds = array<i64: 64, 128>}, {pipeline_mode = #tpu.pipeline_mode<synchronous>, transform_indices = @transform_13, window_bounds = array<i64: 1, 128>}, {pipeline_mode = #tpu.pipeline_mode<synchronous>, transform_indices = @transform_14, window_bounds = array<i64: 1, 128>}]} {
    %lt3A = arith.constant 40 : i32
    %lt3A_0 = arith.cmpi slt, %arg0, %lt3A : i32
    %convert_element_type3A = arith.extui %lt3A_0 : i1 to i32
    %cond3A = arith.constant 0 : i32
    %cond3A_1 = arith.cmpi ne, %convert_element_type3A, %cond3A : i32
    scf.if %cond3A_1 {
      %get3A = arith.constant 0 : index
      %get3A_6 = arith.constant 0 : index
      %get3A_7 = arith.constant 0 : index
      %get3A_8 = vector.load %arg1[%get3A, %get3A_6, %get3A_7] : memref<2x256x128xf32, #tpu.memory_space<vmem>>, vector<1x256x128xf32>
      %get3A_9 = vector.shape_cast %get3A_8 : vector<1x256x128xf32> to vector<256x128xf32>
      %get3A_10 = arith.constant 1 : index
      %get3A_11 = arith.constant 0 : index
      %get3A_12 = arith.constant 0 : index
      %get3A_13 = vector.load %arg1[%get3A_10, %get3A_11, %get3A_12] : memref<2x256x128xf32, #tpu.memory_space<vmem>>, vector<1x256x128xf32>
      %get3A_14 = vector.shape_cast %get3A_13 : vector<1x256x128xf32> to vector<256x128xf32>
      %add3A = arith.addf %get3A_9, %get3A_14 : vector<256x128xf32>
      %get3A_15 = arith.constant 0 : index
      %get3A_16 = arith.constant 0 : index
      %get3A_17 = vector.load %arg2[%get3A_15, %get3A_16] : memref<256x128xf32, #tpu.memory_space<vmem>>, vector<256x128xf32>
      %sub3A = arith.subf %add3A, %get3A_17 : vector<256x128xf32>
      %get3A_18 = arith.constant 0 : index
      %get3A_19 = arith.constant 0 : index
      %get3A_20 = vector.load %arg3[%get3A_18, %get3A_19] : memref<256x1xf32, #tpu.memory_space<vmem>>, vector<256x1xf32>
      %mul3A = vector.broadcast %get3A_20 : vector<256x1xf32> to vector<256x128xf32>
      %mul3A_21 = arith.mulf %sub3A, %mul3A : vector<256x128xf32>
      %get3A_22 = arith.constant 0 : index
      %get3A_23 = arith.constant 0 : index
      %get3A_24 = vector.load %arg4[%get3A_22, %get3A_23] : memref<1x128xf32, #tpu.memory_space<vmem>>, vector<1x128xf32>
      %add3A_25 = vector.broadcast %get3A_24 : vector<1x128xf32> to vector<256x128xf32>
      %add3A_26 = arith.addf %mul3A_21, %add3A_25 : vector<256x128xf32>
      %swap3A = arith.constant 0 : index
      %swap3A_27 = arith.constant 0 : index
      %swap3A_28 = vector.load %arg16[%swap3A, %swap3A_27] : memref<256x128xf32, #tpu.memory_space<vmem>>, vector<256x128xf32>
      tpu.vector_store %arg16[%swap3A, %swap3A_27], %add3A_26 {strides = array<i32>} : memref<256x128xf32, #tpu.memory_space<vmem>>, vector<256x128xf32>,
      %iota3A = tpu.iota {dimensions = array<i32: 0>} : vector<256x128xi32>
      %mul3A_29 = arith.constant 256 : i32
      %mul3A_30 = arith.muli %arg0, %mul3A_29 : i32
      %add3A_31 = vector.broadcast %mul3A_30 : i32 to vector<256x128xi32>
      %add3A_32 = arith.addi %iota3A, %add3A_31 : vector<256x128xi32>
      %lt3A_33 = arith.constant 10000 : i32
      %lt3A_34 = vector.broadcast %lt3A_33 : i32 to vector<256x128xi32>
      %lt3A_35 = arith.cmpi slt, %add3A_32, %lt3A_34 : vector<256x128xi32>
      %jit3A = arith.constant 0.000000e+00 : f32
      %broadcast_in_dim3A = vector.broadcast %jit3A : f32 to vector<256x128xf32>
      %select_n3A = arith.select %lt3A_35, %add3A_26, %broadcast_in_dim3A : vector<256x128xi1>, vector<256x128xf32>
      %eq3A_36 = arith.constant 0 : i32
      %eq3A_37 = arith.cmpi eq, %arg0, %eq3A_36 : i32
      %convert_element_type3A_38 = arith.extui %eq3A_37 : i1 to i32
      %cond3A_39 = arith.constant 0 : i32
      %cond3A_40 = arith.cmpi ne, %convert_element_type3A_38, %cond3A_39 : i32
      scf.if %cond3A_40 {
        %swap3A_61 = arith.constant 0.000000e+00 : f32
        %swap3A_62 = arith.constant 0 : index
        %swap3A_63 = memref.load %arg17[%swap3A_62] : memref<2xf32, #tpu.memory_space<smem>>
        memref.store %swap3A_61, %arg17[%swap3A_62] : memref<2xf32, #tpu.memory_space<smem>>
        %swap3A_64 = arith.constant 0.000000e+00 : f32
        %swap3A_65 = arith.constant 1 : index
        %swap3A_66 = memref.load %arg17[%swap3A_65] : memref<2xf32, #tpu.memory_space<smem>>
        memref.store %swap3A_64, %arg17[%swap3A_65] : memref<2xf32, #tpu.memory_space<smem>>
      } else {
      }
      %get3A_41 = arith.constant 0 : index
      %get3A_42 = memref.load %arg17[%get3A_41] : memref<2xf32, #tpu.memory_space<smem>>
      %reduce_sum3A = vector.shape_cast %select_n3A : vector<256x128xf32> to vector<1x256x128xf32>
      %reduce_sum3A_43 = arith.constant dense<0.000000e+00> : vector<1xf32>
      %reduce_sum3A_44 = vector.multi_reduction <add>, %reduce_sum3A, %reduce_sum3A_43 [1, 2] : vector<1x256x128xf32> to vector<1xf32>
      %reduce_sum3A_45 = vector.shape_cast %reduce_sum3A_44 : vector<1xf32> to vector<1x1x1xf32>
      %reduce_sum3A_46 = vector.extract %reduce_sum3A_45[0, 0, 0] : f32 from vector<1x1x1xf32>
      %add3A_47 = arith.addf %get3A_42, %reduce_sum3A_46 : f32
      %swap3A_48 = arith.constant 0 : index
      %swap3A_49 = memref.load %arg17[%swap3A_48] : memref<2xf32, #tpu.memory_space<smem>>
      memref.store %add3A_47, %arg17[%swap3A_48] : memref<2xf32, #tpu.memory_space<smem>>
      %get3A_50 = arith.constant 1 : index
      %get3A_51 = memref.load %arg17[%get3A_50] : memref<2xf32, #tpu.memory_space<smem>>
      %mul3A_52 = arith.mulf %select_n3A, %select_n3A : vector<256x128xf32>
      %reduce_sum3A_53 = vector.shape_cast %mul3A_52 : vector<256x128xf32> to vector<1x256x128xf32>
      %reduce_sum3A_54 = arith.constant dense<0.000000e+00> : vector<1xf32>
      %reduce_sum3A_55 = vector.multi_reduction <add>, %reduce_sum3A_53, %reduce_sum3A_54 [1, 2] : vector<1x256x128xf32> to vector<1xf32>
      %reduce_sum3A_56 = vector.shape_cast %reduce_sum3A_55 : vector<1xf32> to vector<1x1x1xf32>
      %reduce_sum3A_57 = vector.extract %reduce_sum3A_56[0, 0, 0] : f32 from vector<1x1x1xf32>
      %add3A_58 = arith.addf %get3A_51, %reduce_sum3A_57 : f32
      %swap3A_59 = arith.constant 1 : index
      %swap3A_60 = memref.load %arg17[%swap3A_59] : memref<2xf32, #tpu.memory_space<smem>>
      memref.store %add3A_58, %arg17[%swap3A_59] : memref<2xf32, #tpu.memory_space<smem>>
    } else {
    }
    %eq3A = arith.constant 40 : i32
    %eq3A_2 = arith.cmpi eq, %arg0, %eq3A : i32
    %convert_element_type3A_3 = arith.extui %eq3A_2 : i1 to i32
    %cond3A_4 = arith.constant 0 : i32
    %cond3A_5 = arith.cmpi ne, %convert_element_type3A_3, %cond3A_4 : i32
    scf.if %cond3A_5 {
      %get3A = arith.constant 0 : index
      %get3A_6 = memref.load %arg17[%get3A] : memref<2xf32, #tpu.memory_space<smem>>
      %div3A = arith.constant 1.280000e+06 : f32
      %div3A_7 = arith.divf %get3A_6, %div3A : f32
      %get3A_8 = arith.constant 1 : index
      %get3A_9 = memref.load %arg17[%get3A_8] : memref<2xf32, #tpu.memory_space<smem>>
      %div3A_10 = arith.constant 1.280000e+06 : f32
      %div3A_11 = arith.divf %get3A_9, %div3A_10 : f32
      %mul3A = arith.mulf %div3A_7, %div3A_7 : f32
      %sub3A = arith.subf %div3A_11, %mul3A : f32
      %max3A = arith.constant 0.000000e+00 : f32
      %max3A_12 = arith.maximumf %sub3A, %max3A : f32
      %sqrt3A = math.sqrt %max3A_12 : f32
      %get3A_13 = arith.constant 15 : index
      %get3A_14 = arith.constant 0 : index
      %get3A_15 = vector.load %arg16[%get3A_13, %get3A_14] : memref<256x128xf32, #tpu.memory_space<vmem>>, vector<1x128xf32>
      %sub3A_16 = vector.broadcast %div3A_7 : f32 to vector<1x128xf32>
      %sub3A_17 = arith.subf %get3A_15, %sub3A_16 : vector<1x128xf32>
      %add3A = arith.constant 9.99999974E-6 : f32
      %add3A_18 = arith.addf %sqrt3A, %add3A : f32
      %div3A_19 = vector.broadcast %add3A_18 : f32 to vector<1x128xf32>
      %div3A_20 = arith.divf %sub3A_17, %div3A_19 : vector<1x128xf32>
      %get3A_21 = arith.constant 0 : index
      %get3A_22 = arith.constant 0 : index
      %get3A_23 = vector.load %arg5[%get3A_21, %get3A_22] : memref<1x128xf32, #tpu.memory_space<vmem>>, vector<1x128xf32>
      %mul3A_24 = arith.mulf %div3A_20, %get3A_23 : vector<1x128xf32>
      %get3A_25 = arith.constant 0 : index
      %get3A_26 = arith.constant 0 : index
      %get3A_27 = vector.load %arg6[%get3A_25, %get3A_26] : memref<1x128xf32, #tpu.memory_space<vmem>>, vector<1x128xf32>
      %add3A_28 = arith.addf %mul3A_24, %get3A_27 : vector<1x128xf32>
      %tanh3A = math.tanh %add3A_28 : vector<1x128xf32>
      %get3A_29 = arith.constant 0 : index
      %get3A_30 = arith.constant 0 : index
      %get3A_31 = vector.load %arg7[%get3A_29, %get3A_30] : memref<1x128xf32, #tpu.memory_space<vmem>>, vector<1x128xf32>
      %get3A_32 = arith.constant 0 : index
      %get3A_33 = arith.constant 0 : index
      %get3A_34 = vector.load %arg8[%get3A_32, %get3A_33] : memref<1x128xf32, #tpu.memory_space<vmem>>, vector<1x128xf32>
      %concatenate3A = tpu.concatenate %get3A_31, %get3A_34, %tanh3A in 1 : vector<1x128xf32>, vector<1x128xf32>, vector<1x128xf32> -> vector<1x384xf32>
      %get3A_35 = arith.constant 0 : index
      %get3A_36 = arith.constant 0 : index
      %get3A_37 = vector.load %arg9[%get3A_35, %get3A_36] : memref<384x128xf32, #tpu.memory_space<vmem>>, vector<384x128xf32>
      %dot_general3A = arith.constant dense<0.000000e+00> : vector<1x128xf32>
      %dot_general3A_38 = tpu.matmul %concatenate3A, %get3A_37, %dot_general3A {dimension_numbers = #tpu.dot_dimension_numbers<[1], [0], [0], [1], [0, 0, 1, 1], [], []>, transpose_lhs_hint = false} : vector<1x384xf32>, vector<384x128xf32>, vector<1x128xf32> -> vector<1x128xf32>
      %get3A_39 = arith.constant 0 : index
      %get3A_40 = arith.constant 0 : index
      %get3A_41 = vector.load %arg10[%get3A_39, %get3A_40] : memref<1x128xf32, #tpu.memory_space<vmem>>, vector<1x128xf32>
      %add3A_42 = arith.addf %dot_general3A_38, %get3A_41 : vector<1x128xf32>
      %get3A_43 = arith.constant 0 : index
      %get3A_44 = arith.constant 0 : index
      %get3A_45 = vector.load %arg11[%get3A_43, %get3A_44] : memref<128x64xf32, #tpu.memory_space<vmem>>, vector<128x64xf32>
      %dot_general3A_46 = arith.constant dense<0.000000e+00> : vector<1x64xf32>
      %dot_general3A_47 = tpu.matmul %add3A_42, %get3A_45, %dot_general3A_46 {dimension_numbers = #tpu.dot_dimension_numbers<[1], [0], [0], [1], [0, 0, 1, 1], [], []>, transpose_lhs_hint = false} : vector<1x128xf32>, vector<128x64xf32>, vector<1x64xf32> -> vector<1x64xf32>
      %get3A_48 = arith.constant 0 : index
      %get3A_49 = arith.constant 0 : index
      %get3A_50 = vector.load %arg12[%get3A_48, %get3A_49] : memref<1x64xf32, #tpu.memory_space<vmem>>, vector<1x64xf32>
      %add3A_51 = arith.addf %dot_general3A_47, %get3A_50 : vector<1x64xf32>
      %tanh3A_52 = math.tanh %add3A_51 : vector<1x64xf32>
      %get3A_53 = arith.constant 0 : index
      %get3A_54 = arith.constant 0 : index
      %get3A_55 = vector.load %arg13[%get3A_53, %get3A_54] : memref<64x128xf32, #tpu.memory_space<vmem>>, vector<64x128xf32>
      %dot_general3A_56 = arith.constant dense<0.000000e+00> : vector<1x128xf32>
      %dot_general3A_57 = tpu.matmul %tanh3A_52, %get3A_55, %dot_general3A_56 {dimension_numbers = #tpu.dot_dimension_numbers<[1], [0], [0], [1], [0, 0, 1, 1], [], []>, transpose_lhs_hint = false} : vector<1x64xf32>, vector<64x128xf32>, vector<1x128xf32> -> vector<1x128xf32>
      %get3A_58 = arith.constant 0 : index
      %get3A_59 = arith.constant 0 : index
      %get3A_60 = vector.load %arg14[%get3A_58, %get3A_59] : memref<1x128xf32, #tpu.memory_space<vmem>>, vector<1x128xf32>
      %add3A_61 = arith.addf %dot_general3A_57, %get3A_60 : vector<1x128xf32>
      %swap3A = arith.constant 0 : index
      %swap3A_62 = arith.constant 0 : index
      %swap3A_63 = vector.load %arg15[%swap3A, %swap3A_62] : memref<1x128xf32, #tpu.memory_space<vmem>>, vector<1x128xf32>
      tpu.vector_store %arg15[%swap3A, %swap3A_62], %add3A_61 {strides = array<i32>} : memref<1x128xf32, #tpu.memory_space<vmem>>, vector<1x128xf32>,
    } else {
    }
    return
  }
  func.func @transform_0(%arg0: i32) -> (i32, i32, i32) {
    %min3A = arith.constant 39 : i32
    %min3A_0 = arith.minsi %arg0, %min3A : i32
    %c0_i32 = arith.constant 0 : i32
    %c0_i32_1 = arith.constant 0 : i32
    %c0_i32_2 = arith.constant 0 : i32
    return %c0_i32, %min3A_0, %c0_i32_1 : i32, i32, i32
  }
  func.func @transform_1(%arg0: i32) -> (i32, i32) {
    %min3A = arith.constant 39 : i32
    %min3A_0 = arith.minsi %arg0, %min3A : i32
    %c0_i32 = arith.constant 0 : i32
    %c0_i32_1 = arith.constant 0 : i32
    return %min3A_0, %c0_i32 : i32, i32
  }
  func.func @transform_2(%arg0: i32) -> (i32, i32) {
    %min3A = arith.constant 39 : i32
    %min3A_0 = arith.minsi %arg0, %min3A : i32
    %c0_i32 = arith.constant 0 : i32
    %c0_i32_1 = arith.constant 0 : i32
    return %min3A_0, %c0_i32 : i32, i32
  }
  func.func @transform_3(%arg0: i32) -> (i32, i32) {
    %c0_i32 = arith.constant 0 : i32
    %c0_i32_0 = arith.constant 0 : i32
    %c0_i32_1 = arith.constant 0 : i32
    return %c0_i32, %c0_i32_0 : i32, i32
  }
  func.func @transform_4(%arg0: i32) -> (i32, i32) {
    %c0_i32 = arith.constant 0 : i32
    %c0_i32_0 = arith.constant 0 : i32
    %c0_i32_1 = arith.constant 0 : i32
    return %c0_i32, %c0_i32_0 : i32, i32
  }
  func.func @transform_5(%arg0: i32) -> (i32, i32) {
    %c0_i32 = arith.constant 0 : i32
    %c0_i32_0 = arith.constant 0 : i32
    %c0_i32_1 = arith.constant 0 : i32
    return %c0_i32, %c0_i32_0 : i32, i32
  }
  func.func @transform_6(%arg0: i32) -> (i32, i32) {
    %c0_i32 = arith.constant 0 : i32
    %c0_i32_0 = arith.constant 0 : i32
    %c0_i32_1 = arith.constant 0 : i32
    return %c0_i32, %c0_i32_0 : i32, i32
  }
  func.func @transform_7(%arg0: i32) -> (i32, i32) {
    %c0_i32 = arith.constant 0 : i32
    %c0_i32_0 = arith.constant 0 : i32
    %c0_i32_1 = arith.constant 0 : i32
    return %c0_i32, %c0_i32_0 : i32, i32
  }
  func.func @transform_8(%arg0: i32) -> (i32, i32) {
    %c0_i32 = arith.constant 0 : i32
    %c0_i32_0 = arith.constant 0 : i32
    %c0_i32_1 = arith.constant 0 : i32
    return %c0_i32, %c0_i32_0 : i32, i32
  }
  func.func @transform_9(%arg0: i32) -> (i32, i32) {
    %c0_i32 = arith.constant 0 : i32
    %c0_i32_0 = arith.constant 0 : i32
    %c0_i32_1 = arith.constant 0 : i32
    return %c0_i32, %c0_i32_0 : i32, i32
  }
  func.func @transform_10(%arg0: i32) -> (i32, i32) {
    %c0_i32 = arith.constant 0 : i32
    %c0_i32_0 = arith.constant 0 : i32
    %c0_i32_1 = arith.constant 0 : i32
    return %c0_i32, %c0_i32_0 : i32, i32
  }
  func.func @transform_11(%arg0: i32) -> (i32, i32) {
    %c0_i32 = arith.constant 0 : i32
    %c0_i32_0 = arith.constant 0 : i32
    %c0_i32_1 = arith.constant 0 : i32
    return %c0_i32, %c0_i32_0 : i32, i32
  }
  func.func @transform_12(%arg0: i32) -> (i32, i32) {
    %c0_i32 = arith.constant 0 : i32
    %c0_i32_0 = arith.constant 0 : i32
    %c0_i32_1 = arith.constant 0 : i32
    return %c0_i32, %c0_i32_0 : i32, i32
  }
  func.func @transform_13(%arg0: i32) -> (i32, i32) {
    %c0_i32 = arith.constant 0 : i32
    %c0_i32_0 = arith.constant 0 : i32
    %c0_i32_1 = arith.constant 0 : i32
    return %c0_i32, %c0_i32_0 : i32, i32
  }
  func.func @transform_14(%arg0: i32) -> (i32, i32) {
    %c0_i32 = arith.constant 0 : i32
    %c0_i32_0 = arith.constant 0 : i32
    %c0_i32_1 = arith.constant 0 : i32
    return %c0_i32, %c0_i32_0 : i32, i32
  }
}

</mosaic_0001>

<sc_bundles>
// kernel: kernel.10.cloned.1.call-start
scs
__scs_entry_jumppad:
0x0: {  	(pc) =	sbr.rel $0x88, $3  }
0x1: {  	(tag) =	ssettag $0x0;
	lr =	simm.s32 $0x1  }
0x2: {  	[smem:$0x3F8D] =	sst lr;
	_ =	strace $0xD0000000  }
0x3: {  	_ = 	snop  }
0x4: {  	_ = 	snop  }
0x5: {  	_ = 	snop  }
0x6: {  	_ = 	snop  }
0x7: {  	_ = 	snop  }
__scs_overlays_trampoline_lowered:
0x8: {  	[smem:$0x3F9C] =	sst s0  }
0x9: {  	[smem:$0x3F9D] =	sst s1  }
0xa: {  	[smem:$0x3F9E] =	sst s2  }
0xb: {  	[smem:$0x3F9F] =	sst s3  }
0xc: {  	[smem:$0x3FA0] =	sst s4  }
0xd: {  	[smem:$0x3FA1] =	sst s5  }
0xe: {  	[smem:$0x3FA2] =	sst s6  }
0xf: {  	[smem:$0x3FA3] =	sst s7  }
0x10: {  	[smem:$0x3FA4] =	sst s8  }
0x11: {  	[smem:$0x3FA5] =	sst s9;
	s0 =	simm.s32 @!p0 $0x0  }
0x12: {  	s1 =	sld [smem:$0x3F8B];
	s0 =	simm.s32 @p0 $0x1  }
0x13: {  	[smem:$0x3FA6] =	sst s0;
	s0 =	simm.s32 @!p1 $0x0  }
0x14: {  	s2 =	sld [smem:$0x3F8A];
	s0 =	simm.s32 @p1 $0x1  }
0x15: {  	[smem:$0x3FA7] =	sst s0;
	s0 =	simm.s32 @!p2 $0x0  }
0x16: {  	s3 =	sld [smem:$0x3FDB];
	s0 =	simm.s32 @p2 $0x1  }
0x17: {  	s4 =	simm.s32 $0x1BF5;
	[smem:$0x3FA9] =	sst s0  }
0x18: {  	s0 =	sld [smem:$0x3F8C];
	_ =	swait.ge [sflag:s4], $0x0  }
0x19: {  	s7 =	sld [smem:$0x3F8D]  }
0x1a: {  	s8 =	sadd.s32 $0xFFFFE003, lr  }
0x1b: {  	s9 =	sadd.s32 $0xFFFFFEF7, lr;
	s5 =	simm.s32 $0xFFFFFFFF;
	p2 =	slt.u32 s8, $0xFFFFF086  }
0x1c: {  	p1 =	slt.u32 s9, $0xF7A;
	s5 =	simm.s32 @!p2 $0x0  }
0x1d: {  	s5 =	simm.s32 @p1 $0x1;
	p0 =	seq.s32 s7, s2  }
0x1e: {  	s7 =	smul.u32 @!p0 $0xF7A, s2;
	p2 =	seq.s32 @!p0 s5, $0x0  }
0x1f: {  	s9 =	smul.u32 $0xF7A, s1;
	s8 =	simm.s32 @!p0 $0x1BF5;
	p2 =	por !p2, p0  }
0x20: {  	[sflag:s8] =	ssyncset.s32 @!p0 $0xFFFFF086;
	s6 =	sadd.s32 @!p0 s3, s7;
	s7 =	simm.s32 @!p0 $0x108  }
0x21: {  	s3 =	sadd.s32 s3, s9;
	s6 =	sadd.s32 @!p0 $0x88, s6;
	s7 =	simm.s32 @p2 $0x1082  }
0x22: {  	[simem:s7], [sflag:s8] =	dma.local @!p0 [hbm:s6], $0xF7A  }
0x23: {  	s9 =	sor.u32 $0xD0000000, s2;
	s6 =	simm.s32 $0x108;
	_ =	swait.ge @!p0 [sflag:s8], $0x0  }
0x24: {  	s3 =	sadd.s32 $0x88, s3;
	s6 =	simm.s32 @!p1 $0x1082;
	[sflag:s4] =	ssyncset.s32 $0xFFFFF086  }
0x25: {  	[simem:s6], [sflag:s4] =	dma.local [hbm:s3], $0xF7A  }
0x26: {  	[smem:$0x3F8D] =	sst s1;
	(tag) =	ssettag s2;
	_ =	strace s9  }
0x27: {  	s1 =	sld [smem:$0x3F9D]  }
0x28: {  	s2 =	sld [smem:$0x3F9E]  }
0x29: {  	s4 =	sld [smem:$0x3FA0]  }
0x2a: {  	p0 =	seq.s32 s5, $0x0;
	s5 =	sld [smem:$0x3FA1]  }
0x2b: {  	s6 =	sld [smem:$0x3FA2]  }
0x2c: {  	s7 =	sld [smem:$0x3FA3]  }
0x2d: {  	s3 =	simm.s32 $0x108;
	s8 =	sld [smem:$0x3FA4]  }
0x2e: {  	s3 =	simm.s32 @!p0 $0x1082;
	s9 =	sld [smem:$0x3FA5]  }
0x2f: {  	lr =	sadd.s32 s0, s3;
	s0 =	sld [smem:$0x3F9C]  }
0x30: {  	s3 =	sld [smem:$0x3F9F]  }
0x31: {  	[smem:$0x3FA8] =	sst s10  }
0x32: {  	s10 =	sld [smem:$0x3FA6];
	_ =	sdelay $0x3  }
0x33: {  	p0 =	seq.s32 s10, $0x1;
	s10 =	sld [smem:$0x3FA8];
	_ =	sdelay $0x3  }
0x34: {  	[smem:$0x3FA8] =	sst s10  }
0x35: {  	s10 =	sld [smem:$0x3FA7];
	_ =	sdelay $0x3  }
0x36: {  	p1 =	seq.s32 s10, $0x1;
	s10 =	sld [smem:$0x3FA8];
	_ =	sdelay $0x3  }
0x37: {  	[smem:$0x3FA8] =	sst s10  }
0x38: {  	s10 =	sld [smem:$0x3FA9]  }
0x39: {  	_ = 	snop;
	(pc) =	sbr.ind lr, $3  }
0x3a: {  	_ = 	snop  }
0x3b: {  	_ = 	snop  }
0x3c: {  	p2 =	seq.s32 s10, $0x1;
	s10 =	sld [smem:$0x3FA8]  }
0x3d: {  	_ =	shalt  }
0x3e: {  	_ =	shalt  }
0x3f: {  	_ =	shalt  }
0x40: {  	_ =	shalt  }
0x41: {  	_ =	shalt  }
0x42: {  	_ =	shalt  }
0x43: {  	_ =	shalt  }
0x44: {  	_ =	shalt  }
0x45: {  	_ =	shalt  }
0x46: {  	_ =	shalt  }
0x47: {  	_ =	shalt  }
0x48: {  	_ =	shalt  }
0x49: {  	_ =	shalt  }
0x4a: {  	_ =	shalt  }
0x4b: {  	_ =	shalt  }
0x4c: {  	_ =	shalt  }
0x4d: {  	_ =	shalt  }
0x4e: {  	_ =	shalt  }
0x4f: {  	_ =	shalt  }
0x50: {  	_ =	shalt  }
0x51: {  	_ =	shalt  }
0x52: {  	_ =	shalt  }
0x53: {  	_ =	shalt  }
0x54: {  	_ =	shalt  }
0x55: {  	_ =	shalt  }
0x56: {  	_ =	shalt  }
0x57: {  	_ =	shalt  }
0x58: {  	_ =	shalt  }
0x59: {  	_ =	shalt  }
0x5a: {  	_ =	shalt  }
0x5b: {  	_ =	shalt  }
0x5c: {  	_ =	shalt  }
0x5d: {  	_ =	shalt  }
0x5e: {  	_ =	shalt  }
0x5f: {  	_ =	shalt  }
0x60: {  	_ =	shalt  }
0x61: {  	_ =	shalt  }
0x62: {  	_ =	shalt  }
0x63: {  	_ =	shalt  }
0x64: {  	_ =	shalt  }
0x65: {  	_ =	shalt  }
0x66: {  	_ =	shalt  }
0x67: {  	_ =	shalt  }
0x68: {  	_ =	shalt  }
0x69: {  	_ =	shalt  }
0x6a: {  	_ =	shalt  }
0x6b: {  	_ =	shalt  }
0x6c: {  	_ =	shalt  }
0x6d: {  	_ =	shalt  }
0x6e: {  	_ =	shalt  }
0x6f: {  	_ =	shalt  }
0x70: {  	_ =	shalt  }
0x71: {  	_ =	shalt  }
0x72: {  	_ =	shalt  }
0x73: {  	_ =	shalt  }
0x74: {  	_ =	shalt  }
0x75: {  	_ =	shalt  }
0x76: {  	_ =	shalt  }
0x77: {  	_ =	shalt  }
0x78: {  	_ =	shalt  }
0x79: {  	_ =	shalt  }
0x7a: {  	_ =	shalt  }
0x7b: {  	_ =	shalt  }
0x7c: {  	_ =	shalt  }
0x7d: {  	_ =	shalt  }
0x7e: {  	_ =	shalt  }
0x7f: {  	_ =	shalt  }
0x80: {  	_ =	shalt  }
0x81: {  	_ =	shalt  }
0x82: {  	_ =	shalt  }
0x83: {  	_ =	shalt  }
0x84: {  	_ =	shalt  }
0x85: {  	_ =	shalt  }
0x86: {  	_ =	shalt  }
0x87: {  	_ =	shalt  }
.Lfunc_end0:
.L_simem_size_0:
called_computation_lowered:
.L_overlay_start_0:
0x88: {  	s2 =	sld [smem:$0x3FD9]  }
0x89: {  	s3 =	sld [smem:$0x3FFE];
	_ =	sdelay $0x1  }
0x8a: {  	s1 =	srdreg.scid  }
0x8b: {  	s0 =	sand.u32 $0x1, s1  }
0x8c: {  	s16 =	sshll.u32 s0, $0xA;
	s2 =	sadd.s32 s3, s2  }
0x8d: {  	s2 =	sadd.s32 s2, s16  }
0x8e: {  	[smem:$0x3FB4] =	sst s2  }
0x8f: {  	_ = 	snop  }
0x90: {  	(tm) =	ssettm $0x1  }
0x91: {  	s17 =	sld [smem:$0x3FFB];
	_ =	sdelay $0x3  }
0x92: {  	_ =	strace s17  }
0x93: {  	s2 =	sld [smem:$0x3FFC];
	_ =	sdelay $0x3  }
0x94: {  	_ =	strace s2  }
0x95: {  	s2 =	sld [smem:$0x3FFD];
	_ =	sdelay $0x3  }
0x96: {  	_ =	strace s2  }
0x97: {  	_ =	strace $0x8FFFFFFF  }
0x98: {  	s18 =	sld [smem:$0x3FDB];
	_ =	sdelay $0x1  }
0x99: {  	s19 =	simm.s32 $_scs_section_size  }
0x9a: {  	s4 =	simm.s32 $_size__tile_overlayer_lowered;
	s5 =	simm.s32 $_tile_overlayer_lowered  }
0x9b: {  	s22 =	simm.s32 $0x1BFF;
	s21 =	sshll.u32 s5, $0x1;
	s2 =	sadd.s32 s19, s18  }
0x9c: {  	s6 =	simm.s32 $0x0;
	s20 =	sshll.u32 s4, $0x1;
	s4 =	sadd.s32 s21, s2  }
0x9d: {  	[timem:s6], [sflag:s22] =	dma.local [hbm:s4], s20  }
0x9e: {  	_ =	swait.ge [sflag:s22], s20  }
0x9f: {  	s3 =	ssub.s32 $0x0, s20;
	[sflag:s22] =	ssyncset.done $0x0  }
0xa0: {  	[sflag:s22] =	ssyncadd.s32 s3;
	_ =	sdelay $0x1  }
0xa1: {  	s23 =	simm.s32 $0x1B8B  }
0xa2: {  	_ =	swait.ge [sflag:s23], $0x1  }
0xa3: {  	[sflag:s23] =	ssyncset.done $0x0  }
0xa4: {  	s25 =	simm.s32 $0x1B8E;
	s24 =	sld [smem:$0x3FFE];
	[sflag:s23] =	ssyncadd.s32 $0xFFFFFFFF  }
0xa5: {  	s26 =	simm.s32 $execute0_lowered;
	[smem:$0x3FD2] =	sst s25  }
0xa6: {  	s4 =	sshll.u32 s26, $0x1;
	_ =	strace $0x80000046;
	[dreg:$0x1] =	wrdreg $0xFFFFFFFF  }
0xa7: {  	s28 =	simm.s32 $_size_execute0_lowered;
	s2 =	sadd.s32 s2, s4;
	[dreg:$0x0] =	wrdreg $0x0  }
0xa8: {  	s4 =	sshll.u32 s28, $0x1;
	[dreg:$0x2] =	wrdreg s2  }
0xa9: {  	[dreg:$0x3] =	wrdreg s4  }
0xaa: {  	[dreg:$0x4] =	wrdreg $0xC0  }
0xab: {  	_ =	task [dreg:s6], $0x5FFFF  }
0xac: {  	[dreg:$0x1] =	wrdreg $0xFFFFFFFF  }
0xad: {  	[dreg:$0x0] =	wrdreg $0x60  }
0xae: {  	[dreg:$0x2] =	wrdreg s24  }
0xaf: {  	[dreg:$0x3] =	wrdreg $0x2B000  }
0xb0: {  	[dreg:$0x4] =	wrdreg $0x9  }
0xb1: {  	_ =	task.clear_ibuf [dreg:s6], $0x5FFFF;
	_ =	strace $0x90000046  }
0xb2: {  	s29 =	simm.s32 $0x9;
	_ =	strace $0x80000048  }
0xb3: {  	_ =	swait.ge [sflag:s29], $0x1  }
0xb4: {  	[sflag:s29] =	ssyncadd.s32 $0xFFFFFFFF  }
0xb5: {  	_ =	strace $0x90000048  }
0xb6: {  	_ =	sfence  }
0xb7: {  	s30 =	sld [smem:$0x0];
	_ =	sdelay $0x2  }
0xb8: {  	s31 =	sshll.u32 s1, $0xD;
	s1 =	sshrl.u32 s1, $0x2  }
0xb9: {  	s3 =	sand.u32 $0x4000, s31;
	s1 =	sadd.s32 s1, s30  }
0xba: {  	s0 =	sor.u32 s3, s0;
	s1 =	sshll.u32 s1, $0x11  }
0xbb: {  	s0 =	sor.u32 s1, s0  }
0xbc: {  	s0 =	sadd.s32 $0x8F2B, s0  }
0xbd: {  	[sflag:s0] =	ssyncadd.remote.s32 $0x1  }
0xbe: {  	_ =	sfence.sel $0xFFFF  }
0xbf: {  	[dreg:$0x0] =	wrdreg $0xFFFFFFFF;
	(pc) =	sbr.abs _section_cstart, $3  }
0xc0: {  	[dreg:$0x1] =	wrdreg $0xFFFFFFFF  }
0xc1: {  	_ =	task.clear_ibuf [dreg:s6], $0x2FFFF;
	_ =	strace $0x9FFFFFFF  }
0xc2: {  	(tm) =	ssettm $0x7FFFFFFF  }
0xc3: {  	_ =	shalt  }
tec
execute0_lowered:
.L_overlay_start_1:
0x0: {  	(tag) =	ssettag $0x1  }
0x1: {  	s4 =	rddreg [dreg:$0x0]  }
0x2: {  	s1 =	rddreg [dreg:$0x1]  }
0x3: {  	s2 =	srdreg.scid;
	s0 =	rddreg [dreg:$0x2];
	s3 =	simm.s32 $0x0  }
0x4: {  	s10 =	simm.s32 $0x50;
	s11 =	simm.s32 $0x2780;
	s12 =	simm.s32 $0x2800  }
0x5: {  	s15 =	simm.s32 $0x20;
	s16 =	simm.s32 $0x10;
	s17 =	simm.s32 $0x0  }
0x6: {  	s5 =	sand.u32 $0x1, s2;
	s2 =	stileid.u32;
	[smem:$0x7FF] =	sst s3  }
0x7: {  	s6 =	sshll.u32 s5, $0x4;
	s7 =	smul.u32 $0x500, s2;
	_ =	strace $0x80000047  }
0x8: {  	s8 =	sshll.u32 s5, $0x7;
	s5 =	ssub.s32 $0x2, s5;
	s30 =	smul.u32 $0xA00, s2  }
0x9: {  	s13 =	sshll.u32 s2, $0x6;
	s6 =	sor.u32 s2, s6;
	s9 =	sshrl.u32 s5, $0x1  }
0xa: {  	s13 =	sor.u32 $0x1C01, s13;
	s6 =	smul.u32 $0x4E2, s6;
	s7 =	sor.u32 s8, s7  }
0xb: {  	s9 =	ssub.s32 s5, s9;
	s31 =	sshrl.u32 s30, $0x2;
	s7 =	sshrl.u32 s7, $0x3  }
0xc: {  	s8 =	simm.s32 $0x2880;
	s6 =	sadd.s32 s6, s4;
	s7 =	sadd.s32 s7, s4  }
0xd: {  	s4 =	sadd.s32 s31, s1;
	s5 =	sadd.s32 $0xE200, s6;
	s6 =	sadd.s32 $0x18000, s7  }
0xe: {  	v0 =	vimm.f32 $0.0e+00;
	v1 =	vimm.f32 $1.000000000e+00;
	s7 =	smax.u32 s9, $0x1;
	s9 =	simm.s32 $0x1;
	s14 =	sshrl.u32 s4, $0x3  }
.LBB2_1:
0xf: {  	[tilespmem:$0x2880] =	vst v0  }
0x10: {  	[tilespmem:$0x2890] =	vst v0  }
0x11: {  	[tilespmem:$0x28A0] =	vst v0  }
0x12: {  	[tilespmem:$0x28B0] =	vst v0  }
0x13: {  	[tilespmem:$0x28C0] =	vst v0  }
0x14: {  	[tilespmem:$0x28D0] =	vst v0  }
0x15: {  	[tilespmem:$0x28E0] =	vst v0  }
0x16: {  	[tilespmem:$0x28F0] =	vst v0  }
0x17: {  	[tilespmem:$0x2900] =	vst v0  }
0x18: {  	[tilespmem:$0x2910] =	vst v0  }
0x19: {  	[tilespmem:$0x2920] =	vst v0  }
0x1a: {  	[tilespmem:$0x2930] =	vst v0  }
0x1b: {  	[tilespmem:$0x2940] =	vst v0  }
0x1c: {  	[tilespmem:$0x2950] =	vst v0  }
0x1d: {  	[tilespmem:$0x2960] =	vst v0  }
0x1e: {  	[tilespmem:$0x2970] =	vst v0  }
0x1f: {  	[tilespmem:$0x2980] =	vst v0  }
0x20: {  	[tilespmem:$0x2990] =	vst v0  }
0x21: {  	[tilespmem:$0x29A0] =	vst v0  }
0x22: {  	[tilespmem:$0x29B0] =	vst v0  }
0x23: {  	[tilespmem:$0x29C0] =	vst v0  }
0x24: {  	[tilespmem:$0x29D0] =	vst v0  }
0x25: {  	[tilespmem:$0x29E0] =	vst v0  }
0x26: {  	[tilespmem:$0x29F0] =	vst v0  }
0x27: {  	[tilespmem:$0x2A00] =	vst v0  }
0x28: {  	[tilespmem:$0x2A10] =	vst v0  }
0x29: {  	[tilespmem:$0x2A20] =	vst v0  }
0x2a: {  	[tilespmem:$0x2A30] =	vst v0  }
0x2b: {  	[tilespmem:$0x2A40] =	vst v0  }
0x2c: {  	[tilespmem:$0x2A50] =	vst v0  }
0x2d: {  	[tilespmem:$0x2A60] =	vst v0  }
0x2e: {  	[tilespmem:$0x2A70] =	vst v0  }
0x2f: {  	[tilespmem:$0x2A80] =	vst v0  }
0x30: {  	[tilespmem:$0x2A90] =	vst v0  }
0x31: {  	[tilespmem:$0x2AA0] =	vst v0  }
0x32: {  	[tilespmem:$0x2AB0] =	vst v0  }
0x33: {  	[tilespmem:$0x2AC0] =	vst v0  }
0x34: {  	[tilespmem:$0x2AD0] =	vst v0  }
0x35: {  	[tilespmem:$0x2AE0] =	vst v0  }
0x36: {  	[tilespmem:$0x2AF0] =	vst v0  }
0x37: {  	[tilespmem:$0x2800] =	vst v1  }
0x38: {  	[tilespmem:$0x2810] =	vst v1  }
0x39: {  	[tilespmem:$0x2820] =	vst v1  }
0x3a: {  	[tilespmem:$0x2830] =	vst v1  }
0x3b: {  	[tilespmem:$0x2840] =	vst v1  }
0x3c: {  	[spmem:s4] =	stream.linear.scatter [tilespmem:s8], [sflag:$0x1], $0x280, $0x38;
	[tilespmem:$0x2D80] =	vst v63  }
0x3d: {  	_ =	swait.ge [sflag:s9], $0x280  }
0x3e: {  	[sflag:s9] =	ssyncset.done $0x0  }
0x3f: {  	[sflag:s9] =	ssyncadd.s32 $0xFFFFFD80  }
0x40: {  	[tilespmem:s3], [sflag:$0x1] =	stream.linear.gather [hbm4b:s5+s3], $0x2710, $0x38;
	[tilespmem:$0x2D80] =	vst v63  }
0x41: {  	_ =	swait.ge [sflag:s9], $0x2710  }
0x42: {  	[sflag:s9] =	ssyncset.done $0x0  }
0x43: {  	[sflag:s9] =	ssyncadd.s32 $0xFFFFD8F0  }
0x44: {  	s18 =	simm.s32 $0x0;
	[bflag:$0x0] =	sbarrier.arrive $0xFFFF  }
0x45: {  	v2 =	vld [tilespmem:s18+$0x0];
	_ =	sdelay $0x4  }
0x46: {  	[tilespmem:$0x2780] =	vst v2  }
0x47: {  	v2 =	vld [tilespmem:s18+$0x10];
	_ =	sdelay $0x4  }
0x48: {  	[tilespmem:$0x2790] =	vst v2  }
0x49: {  	v2 =	vld [tilespmem:s18+$0x20];
	_ =	sdelay $0x4  }
0x4a: {  	[tilespmem:$0x27A0] =	vst v2  }
0x4b: {  	v2 =	vld [tilespmem:s18+$0x30];
	_ =	sdelay $0x4  }
0x4c: {  	[tilespmem:$0x27B0] =	vst v2  }
0x4d: {  	v2 =	vld [tilespmem:s18+$0x40];
	_ =	sdelay $0x4  }
0x4e: {  	[tilespmem:$0x27C0] =	vst v2  }
0x4f: {  	[spmem:s1] =	stream.indirect.scatter.add.f32 [tilespmem:s12], [sflag:$0x1], $0x1, s11, s10, $0xb8;
	[tilespmem:$0x2D80] =	vst v63  }
0x50: {  	_ =	swait.ge [sflag:s9], $0x50  }
0x51: {  	s19 =	simm.s32 $0x280;
	s18 =	simm.s32 $0x140;
	[sflag:s9] =	ssyncset.done $0x0  }
.LBB2_2:
0x52: {  	s20 =	sshra.s32 s18, $0x2  }
0x53: {  	[sflag:s9] =	ssyncadd.s32 $0xFFFFFFB0;
	s18 =	smov.u32 s19;
	s21 =	sadd.s32 $0x140, s19  }
0x54: {  	p0 =	sne.s32 s19, $0x9B00;
	v2 =	vld [tilespmem:s20+$0x0];
	_ =	sdelay $0x4  }
0x55: {  	[tilespmem:$0x2780] =	vst v2  }
0x56: {  	v2 =	vld [tilespmem:s20+$0x10];
	_ =	sdelay $0x4  }
0x57: {  	[tilespmem:$0x2790] =	vst v2  }
0x58: {  	v2 =	vld [tilespmem:s20+$0x20];
	_ =	sdelay $0x4  }
0x59: {  	[tilespmem:$0x27A0] =	vst v2  }
0x5a: {  	v2 =	vld [tilespmem:s20+$0x30];
	_ =	sdelay $0x4  }
0x5b: {  	[tilespmem:$0x27B0] =	vst v2  }
0x5c: {  	v2 =	vld [tilespmem:s20+$0x40];
	_ =	sdelay $0x3  }
.Ltmp0:
0x5d: {  	(pc) =	sbr.rel @p0 .LBB2_2-.Ltmp0, $4  }
0x5e: {  	[tilespmem:$0x27C0] =	vst v2  }
0x5f: {  	[spmem:s1] =	stream.indirect.scatter.add.f32 [tilespmem:s12], [sflag:$0x1], $0x1, s11, s10, $0xb8;
	[tilespmem:$0x2D80] =	vst v63  }
0x60: {  	_ =	swait.ge [sflag:s9], $0x50  }
0x61: {  	s19 =	smov.u32 s21;
	[sflag:s9] =	ssyncset.done $0x0  }
0x62: {  	s18 =	sshra.s32 s18, $0x2;
	[sflag:s9] =	ssyncadd.s32 $0xFFFFFFB0  }
0x63: {  	v2 =	vld [tilespmem:s18+$0x0];
	_ =	sdelay $0x4  }
0x64: {  	[tilespmem:$0x2780] =	vst v2  }
0x65: {  	v2 =	vld [tilespmem:s18+$0x10];
	_ =	sdelay $0x4  }
0x66: {  	[tilespmem:$0x2790] =	vst v2  }
0x67: {  	v2 =	vld [tilespmem:s18+$0x20];
	_ =	sdelay $0x4  }
0x68: {  	[tilespmem:$0x27A0] =	vst v2  }
0x69: {  	v2 =	vld [tilespmem:s18+$0x30];
	_ =	sdelay $0x4  }
0x6a: {  	[tilespmem:$0x27B0] =	vst v2  }
0x6b: {  	v2 =	vld [tilespmem:s18+$0x40];
	_ =	sdelay $0x4  }
0x6c: {  	[tilespmem:$0x27C0] =	vst v2  }
0x6d: {  	[spmem:s1] =	stream.indirect.scatter.add.f32 [tilespmem:s12], [sflag:$0x1], $0x1, s11, s10, $0xb8;
	[tilespmem:$0x2D80] =	vst v63  }
0x6e: {  	_ =	swait.ge [sflag:s9], $0x50  }
0x6f: {  	s17 =	sadd.s32 $0x1, s17;
	[sflag:s9] =	ssyncset.done $0x0  }
0x70: {  	p0 =	sne.s32 s17, s7;
	[sflag:s9] =	ssyncadd.s32 $0xFFFFFFB0  }
.Ltmp1:
0x71: {  	[bflag:$0x0] =	sbarrier.arrive $0xFFFF;
	(pc) =	sbr.rel @p0 .LBB2_1-.Ltmp1, $4  }
0x72: {  	[hbm:s6@s15], [sflag:s13] =	dma.strided [spmem:s14@s16], $0x50, s9, $0x10   }
0x73: {  	_ =	swait.ge [sflag:s9], $0x50  }
0x74: {  	[sflag:s9] =	ssyncset.done $0x0  }
0x75: {  	[sflag:s9] =	ssyncadd.s32 $0xFFFFFFB0  }
0x76: {  	_ =	sfence.sel $0x180000  }
0x77: {  	[bflag:$0x0] =	sbarrier.arrive $0xFFFF  }
0x78: {  	p0 =	sne.s32 s2, $0x0;
	_ =	strace $0x90000047  }
0x79: {  	s0 =	sadd.s32 @!p0 $0x100000, s0;
	[bflag:$0x2] =	sbarrier.arrive $0xFFFF  }
0x7a: {  	[sflag:s0] =	ssyncadd.tile.s32 @!p0 $0x1;
	_ =	shalt  }
.Lfunc_end2:
_tile_overlayer_lowered:
.L_overlay_start_2:
0x7b: {  	(tag) =	ssettag $0x2  }
0x7c: {  	s0 =	rddreg [dreg:$0x0];
	s2 =	stileid.u32  }
0x7d: {  	s1 =	rddreg [dreg:$0x1];
	p0 =	sne.s32 s2, $0x0  }
0x7e: {  	s3 =	rddreg [dreg:$0x2];
	[bflag:$0x3] =	sbarrier.arrive $0xFFFF;
	s2 =	simm.s32 @!p0 $0x1C01  }
0x7f: {  	[timem:s3], [sflag:s2] =	dma.local @!p0 [hbm:s0], s1  }
0x80: {  	s0 =	simm.s32 @!p0 $0x1  }
0x81: {  	_ =	swait.ge @!p0 [sflag:s0], s1  }
0x82: {  	s1 =	ssub.s32 @!p0 $0x0, s1;
	[sflag:s0] =	ssyncset.done @!p0 $0x0  }
0x83: {  	[sflag:s0] =	ssyncadd.s32 @!p0 s1  }
0x84: {  	[bflag:$0x3] =	sbarrier.arrive $0xFFFF  }
0x85: {  	_ =	shalt  }

// kernel: kernel.13.cloned.1.call-start
scs
__scs_entry_jumppad:
0x0: {  	(pc) =	sbr.rel $0x88, $3  }
0x1: {  	(tag) =	ssettag $0x0;
	lr =	simm.s32 $0x1  }
0x2: {  	[smem:$0x3F8D] =	sst lr;
	_ =	strace $0xD0000000  }
0x3: {  	_ = 	snop  }
0x4: {  	_ = 	snop  }
0x5: {  	_ = 	snop  }
0x6: {  	_ = 	snop  }
0x7: {  	_ = 	snop  }
__scs_overlays_trampoline_lowered:
0x8: {  	[smem:$0x3F9C] =	sst s0  }
0x9: {  	[smem:$0x3F9D] =	sst s1  }
0xa: {  	[smem:$0x3F9E] =	sst s2  }
0xb: {  	[smem:$0x3F9F] =	sst s3  }
0xc: {  	[smem:$0x3FA0] =	sst s4  }
0xd: {  	[smem:$0x3FA1] =	sst s5  }
0xe: {  	[smem:$0x3FA2] =	sst s6  }
0xf: {  	[smem:$0x3FA3] =	sst s7  }
0x10: {  	[smem:$0x3FA4] =	sst s8  }
0x11: {  	[smem:$0x3FA5] =	sst s9;
	s0 =	simm.s32 @!p0 $0x0  }
0x12: {  	s1 =	sld [smem:$0x3F8B];
	s0 =	simm.s32 @p0 $0x1  }
0x13: {  	[smem:$0x3FA6] =	sst s0;
	s0 =	simm.s32 @!p1 $0x0  }
0x14: {  	s2 =	sld [smem:$0x3F8A];
	s0 =	simm.s32 @p1 $0x1  }
0x15: {  	[smem:$0x3FA7] =	sst s0;
	s0 =	simm.s32 @!p2 $0x0  }
0x16: {  	s3 =	sld [smem:$0x3FDB];
	s0 =	simm.s32 @p2 $0x1  }
0x17: {  	s4 =	simm.s32 $0x1BF5;
	[smem:$0x3FA9] =	sst s0  }
0x18: {  	s0 =	sld [smem:$0x3F8C];
	_ =	swait.ge [sflag:s4], $0x0  }
0x19: {  	s7 =	sld [smem:$0x3F8D]  }
0x1a: {  	s8 =	sadd.s32 $0xFFFFE003, lr  }
0x1b: {  	s9 =	sadd.s32 $0xFFFFFEF7, lr;
	s5 =	simm.s32 $0xFFFFFFFF;
	p2 =	slt.u32 s8, $0xFFFFF086  }
0x1c: {  	p1 =	slt.u32 s9, $0xF7A;
	s5 =	simm.s32 @!p2 $0x0  }
0x1d: {  	s5 =	simm.s32 @p1 $0x1;
	p0 =	seq.s32 s7, s2  }
0x1e: {  	s7 =	smul.u32 @!p0 $0xF7A, s2;
	p2 =	seq.s32 @!p0 s5, $0x0  }
0x1f: {  	s9 =	smul.u32 $0xF7A, s1;
	s8 =	simm.s32 @!p0 $0x1BF5;
	p2 =	por !p2, p0  }
0x20: {  	[sflag:s8] =	ssyncset.s32 @!p0 $0xFFFFF086;
	s6 =	sadd.s32 @!p0 s3, s7;
	s7 =	simm.s32 @!p0 $0x108  }
0x21: {  	s3 =	sadd.s32 s3, s9;
	s6 =	sadd.s32 @!p0 $0x88, s6;
	s7 =	simm.s32 @p2 $0x1082  }
0x22: {  	[simem:s7], [sflag:s8] =	dma.local @!p0 [hbm:s6], $0xF7A  }
0x23: {  	s9 =	sor.u32 $0xD0000000, s2;
	s6 =	simm.s32 $0x108;
	_ =	swait.ge @!p0 [sflag:s8], $0x0  }
0x24: {  	s3 =	sadd.s32 $0x88, s3;
	s6 =	simm.s32 @!p1 $0x1082;
	[sflag:s4] =	ssyncset.s32 $0xFFFFF086  }
0x25: {  	[simem:s6], [sflag:s4] =	dma.local [hbm:s3], $0xF7A  }
0x26: {  	[smem:$0x3F8D] =	sst s1;
	(tag) =	ssettag s2;
	_ =	strace s9  }
0x27: {  	s1 =	sld [smem:$0x3F9D]  }
0x28: {  	s2 =	sld [smem:$0x3F9E]  }
0x29: {  	s4 =	sld [smem:$0x3FA0]  }
0x2a: {  	p0 =	seq.s32 s5, $0x0;
	s5 =	sld [smem:$0x3FA1]  }
0x2b: {  	s6 =	sld [smem:$0x3FA2]  }
0x2c: {  	s7 =	sld [smem:$0x3FA3]  }
0x2d: {  	s3 =	simm.s32 $0x108;
	s8 =	sld [smem:$0x3FA4]  }
0x2e: {  	s3 =	simm.s32 @!p0 $0x1082;
	s9 =	sld [smem:$0x3FA5]  }
0x2f: {  	lr =	sadd.s32 s0, s3;
	s0 =	sld [smem:$0x3F9C]  }
0x30: {  	s3 =	sld [smem:$0x3F9F]  }
0x31: {  	[smem:$0x3FA8] =	sst s10  }
0x32: {  	s10 =	sld [smem:$0x3FA6];
	_ =	sdelay $0x3  }
0x33: {  	p0 =	seq.s32 s10, $0x1;
	s10 =	sld [smem:$0x3FA8];
	_ =	sdelay $0x3  }
0x34: {  	[smem:$0x3FA8] =	sst s10  }
0x35: {  	s10 =	sld [smem:$0x3FA7];
	_ =	sdelay $0x3  }
0x36: {  	p1 =	seq.s32 s10, $0x1;
	s10 =	sld [smem:$0x3FA8];
	_ =	sdelay $0x3  }
0x37: {  	[smem:$0x3FA8] =	sst s10  }
0x38: {  	s10 =	sld [smem:$0x3FA9]  }
0x39: {  	_ = 	snop;
	(pc) =	sbr.ind lr, $3  }
0x3a: {  	_ = 	snop  }
0x3b: {  	_ = 	snop  }
0x3c: {  	p2 =	seq.s32 s10, $0x1;
	s10 =	sld [smem:$0x3FA8]  }
0x3d: {  	_ =	shalt  }
0x3e: {  	_ =	shalt  }
0x3f: {  	_ =	shalt  }
0x40: {  	_ =	shalt  }
0x41: {  	_ =	shalt  }
0x42: {  	_ =	shalt  }
0x43: {  	_ =	shalt  }
0x44: {  	_ =	shalt  }
0x45: {  	_ =	shalt  }
0x46: {  	_ =	shalt  }
0x47: {  	_ =	shalt  }
0x48: {  	_ =	shalt  }
0x49: {  	_ =	shalt  }
0x4a: {  	_ =	shalt  }
0x4b: {  	_ =	shalt  }
0x4c: {  	_ =	shalt  }
0x4d: {  	_ =	shalt  }
0x4e: {  	_ =	shalt  }
0x4f: {  	_ =	shalt  }
0x50: {  	_ =	shalt  }
0x51: {  	_ =	shalt  }
0x52: {  	_ =	shalt  }
0x53: {  	_ =	shalt  }
0x54: {  	_ =	shalt  }
0x55: {  	_ =	shalt  }
0x56: {  	_ =	shalt  }
0x57: {  	_ =	shalt  }
0x58: {  	_ =	shalt  }
0x59: {  	_ =	shalt  }
0x5a: {  	_ =	shalt  }
0x5b: {  	_ =	shalt  }
0x5c: {  	_ =	shalt  }
0x5d: {  	_ =	shalt  }
0x5e: {  	_ =	shalt  }
0x5f: {  	_ =	shalt  }
0x60: {  	_ =	shalt  }
0x61: {  	_ =	shalt  }
0x62: {  	_ =	shalt  }
0x63: {  	_ =	shalt  }
0x64: {  	_ =	shalt  }
0x65: {  	_ =	shalt  }
0x66: {  	_ =	shalt  }
0x67: {  	_ =	shalt  }
0x68: {  	_ =	shalt  }
0x69: {  	_ =	shalt  }
0x6a: {  	_ =	shalt  }
0x6b: {  	_ =	shalt  }
0x6c: {  	_ =	shalt  }
0x6d: {  	_ =	shalt  }
0x6e: {  	_ =	shalt  }
0x6f: {  	_ =	shalt  }
0x70: {  	_ =	shalt  }
0x71: {  	_ =	shalt  }
0x72: {  	_ =	shalt  }
0x73: {  	_ =	shalt  }
0x74: {  	_ =	shalt  }
0x75: {  	_ =	shalt  }
0x76: {  	_ =	shalt  }
0x77: {  	_ =	shalt  }
0x78: {  	_ =	shalt  }
0x79: {  	_ =	shalt  }
0x7a: {  	_ =	shalt  }
0x7b: {  	_ =	shalt  }
0x7c: {  	_ =	shalt  }
0x7d: {  	_ =	shalt  }
0x7e: {  	_ =	shalt  }
0x7f: {  	_ =	shalt  }
0x80: {  	_ =	shalt  }
0x81: {  	_ =	shalt  }
0x82: {  	_ =	shalt  }
0x83: {  	_ =	shalt  }
0x84: {  	_ =	shalt  }
0x85: {  	_ =	shalt  }
0x86: {  	_ =	shalt  }
0x87: {  	_ =	shalt  }
.Lfunc_end0:
.L_simem_size_0:
called_computation.1_lowered:
.L_overlay_start_0:
0x88: {  	s2 =	sld [smem:$0x3FD9]  }
0x89: {  	s3 =	sld [smem:$0x3FFE];
	_ =	sdelay $0x1  }
0x8a: {  	s1 =	srdreg.scid  }
0x8b: {  	s0 =	sand.u32 $0x1, s1  }
0x8c: {  	s16 =	sshll.u32 s0, $0xA;
	s2 =	sadd.s32 s3, s2  }
0x8d: {  	s2 =	sadd.s32 s2, s16  }
0x8e: {  	[smem:$0x3FB4] =	sst s2  }
0x8f: {  	_ = 	snop  }
0x90: {  	(tm) =	ssettm $0x1  }
0x91: {  	s17 =	sld [smem:$0x3FFB];
	_ =	sdelay $0x3  }
0x92: {  	_ =	strace s17  }
0x93: {  	s2 =	sld [smem:$0x3FFC];
	_ =	sdelay $0x3  }
0x94: {  	_ =	strace s2  }
0x95: {  	s2 =	sld [smem:$0x3FFD];
	_ =	sdelay $0x3  }
0x96: {  	_ =	strace s2  }
0x97: {  	_ =	strace $0x8FFFFFFF  }
0x98: {  	s18 =	sld [smem:$0x3FDB];
	_ =	sdelay $0x1  }
0x99: {  	s19 =	simm.s32 $_scs_section_size  }
0x9a: {  	s4 =	simm.s32 $_size__tile_overlayer_lowered;
	s5 =	simm.s32 $_tile_overlayer_lowered  }
0x9b: {  	s22 =	simm.s32 $0x1BFF;
	s21 =	sshll.u32 s5, $0x1;
	s2 =	sadd.s32 s19, s18  }
0x9c: {  	s6 =	simm.s32 $0x0;
	s20 =	sshll.u32 s4, $0x1;
	s4 =	sadd.s32 s21, s2  }
0x9d: {  	[timem:s6], [sflag:s22] =	dma.local [hbm:s4], s20  }
0x9e: {  	_ =	swait.ge [sflag:s22], s20  }
0x9f: {  	s3 =	ssub.s32 $0x0, s20;
	[sflag:s22] =	ssyncset.done $0x0  }
0xa0: {  	[sflag:s22] =	ssyncadd.s32 s3;
	_ =	sdelay $0x1  }
0xa1: {  	s23 =	simm.s32 $0x1B8B  }
0xa2: {  	_ =	swait.ge [sflag:s23], $0x1  }
0xa3: {  	[sflag:s23] =	ssyncset.done $0x0  }
0xa4: {  	s25 =	simm.s32 $0x1B8E;
	s24 =	sld [smem:$0x3FFE];
	[sflag:s23] =	ssyncadd.s32 $0xFFFFFFFF  }
0xa5: {  	s26 =	simm.s32 $execute0_lowered;
	[smem:$0x3FD2] =	sst s25  }
0xa6: {  	s4 =	sshll.u32 s26, $0x1;
	_ =	strace $0x80000049;
	[dreg:$0x1] =	wrdreg $0xFFFFFFFF  }
0xa7: {  	s28 =	simm.s32 $_size_execute0_lowered;
	s2 =	sadd.s32 s2, s4;
	[dreg:$0x0] =	wrdreg $0x0  }
0xa8: {  	s4 =	sshll.u32 s28, $0x1;
	[dreg:$0x2] =	wrdreg s2  }
0xa9: {  	[dreg:$0x3] =	wrdreg s4  }
0xaa: {  	[dreg:$0x4] =	wrdreg $0xC0  }
0xab: {  	_ =	task [dreg:s6], $0x5FFFF  }
0xac: {  	[dreg:$0x1] =	wrdreg $0xFFFFFFFF  }
0xad: {  	[dreg:$0x0] =	wrdreg $0x60  }
0xae: {  	[dreg:$0x2] =	wrdreg s24  }
0xaf: {  	[dreg:$0x3] =	wrdreg $0xB9800  }
0xb0: {  	[dreg:$0x4] =	wrdreg $0x9  }
0xb1: {  	_ =	task.clear_ibuf [dreg:s6], $0x5FFFF;
	_ =	strace $0x90000049  }
0xb2: {  	s29 =	simm.s32 $0x9;
	_ =	strace $0x8000004B  }
0xb3: {  	_ =	swait.ge [sflag:s29], $0x1  }
0xb4: {  	[sflag:s29] =	ssyncadd.s32 $0xFFFFFFFF  }
0xb5: {  	_ =	strace $0x9000004B  }
0xb6: {  	_ =	sfence  }
0xb7: {  	s30 =	sld [smem:$0x0];
	_ =	sdelay $0x2  }
0xb8: {  	s31 =	sshll.u32 s1, $0xD;
	s1 =	sshrl.u32 s1, $0x2  }
0xb9: {  	s3 =	sand.u32 $0x4000, s31;
	s1 =	sadd.s32 s1, s30  }
0xba: {  	s0 =	sor.u32 s3, s0;
	s1 =	sshll.u32 s1, $0x11  }
0xbb: {  	s0 =	sor.u32 s1, s0  }
0xbc: {  	s0 =	sadd.s32 $0x8F2B, s0  }
0xbd: {  	[sflag:s0] =	ssyncadd.remote.s32 $0x1  }
0xbe: {  	_ =	sfence.sel $0xFFFF  }
0xbf: {  	[dreg:$0x0] =	wrdreg $0xFFFFFFFF;
	(pc) =	sbr.abs _section_cstart, $3  }
0xc0: {  	[dreg:$0x1] =	wrdreg $0xFFFFFFFF  }
0xc1: {  	_ =	task.clear_ibuf [dreg:s6], $0x2FFFF;
	_ =	strace $0x9FFFFFFF  }
0xc2: {  	(tm) =	ssettm $0x7FFFFFFF  }
0xc3: {  	_ =	shalt  }
tec
execute0_lowered:
.L_overlay_start_1:
0x0: {  	(tag) =	ssettag $0x1  }
0x1: {  	s0 =	srdreg.scid;
	s1 =	rddreg [dreg:$0x0]  }
0x2: {  	s10 =	stileid.u32;
	s2 =	rddreg [dreg:$0x1]  }
0x3: {  	s12 =	simm.s32 $0x7;
	s14 =	simm.s32 $0x40;
	s15 =	simm.s32 $0x5100  }
0x4: {  	s16 =	simm.s32 $0x7100;
	s18 =	simm.s32 $0x9100;
	s19 =	simm.s32 $0x1  }
0x5: {  	s20 =	simm.s32 $0x4F00;
	s21 =	simm.s32 $0x2;
	s22 =	simm.s32 $0x4F80  }
0x6: {  	s28 =	simm.s32 $0x6;
	s29 =	simm.s32 $0x10;
	s6 =	smul.u32 $0x2800, s10  }
0x7: {  	s31 =	simm.s32 $0xB180;
	s0 =	sand.u32 $0x1, s0;
	s8 =	smul.u32 $0x50000, s10  }
0x8: {  	s30 =	sshll.u32 s10, $0x6;
	s3 =	sshll.u32 s0, $0x4;
	s7 =	smul.u32 $0x28000, s0  }
0x9: {  	s0 =	ssub.s32 $0x2, s0;
	s4 =	sor.u32 s10, s3;
	s3 =	simm.s32 $0x0  }
0xa: {  	s24 =	sshrl.u32 s0, $0x1;
	s25 =	sshrl.u32 s8, $0x2;
	s5 =	smul.u32 $0x4E2, s4  }
0xb: {  	[smem:$0x7FF] =	sst s3;
	s4 =	sadd.s32 $0x18000, s1;
	s23 =	sadd.s32 s6, s7  }
0xc: {  	s0 =	ssub.s32 s0, s24;
	s11 =	sadd.s32 s25, s2;
	s24 =	simm.s32 $0x5000  }
0xd: {  	s25 =	simm.s32 $0x4;
	_ =	strace $0x8000004A;
	s26 =	sadd.s32 s4, s6  }
0xe: {  	s6 =	sor.u32 $0x1C07, s30;
	s10 =	smax.u32 s0, $0x1;
	s11 =	sshrl.u32 s11, $0x3  }
0xf: {  	s0 =	simm.s32 $0x0;
	s9 =	sadd.s32 s5, s1;
	s1 =	sadd.s32 s23, s1  }
0x10: {  	[dreg:$0x3] =	wrdreg s26;
	s23 =	simm.s32 $0x3;
	s26 =	simm.s32 $0x5  }
0x11: {  	s7 =	sadd.s32 $0x4400, s9;
	s8 =	sadd.s32 $0xE200, s9;
	s9 =	sadd.s32 $0x40000, s1  }
.LBB2_1:
0x12: {  	s1 =	rddreg [dreg:$0x3]  }
0x13: {  	[spmem:s11], [sflag:s6] =	dma.local [hbm:s1], $0x2800  }
0x14: {  	_ =	swait.ge [sflag:s12], $0x2800  }
0x15: {  	[sflag:s12] =	ssyncset.done $0x0  }
0x16: {  	[sflag:s12] =	ssyncadd.s32 $0xFFFFD800  }
0x17: {  	[tilespmem:s3], [sflag:$0x7] =	stream.linear.gather [hbm4b:s7+s3], $0x2710, $0x38;
	[tilespmem:$0x1F980] =	vst v63  }
0x18: {  	_ =	swait.ge [sflag:s12], $0x2710  }
0x19: {  	[sflag:s12] =	ssyncset.done $0x0  }
0x1a: {  	s17 =	simm.s32 $0x2780;
	[sflag:s12] =	ssyncadd.s32 $0xFFFFD8F0  }
0x1b: {  	[tilespmem:s17], [sflag:$0x7] =	stream.linear.gather [hbm4b:s8+s3], $0x2710, $0x38;
	[tilespmem:$0x1F980] =	vst v63  }
0x1c: {  	_ =	swait.ge [sflag:s12], $0x2710  }
0x1d: {  	[sflag:s12] =	ssyncset.done $0x0  }
0x1e: {  	[sflag:s12] =	ssyncadd.s32 $0xFFFFD8F0  }
0x1f: {  	[bflag:$0x0] =	sbarrier.arrive $0xFFFF  }
0x20: {  	v0 =	vld [tilespmem:$0x2780]  }
0x21: {  	v1 =	vld [tilespmem:$0x2790]  }
0x22: {  	v2 =	vld [tilespmem:$0x27A0]  }
0x23: {  	v3 =	vld [tilespmem:$0x27B0];
	_ =	sdelay $0x1  }
0x24: {  	[tilespmem:$0x4F00] =	vst v0  }
0x25: {  	[tilespmem:$0x4F10] =	vst v1  }
0x26: {  	[tilespmem:$0x4F20] =	vst v2  }
0x27: {  	[tilespmem:$0x4F30] =	vst v3  }
0x28: {  	[tilespmem:s15], [sflag:$0x1] =	stream.indirect.gather [hbm4b:s4+s14], $0x80, s3, s14, $0xb8;
	[tilespmem:$0x1F980] =	vst v63  }
0x29: {  	v53 =	vld [tilespmem:$0x27C0]  }
0x2a: {  	v54 =	vld [tilespmem:$0x27D0]  }
0x2b: {  	v55 =	vld [tilespmem:$0x27E0]  }
0x2c: {  	v56 =	vld [tilespmem:$0x27F0];
	_ =	sdelay $0x1  }
0x2d: {  	[tilespmem:$0x4F80] =	vst v53  }
0x2e: {  	[tilespmem:$0x4F90] =	vst v54  }
0x2f: {  	[tilespmem:$0x4FA0] =	vst v55  }
0x30: {  	[tilespmem:$0x4FB0] =	vst v56  }
0x31: {  	[tilespmem:s16], [sflag:$0x2] =	stream.indirect.gather [hbm4b:s4+s14], $0x80, s14, s14, $0xb8;
	[tilespmem:$0x1F980] =	vst v63  }
0x32: {  	v57 =	vld [tilespmem:$0x2800]  }
0x33: {  	v58 =	vld [tilespmem:$0x2810]  }
0x34: {  	v59 =	vld [tilespmem:$0x2820]  }
0x35: {  	v60 =	vld [tilespmem:$0x2830];
	_ =	sdelay $0x1  }
0x36: {  	[tilespmem:$0x5000] =	vst v57  }
0x37: {  	[tilespmem:$0x5010] =	vst v58  }
0x38: {  	[tilespmem:$0x5020] =	vst v59  }
0x39: {  	s30 =	simm.s32 $0x80;
	[tilespmem:$0x5030] =	vst v60  }
0x3a: {  	[tilespmem:s18], [sflag:$0x3] =	stream.indirect.gather [hbm4b:s4+s14], $0x80, s30, s14, $0xb8;
	[tilespmem:$0x1F980] =	vst v63  }
0x3b: {  	_ =	swait.ge [sflag:s19], $0x2000  }
0x3c: {  	[sflag:s19] =	ssyncset.done $0x0  }
0x3d: {  	[sflag:s19] =	ssyncadd.s32 $0xFFFFE000  }
0x3e: {  	[spmem:s2] =	stream.indirect.scatter.add.f32 [tilespmem:s15], [sflag:$0x4], $0x80, s20, s14, $0xb8;
	[tilespmem:$0x1F980] =	vst v63  }
0x3f: {  	_ =	swait.ge [sflag:s21], $0x2000  }
0x40: {  	[sflag:s21] =	ssyncset.done $0x0  }
0x41: {  	[sflag:s21] =	ssyncadd.s32 $0xFFFFE000  }
0x42: {  	[spmem:s2] =	stream.indirect.scatter.add.f32 [tilespmem:s16], [sflag:$0x5], $0x80, s22, s14, $0xb8;
	[tilespmem:$0x1F980] =	vst v63  }
0x43: {  	_ =	swait.ge [sflag:s23], $0x2000  }
0x44: {  	[sflag:s23] =	ssyncset.done $0x0  }
0x45: {  	[sflag:s23] =	ssyncadd.s32 $0xFFFFE000  }
0x46: {  	[spmem:s2] =	stream.indirect.scatter.add.f32 [tilespmem:s18], [sflag:$0x6], $0x80, s24, s14, $0xb8;
	[tilespmem:$0x1F980] =	vst v63  }
0x47: {  	_ =	swait.ge [sflag:s25], $0x2000  }
0x48: {  	[sflag:s25] =	ssyncset.done $0x0  }
0x49: {  	s13 =	simm.s32 $0x0;
	[sflag:s25] =	ssyncadd.s32 $0xFFFFE000  }
0x4a: {  	v61 =	vld [tilespmem:s13+$0x2840];
	_ =	sdelay $0x4  }
0x4b: {  	[tilespmem:$0x4F00] =	vst v61  }
0x4c: {  	v0 =	vld [tilespmem:s13+$0x2850];
	_ =	sdelay $0x4  }
0x4d: {  	[tilespmem:$0x4F10] =	vst v0  }
0x4e: {  	v0 =	vld [tilespmem:s13+$0x2860];
	_ =	sdelay $0x4  }
0x4f: {  	[tilespmem:$0x4F20] =	vst v0  }
0x50: {  	v0 =	vld [tilespmem:s13+$0x2870];
	_ =	sdelay $0x4  }
0x51: {  	s17 =	simm.s32 $0xC0;
	[tilespmem:$0x4F30] =	vst v0  }
0x52: {  	[tilespmem:s15], [sflag:$0x1] =	stream.indirect.gather [hbm4b:s4+s14], $0x80, s17, s14, $0xb8;
	[tilespmem:$0x1F980] =	vst v63  }
0x53: {  	_ =	swait.ge [sflag:s26], $0x2000  }
0x54: {  	[sflag:s26] =	ssyncset.done $0x0  }
0x55: {  	[sflag:s26] =	ssyncadd.s32 $0xFFFFE000  }
0x56: {  	v62 =	vld [tilespmem:s13+$0x2880];
	_ =	sdelay $0x4  }
0x57: {  	[tilespmem:$0x4F80] =	vst v62  }
0x58: {  	v0 =	vld [tilespmem:s13+$0x2890];
	_ =	sdelay $0x4  }
0x59: {  	[tilespmem:$0x4F90] =	vst v0  }
0x5a: {  	v0 =	vld [tilespmem:s13+$0x28A0];
	_ =	sdelay $0x4  }
0x5b: {  	[tilespmem:$0x4FA0] =	vst v0  }
0x5c: {  	v0 =	vld [tilespmem:s13+$0x28B0];
	_ =	sdelay $0x4  }
0x5d: {  	s1 =	simm.s32 $0x100;
	[tilespmem:$0x4FB0] =	vst v0  }
0x5e: {  	[tilespmem:s16], [sflag:$0x2] =	stream.indirect.gather [hbm4b:s4+s14], $0x80, s1, s14, $0xb8;
	[tilespmem:$0x1F980] =	vst v63  }
0x5f: {  	s5 =	simm.s32 $0x140;
	s30 =	simm.s32 $0xC0;
	_ =	swait.ge [sflag:s28], $0x2000  }
0x60: {  	s30 =	sand.u32 $0x40, s30;
	s17 =	sand.u32 $0x7F80, s5;
	[sflag:s28] =	ssyncset.done $0x0  }
0x61: {  	s17 =	sor.u32 s30, s17;
	[sflag:s28] =	ssyncadd.s32 $0xFFFFE000  }
0x62: {  	v63 =	vld [tilespmem:s17+$0x2780];
	_ =	sdelay $0x4  }
0x63: {  	[tilespmem:$0x5000] =	vst v63  }
0x64: {  	v0 =	vld [tilespmem:s13+$0x28D0];
	_ =	sdelay $0x4  }
0x65: {  	[tilespmem:$0x5010] =	vst v0  }
0x66: {  	v0 =	vld [tilespmem:s13+$0x28E0];
	_ =	sdelay $0x4  }
0x67: {  	[tilespmem:$0x5020] =	vst v0  }
0x68: {  	v0 =	vld [tilespmem:s13+$0x28F0];
	_ =	sdelay $0x4  }
0x69: {  	s30 =	simm.s32 $0x140;
	[tilespmem:$0x5030] =	vst v0  }
0x6a: {  	[tilespmem:s18], [sflag:$0x3] =	stream.indirect.gather [hbm4b:s4+s14], $0x80, s30, s14, $0xb8;
	[tilespmem:$0x1F980] =	vst v63  }
0x6b: {  	_ =	swait.ge [sflag:s19], $0x2000  }
0x6c: {  	[sflag:s19] =	ssyncset.done $0x0  }
0x6d: {  	[sflag:s19] =	ssyncadd.s32 $0xFFFFE000  }
0x6e: {  	[spmem:s2] =	stream.indirect.scatter.add.f32 [tilespmem:s15], [sflag:$0x4], $0x80, s20, s14, $0xb8;
	[tilespmem:$0x1F980] =	vst v63  }
0x6f: {  	_ =	swait.ge [sflag:s21], $0x2000  }
0x70: {  	[sflag:s21] =	ssyncset.done $0x0  }
0x71: {  	[sflag:s21] =	ssyncadd.s32 $0xFFFFE000  }
0x72: {  	[spmem:s2] =	stream.indirect.scatter.add.f32 [tilespmem:s16], [sflag:$0x5], $0x80, s22, s14, $0xb8;
	[tilespmem:$0x1F980] =	vst v63  }
0x73: {  	_ =	swait.ge [sflag:s23], $0x2000  }
0x74: {  	[sflag:s23] =	ssyncset.done $0x0  }
0x75: {  	s17 =	simm.s32 $0x200;
	s13 =	simm.s32 $0x300;
	[sflag:s23] =	ssyncadd.s32 $0xFFFFE000  }
.LBB2_2:
0x76: {  	[spmem:s2] =	stream.indirect.scatter.add.f32 [tilespmem:s18], [sflag:$0x6], $0x80, s24, s14, $0xb8;
	[tilespmem:$0x1F980] =	vst v63  }
0x77: {  	s30 =	smov.u32 s13  }
0x78: {  	p0 =	sne.s32 s13, $0x9600;
	s13 =	sadd.s32 $0x300, s13;
	_ =	swait.ge [sflag:s25], $0x2000  }
0x79: {  	[sflag:s25] =	ssyncset.done $0x0  }
0x7a: {  	s30 =	sshra.s32 s30, $0x2;
	[sflag:s25] =	ssyncadd.s32 $0xFFFFE000  }
0x7b: {  	v0 =	vld [tilespmem:s30+$0x2840];
	_ =	sdelay $0x4  }
0x7c: {  	[tilespmem:$0x4F00] =	vst v0  }
0x7d: {  	v0 =	vld [tilespmem:s30+$0x2850];
	_ =	sdelay $0x4  }
0x7e: {  	[tilespmem:$0x4F10] =	vst v0  }
0x7f: {  	v0 =	vld [tilespmem:s30+$0x2860];
	_ =	sdelay $0x4  }
0x80: {  	[tilespmem:$0x4F20] =	vst v0  }
0x81: {  	v0 =	vld [tilespmem:s30+$0x2870];
	_ =	sdelay $0x4  }
0x82: {  	s1 =	sadd.s32 $0xC0, s30;
	[tilespmem:$0x4F30] =	vst v0  }
0x83: {  	[tilespmem:s15], [sflag:$0x1] =	stream.indirect.gather [hbm4b:s4+s14], $0x80, s1, s14, $0xb8;
	[tilespmem:$0x1F980] =	vst v63  }
0x84: {  	_ =	swait.ge [sflag:s26], $0x2000  }
0x85: {  	[sflag:s26] =	ssyncset.done $0x0  }
0x86: {  	[sflag:s26] =	ssyncadd.s32 $0xFFFFE000  }
0x87: {  	v0 =	vld [tilespmem:s30+$0x2880];
	_ =	sdelay $0x4  }
0x88: {  	[tilespmem:$0x4F80] =	vst v0  }
0x89: {  	v0 =	vld [tilespmem:s30+$0x2890];
	_ =	sdelay $0x4  }
0x8a: {  	[tilespmem:$0x4F90] =	vst v0  }
0x8b: {  	v0 =	vld [tilespmem:s30+$0x28A0];
	_ =	sdelay $0x4  }
0x8c: {  	[tilespmem:$0x4FA0] =	vst v0  }
0x8d: {  	v0 =	vld [tilespmem:s30+$0x28B0];
	_ =	sdelay $0x4  }
0x8e: {  	s1 =	sadd.s32 $0x100, s30;
	[tilespmem:$0x4FB0] =	vst v0  }
0x8f: {  	[tilespmem:s16], [sflag:$0x2] =	stream.indirect.gather [hbm4b:s4+s14], $0x80, s1, s14, $0xb8;
	[tilespmem:$0x1F980] =	vst v63  }
0x90: {  	s1 =	sadd.s32 $0xFFFFFF80, s17;
	_ =	swait.ge [sflag:s28], $0x2000  }
0x91: {  	s5 =	sand.u32 $0x7F80, s17;
	s1 =	sand.u32 $0x40, s1;
	[sflag:s28] =	ssyncset.done $0x0  }
0x92: {  	s1 =	sor.u32 s1, s5;
	[sflag:s28] =	ssyncadd.s32 $0xFFFFE000  }
0x93: {  	v0 =	vld [tilespmem:s1+$0x2780];
	_ =	sdelay $0x4  }
0x94: {  	[tilespmem:$0x5000] =	vst v0  }
0x95: {  	v0 =	vld [tilespmem:s30+$0x28D0];
	_ =	sdelay $0x4  }
0x96: {  	[tilespmem:$0x5010] =	vst v0  }
0x97: {  	v0 =	vld [tilespmem:s30+$0x28E0];
	_ =	sdelay $0x4  }
0x98: {  	[tilespmem:$0x5020] =	vst v0  }
0x99: {  	v0 =	vld [tilespmem:s30+$0x28F0];
	_ =	sdelay $0x4  }
0x9a: {  	s1 =	sadd.s32 $0x140, s30;
	[tilespmem:$0x5030] =	vst v0  }
0x9b: {  	[tilespmem:s18], [sflag:$0x3] =	stream.indirect.gather [hbm4b:s4+s14], $0x80, s1, s14, $0xb8;
	[tilespmem:$0x1F980] =	vst v63  }
0x9c: {  	_ =	swait.ge [sflag:s19], $0x2000  }
0x9d: {  	[sflag:s19] =	ssyncset.done $0x0  }
0x9e: {  	[sflag:s19] =	ssyncadd.s32 $0xFFFFE000  }
0x9f: {  	[spmem:s2] =	stream.indirect.scatter.add.f32 [tilespmem:s15], [sflag:$0x4], $0x80, s20, s14, $0xb8;
	[tilespmem:$0x1F980] =	vst v63  }
0xa0: {  	_ =	swait.ge [sflag:s21], $0x2000  }
0xa1: {  	[sflag:s21] =	ssyncset.done $0x0  }
.Ltmp0:
0xa2: {  	[sflag:s21] =	ssyncadd.s32 $0xFFFFE000;
	(pc) =	sbr.rel @p0 .LBB2_2-.Ltmp0, $4  }
0xa3: {  	[spmem:s2] =	stream.indirect.scatter.add.f32 [tilespmem:s16], [sflag:$0x5], $0x80, s22, s14, $0xb8;
	[tilespmem:$0x1F980] =	vst v63  }
0xa4: {  	_ =	swait.ge [sflag:s23], $0x2000  }
0xa5: {  	[sflag:s23] =	ssyncset.done $0x0  }
0xa6: {  	s17 =	sadd.s32 $0xC0, s17;
	[sflag:s23] =	ssyncadd.s32 $0xFFFFE000  }
0xa7: {  	[spmem:s2] =	stream.indirect.scatter.add.f32 [tilespmem:s18], [sflag:$0x6], $0x80, s24, s14, $0xb8;
	[tilespmem:$0x1F980] =	vst v63  }
0xa8: {  	_ =	swait.ge [sflag:s25], $0x2000  }
0xa9: {  	[sflag:s25] =	ssyncset.done $0x0  }
0xaa: {  	[sflag:s25] =	ssyncadd.s32 $0xFFFFE000  }
0xab: {  	_ =	swait.ge [sflag:s26], $0x2000  }
0xac: {  	[sflag:s26] =	ssyncset.done $0x0  }
0xad: {  	[sflag:s26] =	ssyncadd.s32 $0xFFFFE000  }
0xae: {  	_ =	swait.ge [sflag:s28], $0x2000  }
0xaf: {  	[sflag:s28] =	ssyncset.done $0x0  }
0xb0: {  	[sflag:s28] =	ssyncadd.s32 $0xFFFFE000  }
0xb1: {  	v0 =	vld [tilespmem:$0x4E80];
	_ =	sdelay $0x4  }
0xb2: {  	s1 =	simm.s32 $0x2700;
	[tilespmem:$0xB100] =	vst v0  }
0xb3: {  	[tilespmem:s31], [sflag:$0x1] =	stream.indirect.gather [hbm4b:s4+s29], $0x80, s1, s29, $0xb8;
	[tilespmem:$0x1F980] =	vst v63  }
0xb4: {  	_ =	swait.ge [sflag:s19], $0x800  }
0xb5: {  	[sflag:s19] =	ssyncset.done $0x0  }
0xb6: {  	s30 =	simm.s32 $0xB100;
	[sflag:s19] =	ssyncadd.s32 $0xFFFFF800  }
0xb7: {  	[spmem:s2] =	stream.indirect.scatter.add.f32 [tilespmem:s31], [sflag:$0x7], $0x80, s30, s29, $0xb8;
	[tilespmem:$0x1F980] =	vst v63  }
0xb8: {  	_ =	swait.ge [sflag:s12], $0x800  }
0xb9: {  	s0 =	sadd.s32 $0x1, s0;
	[sflag:s12] =	ssyncset.done $0x0  }
0xba: {  	p0 =	sne.s32 s0, s10;
	[sflag:s12] =	ssyncadd.s32 $0xFFFFF800  }
.Ltmp1:
0xbb: {  	[bflag:$0x0] =	sbarrier.arrive $0xFFFF;
	(pc) =	sbr.rel @p0 .LBB2_1-.Ltmp1, $4  }
0xbc: {  	[hbm:s9], [sflag:s6] =	dma.local [spmem:s11], $0x2800  }
0xbd: {  	_ =	swait.ge [sflag:s12], $0x2800  }
0xbe: {  	[sflag:s12] =	ssyncset.done $0x0  }
0xbf: {  	[sflag:s12] =	ssyncadd.s32 $0xFFFFD800  }
0xc0: {  	_ =	sfence.sel $0x180000  }
0xc1: {  	[bflag:$0x0] =	sbarrier.arrive $0xFFFF  }
0xc2: {  	_ =	strace $0x9000004A  }
0xc3: {  	s0 =	stileid.u32;
	[bflag:$0x2] =	sbarrier.arrive $0xFFFF  }
0xc4: {  	p0 =	sne.s32 s0, $0x0;
	s0 =	rddreg [dreg:$0x2]  }
0xc5: {  	s0 =	sadd.s32 @!p0 $0x100000, s0  }
0xc6: {  	[sflag:s0] =	ssyncadd.tile.s32 @!p0 $0x1;
	_ =	shalt  }
.Lfunc_end2:
_tile_overlayer_lowered:
.L_overlay_start_2:
0xc7: {  	(tag) =	ssettag $0x2  }
0xc8: {  	s0 =	rddreg [dreg:$0x0];
	s2 =	stileid.u32  }
0xc9: {  	s1 =	rddreg [dreg:$0x1];
	p0 =	sne.s32 s2, $0x0  }
0xca: {  	s3 =	rddreg [dreg:$0x2];
	[bflag:$0x3] =	sbarrier.arrive $0xFFFF;
	s2 =	simm.s32 @!p0 $0x1C07  }
0xcb: {  	[timem:s3], [sflag:s2] =	dma.local @!p0 [hbm:s0], s1  }
0xcc: {  	s0 =	simm.s32 @!p0 $0x7  }
0xcd: {  	_ =	swait.ge @!p0 [sflag:s0], s1  }
0xce: {  	s1 =	ssub.s32 @!p0 $0x0, s1;
	[sflag:s0] =	ssyncset.done @!p0 $0x0  }
0xcf: {  	[sflag:s0] =	ssyncadd.s32 @!p0 s1  }
0xd0: {  	[bflag:$0x3] =	sbarrier.arrive $0xFFFF  }
0xd1: {  	_ =	shalt  }

// kernel: kernel.16.cloned.1.call-start
scs
__scs_entry_jumppad:
0x0: {  	(pc) =	sbr.rel $0x88, $3  }
0x1: {  	(tag) =	ssettag $0x0;
	lr =	simm.s32 $0x1  }
0x2: {  	[smem:$0x3F8D] =	sst lr;
	_ =	strace $0xD0000000  }
0x3: {  	_ = 	snop  }
0x4: {  	_ = 	snop  }
0x5: {  	_ = 	snop  }
0x6: {  	_ = 	snop  }
0x7: {  	_ = 	snop  }
__scs_overlays_trampoline_lowered:
0x8: {  	[smem:$0x3F9C] =	sst s0  }
0x9: {  	[smem:$0x3F9D] =	sst s1  }
0xa: {  	[smem:$0x3F9E] =	sst s2  }
0xb: {  	[smem:$0x3F9F] =	sst s3  }
0xc: {  	[smem:$0x3FA0] =	sst s4  }
0xd: {  	[smem:$0x3FA1] =	sst s5  }
0xe: {  	[smem:$0x3FA2] =	sst s6  }
0xf: {  	[smem:$0x3FA3] =	sst s7  }
0x10: {  	[smem:$0x3FA4] =	sst s8  }
0x11: {  	[smem:$0x3FA5] =	sst s9;
	s0 =	simm.s32 @!p0 $0x0  }
0x12: {  	s1 =	sld [smem:$0x3F8B];
	s0 =	simm.s32 @p0 $0x1  }
0x13: {  	[smem:$0x3FA6] =	sst s0;
	s0 =	simm.s32 @!p1 $0x0  }
0x14: {  	s2 =	sld [smem:$0x3F8A];
	s0 =	simm.s32 @p1 $0x1  }
0x15: {  	[smem:$0x3FA7] =	sst s0;
	s0 =	simm.s32 @!p2 $0x0  }
0x16: {  	s3 =	sld [smem:$0x3FDB];
	s0 =	simm.s32 @p2 $0x1  }
0x17: {  	s4 =	simm.s32 $0x1BF5;
	[smem:$0x3FA9] =	sst s0  }
0x18: {  	s0 =	sld [smem:$0x3F8C];
	_ =	swait.ge [sflag:s4], $0x0  }
0x19: {  	s7 =	sld [smem:$0x3F8D]  }
0x1a: {  	s8 =	sadd.s32 $0xFFFFE003, lr  }
0x1b: {  	s9 =	sadd.s32 $0xFFFFFEF7, lr;
	s5 =	simm.s32 $0xFFFFFFFF;
	p2 =	slt.u32 s8, $0xFFFFF086  }
0x1c: {  	p1 =	slt.u32 s9, $0xF7A;
	s5 =	simm.s32 @!p2 $0x0  }
0x1d: {  	s5 =	simm.s32 @p1 $0x1;
	p0 =	seq.s32 s7, s2  }
0x1e: {  	s7 =	smul.u32 @!p0 $0xF7A, s2;
	p2 =	seq.s32 @!p0 s5, $0x0  }
0x1f: {  	s9 =	smul.u32 $0xF7A, s1;
	s8 =	simm.s32 @!p0 $0x1BF5;
	p2 =	por !p2, p0  }
0x20: {  	[sflag:s8] =	ssyncset.s32 @!p0 $0xFFFFF086;
	s6 =	sadd.s32 @!p0 s3, s7;
	s7 =	simm.s32 @!p0 $0x108  }
0x21: {  	s3 =	sadd.s32 s3, s9;
	s6 =	sadd.s32 @!p0 $0x88, s6;
	s7 =	simm.s32 @p2 $0x1082  }
0x22: {  	[simem:s7], [sflag:s8] =	dma.local @!p0 [hbm:s6], $0xF7A  }
0x23: {  	s9 =	sor.u32 $0xD0000000, s2;
	s6 =	simm.s32 $0x108;
	_ =	swait.ge @!p0 [sflag:s8], $0x0  }
0x24: {  	s3 =	sadd.s32 $0x88, s3;
	s6 =	simm.s32 @!p1 $0x1082;
	[sflag:s4] =	ssyncset.s32 $0xFFFFF086  }
0x25: {  	[simem:s6], [sflag:s4] =	dma.local [hbm:s3], $0xF7A  }
0x26: {  	[smem:$0x3F8D] =	sst s1;
	(tag) =	ssettag s2;
	_ =	strace s9  }
0x27: {  	s1 =	sld [smem:$0x3F9D]  }
0x28: {  	s2 =	sld [smem:$0x3F9E]  }
0x29: {  	s4 =	sld [smem:$0x3FA0]  }
0x2a: {  	p0 =	seq.s32 s5, $0x0;
	s5 =	sld [smem:$0x3FA1]  }
0x2b: {  	s6 =	sld [smem:$0x3FA2]  }
0x2c: {  	s7 =	sld [smem:$0x3FA3]  }
0x2d: {  	s3 =	simm.s32 $0x108;
	s8 =	sld [smem:$0x3FA4]  }
0x2e: {  	s3 =	simm.s32 @!p0 $0x1082;
	s9 =	sld [smem:$0x3FA5]  }
0x2f: {  	lr =	sadd.s32 s0, s3;
	s0 =	sld [smem:$0x3F9C]  }
0x30: {  	s3 =	sld [smem:$0x3F9F]  }
0x31: {  	[smem:$0x3FA8] =	sst s10  }
0x32: {  	s10 =	sld [smem:$0x3FA6];
	_ =	sdelay $0x3  }
0x33: {  	p0 =	seq.s32 s10, $0x1;
	s10 =	sld [smem:$0x3FA8];
	_ =	sdelay $0x3  }
0x34: {  	[smem:$0x3FA8] =	sst s10  }
0x35: {  	s10 =	sld [smem:$0x3FA7];
	_ =	sdelay $0x3  }
0x36: {  	p1 =	seq.s32 s10, $0x1;
	s10 =	sld [smem:$0x3FA8];
	_ =	sdelay $0x3  }
0x37: {  	[smem:$0x3FA8] =	sst s10  }
0x38: {  	s10 =	sld [smem:$0x3FA9]  }
0x39: {  	_ = 	snop;
	(pc) =	sbr.ind lr, $3  }
0x3a: {  	_ = 	snop  }
0x3b: {  	_ = 	snop  }
0x3c: {  	p2 =	seq.s32 s10, $0x1;
	s10 =	sld [smem:$0x3FA8]  }
0x3d: {  	_ =	shalt  }
0x3e: {  	_ =	shalt  }
0x3f: {  	_ =	shalt  }
0x40: {  	_ =	shalt  }
0x41: {  	_ =	shalt  }
0x42: {  	_ =	shalt  }
0x43: {  	_ =	shalt  }
0x44: {  	_ =	shalt  }
0x45: {  	_ =	shalt  }
0x46: {  	_ =	shalt  }
0x47: {  	_ =	shalt  }
0x48: {  	_ =	shalt  }
0x49: {  	_ =	shalt  }
0x4a: {  	_ =	shalt  }
0x4b: {  	_ =	shalt  }
0x4c: {  	_ =	shalt  }
0x4d: {  	_ =	shalt  }
0x4e: {  	_ =	shalt  }
0x4f: {  	_ =	shalt  }
0x50: {  	_ =	shalt  }
0x51: {  	_ =	shalt  }
0x52: {  	_ =	shalt  }
0x53: {  	_ =	shalt  }
0x54: {  	_ =	shalt  }
0x55: {  	_ =	shalt  }
0x56: {  	_ =	shalt  }
0x57: {  	_ =	shalt  }
0x58: {  	_ =	shalt  }
0x59: {  	_ =	shalt  }
0x5a: {  	_ =	shalt  }
0x5b: {  	_ =	shalt  }
0x5c: {  	_ =	shalt  }
0x5d: {  	_ =	shalt  }
0x5e: {  	_ =	shalt  }
0x5f: {  	_ =	shalt  }
0x60: {  	_ =	shalt  }
0x61: {  	_ =	shalt  }
0x62: {  	_ =	shalt  }
0x63: {  	_ =	shalt  }
0x64: {  	_ =	shalt  }
0x65: {  	_ =	shalt  }
0x66: {  	_ =	shalt  }
0x67: {  	_ =	shalt  }
0x68: {  	_ =	shalt  }
0x69: {  	_ =	shalt  }
0x6a: {  	_ =	shalt  }
0x6b: {  	_ =	shalt  }
0x6c: {  	_ =	shalt  }
0x6d: {  	_ =	shalt  }
0x6e: {  	_ =	shalt  }
0x6f: {  	_ =	shalt  }
0x70: {  	_ =	shalt  }
0x71: {  	_ =	shalt  }
0x72: {  	_ =	shalt  }
0x73: {  	_ =	shalt  }
0x74: {  	_ =	shalt  }
0x75: {  	_ =	shalt  }
0x76: {  	_ =	shalt  }
0x77: {  	_ =	shalt  }
0x78: {  	_ =	shalt  }
0x79: {  	_ =	shalt  }
0x7a: {  	_ =	shalt  }
0x7b: {  	_ =	shalt  }
0x7c: {  	_ =	shalt  }
0x7d: {  	_ =	shalt  }
0x7e: {  	_ =	shalt  }
0x7f: {  	_ =	shalt  }
0x80: {  	_ =	shalt  }
0x81: {  	_ =	shalt  }
0x82: {  	_ =	shalt  }
0x83: {  	_ =	shalt  }
0x84: {  	_ =	shalt  }
0x85: {  	_ =	shalt  }
0x86: {  	_ =	shalt  }
0x87: {  	_ =	shalt  }
.Lfunc_end0:
.L_simem_size_0:
called_computation.2_lowered:
.L_overlay_start_0:
0x88: {  	s2 =	sld [smem:$0x3FD9]  }
0x89: {  	s3 =	sld [smem:$0x3FFE];
	_ =	sdelay $0x1  }
0x8a: {  	s1 =	srdreg.scid  }
0x8b: {  	s0 =	sand.u32 $0x1, s1  }
0x8c: {  	s16 =	sshll.u32 s0, $0xA;
	s2 =	sadd.s32 s3, s2  }
0x8d: {  	s2 =	sadd.s32 s2, s16  }
0x8e: {  	[smem:$0x3FB4] =	sst s2  }
0x8f: {  	_ = 	snop  }
0x90: {  	(tm) =	ssettm $0x1  }
0x91: {  	s17 =	sld [smem:$0x3FFB];
	_ =	sdelay $0x3  }
0x92: {  	_ =	strace s17  }
0x93: {  	s2 =	sld [smem:$0x3FFC];
	_ =	sdelay $0x3  }
0x94: {  	_ =	strace s2  }
0x95: {  	s2 =	sld [smem:$0x3FFD];
	_ =	sdelay $0x3  }
0x96: {  	_ =	strace s2  }
0x97: {  	_ =	strace $0x8FFFFFFF  }
0x98: {  	s18 =	sld [smem:$0x3FDB];
	_ =	sdelay $0x1  }
0x99: {  	s19 =	simm.s32 $_scs_section_size  }
0x9a: {  	s4 =	simm.s32 $_size__tile_overlayer_lowered;
	s5 =	simm.s32 $_tile_overlayer_lowered  }
0x9b: {  	s22 =	simm.s32 $0x1BFF;
	s21 =	sshll.u32 s5, $0x1;
	s2 =	sadd.s32 s19, s18  }
0x9c: {  	s6 =	simm.s32 $0x0;
	s20 =	sshll.u32 s4, $0x1;
	s4 =	sadd.s32 s21, s2  }
0x9d: {  	[timem:s6], [sflag:s22] =	dma.local [hbm:s4], s20  }
0x9e: {  	_ =	swait.ge [sflag:s22], s20  }
0x9f: {  	s3 =	ssub.s32 $0x0, s20;
	[sflag:s22] =	ssyncset.done $0x0  }
0xa0: {  	[sflag:s22] =	ssyncadd.s32 s3;
	_ =	sdelay $0x1  }
0xa1: {  	s23 =	simm.s32 $0x1B8B  }
0xa2: {  	_ =	swait.ge [sflag:s23], $0x1  }
0xa3: {  	[sflag:s23] =	ssyncset.done $0x0  }
0xa4: {  	s25 =	simm.s32 $0x1B8E;
	s24 =	sld [smem:$0x3FFE];
	[sflag:s23] =	ssyncadd.s32 $0xFFFFFFFF  }
0xa5: {  	s26 =	simm.s32 $execute0_lowered;
	[smem:$0x3FD2] =	sst s25  }
0xa6: {  	s4 =	sshll.u32 s26, $0x1;
	_ =	strace $0x8000004C;
	[dreg:$0x1] =	wrdreg $0xFFFFFFFF  }
0xa7: {  	s28 =	simm.s32 $_size_execute0_lowered;
	s2 =	sadd.s32 s2, s4;
	[dreg:$0x0] =	wrdreg $0x0  }
0xa8: {  	s4 =	sshll.u32 s28, $0x1;
	[dreg:$0x2] =	wrdreg s2  }
0xa9: {  	[dreg:$0x3] =	wrdreg s4  }
0xaa: {  	[dreg:$0x4] =	wrdreg $0xC0  }
0xab: {  	_ =	task [dreg:s6], $0x5FFFF  }
0xac: {  	[dreg:$0x1] =	wrdreg $0xFFFFFFFF  }
0xad: {  	[dreg:$0x0] =	wrdreg $0x60  }
0xae: {  	[dreg:$0x2] =	wrdreg s24  }
0xaf: {  	[dreg:$0x3] =	wrdreg $0xB9800  }
0xb0: {  	[dreg:$0x4] =	wrdreg $0x9  }
0xb1: {  	_ =	task.clear_ibuf [dreg:s6], $0x5FFFF;
	_ =	strace $0x9000004C  }
0xb2: {  	s29 =	simm.s32 $0x9;
	_ =	strace $0x8000004E  }
0xb3: {  	_ =	swait.ge [sflag:s29], $0x1  }
0xb4: {  	[sflag:s29] =	ssyncadd.s32 $0xFFFFFFFF  }
0xb5: {  	_ =	strace $0x9000004E  }
0xb6: {  	_ =	sfence  }
0xb7: {  	s30 =	sld [smem:$0x0];
	_ =	sdelay $0x2  }
0xb8: {  	s31 =	sshll.u32 s1, $0xD;
	s1 =	sshrl.u32 s1, $0x2  }
0xb9: {  	s3 =	sand.u32 $0x4000, s31;
	s1 =	sadd.s32 s1, s30  }
0xba: {  	s0 =	sor.u32 s3, s0;
	s1 =	sshll.u32 s1, $0x11  }
0xbb: {  	s0 =	sor.u32 s1, s0  }
0xbc: {  	s0 =	sadd.s32 $0x8F2B, s0  }
0xbd: {  	[sflag:s0] =	ssyncadd.remote.s32 $0x1  }
0xbe: {  	_ =	sfence.sel $0xFFFF  }
0xbf: {  	[dreg:$0x0] =	wrdreg $0xFFFFFFFF;
	(pc) =	sbr.abs _section_cstart, $3  }
0xc0: {  	[dreg:$0x1] =	wrdreg $0xFFFFFFFF  }
0xc1: {  	_ =	task.clear_ibuf [dreg:s6], $0x2FFFF;
	_ =	strace $0x9FFFFFFF  }
0xc2: {  	(tm) =	ssettm $0x7FFFFFFF  }
0xc3: {  	_ =	shalt  }
tec
execute0_lowered:
.L_overlay_start_1:
0x0: {  	(tag) =	ssettag $0x1  }
0x1: {  	s0 =	srdreg.scid;
	s1 =	rddreg [dreg:$0x0]  }
0x2: {  	s10 =	stileid.u32;
	s2 =	rddreg [dreg:$0x1]  }
0x3: {  	s12 =	simm.s32 $0x7;
	s14 =	simm.s32 $0x40;
	s15 =	simm.s32 $0x5100  }
0x4: {  	s16 =	simm.s32 $0x7100;
	s18 =	simm.s32 $0x9100;
	s19 =	simm.s32 $0x1  }
0x5: {  	s20 =	simm.s32 $0x4F00;
	s21 =	simm.s32 $0x2;
	s22 =	simm.s32 $0x4F80  }
0x6: {  	s28 =	simm.s32 $0x6;
	s29 =	simm.s32 $0x10;
	s6 =	smul.u32 $0x2800, s10  }
0x7: {  	s31 =	simm.s32 $0xB180;
	s0 =	sand.u32 $0x1, s0;
	s8 =	smul.u32 $0x50000, s10  }
0x8: {  	s30 =	sshll.u32 s10, $0x6;
	s3 =	sshll.u32 s0, $0x4;
	s7 =	smul.u32 $0x28000, s0  }
0x9: {  	s0 =	ssub.s32 $0x2, s0;
	s4 =	sor.u32 s10, s3;
	s3 =	simm.s32 $0x0  }
0xa: {  	s24 =	sshrl.u32 s0, $0x1;
	s25 =	sshrl.u32 s8, $0x2;
	s5 =	smul.u32 $0x4E2, s4  }
0xb: {  	[smem:$0x7FF] =	sst s3;
	s4 =	sadd.s32 $0x18000, s1;
	s23 =	sadd.s32 s6, s7  }
0xc: {  	s0 =	ssub.s32 s0, s24;
	s11 =	sadd.s32 s25, s2;
	s24 =	simm.s32 $0x5000  }
0xd: {  	s25 =	simm.s32 $0x4;
	_ =	strace $0x8000004D;
	s26 =	sadd.s32 s4, s6  }
0xe: {  	s6 =	sor.u32 $0x1C07, s30;
	s10 =	smax.u32 s0, $0x1;
	s11 =	sshrl.u32 s11, $0x3  }
0xf: {  	s0 =	simm.s32 $0x0;
	s9 =	sadd.s32 s5, s1;
	s1 =	sadd.s32 s23, s1  }
0x10: {  	[dreg:$0x3] =	wrdreg s26;
	s23 =	simm.s32 $0x3;
	s26 =	simm.s32 $0x5  }
0x11: {  	s7 =	sadd.s32 $0x4400, s9;
	s8 =	sadd.s32 $0xE200, s9;
	s9 =	sadd.s32 $0x40000, s1  }
.LBB2_1:
0x12: {  	s1 =	rddreg [dreg:$0x3]  }
0x13: {  	[spmem:s11], [sflag:s6] =	dma.local [hbm:s1], $0x2800  }
0x14: {  	_ =	swait.ge [sflag:s12], $0x2800  }
0x15: {  	[sflag:s12] =	ssyncset.done $0x0  }
0x16: {  	[sflag:s12] =	ssyncadd.s32 $0xFFFFD800  }
0x17: {  	[tilespmem:s3], [sflag:$0x7] =	stream.linear.gather [hbm4b:s7+s3], $0x2710, $0x38;
	[tilespmem:$0x1F980] =	vst v63  }
0x18: {  	_ =	swait.ge [sflag:s12], $0x2710  }
0x19: {  	[sflag:s12] =	ssyncset.done $0x0  }
0x1a: {  	s17 =	simm.s32 $0x2780;
	[sflag:s12] =	ssyncadd.s32 $0xFFFFD8F0  }
0x1b: {  	[tilespmem:s17], [sflag:$0x7] =	stream.linear.gather [hbm4b:s8+s3], $0x2710, $0x38;
	[tilespmem:$0x1F980] =	vst v63  }
0x1c: {  	_ =	swait.ge [sflag:s12], $0x2710  }
0x1d: {  	[sflag:s12] =	ssyncset.done $0x0  }
0x1e: {  	[sflag:s12] =	ssyncadd.s32 $0xFFFFD8F0  }
0x1f: {  	[bflag:$0x0] =	sbarrier.arrive $0xFFFF  }
0x20: {  	v0 =	vld [tilespmem:$0x2780]  }
0x21: {  	v1 =	vld [tilespmem:$0x2790]  }
0x22: {  	v2 =	vld [tilespmem:$0x27A0]  }
0x23: {  	v3 =	vld [tilespmem:$0x27B0];
	_ =	sdelay $0x1  }
0x24: {  	[tilespmem:$0x4F00] =	vst v0  }
0x25: {  	[tilespmem:$0x4F10] =	vst v1  }
0x26: {  	[tilespmem:$0x4F20] =	vst v2  }
0x27: {  	[tilespmem:$0x4F30] =	vst v3  }
0x28: {  	[tilespmem:s15], [sflag:$0x1] =	stream.indirect.gather [hbm4b:s4+s14], $0x80, s3, s14, $0xb8;
	[tilespmem:$0x1F980] =	vst v63  }
0x29: {  	v53 =	vld [tilespmem:$0x27C0]  }
0x2a: {  	v54 =	vld [tilespmem:$0x27D0]  }
0x2b: {  	v55 =	vld [tilespmem:$0x27E0]  }
0x2c: {  	v56 =	vld [tilespmem:$0x27F0];
	_ =	sdelay $0x1  }
0x2d: {  	[tilespmem:$0x4F80] =	vst v53  }
0x2e: {  	[tilespmem:$0x4F90] =	vst v54  }
0x2f: {  	[tilespmem:$0x4FA0] =	vst v55  }
0x30: {  	[tilespmem:$0x4FB0] =	vst v56  }
0x31: {  	[tilespmem:s16], [sflag:$0x2] =	stream.indirect.gather [hbm4b:s4+s14], $0x80, s14, s14, $0xb8;
	[tilespmem:$0x1F980] =	vst v63  }
0x32: {  	v57 =	vld [tilespmem:$0x2800]  }
0x33: {  	v58 =	vld [tilespmem:$0x2810]  }
0x34: {  	v59 =	vld [tilespmem:$0x2820]  }
0x35: {  	v60 =	vld [tilespmem:$0x2830];
	_ =	sdelay $0x1  }
0x36: {  	[tilespmem:$0x5000] =	vst v57  }
0x37: {  	[tilespmem:$0x5010] =	vst v58  }
0x38: {  	[tilespmem:$0x5020] =	vst v59  }
0x39: {  	s30 =	simm.s32 $0x80;
	[tilespmem:$0x5030] =	vst v60  }
0x3a: {  	[tilespmem:s18], [sflag:$0x3] =	stream.indirect.gather [hbm4b:s4+s14], $0x80, s30, s14, $0xb8;
	[tilespmem:$0x1F980] =	vst v63  }
0x3b: {  	_ =	swait.ge [sflag:s19], $0x2000  }
0x3c: {  	[sflag:s19] =	ssyncset.done $0x0  }
0x3d: {  	[sflag:s19] =	ssyncadd.s32 $0xFFFFE000  }
0x3e: {  	[spmem:s2] =	stream.indirect.scatter.add.f32 [tilespmem:s15], [sflag:$0x4], $0x80, s20, s14, $0xb8;
	[tilespmem:$0x1F980] =	vst v63  }
0x3f: {  	_ =	swait.ge [sflag:s21], $0x2000  }
0x40: {  	[sflag:s21] =	ssyncset.done $0x0  }
0x41: {  	[sflag:s21] =	ssyncadd.s32 $0xFFFFE000  }
0x42: {  	[spmem:s2] =	stream.indirect.scatter.add.f32 [tilespmem:s16], [sflag:$0x5], $0x80, s22, s14, $0xb8;
	[tilespmem:$0x1F980] =	vst v63  }
0x43: {  	_ =	swait.ge [sflag:s23], $0x2000  }
0x44: {  	[sflag:s23] =	ssyncset.done $0x0  }
0x45: {  	[sflag:s23] =	ssyncadd.s32 $0xFFFFE000  }
0x46: {  	[spmem:s2] =	stream.indirect.scatter.add.f32 [tilespmem:s18], [sflag:$0x6], $0x80, s24, s14, $0xb8;
	[tilespmem:$0x1F980] =	vst v63  }
0x47: {  	_ =	swait.ge [sflag:s25], $0x2000  }
0x48: {  	[sflag:s25] =	ssyncset.done $0x0  }
0x49: {  	s13 =	simm.s32 $0x0;
	[sflag:s25] =	ssyncadd.s32 $0xFFFFE000  }
0x4a: {  	v61 =	vld [tilespmem:s13+$0x2840];
	_ =	sdelay $0x4  }
0x4b: {  	[tilespmem:$0x4F00] =	vst v61  }
0x4c: {  	v0 =	vld [tilespmem:s13+$0x2850];
	_ =	sdelay $0x4  }
0x4d: {  	[tilespmem:$0x4F10] =	vst v0  }
0x4e: {  	v0 =	vld [tilespmem:s13+$0x2860];
	_ =	sdelay $0x4  }
0x4f: {  	[tilespmem:$0x4F20] =	vst v0  }
0x50: {  	v0 =	vld [tilespmem:s13+$0x2870];
	_ =	sdelay $0x4  }
0x51: {  	s17 =	simm.s32 $0xC0;
	[tilespmem:$0x4F30] =	vst v0  }
0x52: {  	[tilespmem:s15], [sflag:$0x1] =	stream.indirect.gather [hbm4b:s4+s14], $0x80, s17, s14, $0xb8;
	[tilespmem:$0x1F980] =	vst v63  }
0x53: {  	_ =	swait.ge [sflag:s26], $0x2000  }
0x54: {  	[sflag:s26] =	ssyncset.done $0x0  }
0x55: {  	[sflag:s26] =	ssyncadd.s32 $0xFFFFE000  }
0x56: {  	v62 =	vld [tilespmem:s13+$0x2880];
	_ =	sdelay $0x4  }
0x57: {  	[tilespmem:$0x4F80] =	vst v62  }
0x58: {  	v0 =	vld [tilespmem:s13+$0x2890];
	_ =	sdelay $0x4  }
0x59: {  	[tilespmem:$0x4F90] =	vst v0  }
0x5a: {  	v0 =	vld [tilespmem:s13+$0x28A0];
	_ =	sdelay $0x4  }
0x5b: {  	[tilespmem:$0x4FA0] =	vst v0  }
0x5c: {  	v0 =	vld [tilespmem:s13+$0x28B0];
	_ =	sdelay $0x4  }
0x5d: {  	s1 =	simm.s32 $0x100;
	[tilespmem:$0x4FB0] =	vst v0  }
0x5e: {  	[tilespmem:s16], [sflag:$0x2] =	stream.indirect.gather [hbm4b:s4+s14], $0x80, s1, s14, $0xb8;
	[tilespmem:$0x1F980] =	vst v63  }
0x5f: {  	s5 =	simm.s32 $0x140;
	s30 =	simm.s32 $0xC0;
	_ =	swait.ge [sflag:s28], $0x2000  }
0x60: {  	s30 =	sand.u32 $0x40, s30;
	s17 =	sand.u32 $0x7F80, s5;
	[sflag:s28] =	ssyncset.done $0x0  }
0x61: {  	s17 =	sor.u32 s30, s17;
	[sflag:s28] =	ssyncadd.s32 $0xFFFFE000  }
0x62: {  	v63 =	vld [tilespmem:s17+$0x2780];
	_ =	sdelay $0x4  }
0x63: {  	[tilespmem:$0x5000] =	vst v63  }
0x64: {  	v0 =	vld [tilespmem:s13+$0x28D0];
	_ =	sdelay $0x4  }
0x65: {  	[tilespmem:$0x5010] =	vst v0  }
0x66: {  	v0 =	vld [tilespmem:s13+$0x28E0];
	_ =	sdelay $0x4  }
0x67: {  	[tilespmem:$0x5020] =	vst v0  }
0x68: {  	v0 =	vld [tilespmem:s13+$0x28F0];
	_ =	sdelay $0x4  }
0x69: {  	s30 =	simm.s32 $0x140;
	[tilespmem:$0x5030] =	vst v0  }
0x6a: {  	[tilespmem:s18], [sflag:$0x3] =	stream.indirect.gather [hbm4b:s4+s14], $0x80, s30, s14, $0xb8;
	[tilespmem:$0x1F980] =	vst v63  }
0x6b: {  	_ =	swait.ge [sflag:s19], $0x2000  }
0x6c: {  	[sflag:s19] =	ssyncset.done $0x0  }
0x6d: {  	[sflag:s19] =	ssyncadd.s32 $0xFFFFE000  }
0x6e: {  	[spmem:s2] =	stream.indirect.scatter.add.f32 [tilespmem:s15], [sflag:$0x4], $0x80, s20, s14, $0xb8;
	[tilespmem:$0x1F980] =	vst v63  }
0x6f: {  	_ =	swait.ge [sflag:s21], $0x2000  }
0x70: {  	[sflag:s21] =	ssyncset.done $0x0  }
0x71: {  	[sflag:s21] =	ssyncadd.s32 $0xFFFFE000  }
0x72: {  	[spmem:s2] =	stream.indirect.scatter.add.f32 [tilespmem:s16], [sflag:$0x5], $0x80, s22, s14, $0xb8;
	[tilespmem:$0x1F980] =	vst v63  }
0x73: {  	_ =	swait.ge [sflag:s23], $0x2000  }
0x74: {  	[sflag:s23] =	ssyncset.done $0x0  }
0x75: {  	s17 =	simm.s32 $0x200;
	s13 =	simm.s32 $0x300;
	[sflag:s23] =	ssyncadd.s32 $0xFFFFE000  }
.LBB2_2:
0x76: {  	[spmem:s2] =	stream.indirect.scatter.add.f32 [tilespmem:s18], [sflag:$0x6], $0x80, s24, s14, $0xb8;
	[tilespmem:$0x1F980] =	vst v63  }
0x77: {  	s30 =	smov.u32 s13  }
0x78: {  	p0 =	sne.s32 s13, $0x9600;
	s13 =	sadd.s32 $0x300, s13;
	_ =	swait.ge [sflag:s25], $0x2000  }
0x79: {  	[sflag:s25] =	ssyncset.done $0x0  }
0x7a: {  	s30 =	sshra.s32 s30, $0x2;
	[sflag:s25] =	ssyncadd.s32 $0xFFFFE000  }
0x7b: {  	v0 =	vld [tilespmem:s30+$0x2840];
	_ =	sdelay $0x4  }
0x7c: {  	[tilespmem:$0x4F00] =	vst v0  }
0x7d: {  	v0 =	vld [tilespmem:s30+$0x2850];
	_ =	sdelay $0x4  }
0x7e: {  	[tilespmem:$0x4F10] =	vst v0  }
0x7f: {  	v0 =	vld [tilespmem:s30+$0x2860];
	_ =	sdelay $0x4  }
0x80: {  	[tilespmem:$0x4F20] =	vst v0  }
0x81: {  	v0 =	vld [tilespmem:s30+$0x2870];
	_ =	sdelay $0x4  }
0x82: {  	s1 =	sadd.s32 $0xC0, s30;
	[tilespmem:$0x4F30] =	vst v0  }
0x83: {  	[tilespmem:s15], [sflag:$0x1] =	stream.indirect.gather [hbm4b:s4+s14], $0x80, s1, s14, $0xb8;
	[tilespmem:$0x1F980] =	vst v63  }
0x84: {  	_ =	swait.ge [sflag:s26], $0x2000  }
0x85: {  	[sflag:s26] =	ssyncset.done $0x0  }
0x86: {  	[sflag:s26] =	ssyncadd.s32 $0xFFFFE000  }
0x87: {  	v0 =	vld [tilespmem:s30+$0x2880];
	_ =	sdelay $0x4  }
0x88: {  	[tilespmem:$0x4F80] =	vst v0  }
0x89: {  	v0 =	vld [tilespmem:s30+$0x2890];
	_ =	sdelay $0x4  }
0x8a: {  	[tilespmem:$0x4F90] =	vst v0  }
0x8b: {  	v0 =	vld [tilespmem:s30+$0x28A0];
	_ =	sdelay $0x4  }
0x8c: {  	[tilespmem:$0x4FA0] =	vst v0  }
0x8d: {  	v0 =	vld [tilespmem:s30+$0x28B0];
	_ =	sdelay $0x4  }
0x8e: {  	s1 =	sadd.s32 $0x100, s30;
	[tilespmem:$0x4FB0] =	vst v0  }
0x8f: {  	[tilespmem:s16], [sflag:$0x2] =	stream.indirect.gather [hbm4b:s4+s14], $0x80, s1, s14, $0xb8;
	[tilespmem:$0x1F980] =	vst v63  }
0x90: {  	s1 =	sadd.s32 $0xFFFFFF80, s17;
	_ =	swait.ge [sflag:s28], $0x2000  }
0x91: {  	s5 =	sand.u32 $0x7F80, s17;
	s1 =	sand.u32 $0x40, s1;
	[sflag:s28] =	ssyncset.done $0x0  }
0x92: {  	s1 =	sor.u32 s1, s5;
	[sflag:s28] =	ssyncadd.s32 $0xFFFFE000  }
0x93: {  	v0 =	vld [tilespmem:s1+$0x2780];
	_ =	sdelay $0x4  }
0x94: {  	[tilespmem:$0x5000] =	vst v0  }
0x95: {  	v0 =	vld [tilespmem:s30+$0x28D0];
	_ =	sdelay $0x4  }
0x96: {  	[tilespmem:$0x5010] =	vst v0  }
0x97: {  	v0 =	vld [tilespmem:s30+$0x28E0];
	_ =	sdelay $0x4  }
0x98: {  	[tilespmem:$0x5020] =	vst v0  }
0x99: {  	v0 =	vld [tilespmem:s30+$0x28F0];
	_ =	sdelay $0x4  }
0x9a: {  	s1 =	sadd.s32 $0x140, s30;
	[tilespmem:$0x5030] =	vst v0  }
0x9b: {  	[tilespmem:s18], [sflag:$0x3] =	stream.indirect.gather [hbm4b:s4+s14], $0x80, s1, s14, $0xb8;
	[tilespmem:$0x1F980] =	vst v63  }
0x9c: {  	_ =	swait.ge [sflag:s19], $0x2000  }
0x9d: {  	[sflag:s19] =	ssyncset.done $0x0  }
0x9e: {  	[sflag:s19] =	ssyncadd.s32 $0xFFFFE000  }
0x9f: {  	[spmem:s2] =	stream.indirect.scatter.add.f32 [tilespmem:s15], [sflag:$0x4], $0x80, s20, s14, $0xb8;
	[tilespmem:$0x1F980] =	vst v63  }
0xa0: {  	_ =	swait.ge [sflag:s21], $0x2000  }
0xa1: {  	[sflag:s21] =	ssyncset.done $0x0  }
.Ltmp0:
0xa2: {  	[sflag:s21] =	ssyncadd.s32 $0xFFFFE000;
	(pc) =	sbr.rel @p0 .LBB2_2-.Ltmp0, $4  }
0xa3: {  	[spmem:s2] =	stream.indirect.scatter.add.f32 [tilespmem:s16], [sflag:$0x5], $0x80, s22, s14, $0xb8;
	[tilespmem:$0x1F980] =	vst v63  }
0xa4: {  	_ =	swait.ge [sflag:s23], $0x2000  }
0xa5: {  	[sflag:s23] =	ssyncset.done $0x0  }
0xa6: {  	s17 =	sadd.s32 $0xC0, s17;
	[sflag:s23] =	ssyncadd.s32 $0xFFFFE000  }
0xa7: {  	[spmem:s2] =	stream.indirect.scatter.add.f32 [tilespmem:s18], [sflag:$0x6], $0x80, s24, s14, $0xb8;
	[tilespmem:$0x1F980] =	vst v63  }
0xa8: {  	_ =	swait.ge [sflag:s25], $0x2000  }
0xa9: {  	[sflag:s25] =	ssyncset.done $0x0  }
0xaa: {  	[sflag:s25] =	ssyncadd.s32 $0xFFFFE000  }
0xab: {  	_ =	swait.ge [sflag:s26], $0x2000  }
0xac: {  	[sflag:s26] =	ssyncset.done $0x0  }
0xad: {  	[sflag:s26] =	ssyncadd.s32 $0xFFFFE000  }
0xae: {  	_ =	swait.ge [sflag:s28], $0x2000  }
0xaf: {  	[sflag:s28] =	ssyncset.done $0x0  }
0xb0: {  	[sflag:s28] =	ssyncadd.s32 $0xFFFFE000  }
0xb1: {  	v0 =	vld [tilespmem:$0x4E80];
	_ =	sdelay $0x4  }
0xb2: {  	s1 =	simm.s32 $0x2700;
	[tilespmem:$0xB100] =	vst v0  }
0xb3: {  	[tilespmem:s31], [sflag:$0x1] =	stream.indirect.gather [hbm4b:s4+s29], $0x80, s1, s29, $0xb8;
	[tilespmem:$0x1F980] =	vst v63  }
0xb4: {  	_ =	swait.ge [sflag:s19], $0x800  }
0xb5: {  	[sflag:s19] =	ssyncset.done $0x0  }
0xb6: {  	s30 =	simm.s32 $0xB100;
	[sflag:s19] =	ssyncadd.s32 $0xFFFFF800  }
0xb7: {  	[spmem:s2] =	stream.indirect.scatter.add.f32 [tilespmem:s31], [sflag:$0x7], $0x80, s30, s29, $0xb8;
	[tilespmem:$0x1F980] =	vst v63  }
0xb8: {  	_ =	swait.ge [sflag:s12], $0x800  }
0xb9: {  	s0 =	sadd.s32 $0x1, s0;
	[sflag:s12] =	ssyncset.done $0x0  }
0xba: {  	p0 =	sne.s32 s0, s10;
	[sflag:s12] =	ssyncadd.s32 $0xFFFFF800  }
.Ltmp1:
0xbb: {  	[bflag:$0x0] =	sbarrier.arrive $0xFFFF;
	(pc) =	sbr.rel @p0 .LBB2_1-.Ltmp1, $4  }
0xbc: {  	[hbm:s9], [sflag:s6] =	dma.local [spmem:s11], $0x2800  }
0xbd: {  	_ =	swait.ge [sflag:s12], $0x2800  }
0xbe: {  	[sflag:s12] =	ssyncset.done $0x0  }
0xbf: {  	[sflag:s12] =	ssyncadd.s32 $0xFFFFD800  }
0xc0: {  	_ =	sfence.sel $0x180000  }
0xc1: {  	[bflag:$0x0] =	sbarrier.arrive $0xFFFF  }
0xc2: {  	_ =	strace $0x9000004D  }
0xc3: {  	s0 =	stileid.u32;
	[bflag:$0x2] =	sbarrier.arrive $0xFFFF  }
0xc4: {  	p0 =	sne.s32 s0, $0x0;
	s0 =	rddreg [dreg:$0x2]  }
0xc5: {  	s0 =	sadd.s32 @!p0 $0x100000, s0  }
0xc6: {  	[sflag:s0] =	ssyncadd.tile.s32 @!p0 $0x1;
	_ =	shalt  }
.Lfunc_end2:
_tile_overlayer_lowered:
.L_overlay_start_2:
0xc7: {  	(tag) =	ssettag $0x2  }
0xc8: {  	s0 =	rddreg [dreg:$0x0];
	s2 =	stileid.u32  }
0xc9: {  	s1 =	rddreg [dreg:$0x1];
	p0 =	sne.s32 s2, $0x0  }
0xca: {  	s3 =	rddreg [dreg:$0x2];
	[bflag:$0x3] =	sbarrier.arrive $0xFFFF;
	s2 =	simm.s32 @!p0 $0x1C07  }
0xcb: {  	[timem:s3], [sflag:s2] =	dma.local @!p0 [hbm:s0], s1  }
0xcc: {  	s0 =	simm.s32 @!p0 $0x7  }
0xcd: {  	_ =	swait.ge @!p0 [sflag:s0], s1  }
0xce: {  	s1 =	ssub.s32 @!p0 $0x0, s1;
	[sflag:s0] =	ssyncset.done @!p0 $0x0  }
0xcf: {  	[sflag:s0] =	ssyncadd.s32 @!p0 s1  }
0xd0: {  	[bflag:$0x3] =	sbarrier.arrive $0xFFFF  }
0xd1: {  	_ =	shalt  }

// kernel: kernel.19.cloned.1.call-start
scs
__scs_entry_jumppad:
0x0: {  	(pc) =	sbr.rel $0x88, $3  }
0x1: {  	(tag) =	ssettag $0x0;
	lr =	simm.s32 $0x1  }
0x2: {  	[smem:$0x3F8D] =	sst lr;
	_ =	strace $0xD0000000  }
0x3: {  	_ = 	snop  }
0x4: {  	_ = 	snop  }
0x5: {  	_ = 	snop  }
0x6: {  	_ = 	snop  }
0x7: {  	_ = 	snop  }
__scs_overlays_trampoline_lowered:
0x8: {  	[smem:$0x3F9C] =	sst s0  }
0x9: {  	[smem:$0x3F9D] =	sst s1  }
0xa: {  	[smem:$0x3F9E] =	sst s2  }
0xb: {  	[smem:$0x3F9F] =	sst s3  }
0xc: {  	[smem:$0x3FA0] =	sst s4  }
0xd: {  	[smem:$0x3FA1] =	sst s5  }
0xe: {  	[smem:$0x3FA2] =	sst s6  }
0xf: {  	[smem:$0x3FA3] =	sst s7  }
0x10: {  	[smem:$0x3FA4] =	sst s8  }
0x11: {  	[smem:$0x3FA5] =	sst s9;
	s0 =	simm.s32 @!p0 $0x0  }
0x12: {  	s1 =	sld [smem:$0x3F8B];
	s0 =	simm.s32 @p0 $0x1  }
0x13: {  	[smem:$0x3FA6] =	sst s0;
	s0 =	simm.s32 @!p1 $0x0  }
0x14: {  	s2 =	sld [smem:$0x3F8A];
	s0 =	simm.s32 @p1 $0x1  }
0x15: {  	[smem:$0x3FA7] =	sst s0;
	s0 =	simm.s32 @!p2 $0x0  }
0x16: {  	s3 =	sld [smem:$0x3FDB];
	s0 =	simm.s32 @p2 $0x1  }
0x17: {  	s4 =	simm.s32 $0x1BF5;
	[smem:$0x3FA9] =	sst s0  }
0x18: {  	s0 =	sld [smem:$0x3F8C];
	_ =	swait.ge [sflag:s4], $0x0  }
0x19: {  	s7 =	sld [smem:$0x3F8D]  }
0x1a: {  	s8 =	sadd.s32 $0xFFFFE003, lr  }
0x1b: {  	s9 =	sadd.s32 $0xFFFFFEF7, lr;
	s5 =	simm.s32 $0xFFFFFFFF;
	p2 =	slt.u32 s8, $0xFFFFF086  }
0x1c: {  	p1 =	slt.u32 s9, $0xF7A;
	s5 =	simm.s32 @!p2 $0x0  }
0x1d: {  	s5 =	simm.s32 @p1 $0x1;
	p0 =	seq.s32 s7, s2  }
0x1e: {  	s7 =	smul.u32 @!p0 $0xF7A, s2;
	p2 =	seq.s32 @!p0 s5, $0x0  }
0x1f: {  	s9 =	smul.u32 $0xF7A, s1;
	s8 =	simm.s32 @!p0 $0x1BF5;
	p2 =	por !p2, p0  }
0x20: {  	[sflag:s8] =	ssyncset.s32 @!p0 $0xFFFFF086;
	s6 =	sadd.s32 @!p0 s3, s7;
	s7 =	simm.s32 @!p0 $0x108  }
0x21: {  	s3 =	sadd.s32 s3, s9;
	s6 =	sadd.s32 @!p0 $0x88, s6;
	s7 =	simm.s32 @p2 $0x1082  }
0x22: {  	[simem:s7], [sflag:s8] =	dma.local @!p0 [hbm:s6], $0xF7A  }
0x23: {  	s9 =	sor.u32 $0xD0000000, s2;
	s6 =	simm.s32 $0x108;
	_ =	swait.ge @!p0 [sflag:s8], $0x0  }
0x24: {  	s3 =	sadd.s32 $0x88, s3;
	s6 =	simm.s32 @!p1 $0x1082;
	[sflag:s4] =	ssyncset.s32 $0xFFFFF086  }
0x25: {  	[simem:s6], [sflag:s4] =	dma.local [hbm:s3], $0xF7A  }
0x26: {  	[smem:$0x3F8D] =	sst s1;
	(tag) =	ssettag s2;
	_ =	strace s9  }
0x27: {  	s1 =	sld [smem:$0x3F9D]  }
0x28: {  	s2 =	sld [smem:$0x3F9E]  }
0x29: {  	s4 =	sld [smem:$0x3FA0]  }
0x2a: {  	p0 =	seq.s32 s5, $0x0;
	s5 =	sld [smem:$0x3FA1]  }
0x2b: {  	s6 =	sld [smem:$0x3FA2]  }
0x2c: {  	s7 =	sld [smem:$0x3FA3]  }
0x2d: {  	s3 =	simm.s32 $0x108;
	s8 =	sld [smem:$0x3FA4]  }
0x2e: {  	s3 =	simm.s32 @!p0 $0x1082;
	s9 =	sld [smem:$0x3FA5]  }
0x2f: {  	lr =	sadd.s32 s0, s3;
	s0 =	sld [smem:$0x3F9C]  }
0x30: {  	s3 =	sld [smem:$0x3F9F]  }
0x31: {  	[smem:$0x3FA8] =	sst s10  }
0x32: {  	s10 =	sld [smem:$0x3FA6];
	_ =	sdelay $0x3  }
0x33: {  	p0 =	seq.s32 s10, $0x1;
	s10 =	sld [smem:$0x3FA8];
	_ =	sdelay $0x3  }
0x34: {  	[smem:$0x3FA8] =	sst s10  }
0x35: {  	s10 =	sld [smem:$0x3FA7];
	_ =	sdelay $0x3  }
0x36: {  	p1 =	seq.s32 s10, $0x1;
	s10 =	sld [smem:$0x3FA8];
	_ =	sdelay $0x3  }
0x37: {  	[smem:$0x3FA8] =	sst s10  }
0x38: {  	s10 =	sld [smem:$0x3FA9]  }
0x39: {  	_ = 	snop;
	(pc) =	sbr.ind lr, $3  }
0x3a: {  	_ = 	snop  }
0x3b: {  	_ = 	snop  }
0x3c: {  	p2 =	seq.s32 s10, $0x1;
	s10 =	sld [smem:$0x3FA8]  }
0x3d: {  	_ =	shalt  }
0x3e: {  	_ =	shalt  }
0x3f: {  	_ =	shalt  }
0x40: {  	_ =	shalt  }
0x41: {  	_ =	shalt  }
0x42: {  	_ =	shalt  }
0x43: {  	_ =	shalt  }
0x44: {  	_ =	shalt  }
0x45: {  	_ =	shalt  }
0x46: {  	_ =	shalt  }
0x47: {  	_ =	shalt  }
0x48: {  	_ =	shalt  }
0x49: {  	_ =	shalt  }
0x4a: {  	_ =	shalt  }
0x4b: {  	_ =	shalt  }
0x4c: {  	_ =	shalt  }
0x4d: {  	_ =	shalt  }
0x4e: {  	_ =	shalt  }
0x4f: {  	_ =	shalt  }
0x50: {  	_ =	shalt  }
0x51: {  	_ =	shalt  }
0x52: {  	_ =	shalt  }
0x53: {  	_ =	shalt  }
0x54: {  	_ =	shalt  }
0x55: {  	_ =	shalt  }
0x56: {  	_ =	shalt  }
0x57: {  	_ =	shalt  }
0x58: {  	_ =	shalt  }
0x59: {  	_ =	shalt  }
0x5a: {  	_ =	shalt  }
0x5b: {  	_ =	shalt  }
0x5c: {  	_ =	shalt  }
0x5d: {  	_ =	shalt  }
0x5e: {  	_ =	shalt  }
0x5f: {  	_ =	shalt  }
0x60: {  	_ =	shalt  }
0x61: {  	_ =	shalt  }
0x62: {  	_ =	shalt  }
0x63: {  	_ =	shalt  }
0x64: {  	_ =	shalt  }
0x65: {  	_ =	shalt  }
0x66: {  	_ =	shalt  }
0x67: {  	_ =	shalt  }
0x68: {  	_ =	shalt  }
0x69: {  	_ =	shalt  }
0x6a: {  	_ =	shalt  }
0x6b: {  	_ =	shalt  }
0x6c: {  	_ =	shalt  }
0x6d: {  	_ =	shalt  }
0x6e: {  	_ =	shalt  }
0x6f: {  	_ =	shalt  }
0x70: {  	_ =	shalt  }
0x71: {  	_ =	shalt  }
0x72: {  	_ =	shalt  }
0x73: {  	_ =	shalt  }
0x74: {  	_ =	shalt  }
0x75: {  	_ =	shalt  }
0x76: {  	_ =	shalt  }
0x77: {  	_ =	shalt  }
0x78: {  	_ =	shalt  }
0x79: {  	_ =	shalt  }
0x7a: {  	_ =	shalt  }
0x7b: {  	_ =	shalt  }
0x7c: {  	_ =	shalt  }
0x7d: {  	_ =	shalt  }
0x7e: {  	_ =	shalt  }
0x7f: {  	_ =	shalt  }
0x80: {  	_ =	shalt  }
0x81: {  	_ =	shalt  }
0x82: {  	_ =	shalt  }
0x83: {  	_ =	shalt  }
0x84: {  	_ =	shalt  }
0x85: {  	_ =	shalt  }
0x86: {  	_ =	shalt  }
0x87: {  	_ =	shalt  }
.Lfunc_end0:
.L_simem_size_0:
called_computation.3_lowered:
.L_overlay_start_0:
0x88: {  	s2 =	sld [smem:$0x3FD9]  }
0x89: {  	s3 =	sld [smem:$0x3FFE];
	_ =	sdelay $0x1  }
0x8a: {  	s1 =	srdreg.scid  }
0x8b: {  	s0 =	sand.u32 $0x1, s1  }
0x8c: {  	s16 =	sshll.u32 s0, $0xA;
	s2 =	sadd.s32 s3, s2  }
0x8d: {  	s2 =	sadd.s32 s2, s16  }
0x8e: {  	[smem:$0x3FB4] =	sst s2  }
0x8f: {  	_ = 	snop  }
0x90: {  	(tm) =	ssettm $0x1  }
0x91: {  	s17 =	sld [smem:$0x3FFB];
	_ =	sdelay $0x3  }
0x92: {  	_ =	strace s17  }
0x93: {  	s2 =	sld [smem:$0x3FFC];
	_ =	sdelay $0x3  }
0x94: {  	_ =	strace s2  }
0x95: {  	s2 =	sld [smem:$0x3FFD];
	_ =	sdelay $0x3  }
0x96: {  	_ =	strace s2  }
0x97: {  	_ =	strace $0x8FFFFFFF  }
0x98: {  	s18 =	sld [smem:$0x3FDB];
	_ =	sdelay $0x1  }
0x99: {  	s19 =	simm.s32 $_scs_section_size  }
0x9a: {  	s4 =	simm.s32 $_size__tile_overlayer_lowered;
	s5 =	simm.s32 $_tile_overlayer_lowered  }
0x9b: {  	s22 =	simm.s32 $0x1BFF;
	s21 =	sshll.u32 s5, $0x1;
	s2 =	sadd.s32 s19, s18  }
0x9c: {  	s6 =	simm.s32 $0x0;
	s20 =	sshll.u32 s4, $0x1;
	s4 =	sadd.s32 s21, s2  }
0x9d: {  	[timem:s6], [sflag:s22] =	dma.local [hbm:s4], s20  }
0x9e: {  	_ =	swait.ge [sflag:s22], s20  }
0x9f: {  	s3 =	ssub.s32 $0x0, s20;
	[sflag:s22] =	ssyncset.done $0x0  }
0xa0: {  	[sflag:s22] =	ssyncadd.s32 s3;
	_ =	sdelay $0x1  }
0xa1: {  	s23 =	simm.s32 $0x1B8B  }
0xa2: {  	_ =	swait.ge [sflag:s23], $0x1  }
0xa3: {  	[sflag:s23] =	ssyncset.done $0x0  }
0xa4: {  	s25 =	simm.s32 $0x1B8E;
	s24 =	sld [smem:$0x3FFE];
	[sflag:s23] =	ssyncadd.s32 $0xFFFFFFFF  }
0xa5: {  	s26 =	simm.s32 $execute0_lowered;
	[smem:$0x3FD2] =	sst s25  }
0xa6: {  	s4 =	sshll.u32 s26, $0x1;
	_ =	strace $0x8000004F;
	[dreg:$0x1] =	wrdreg $0xFFFFFFFF  }
0xa7: {  	s28 =	simm.s32 $_size_execute0_lowered;
	s2 =	sadd.s32 s2, s4;
	[dreg:$0x0] =	wrdreg $0x0  }
0xa8: {  	s4 =	sshll.u32 s28, $0x1;
	[dreg:$0x2] =	wrdreg s2  }
0xa9: {  	[dreg:$0x3] =	wrdreg s4  }
0xaa: {  	[dreg:$0x4] =	wrdreg $0xC0  }
0xab: {  	_ =	task [dreg:s6], $0x5FFFF  }
0xac: {  	[dreg:$0x1] =	wrdreg $0xFFFFFFFF  }
0xad: {  	[dreg:$0x0] =	wrdreg $0x60  }
0xae: {  	[dreg:$0x2] =	wrdreg s24  }
0xaf: {  	[dreg:$0x3] =	wrdreg $0xB9800  }
0xb0: {  	[dreg:$0x4] =	wrdreg $0x9  }
0xb1: {  	_ =	task.clear_ibuf [dreg:s6], $0x5FFFF;
	_ =	strace $0x9000004F  }
0xb2: {  	s29 =	simm.s32 $0x9;
	_ =	strace $0x80000051  }
0xb3: {  	_ =	swait.ge [sflag:s29], $0x1  }
0xb4: {  	[sflag:s29] =	ssyncadd.s32 $0xFFFFFFFF  }
0xb5: {  	_ =	strace $0x90000051  }
0xb6: {  	_ =	sfence  }
0xb7: {  	s30 =	sld [smem:$0x0];
	_ =	sdelay $0x2  }
0xb8: {  	s31 =	sshll.u32 s1, $0xD;
	s1 =	sshrl.u32 s1, $0x2  }
0xb9: {  	s3 =	sand.u32 $0x4000, s31;
	s1 =	sadd.s32 s1, s30  }
0xba: {  	s0 =	sor.u32 s3, s0;
	s1 =	sshll.u32 s1, $0x11  }
0xbb: {  	s0 =	sor.u32 s1, s0  }
0xbc: {  	s0 =	sadd.s32 $0x8F2B, s0  }
0xbd: {  	[sflag:s0] =	ssyncadd.remote.s32 $0x1  }
0xbe: {  	_ =	sfence.sel $0xFFFF  }
0xbf: {  	[dreg:$0x0] =	wrdreg $0xFFFFFFFF;
	(pc) =	sbr.abs _section_cstart, $3  }
0xc0: {  	[dreg:$0x1] =	wrdreg $0xFFFFFFFF  }
0xc1: {  	_ =	task.clear_ibuf [dreg:s6], $0x2FFFF;
	_ =	strace $0x9FFFFFFF  }
0xc2: {  	(tm) =	ssettm $0x7FFFFFFF  }
0xc3: {  	_ =	shalt  }
tec
execute0_lowered:
.L_overlay_start_1:
0x0: {  	(tag) =	ssettag $0x1  }
0x1: {  	s0 =	srdreg.scid;
	s1 =	rddreg [dreg:$0x0]  }
0x2: {  	s10 =	stileid.u32;
	s2 =	rddreg [dreg:$0x1]  }
0x3: {  	s12 =	simm.s32 $0x7;
	s14 =	simm.s32 $0x40;
	s15 =	simm.s32 $0x5100  }
0x4: {  	s16 =	simm.s32 $0x7100;
	s18 =	simm.s32 $0x9100;
	s19 =	simm.s32 $0x1  }
0x5: {  	s20 =	simm.s32 $0x4F00;
	s21 =	simm.s32 $0x2;
	s22 =	simm.s32 $0x4F80  }
0x6: {  	s28 =	simm.s32 $0x6;
	s29 =	simm.s32 $0x10;
	s6 =	smul.u32 $0x2800, s10  }
0x7: {  	s31 =	simm.s32 $0xB180;
	s0 =	sand.u32 $0x1, s0;
	s8 =	smul.u32 $0x50000, s10  }
0x8: {  	s30 =	sshll.u32 s10, $0x6;
	s3 =	sshll.u32 s0, $0x4;
	s7 =	smul.u32 $0x28000, s0  }
0x9: {  	s0 =	ssub.s32 $0x2, s0;
	s4 =	sor.u32 s10, s3;
	s3 =	simm.s32 $0x0  }
0xa: {  	s24 =	sshrl.u32 s0, $0x1;
	s25 =	sshrl.u32 s8, $0x2;
	s5 =	smul.u32 $0x4E2, s4  }
0xb: {  	[smem:$0x7FF] =	sst s3;
	s4 =	sadd.s32 $0x18000, s1;
	s23 =	sadd.s32 s6, s7  }
0xc: {  	s0 =	ssub.s32 s0, s24;
	s11 =	sadd.s32 s25, s2;
	s24 =	simm.s32 $0x5000  }
0xd: {  	s25 =	simm.s32 $0x4;
	_ =	strace $0x80000050;
	s26 =	sadd.s32 s4, s6  }
0xe: {  	s6 =	sor.u32 $0x1C07, s30;
	s10 =	smax.u32 s0, $0x1;
	s11 =	sshrl.u32 s11, $0x3  }
0xf: {  	s0 =	simm.s32 $0x0;
	s9 =	sadd.s32 s5, s1;
	s1 =	sadd.s32 s23, s1  }
0x10: {  	[dreg:$0x3] =	wrdreg s26;
	s23 =	simm.s32 $0x3;
	s26 =	simm.s32 $0x5  }
0x11: {  	s7 =	sadd.s32 $0x4400, s9;
	s8 =	sadd.s32 $0xE200, s9;
	s9 =	sadd.s32 $0x40000, s1  }
.LBB2_1:
0x12: {  	s1 =	rddreg [dreg:$0x3]  }
0x13: {  	[spmem:s11], [sflag:s6] =	dma.local [hbm:s1], $0x2800  }
0x14: {  	_ =	swait.ge [sflag:s12], $0x2800  }
0x15: {  	[sflag:s12] =	ssyncset.done $0x0  }
0x16: {  	[sflag:s12] =	ssyncadd.s32 $0xFFFFD800  }
0x17: {  	[tilespmem:s3], [sflag:$0x7] =	stream.linear.gather [hbm4b:s7+s3], $0x2710, $0x38;
	[tilespmem:$0x1F980] =	vst v63  }
0x18: {  	_ =	swait.ge [sflag:s12], $0x2710  }
0x19: {  	[sflag:s12] =	ssyncset.done $0x0  }
0x1a: {  	s17 =	simm.s32 $0x2780;
	[sflag:s12] =	ssyncadd.s32 $0xFFFFD8F0  }
0x1b: {  	[tilespmem:s17], [sflag:$0x7] =	stream.linear.gather [hbm4b:s8+s3], $0x2710, $0x38;
	[tilespmem:$0x1F980] =	vst v63  }
0x1c: {  	_ =	swait.ge [sflag:s12], $0x2710  }
0x1d: {  	[sflag:s12] =	ssyncset.done $0x0  }
0x1e: {  	[sflag:s12] =	ssyncadd.s32 $0xFFFFD8F0  }
0x1f: {  	[bflag:$0x0] =	sbarrier.arrive $0xFFFF  }
0x20: {  	v0 =	vld [tilespmem:$0x2780]  }
0x21: {  	v1 =	vld [tilespmem:$0x2790]  }
0x22: {  	v2 =	vld [tilespmem:$0x27A0]  }
0x23: {  	v3 =	vld [tilespmem:$0x27B0];
	_ =	sdelay $0x1  }
0x24: {  	[tilespmem:$0x4F00] =	vst v0  }
0x25: {  	[tilespmem:$0x4F10] =	vst v1  }
0x26: {  	[tilespmem:$0x4F20] =	vst v2  }
0x27: {  	[tilespmem:$0x4F30] =	vst v3  }
0x28: {  	[tilespmem:s15], [sflag:$0x1] =	stream.indirect.gather [hbm4b:s4+s14], $0x80, s3, s14, $0xb8;
	[tilespmem:$0x1F980] =	vst v63  }
0x29: {  	v53 =	vld [tilespmem:$0x27C0]  }
0x2a: {  	v54 =	vld [tilespmem:$0x27D0]  }
0x2b: {  	v55 =	vld [tilespmem:$0x27E0]  }
0x2c: {  	v56 =	vld [tilespmem:$0x27F0];
	_ =	sdelay $0x1  }
0x2d: {  	[tilespmem:$0x4F80] =	vst v53  }
0x2e: {  	[tilespmem:$0x4F90] =	vst v54  }
0x2f: {  	[tilespmem:$0x4FA0] =	vst v55  }
0x30: {  	[tilespmem:$0x4FB0] =	vst v56  }
0x31: {  	[tilespmem:s16], [sflag:$0x2] =	stream.indirect.gather [hbm4b:s4+s14], $0x80, s14, s14, $0xb8;
	[tilespmem:$0x1F980] =	vst v63  }
0x32: {  	v57 =	vld [tilespmem:$0x2800]  }
0x33: {  	v58 =	vld [tilespmem:$0x2810]  }
0x34: {  	v59 =	vld [tilespmem:$0x2820]  }
0x35: {  	v60 =	vld [tilespmem:$0x2830];
	_ =	sdelay $0x1  }
0x36: {  	[tilespmem:$0x5000] =	vst v57  }
0x37: {  	[tilespmem:$0x5010] =	vst v58  }
0x38: {  	[tilespmem:$0x5020] =	vst v59  }
0x39: {  	s30 =	simm.s32 $0x80;
	[tilespmem:$0x5030] =	vst v60  }
0x3a: {  	[tilespmem:s18], [sflag:$0x3] =	stream.indirect.gather [hbm4b:s4+s14], $0x80, s30, s14, $0xb8;
	[tilespmem:$0x1F980] =	vst v63  }
0x3b: {  	_ =	swait.ge [sflag:s19], $0x2000  }
0x3c: {  	[sflag:s19] =	ssyncset.done $0x0  }
0x3d: {  	[sflag:s19] =	ssyncadd.s32 $0xFFFFE000  }
0x3e: {  	[spmem:s2] =	stream.indirect.scatter.add.f32 [tilespmem:s15], [sflag:$0x4], $0x80, s20, s14, $0xb8;
	[tilespmem:$0x1F980] =	vst v63  }
0x3f: {  	_ =	swait.ge [sflag:s21], $0x2000  }
0x40: {  	[sflag:s21] =	ssyncset.done $0x0  }
0x41: {  	[sflag:s21] =	ssyncadd.s32 $0xFFFFE000  }
0x42: {  	[spmem:s2] =	stream.indirect.scatter.add.f32 [tilespmem:s16], [sflag:$0x5], $0x80, s22, s14, $0xb8;
	[tilespmem:$0x1F980] =	vst v63  }
0x43: {  	_ =	swait.ge [sflag:s23], $0x2000  }
0x44: {  	[sflag:s23] =	ssyncset.done $0x0  }
0x45: {  	[sflag:s23] =	ssyncadd.s32 $0xFFFFE000  }
0x46: {  	[spmem:s2] =	stream.indirect.scatter.add.f32 [tilespmem:s18], [sflag:$0x6], $0x80, s24, s14, $0xb8;
	[tilespmem:$0x1F980] =	vst v63  }
0x47: {  	_ =	swait.ge [sflag:s25], $0x2000  }
0x48: {  	[sflag:s25] =	ssyncset.done $0x0  }
0x49: {  	s13 =	simm.s32 $0x0;
	[sflag:s25] =	ssyncadd.s32 $0xFFFFE000  }
0x4a: {  	v61 =	vld [tilespmem:s13+$0x2840];
	_ =	sdelay $0x4  }
0x4b: {  	[tilespmem:$0x4F00] =	vst v61  }
0x4c: {  	v0 =	vld [tilespmem:s13+$0x2850];
	_ =	sdelay $0x4  }
0x4d: {  	[tilespmem:$0x4F10] =	vst v0  }
0x4e: {  	v0 =	vld [tilespmem:s13+$0x2860];
	_ =	sdelay $0x4  }
0x4f: {  	[tilespmem:$0x4F20] =	vst v0  }
0x50: {  	v0 =	vld [tilespmem:s13+$0x2870];
	_ =	sdelay $0x4  }
0x51: {  	s17 =	simm.s32 $0xC0;
	[tilespmem:$0x4F30] =	vst v0  }
0x52: {  	[tilespmem:s15], [sflag:$0x1] =	stream.indirect.gather [hbm4b:s4+s14], $0x80, s17, s14, $0xb8;
	[tilespmem:$0x1F980] =	vst v63  }
0x53: {  	_ =	swait.ge [sflag:s26], $0x2000  }
0x54: {  	[sflag:s26] =	ssyncset.done $0x0  }
0x55: {  	[sflag:s26] =	ssyncadd.s32 $0xFFFFE000  }
0x56: {  	v62 =	vld [tilespmem:s13+$0x2880];
	_ =	sdelay $0x4  }
0x57: {  	[tilespmem:$0x4F80] =	vst v62  }
0x58: {  	v0 =	vld [tilespmem:s13+$0x2890];
	_ =	sdelay $0x4  }
0x59: {  	[tilespmem:$0x4F90] =	vst v0  }
0x5a: {  	v0 =	vld [tilespmem:s13+$0x28A0];
	_ =	sdelay $0x4  }
0x5b: {  	[tilespmem:$0x4FA0] =	vst v0  }
0x5c: {  	v0 =	vld [tilespmem:s13+$0x28B0];
	_ =	sdelay $0x4  }
0x5d: {  	s1 =	simm.s32 $0x100;
	[tilespmem:$0x4FB0] =	vst v0  }
0x5e: {  	[tilespmem:s16], [sflag:$0x2] =	stream.indirect.gather [hbm4b:s4+s14], $0x80, s1, s14, $0xb8;
	[tilespmem:$0x1F980] =	vst v63  }
0x5f: {  	s5 =	simm.s32 $0x140;
	s30 =	simm.s32 $0xC0;
	_ =	swait.ge [sflag:s28], $0x2000  }
0x60: {  	s30 =	sand.u32 $0x40, s30;
	s17 =	sand.u32 $0x7F80, s5;
	[sflag:s28] =	ssyncset.done $0x0  }
0x61: {  	s17 =	sor.u32 s30, s17;
	[sflag:s28] =	ssyncadd.s32 $0xFFFFE000  }
0x62: {  	v63 =	vld [tilespmem:s17+$0x2780];
	_ =	sdelay $0x4  }
0x63: {  	[tilespmem:$0x5000] =	vst v63  }
0x64: {  	v0 =	vld [tilespmem:s13+$0x28D0];
	_ =	sdelay $0x4  }
0x65: {  	[tilespmem:$0x5010] =	vst v0  }
0x66: {  	v0 =	vld [tilespmem:s13+$0x28E0];
	_ =	sdelay $0x4  }
0x67: {  	[tilespmem:$0x5020] =	vst v0  }
0x68: {  	v0 =	vld [tilespmem:s13+$0x28F0];
	_ =	sdelay $0x4  }
0x69: {  	s30 =	simm.s32 $0x140;
	[tilespmem:$0x5030] =	vst v0  }
0x6a: {  	[tilespmem:s18], [sflag:$0x3] =	stream.indirect.gather [hbm4b:s4+s14], $0x80, s30, s14, $0xb8;
	[tilespmem:$0x1F980] =	vst v63  }
0x6b: {  	_ =	swait.ge [sflag:s19], $0x2000  }
0x6c: {  	[sflag:s19] =	ssyncset.done $0x0  }
0x6d: {  	[sflag:s19] =	ssyncadd.s32 $0xFFFFE000  }
0x6e: {  	[spmem:s2] =	stream.indirect.scatter.add.f32 [tilespmem:s15], [sflag:$0x4], $0x80, s20, s14, $0xb8;
	[tilespmem:$0x1F980] =	vst v63  }
0x6f: {  	_ =	swait.ge [sflag:s21], $0x2000  }
0x70: {  	[sflag:s21] =	ssyncset.done $0x0  }
0x71: {  	[sflag:s21] =	ssyncadd.s32 $0xFFFFE000  }
0x72: {  	[spmem:s2] =	stream.indirect.scatter.add.f32 [tilespmem:s16], [sflag:$0x5], $0x80, s22, s14, $0xb8;
	[tilespmem:$0x1F980] =	vst v63  }
0x73: {  	_ =	swait.ge [sflag:s23], $0x2000  }
0x74: {  	[sflag:s23] =	ssyncset.done $0x0  }
0x75: {  	s17 =	simm.s32 $0x200;
	s13 =	simm.s32 $0x300;
	[sflag:s23] =	ssyncadd.s32 $0xFFFFE000  }
.LBB2_2:
0x76: {  	[spmem:s2] =	stream.indirect.scatter.add.f32 [tilespmem:s18], [sflag:$0x6], $0x80, s24, s14, $0xb8;
	[tilespmem:$0x1F980] =	vst v63  }
0x77: {  	s30 =	smov.u32 s13  }
0x78: {  	p0 =	sne.s32 s13, $0x9600;
	s13 =	sadd.s32 $0x300, s13;
	_ =	swait.ge [sflag:s25], $0x2000  }
0x79: {  	[sflag:s25] =	ssyncset.done $0x0  }
0x7a: {  	s30 =	sshra.s32 s30, $0x2;
	[sflag:s25] =	ssyncadd.s32 $0xFFFFE000  }
0x7b: {  	v0 =	vld [tilespmem:s30+$0x2840];
	_ =	sdelay $0x4  }
0x7c: {  	[tilespmem:$0x4F00] =	vst v0  }
0x7d: {  	v0 =	vld [tilespmem:s30+$0x2850];
	_ =	sdelay $0x4  }
0x7e: {  	[tilespmem:$0x4F10] =	vst v0  }
0x7f: {  	v0 =	vld [tilespmem:s30+$0x2860];
	_ =	sdelay $0x4  }
0x80: {  	[tilespmem:$0x4F20] =	vst v0  }
0x81: {  	v0 =	vld [tilespmem:s30+$0x2870];
	_ =	sdelay $0x4  }
0x82: {  	s1 =	sadd.s32 $0xC0, s30;
	[tilespmem:$0x4F30] =	vst v0  }
0x83: {  	[tilespmem:s15], [sflag:$0x1] =	stream.indirect.gather [hbm4b:s4+s14], $0x80, s1, s14, $0xb8;
	[tilespmem:$0x1F980] =	vst v63  }
0x84: {  	_ =	swait.ge [sflag:s26], $0x2000  }
0x85: {  	[sflag:s26] =	ssyncset.done $0x0  }
0x86: {  	[sflag:s26] =	ssyncadd.s32 $0xFFFFE000  }
0x87: {  	v0 =	vld [tilespmem:s30+$0x2880];
	_ =	sdelay $0x4  }
0x88: {  	[tilespmem:$0x4F80] =	vst v0  }
0x89: {  	v0 =	vld [tilespmem:s30+$0x2890];
	_ =	sdelay $0x4  }
0x8a: {  	[tilespmem:$0x4F90] =	vst v0  }
0x8b: {  	v0 =	vld [tilespmem:s30+$0x28A0];
	_ =	sdelay $0x4  }
0x8c: {  	[tilespmem:$0x4FA0] =	vst v0  }
0x8d: {  	v0 =	vld [tilespmem:s30+$0x28B0];
	_ =	sdelay $0x4  }
0x8e: {  	s1 =	sadd.s32 $0x100, s30;
	[tilespmem:$0x4FB0] =	vst v0  }
0x8f: {  	[tilespmem:s16], [sflag:$0x2] =	stream.indirect.gather [hbm4b:s4+s14], $0x80, s1, s14, $0xb8;
	[tilespmem:$0x1F980] =	vst v63  }
0x90: {  	s1 =	sadd.s32 $0xFFFFFF80, s17;
	_ =	swait.ge [sflag:s28], $0x2000  }
0x91: {  	s5 =	sand.u32 $0x7F80, s17;
	s1 =	sand.u32 $0x40, s1;
	[sflag:s28] =	ssyncset.done $0x0  }
0x92: {  	s1 =	sor.u32 s1, s5;
	[sflag:s28] =	ssyncadd.s32 $0xFFFFE000  }
0x93: {  	v0 =	vld [tilespmem:s1+$0x2780];
	_ =	sdelay $0x4  }
0x94: {  	[tilespmem:$0x5000] =	vst v0  }
0x95: {  	v0 =	vld [tilespmem:s30+$0x28D0];
	_ =	sdelay $0x4  }
0x96: {  	[tilespmem:$0x5010] =	vst v0  }
0x97: {  	v0 =	vld [tilespmem:s30+$0x28E0];
	_ =	sdelay $0x4  }
0x98: {  	[tilespmem:$0x5020] =	vst v0  }
0x99: {  	v0 =	vld [tilespmem:s30+$0x28F0];
	_ =	sdelay $0x4  }
0x9a: {  	s1 =	sadd.s32 $0x140, s30;
	[tilespmem:$0x5030] =	vst v0  }
0x9b: {  	[tilespmem:s18], [sflag:$0x3] =	stream.indirect.gather [hbm4b:s4+s14], $0x80, s1, s14, $0xb8;
	[tilespmem:$0x1F980] =	vst v63  }
0x9c: {  	_ =	swait.ge [sflag:s19], $0x2000  }
0x9d: {  	[sflag:s19] =	ssyncset.done $0x0  }
0x9e: {  	[sflag:s19] =	ssyncadd.s32 $0xFFFFE000  }
0x9f: {  	[spmem:s2] =	stream.indirect.scatter.add.f32 [tilespmem:s15], [sflag:$0x4], $0x80, s20, s14, $0xb8;
	[tilespmem:$0x1F980] =	vst v63  }
0xa0: {  	_ =	swait.ge [sflag:s21], $0x2000  }
0xa1: {  	[sflag:s21] =	ssyncset.done $0x0  }
.Ltmp0:
0xa2: {  	[sflag:s21] =	ssyncadd.s32 $0xFFFFE000;
	(pc) =	sbr.rel @p0 .LBB2_2-.Ltmp0, $4  }
0xa3: {  	[spmem:s2] =	stream.indirect.scatter.add.f32 [tilespmem:s16], [sflag:$0x5], $0x80, s22, s14, $0xb8;
	[tilespmem:$0x1F980] =	vst v63  }
0xa4: {  	_ =	swait.ge [sflag:s23], $0x2000  }
0xa5: {  	[sflag:s23] =	ssyncset.done $0x0  }
0xa6: {  	s17 =	sadd.s32 $0xC0, s17;
	[sflag:s23] =	ssyncadd.s32 $0xFFFFE000  }
0xa7: {  	[spmem:s2] =	stream.indirect.scatter.add.f32 [tilespmem:s18], [sflag:$0x6], $0x80, s24, s14, $0xb8;
	[tilespmem:$0x1F980] =	vst v63  }
0xa8: {  	_ =	swait.ge [sflag:s25], $0x2000  }
0xa9: {  	[sflag:s25] =	ssyncset.done $0x0  }
0xaa: {  	[sflag:s25] =	ssyncadd.s32 $0xFFFFE000  }
0xab: {  	_ =	swait.ge [sflag:s26], $0x2000  }
0xac: {  	[sflag:s26] =	ssyncset.done $0x0  }
0xad: {  	[sflag:s26] =	ssyncadd.s32 $0xFFFFE000  }
0xae: {  	_ =	swait.ge [sflag:s28], $0x2000  }
0xaf: {  	[sflag:s28] =	ssyncset.done $0x0  }
0xb0: {  	[sflag:s28] =	ssyncadd.s32 $0xFFFFE000  }
0xb1: {  	v0 =	vld [tilespmem:$0x4E80];
	_ =	sdelay $0x4  }
0xb2: {  	s1 =	simm.s32 $0x2700;
	[tilespmem:$0xB100] =	vst v0  }
0xb3: {  	[tilespmem:s31], [sflag:$0x1] =	stream.indirect.gather [hbm4b:s4+s29], $0x80, s1, s29, $0xb8;
	[tilespmem:$0x1F980] =	vst v63  }
0xb4: {  	_ =	swait.ge [sflag:s19], $0x800  }
0xb5: {  	[sflag:s19] =	ssyncset.done $0x0  }
0xb6: {  	s30 =	simm.s32 $0xB100;
	[sflag:s19] =	ssyncadd.s32 $0xFFFFF800  }
0xb7: {  	[spmem:s2] =	stream.indirect.scatter.add.f32 [tilespmem:s31], [sflag:$0x7], $0x80, s30, s29, $0xb8;
	[tilespmem:$0x1F980] =	vst v63  }
0xb8: {  	_ =	swait.ge [sflag:s12], $0x800  }
0xb9: {  	s0 =	sadd.s32 $0x1, s0;
	[sflag:s12] =	ssyncset.done $0x0  }
0xba: {  	p0 =	sne.s32 s0, s10;
	[sflag:s12] =	ssyncadd.s32 $0xFFFFF800  }
.Ltmp1:
0xbb: {  	[bflag:$0x0] =	sbarrier.arrive $0xFFFF;
	(pc) =	sbr.rel @p0 .LBB2_1-.Ltmp1, $4  }
0xbc: {  	[hbm:s9], [sflag:s6] =	dma.local [spmem:s11], $0x2800  }
0xbd: {  	_ =	swait.ge [sflag:s12], $0x2800  }
0xbe: {  	[sflag:s12] =	ssyncset.done $0x0  }
0xbf: {  	[sflag:s12] =	ssyncadd.s32 $0xFFFFD800  }
0xc0: {  	_ =	sfence.sel $0x180000  }
0xc1: {  	[bflag:$0x0] =	sbarrier.arrive $0xFFFF  }
0xc2: {  	_ =	strace $0x90000050  }
0xc3: {  	s0 =	stileid.u32;
	[bflag:$0x2] =	sbarrier.arrive $0xFFFF  }
0xc4: {  	p0 =	sne.s32 s0, $0x0;
	s0 =	rddreg [dreg:$0x2]  }
0xc5: {  	s0 =	sadd.s32 @!p0 $0x100000, s0  }
0xc6: {  	[sflag:s0] =	ssyncadd.tile.s32 @!p0 $0x1;
	_ =	shalt  }
.Lfunc_end2:
_tile_overlayer_lowered:
.L_overlay_start_2:
0xc7: {  	(tag) =	ssettag $0x2  }
0xc8: {  	s0 =	rddreg [dreg:$0x0];
	s2 =	stileid.u32  }
0xc9: {  	s1 =	rddreg [dreg:$0x1];
	p0 =	sne.s32 s2, $0x0  }
0xca: {  	s3 =	rddreg [dreg:$0x2];
	[bflag:$0x3] =	sbarrier.arrive $0xFFFF;
	s2 =	simm.s32 @!p0 $0x1C07  }
0xcb: {  	[timem:s3], [sflag:s2] =	dma.local @!p0 [hbm:s0], s1  }
0xcc: {  	s0 =	simm.s32 @!p0 $0x7  }
0xcd: {  	_ =	swait.ge @!p0 [sflag:s0], s1  }
0xce: {  	s1 =	ssub.s32 @!p0 $0x0, s1;
	[sflag:s0] =	ssyncset.done @!p0 $0x0  }
0xcf: {  	[sflag:s0] =	ssyncadd.s32 @!p0 s1  }
0xd0: {  	[bflag:$0x3] =	sbarrier.arrive $0xFFFF  }
0xd1: {  	_ =	shalt  }

</sc_bundles>
